<compile_context>
chip_gen: v7x
topology: tpu7x:2x2x1
jax: 0.10.2.dev20260603
libtpu: 0.0.44.dev20260713+nightly
codegen_flags: <defaults>
</compile_context>

<pallas_src>
import functools

import jax
import jax.numpy as jnp
from jax import lax
from jax.experimental import pallas as pl
from jax.experimental.pallas import tpu as pltpu
from jax.experimental.pallas import tpu_sc as plsc

N_NODES = 50000
N_EDGES = 800000
P = 8
D = 4 * P
NC = 2
NS = 16
NW = NC * NS
L = 16

EPW = N_EDGES // NW
C = 500
CPAD = 512
NPAIR = EPW // (2 * C)
G = CPAD // L
GB = 128
NGATH = CPAD // GB


def _splat(v):
    return jnp.full((L,), v, dtype=jnp.int32)


def _i32(v):
    return jnp.int32(v)


def _fori(n, body):
    lax.fori_loop(_i32(0), _i32(n), body, _i32(0))


def _sc_body(ptab, ec, wts, ratios, rmw,
             ecva, ecvb, eiva, eivb, ejva, ejvb,
             xiva, xivb, xjva, xjvb, outva, outvb, wv, w8v,
             sem_ga, sem_gb, sem_wb):
    wid = lax.axis_index("s") * NC + lax.axis_index("c")
    iota16 = lax.iota(jnp.int32, L)
    zero16 = jnp.zeros((L,), dtype=jnp.int32)
    c0s, c1s = _splat(0), _splat(1)

    def dec(ecv, eiv, ejv):
        @plsc.parallel_loop(_i32(0), _i32(G), step=_i32(1))
        def _(g):
            o = g * _i32(L)
            e16 = o + iota16
            eiv[pl.ds(o, L)] = plsc.load_gather(ecv, [e16, c0s])
            ejv[pl.ds(o, L)] = plsc.load_gather(ecv, [e16, c1s])

    def gath_issue(eiv, ejv, xiv, xjv, sem):
        cps = []
        for s in range(0, CPAD, GB):
            cps.append(pltpu.async_copy(ptab.at[eiv.at[pl.ds(s, GB)]],
                                        xiv.at[pl.ds(s, GB)], sem))
            cps.append(pltpu.async_copy(ptab.at[ejv.at[pl.ds(s, GB)]],
                                        xjv.at[pl.ds(s, GB)], sem))
        return cps

    def comp(xiv, xjv, outv):
        @plsc.parallel_loop(_i32(0), _i32(G), step=_i32(1))
        def _(g):
            e16 = g * _i32(L) + iota16
            for p in range(P):
                q = 4 * p
                w1 = plsc.load_gather(xiv, [e16, _splat(q)])
                x1 = plsc.load_gather(xiv, [e16, _splat(q + 1)])
                y1 = plsc.load_gather(xiv, [e16, _splat(q + 2)])
                z1 = plsc.load_gather(xiv, [e16, _splat(q + 3)])
                w2 = plsc.load_gather(xjv, [e16, _splat(q)])
                x2 = plsc.load_gather(xjv, [e16, _splat(q + 1)])
                y2 = plsc.load_gather(xjv, [e16, _splat(q + 2)])
                z2 = plsc.load_gather(xjv, [e16, _splat(q + 3)])
                rw = (w1 * w2 + x1 * x2) + (y1 * y2 + z1 * z2)
                rx = (x1 * w2 - w1 * x2) + (z1 * y2 - y1 * z2)
                ry = (y1 * w2 - w1 * y2) + (x1 * z2 - z1 * x2)
                rz = (z1 * w2 - w1 * z2) + (y1 * x2 - x1 * y2)
                plsc.store_scatter(outv, [e16, _splat(q)], rw)
                plsc.store_scatter(outv, [e16, _splat(q + 1)], rx)
                plsc.store_scatter(outv, [e16, _splat(q + 2)], ry)
                plsc.store_scatter(outv, [e16, _splat(q + 3)], rz)

    def wb_issue(outv, base):
        a = pltpu.async_copy(outv.at[pl.ds(0, C)], ratios.at[pl.ds(base, C)],
                             sem_wb)
        b = pltpu.async_copy(wv.at[pl.ds(0, C * P)],
                             rmw.at[pl.ds(base * _i32(P), C * P)], sem_wb)
        return [a, b]

    for r0 in (C, CPAD - 8):
        rr = _i32(r0) + (iota16 >> _i32(1))
        cc = iota16 & _i32(1)
        plsc.store_scatter(ecva, [rr, cc], zero16)
        plsc.store_scatter(ecvb, [rr, cc], zero16)

    pltpu.sync_copy(wts, w8v)
    wvals = plsc.load_gather(w8v, [zero16, iota16 & _i32(7)])

    def wfill(s, carry):
        wv[pl.ds(s * _i32(L), L)] = wvals
        return carry
    _fori(C * P // L, wfill)

    def pair(d, carry):
        base_a = wid * _i32(EPW) + d * _i32(2 * C)
        base_b = base_a + _i32(C)
        pltpu.sync_copy(ec.at[pl.ds(base_a, C)], ecva.at[pl.ds(0, C)])
        pltpu.sync_copy(ec.at[pl.ds(base_b, C)], ecvb.at[pl.ds(0, C)])
        dec(ecva, eiva, ejva)
        dec(ecvb, eivb, ejvb)
        ga = gath_issue(eiva, ejva, xiva, xjva, sem_ga)
        gb = gath_issue(eivb, ejvb, xivb, xjvb, sem_gb)
        for cp in ga:
            cp.wait()
        comp(xiva, xjva, outva)
        wba = wb_issue(outva, base_a)
        for cp in gb:
            cp.wait()
        comp(xivb, xjvb, outvb)
        wbb = wb_issue(outvb, base_b)
        for cp in wba + wbb:
            cp.wait()
        return carry
    _fori(NPAIR, pair)


@functools.partial(
    pl.kernel,
    out_type=(jax.ShapeDtypeStruct((N_EDGES, D), jnp.float32),
              jax.ShapeDtypeStruct((N_EDGES * P,), jnp.float32)),
    mesh=plsc.VectorSubcoreMesh(core_axis_name="c", subcore_axis_name="s",
                                num_cores=NC, num_subcores=NS),
    compiler_params=pltpu.CompilerParams(needs_layout_passes=False,
                                         use_tc_tiling_on_sc=False),
    scratch_types=[
        pltpu.VMEM((CPAD, 2), jnp.int32),
        pltpu.VMEM((CPAD, 2), jnp.int32),
        pltpu.VMEM((CPAD,), jnp.int32),
        pltpu.VMEM((CPAD,), jnp.int32),
        pltpu.VMEM((CPAD,), jnp.int32),
        pltpu.VMEM((CPAD,), jnp.int32),
        pltpu.VMEM((CPAD, D), jnp.float32),
        pltpu.VMEM((CPAD, D), jnp.float32),
        pltpu.VMEM((CPAD, D), jnp.float32),
        pltpu.VMEM((CPAD, D), jnp.float32),
        pltpu.VMEM((CPAD, D), jnp.float32),
        pltpu.VMEM((CPAD, D), jnp.float32),
        pltpu.VMEM((C * P,), jnp.float32),
        pltpu.VMEM((1, P), jnp.float32),
        pltpu.SemaphoreType.DMA,
        pltpu.SemaphoreType.DMA,
        pltpu.SemaphoreType.DMA,
    ],
)
def _quat_edges_sc(ptab, ec, wts, ratios, rmw, *scratch):
    _sc_body(ptab, ec, wts, ratios, rmw, *scratch)


def kernel(particles, weights, edges):
    ec = edges.astype(jnp.int32)
    ptab = particles.astype(jnp.float32).reshape(N_NODES, D)
    ratios, rmw = _quat_edges_sc(ptab, ec, weights.astype(jnp.float32))
    return ratios.reshape(N_EDGES, P, 4), rmw.reshape(N_EDGES, P)

# --- scband reference (transcript-rebuilt; emitter-appended) ---
"""Pipeline reference for scband-quaternion-relative-measure-map-weights-309237645790 (READ-ONLY COPY).

The authoritative reference and input builder live on the scoring server;
editing this copy changes nothing except your own understanding.
"""

import jax, jax.numpy as jnp
import numpy as np
jax.config.update('jax_enable_x64', True)

N_NODES = 50000
N_EDGES = 800000
NUM_PARTICLES = 8


def quaternion_prod(q, p):
    # Hamilton product, last dim = 4 (w, x, y, z)
    w1, x1, y1, z1 = q[..., 0], q[..., 1], q[..., 2], q[..., 3]
    w2, x2, y2, z2 = p[..., 0], p[..., 1], p[..., 2], p[..., 3]
    w = w1 * w2 - x1 * x2 - y1 * y2 - z1 * z2
    x = w1 * x2 + x1 * w2 + y1 * z2 - z1 * y2
    y = w1 * y2 - x1 * z2 + y1 * w2 + z1 * x2
    z = w1 * z2 + x1 * y2 - y1 * x2 + z1 * w2
    return jnp.stack([w, x, y, z], axis=-1)


def quaternion_conj(q):
    return q * jnp.asarray([1.0, -1.0, -1.0, -1.0], dtype=q.dtype)


def quaternion_X_times_Y_inv(x, y):
    # For unit quaternions, inverse == conjugate (as in the original utils)
    return quaternion_prod(x, quaternion_conj(y))


def setup_inputs(seed: int = 0):
    key = jax.random.key(seed)
    k1, k2, k3 = jax.random.split(key, 3)
    particles = jax.random.normal(k1, (N_NODES, NUM_PARTICLES, 4), dtype=jnp.float32)
    # normalize to unit quaternions (typical input for this module)
    particles = particles / jnp.linalg.norm(particles, axis=-1, keepdims=True)
    weights = jax.random.uniform(k2, (1, NUM_PARTICLES), dtype=jnp.float32)
    edges = jax.random.randint(k3, (N_EDGES, 2), 0, N_NODES, dtype=jnp.int64)
    return {"particles": particles, "weights": weights, "edges": edges}


def reference(particles, weights, edges):
    i = edges[:, 0]
    j = edges[:, 1]
    xi = jnp.take(particles, i, axis=0)  # [E, P, 4] gather
    xj = jnp.take(particles, j, axis=0)  # [E, P, 4] gather
    ratios = quaternion_X_times_Y_inv(xi, xj)  # grad_type == 'quaternion'
    N = xi.shape[0]
    RM_weights = jnp.broadcast_to(weights[0][None, :], (N, weights.shape[1]))
    # noise_level <= 0 and unfaithfulness == False -> no extra branches
    return (ratios, RM_weights)

if __name__ == "__main__":
    import jax
    _d = setup_inputs()
    print(jax.jit(kernel)(*tuple(_d.values())))

</pallas_src>

<mosaic_0001>
#map = affine_map<(d0, d1) -> (0, 0)>
#map1 = affine_map<(d0, d1) -> (0)>
module attributes {stable_mosaic.version = 14 : i64} {
  func.func @_quat_edges_sc(%arg0: i32, %arg1: i32, %arg2: memref<50000x32xf32, #tpu.memory_space<hbm>>, %arg3: memref<800000x2xi32, #tpu.memory_space<hbm>>, %arg4: memref<1x8xf32, #tpu.memory_space<hbm>>, %arg5: memref<800000x32xf32, #tpu.memory_space<hbm>>, %arg6: memref<6400000xf32, #tpu.memory_space<hbm>>, %arg7: memref<512x2xi32, #tpu.memory_space<vmem>>, %arg8: memref<512x2xi32, #tpu.memory_space<vmem>>, %arg9: memref<512xi32, #tpu.memory_space<vmem>>, %arg10: memref<512xi32, #tpu.memory_space<vmem>>, %arg11: memref<512xi32, #tpu.memory_space<vmem>>, %arg12: memref<512xi32, #tpu.memory_space<vmem>>, %arg13: memref<512x32xf32, #tpu.memory_space<vmem>>, %arg14: memref<512x32xf32, #tpu.memory_space<vmem>>, %arg15: memref<512x32xf32, #tpu.memory_space<vmem>>, %arg16: memref<512x32xf32, #tpu.memory_space<vmem>>, %arg17: memref<512x32xf32, #tpu.memory_space<vmem>>, %arg18: memref<512x32xf32, #tpu.memory_space<vmem>>, %arg19: memref<4000xf32, #tpu.memory_space<vmem>>, %arg20: memref<1x8xf32, #tpu.memory_space<vmem>>, %arg21: memref<!tpu.dma_semaphore, #tpu.memory_space<semaphore_mem>>, %arg22: memref<!tpu.dma_semaphore, #tpu.memory_space<semaphore_mem>>, %arg23: memref<!tpu.dma_semaphore, #tpu.memory_space<semaphore_mem>>) attributes {dimension_semantics = [#tpu.dimension_semantics<core_parallel>, #tpu.dimension_semantics<subcore_parallel>], iteration_bounds = array<i64: 2, 16>, scalar_prefetch = 0 : i64, scratch_operands = 17 : i64, tpu.core_type = #tpu.core_type<sc_vector_subcore>, window_params = [{transform_indices = #map}, {transform_indices = #map}, {transform_indices = #map}, {transform_indices = #map}, {transform_indices = #map1}]} {
    %mul3A = arith.constant 2 : i32
    %mul3A_0 = arith.muli %arg1, %mul3A : i32
    %add3A = arith.addi %mul3A_0, %arg0 : i32
    %iota3A = tpu.iota {dimensions = array<i32: 0>} : vector<16xi32>
    %broadcast_in_dim3A = arith.constant 0 : i32
    %broadcast_in_dim3A_1 = vector.broadcast %broadcast_in_dim3A : i32 to vector<16xi32>
    %broadcast_in_dim3A_2 = arith.constant 0 : i32
    %broadcast_in_dim3A_3 = vector.broadcast %broadcast_in_dim3A_2 : i32 to vector<16xi32>
    %broadcast_in_dim3A_4 = arith.constant 1 : i32
    %broadcast_in_dim3A_5 = vector.broadcast %broadcast_in_dim3A_4 : i32 to vector<16xi32>
    %shift_right_arithmetic3A = arith.constant 1 : i32
    %shift_right_arithmetic3A_6 = vector.broadcast %shift_right_arithmetic3A : i32 to vector<16xi32>
    %shift_right_arithmetic3A_7 = arith.shrsi %iota3A, %shift_right_arithmetic3A_6 : vector<16xi32>
    %add3A_8 = arith.constant 500 : i32
    %add3A_9 = vector.broadcast %add3A_8 : i32 to vector<16xi32>
    %add3A_10 = arith.addi %add3A_9, %shift_right_arithmetic3A_7 : vector<16xi32>
    %and3A = arith.constant 1 : i32
    %and3A_11 = vector.broadcast %and3A : i32 to vector<16xi32>
    %and3A_12 = arith.andi %iota3A, %and3A_11 : vector<16xi32>
    tpu.vector_store_idx %arg7[%add3A_10, %and3A_12], %broadcast_in_dim3A_1 : memref<512x2xi32, #tpu.memory_space<vmem>>[vector<16xi32>, vector<16xi32>], vector<16xi32>,
    tpu.vector_store_idx %arg8[%add3A_10, %and3A_12], %broadcast_in_dim3A_1 : memref<512x2xi32, #tpu.memory_space<vmem>>[vector<16xi32>, vector<16xi32>], vector<16xi32>,
    %shift_right_arithmetic3A_13 = arith.constant 1 : i32
    %shift_right_arithmetic3A_14 = vector.broadcast %shift_right_arithmetic3A_13 : i32 to vector<16xi32>
    %shift_right_arithmetic3A_15 = arith.shrsi %iota3A, %shift_right_arithmetic3A_14 : vector<16xi32>
    %add3A_16 = arith.constant 504 : i32
    %add3A_17 = vector.broadcast %add3A_16 : i32 to vector<16xi32>
    %add3A_18 = arith.addi %add3A_17, %shift_right_arithmetic3A_15 : vector<16xi32>
    %and3A_19 = arith.constant 1 : i32
    %and3A_20 = vector.broadcast %and3A_19 : i32 to vector<16xi32>
    %and3A_21 = arith.andi %iota3A, %and3A_20 : vector<16xi32>
    tpu.vector_store_idx %arg7[%add3A_18, %and3A_21], %broadcast_in_dim3A_1 : memref<512x2xi32, #tpu.memory_space<vmem>>[vector<16xi32>, vector<16xi32>], vector<16xi32>,
    tpu.vector_store_idx %arg8[%add3A_18, %and3A_21], %broadcast_in_dim3A_1 : memref<512x2xi32, #tpu.memory_space<vmem>>[vector<16xi32>, vector<16xi32>], vector<16xi32>,
    "tpu.region"() ({
      %run_scoped3A = tpu.sem_alloc : memref<!tpu.dma_semaphore, #tpu.memory_space<semaphore_mem>>
      tpu.enqueue_dma source(%arg4 : memref<1x8xf32, #tpu.memory_space<hbm>>) target(%arg20 : memref<1x8xf32, #tpu.memory_space<vmem>>) target_semaphore(%run_scoped3A : memref<!tpu.dma_semaphore, #tpu.memory_space<semaphore_mem>>)
      tpu.wait_dma2 semaphore(%run_scoped3A : memref<!tpu.dma_semaphore, #tpu.memory_space<semaphore_mem>>) src(%arg4 : memref<1x8xf32, #tpu.memory_space<hbm>>) dst(%arg20 : memref<1x8xf32, #tpu.memory_space<vmem>>)
      tpu.yield
    }) : () -> ()
    %and3A_22 = arith.constant 7 : i32
    %and3A_23 = vector.broadcast %and3A_22 : i32 to vector<16xi32>
    %and3A_24 = arith.andi %iota3A, %and3A_23 : vector<16xi32>
    %gather3A = tpu.vector_load_idx %arg20[%broadcast_in_dim3A_1, %and3A_24] : memref<1x8xf32, #tpu.memory_space<vmem>>[vector<16xi32>, vector<16xi32>], vector<16xf32>,
    %while3A = arith.constant 0 : i32
    %while3A_25 = arith.constant 0 : i32
    %while3A_26 = arith.constant 250 : i32
    %while3A_27 = arith.subi %while3A_26, %while3A_25 : i32
    %while3A_28 = arith.addi %while3A_25, %while3A_27 : i32
    %while3A_29 = arith.constant 1 : i32
    %while3A_30 = arith.divsi %while3A_27, %while3A_29 : i32
    %while3A_31 = arith.muli %while3A_30, %while3A_29 : i32
    %while3A_32 = arith.addi %while3A_25, %while3A_31 : i32
    %while3A_33 = arith.constant 1 : i32
    scf.for %while3A_46 = %while3A_25 to %while3A_32 step %while3A_33  : i32 {
      %mul3A_47 = arith.constant 16 : i32
      %mul3A_48 = arith.muli %while3A_46, %mul3A_47 : i32
      %swap3A = arith.index_cast %mul3A_48 : i32 to index
      %swap3A_49 = tpu.vector_load %arg19[%swap3A] {strides = array<i32>} : memref<4000xf32, #tpu.memory_space<vmem>>, vector<16xf32>,
      tpu.vector_store %arg19[%swap3A], %gather3A {strides = array<i32>} : memref<4000xf32, #tpu.memory_space<vmem>>, vector<16xf32>,
    }
    %while3A_34 = arith.constant 1 : i32
    scf.for %while3A_46 = %while3A_32 to %while3A_28 step %while3A_34  : i32 {
      %mul3A_47 = arith.constant 16 : i32
      %mul3A_48 = arith.muli %while3A_46, %mul3A_47 : i32
      %swap3A = arith.index_cast %mul3A_48 : i32 to index
      %swap3A_49 = tpu.vector_load %arg19[%swap3A] {strides = array<i32>} : memref<4000xf32, #tpu.memory_space<vmem>>, vector<16xf32>,
      tpu.vector_store %arg19[%swap3A], %gather3A {strides = array<i32>} : memref<4000xf32, #tpu.memory_space<vmem>>, vector<16xf32>,
    }
    %while3A_35 = arith.constant 0 : i32
    %while3A_36 = arith.constant 0 : i32
    %while3A_37 = arith.constant 25 : i32
    %while3A_38 = arith.subi %while3A_37, %while3A_36 : i32
    %while3A_39 = arith.addi %while3A_36, %while3A_38 : i32
    %while3A_40 = arith.constant 1 : i32
    %while3A_41 = arith.divsi %while3A_38, %while3A_40 : i32
    %while3A_42 = arith.muli %while3A_41, %while3A_40 : i32
    %while3A_43 = arith.addi %while3A_36, %while3A_42 : i32
    %while3A_44 = arith.constant 1 : i32
    scf.for %while3A_46 = %while3A_36 to %while3A_43 step %while3A_44  : i32 {
      %mul3A_47 = arith.constant 25000 : i32
      %mul3A_48 = arith.muli %add3A, %mul3A_47 : i32
      %mul3A_49 = arith.constant 1000 : i32
      %mul3A_50 = arith.muli %while3A_46, %mul3A_49 : i32
      %add3A_51 = arith.addi %mul3A_48, %mul3A_50 : i32
      %add3A_52 = arith.constant 500 : i32
      %add3A_53 = arith.addi %add3A_51, %add3A_52 : i32
      "tpu.region"() ({
        %run_scoped3A = tpu.sem_alloc : memref<!tpu.dma_semaphore, #tpu.memory_space<semaphore_mem>>
        %dma_start3A_387 = arith.constant 0 : i32
        %dma_start3A_388 = arith.constant 0 : i32
        %dma_start3A_389 = tpu.memref_slice %arg7[%dma_start3A_387, %dma_start3A_388] : memref<512x2xi32, #tpu.memory_space<vmem>> -> memref<500x2xi32, #tpu.memory_space<vmem>>
        %dma_start3A_390 = arith.constant 0 : i32
        %dma_start3A_391 = tpu.memref_slice %arg3[%add3A_51, %dma_start3A_390] : memref<800000x2xi32, #tpu.memory_space<hbm>> -> memref<500x2xi32, #tpu.memory_space<hbm>>
        %dma_start3A_392 = arith.constant 0 : i32
        %dma_start3A_393 = arith.constant 0 : i32
        %dma_start3A_394 = tpu.memref_slice %arg7[%dma_start3A_392, %dma_start3A_393] : memref<512x2xi32, #tpu.memory_space<vmem>> -> memref<500x2xi32, #tpu.memory_space<vmem>>
        %dma_start3A_395 = arith.constant 0 : i32
        %dma_start3A_396 = tpu.memref_slice %arg3[%add3A_51, %dma_start3A_395] : memref<800000x2xi32, #tpu.memory_space<hbm>> -> memref<500x2xi32, #tpu.memory_space<hbm>>
        tpu.enqueue_dma source(%dma_start3A_396 : memref<500x2xi32, #tpu.memory_space<hbm>>) target(%dma_start3A_394 : memref<500x2xi32, #tpu.memory_space<vmem>>) target_semaphore(%run_scoped3A : memref<!tpu.dma_semaphore, #tpu.memory_space<semaphore_mem>>)
        %dma_wait3A_397 = arith.constant 0 : i32
        %dma_wait3A_398 = arith.constant 0 : i32
        %dma_wait3A_399 = tpu.memref_slice %arg7[%dma_wait3A_397, %dma_wait3A_398] : memref<512x2xi32, #tpu.memory_space<vmem>> -> memref<500x2xi32, #tpu.memory_space<vmem>>
        %dma_wait3A_400 = arith.constant 0 : i32
        %dma_wait3A_401 = tpu.memref_slice %arg3[%add3A_51, %dma_wait3A_400] : memref<800000x2xi32, #tpu.memory_space<hbm>> -> memref<500x2xi32, #tpu.memory_space<hbm>>
        %dma_wait3A_402 = arith.constant 0 : i32
        %dma_wait3A_403 = arith.constant 0 : i32
        %dma_wait3A_404 = tpu.memref_slice %arg7[%dma_wait3A_402, %dma_wait3A_403] : memref<512x2xi32, #tpu.memory_space<vmem>> -> memref<500x2xi32, #tpu.memory_space<vmem>>
        %dma_wait3A_405 = arith.constant 0 : i32
        %dma_wait3A_406 = tpu.memref_slice %arg3[%add3A_51, %dma_wait3A_405] : memref<800000x2xi32, #tpu.memory_space<hbm>> -> memref<500x2xi32, #tpu.memory_space<hbm>>
        tpu.wait_dma2 semaphore(%run_scoped3A : memref<!tpu.dma_semaphore, #tpu.memory_space<semaphore_mem>>) src(%dma_wait3A_406 : memref<500x2xi32, #tpu.memory_space<hbm>>) dst(%dma_wait3A_404 : memref<500x2xi32, #tpu.memory_space<vmem>>)
        tpu.yield
      }) : () -> ()
      "tpu.region"() ({
        %run_scoped3A = tpu.sem_alloc : memref<!tpu.dma_semaphore, #tpu.memory_space<semaphore_mem>>
        %dma_start3A_387 = arith.constant 0 : i32
        %dma_start3A_388 = arith.constant 0 : i32
        %dma_start3A_389 = tpu.memref_slice %arg8[%dma_start3A_387, %dma_start3A_388] : memref<512x2xi32, #tpu.memory_space<vmem>> -> memref<500x2xi32, #tpu.memory_space<vmem>>
        %dma_start3A_390 = arith.constant 0 : i32
        %dma_start3A_391 = tpu.memref_slice %arg3[%add3A_53, %dma_start3A_390] : memref<800000x2xi32, #tpu.memory_space<hbm>> -> memref<500x2xi32, #tpu.memory_space<hbm>>
        %dma_start3A_392 = arith.constant 0 : i32
        %dma_start3A_393 = arith.constant 0 : i32
        %dma_start3A_394 = tpu.memref_slice %arg8[%dma_start3A_392, %dma_start3A_393] : memref<512x2xi32, #tpu.memory_space<vmem>> -> memref<500x2xi32, #tpu.memory_space<vmem>>
        %dma_start3A_395 = arith.constant 0 : i32
        %dma_start3A_396 = tpu.memref_slice %arg3[%add3A_53, %dma_start3A_395] : memref<800000x2xi32, #tpu.memory_space<hbm>> -> memref<500x2xi32, #tpu.memory_space<hbm>>
        tpu.enqueue_dma source(%dma_start3A_396 : memref<500x2xi32, #tpu.memory_space<hbm>>) target(%dma_start3A_394 : memref<500x2xi32, #tpu.memory_space<vmem>>) target_semaphore(%run_scoped3A : memref<!tpu.dma_semaphore, #tpu.memory_space<semaphore_mem>>)
        %dma_wait3A_397 = arith.constant 0 : i32
        %dma_wait3A_398 = arith.constant 0 : i32
        %dma_wait3A_399 = tpu.memref_slice %arg8[%dma_wait3A_397, %dma_wait3A_398] : memref<512x2xi32, #tpu.memory_space<vmem>> -> memref<500x2xi32, #tpu.memory_space<vmem>>
        %dma_wait3A_400 = arith.constant 0 : i32
        %dma_wait3A_401 = tpu.memref_slice %arg3[%add3A_53, %dma_wait3A_400] : memref<800000x2xi32, #tpu.memory_space<hbm>> -> memref<500x2xi32, #tpu.memory_space<hbm>>
        %dma_wait3A_402 = arith.constant 0 : i32
        %dma_wait3A_403 = arith.constant 0 : i32
        %dma_wait3A_404 = tpu.memref_slice %arg8[%dma_wait3A_402, %dma_wait3A_403] : memref<512x2xi32, #tpu.memory_space<vmem>> -> memref<500x2xi32, #tpu.memory_space<vmem>>
        %dma_wait3A_405 = arith.constant 0 : i32
        %dma_wait3A_406 = tpu.memref_slice %arg3[%add3A_53, %dma_wait3A_405] : memref<800000x2xi32, #tpu.memory_space<hbm>> -> memref<500x2xi32, #tpu.memory_space<hbm>>
        tpu.wait_dma2 semaphore(%run_scoped3A : memref<!tpu.dma_semaphore, #tpu.memory_space<semaphore_mem>>) src(%dma_wait3A_406 : memref<500x2xi32, #tpu.memory_space<hbm>>) dst(%dma_wait3A_404 : memref<500x2xi32, #tpu.memory_space<vmem>>)
        tpu.yield
      }) : () -> ()
      %parallel_loop3A = arith.constant 0 : i32
      %parallel_loop3A_54 = arith.constant 32 : i32
      %parallel_loop3A_55 = arith.constant 1 : i32
      scf.for %parallel_loop3A_387 = %parallel_loop3A to %parallel_loop3A_54 step %parallel_loop3A_55  : i32 {
        %parallel_loop3A_388 = arith.constant 16 : i32
        %parallel_loop3A_389 = arith.muli %parallel_loop3A_387, %parallel_loop3A_388 : i32
        %parallel_loop3A_390 = vector.broadcast %parallel_loop3A_389 : i32 to vector<16xi32>
        %parallel_loop3A_391 = arith.addi %parallel_loop3A_390, %iota3A : vector<16xi32>
        %parallel_loop3A_392 = tpu.vector_load_idx %arg7[%parallel_loop3A_391, %broadcast_in_dim3A_3] : memref<512x2xi32, #tpu.memory_space<vmem>>[vector<16xi32>, vector<16xi32>], vector<16xi32>,
        %parallel_loop3A_393 = arith.index_cast %parallel_loop3A_389 : i32 to index
        %parallel_loop3A_394 = tpu.vector_load %arg9[%parallel_loop3A_393] {strides = array<i32>} : memref<512xi32, #tpu.memory_space<vmem>>, vector<16xi32>,
        tpu.vector_store %arg9[%parallel_loop3A_393], %parallel_loop3A_392 {strides = array<i32>} : memref<512xi32, #tpu.memory_space<vmem>>, vector<16xi32>,
        %parallel_loop3A_395 = tpu.vector_load_idx %arg7[%parallel_loop3A_391, %broadcast_in_dim3A_5] : memref<512x2xi32, #tpu.memory_space<vmem>>[vector<16xi32>, vector<16xi32>], vector<16xi32>,
        %parallel_loop3A_396 = arith.index_cast %parallel_loop3A_389 : i32 to index
        %parallel_loop3A_397 = tpu.vector_load %arg11[%parallel_loop3A_396] {strides = array<i32>} : memref<512xi32, #tpu.memory_space<vmem>>, vector<16xi32>,
        tpu.vector_store %arg11[%parallel_loop3A_396], %parallel_loop3A_395 {strides = array<i32>} : memref<512xi32, #tpu.memory_space<vmem>>, vector<16xi32>,
      } {sc.loop_unroll_factor = 1 : i64, sc.parallel_access}
      %parallel_loop3A_56 = arith.constant 0 : i32
      %parallel_loop3A_57 = arith.constant 32 : i32
      %parallel_loop3A_58 = arith.constant 1 : i32
      scf.for %parallel_loop3A_387 = %parallel_loop3A_56 to %parallel_loop3A_57 step %parallel_loop3A_58  : i32 {
        %parallel_loop3A_388 = arith.constant 16 : i32
        %parallel_loop3A_389 = arith.muli %parallel_loop3A_387, %parallel_loop3A_388 : i32
        %parallel_loop3A_390 = vector.broadcast %parallel_loop3A_389 : i32 to vector<16xi32>
        %parallel_loop3A_391 = arith.addi %parallel_loop3A_390, %iota3A : vector<16xi32>
        %parallel_loop3A_392 = tpu.vector_load_idx %arg8[%parallel_loop3A_391, %broadcast_in_dim3A_3] : memref<512x2xi32, #tpu.memory_space<vmem>>[vector<16xi32>, vector<16xi32>], vector<16xi32>,
        %parallel_loop3A_393 = arith.index_cast %parallel_loop3A_389 : i32 to index
        %parallel_loop3A_394 = tpu.vector_load %arg10[%parallel_loop3A_393] {strides = array<i32>} : memref<512xi32, #tpu.memory_space<vmem>>, vector<16xi32>,
        tpu.vector_store %arg10[%parallel_loop3A_393], %parallel_loop3A_392 {strides = array<i32>} : memref<512xi32, #tpu.memory_space<vmem>>, vector<16xi32>,
        %parallel_loop3A_395 = tpu.vector_load_idx %arg8[%parallel_loop3A_391, %broadcast_in_dim3A_5] : memref<512x2xi32, #tpu.memory_space<vmem>>[vector<16xi32>, vector<16xi32>], vector<16xi32>,
        %parallel_loop3A_396 = arith.index_cast %parallel_loop3A_389 : i32 to index
        %parallel_loop3A_397 = tpu.vector_load %arg12[%parallel_loop3A_396] {strides = array<i32>} : memref<512xi32, #tpu.memory_space<vmem>>, vector<16xi32>,
        tpu.vector_store %arg12[%parallel_loop3A_396], %parallel_loop3A_395 {strides = array<i32>} : memref<512xi32, #tpu.memory_space<vmem>>, vector<16xi32>,
      } {sc.loop_unroll_factor = 1 : i64, sc.parallel_access}
      %dma_start3A = arith.constant 0 : i32
      %dma_start3A_59 = arith.constant 0 : i32
      %dma_start3A_60 = tpu.memref_slice %arg13[%dma_start3A, %dma_start3A_59] : memref<512x32xf32, #tpu.memory_space<vmem>> -> memref<128x32xf32, #tpu.memory_space<vmem>>
      %dma_start3A_61 = arith.constant 0 : i32
      %dma_start3A_62 = tpu.memref_slice %arg9[%dma_start3A_61] : memref<512xi32, #tpu.memory_space<vmem>> -> memref<128xi32, #tpu.memory_space<vmem>>
      %dma_start3A_63 = arith.constant 0 : i32
      %dma_start3A_64 = arith.constant 0 : i32
      %dma_start3A_65 = tpu.memref_slice %arg2[%dma_start3A_63, %dma_start3A_64] : memref<50000x32xf32, #tpu.memory_space<hbm>> -> memref<50000x32xf32, #tpu.memory_space<hbm>>
      tpu.enqueue_indirect_dma source(%dma_start3A_65 : memref<50000x32xf32, #tpu.memory_space<hbm>>) target(%dma_start3A_60 : memref<128x32xf32, #tpu.memory_space<vmem>>) offsets(%dma_start3A_62 : memref<128xi32, #tpu.memory_space<vmem>>) semaphore(%arg21 : memref<!tpu.dma_semaphore, #tpu.memory_space<semaphore_mem>>)
      %dma_start3A_66 = arith.constant 0 : i32
      %dma_start3A_67 = arith.constant 0 : i32
      %dma_start3A_68 = tpu.memref_slice %arg15[%dma_start3A_66, %dma_start3A_67] : memref<512x32xf32, #tpu.memory_space<vmem>> -> memref<128x32xf32, #tpu.memory_space<vmem>>
      %dma_start3A_69 = arith.constant 0 : i32
      %dma_start3A_70 = tpu.memref_slice %arg11[%dma_start3A_69] : memref<512xi32, #tpu.memory_space<vmem>> -> memref<128xi32, #tpu.memory_space<vmem>>
      %dma_start3A_71 = arith.constant 0 : i32
      %dma_start3A_72 = arith.constant 0 : i32
      %dma_start3A_73 = tpu.memref_slice %arg2[%dma_start3A_71, %dma_start3A_72] : memref<50000x32xf32, #tpu.memory_space<hbm>> -> memref<50000x32xf32, #tpu.memory_space<hbm>>
      tpu.enqueue_indirect_dma source(%dma_start3A_73 : memref<50000x32xf32, #tpu.memory_space<hbm>>) target(%dma_start3A_68 : memref<128x32xf32, #tpu.memory_space<vmem>>) offsets(%dma_start3A_70 : memref<128xi32, #tpu.memory_space<vmem>>) semaphore(%arg21 : memref<!tpu.dma_semaphore, #tpu.memory_space<semaphore_mem>>)
      %dma_start3A_74 = arith.constant 128 : i32
      %dma_start3A_75 = arith.constant 0 : i32
      %dma_start3A_76 = tpu.memref_slice %arg13[%dma_start3A_74, %dma_start3A_75] : memref<512x32xf32, #tpu.memory_space<vmem>> -> memref<128x32xf32, #tpu.memory_space<vmem>>
      %dma_start3A_77 = arith.constant 128 : i32
      %dma_start3A_78 = tpu.memref_slice %arg9[%dma_start3A_77] : memref<512xi32, #tpu.memory_space<vmem>> -> memref<128xi32, #tpu.memory_space<vmem>>
      %dma_start3A_79 = arith.constant 0 : i32
      %dma_start3A_80 = arith.constant 0 : i32
      %dma_start3A_81 = tpu.memref_slice %arg2[%dma_start3A_79, %dma_start3A_80] : memref<50000x32xf32, #tpu.memory_space<hbm>> -> memref<50000x32xf32, #tpu.memory_space<hbm>>
      tpu.enqueue_indirect_dma source(%dma_start3A_81 : memref<50000x32xf32, #tpu.memory_space<hbm>>) target(%dma_start3A_76 : memref<128x32xf32, #tpu.memory_space<vmem>>) offsets(%dma_start3A_78 : memref<128xi32, #tpu.memory_space<vmem>>) semaphore(%arg21 : memref<!tpu.dma_semaphore, #tpu.memory_space<semaphore_mem>>)
      %dma_start3A_82 = arith.constant 128 : i32
      %dma_start3A_83 = arith.constant 0 : i32
      %dma_start3A_84 = tpu.memref_slice %arg15[%dma_start3A_82, %dma_start3A_83] : memref<512x32xf32, #tpu.memory_space<vmem>> -> memref<128x32xf32, #tpu.memory_space<vmem>>
      %dma_start3A_85 = arith.constant 128 : i32
      %dma_start3A_86 = tpu.memref_slice %arg11[%dma_start3A_85] : memref<512xi32, #tpu.memory_space<vmem>> -> memref<128xi32, #tpu.memory_space<vmem>>
      %dma_start3A_87 = arith.constant 0 : i32
      %dma_start3A_88 = arith.constant 0 : i32
      %dma_start3A_89 = tpu.memref_slice %arg2[%dma_start3A_87, %dma_start3A_88] : memref<50000x32xf32, #tpu.memory_space<hbm>> -> memref<50000x32xf32, #tpu.memory_space<hbm>>
      tpu.enqueue_indirect_dma source(%dma_start3A_89 : memref<50000x32xf32, #tpu.memory_space<hbm>>) target(%dma_start3A_84 : memref<128x32xf32, #tpu.memory_space<vmem>>) offsets(%dma_start3A_86 : memref<128xi32, #tpu.memory_space<vmem>>) semaphore(%arg21 : memref<!tpu.dma_semaphore, #tpu.memory_space<semaphore_mem>>)
      %dma_start3A_90 = arith.constant 256 : i32
      %dma_start3A_91 = arith.constant 0 : i32
      %dma_start3A_92 = tpu.memref_slice %arg13[%dma_start3A_90, %dma_start3A_91] : memref<512x32xf32, #tpu.memory_space<vmem>> -> memref<128x32xf32, #tpu.memory_space<vmem>>
      %dma_start3A_93 = arith.constant 256 : i32
      %dma_start3A_94 = tpu.memref_slice %arg9[%dma_start3A_93] : memref<512xi32, #tpu.memory_space<vmem>> -> memref<128xi32, #tpu.memory_space<vmem>>
      %dma_start3A_95 = arith.constant 0 : i32
      %dma_start3A_96 = arith.constant 0 : i32
      %dma_start3A_97 = tpu.memref_slice %arg2[%dma_start3A_95, %dma_start3A_96] : memref<50000x32xf32, #tpu.memory_space<hbm>> -> memref<50000x32xf32, #tpu.memory_space<hbm>>
      tpu.enqueue_indirect_dma source(%dma_start3A_97 : memref<50000x32xf32, #tpu.memory_space<hbm>>) target(%dma_start3A_92 : memref<128x32xf32, #tpu.memory_space<vmem>>) offsets(%dma_start3A_94 : memref<128xi32, #tpu.memory_space<vmem>>) semaphore(%arg21 : memref<!tpu.dma_semaphore, #tpu.memory_space<semaphore_mem>>)
      %dma_start3A_98 = arith.constant 256 : i32
      %dma_start3A_99 = arith.constant 0 : i32
      %dma_start3A_100 = tpu.memref_slice %arg15[%dma_start3A_98, %dma_start3A_99] : memref<512x32xf32, #tpu.memory_space<vmem>> -> memref<128x32xf32, #tpu.memory_space<vmem>>
      %dma_start3A_101 = arith.constant 256 : i32
      %dma_start3A_102 = tpu.memref_slice %arg11[%dma_start3A_101] : memref<512xi32, #tpu.memory_space<vmem>> -> memref<128xi32, #tpu.memory_space<vmem>>
      %dma_start3A_103 = arith.constant 0 : i32
      %dma_start3A_104 = arith.constant 0 : i32
      %dma_start3A_105 = tpu.memref_slice %arg2[%dma_start3A_103, %dma_start3A_104] : memref<50000x32xf32, #tpu.memory_space<hbm>> -> memref<50000x32xf32, #tpu.memory_space<hbm>>
      tpu.enqueue_indirect_dma source(%dma_start3A_105 : memref<50000x32xf32, #tpu.memory_space<hbm>>) target(%dma_start3A_100 : memref<128x32xf32, #tpu.memory_space<vmem>>) offsets(%dma_start3A_102 : memref<128xi32, #tpu.memory_space<vmem>>) semaphore(%arg21 : memref<!tpu.dma_semaphore, #tpu.memory_space<semaphore_mem>>)
      %dma_start3A_106 = arith.constant 384 : i32
      %dma_start3A_107 = arith.constant 0 : i32
      %dma_start3A_108 = tpu.memref_slice %arg13[%dma_start3A_106, %dma_start3A_107] : memref<512x32xf32, #tpu.memory_space<vmem>> -> memref<128x32xf32, #tpu.memory_space<vmem>>
      %dma_start3A_109 = arith.constant 384 : i32
      %dma_start3A_110 = tpu.memref_slice %arg9[%dma_start3A_109] : memref<512xi32, #tpu.memory_space<vmem>> -> memref<128xi32, #tpu.memory_space<vmem>>
      %dma_start3A_111 = arith.constant 0 : i32
      %dma_start3A_112 = arith.constant 0 : i32
      %dma_start3A_113 = tpu.memref_slice %arg2[%dma_start3A_111, %dma_start3A_112] : memref<50000x32xf32, #tpu.memory_space<hbm>> -> memref<50000x32xf32, #tpu.memory_space<hbm>>
      tpu.enqueue_indirect_dma source(%dma_start3A_113 : memref<50000x32xf32, #tpu.memory_space<hbm>>) target(%dma_start3A_108 : memref<128x32xf32, #tpu.memory_space<vmem>>) offsets(%dma_start3A_110 : memref<128xi32, #tpu.memory_space<vmem>>) semaphore(%arg21 : memref<!tpu.dma_semaphore, #tpu.memory_space<semaphore_mem>>)
      %dma_start3A_114 = arith.constant 384 : i32
      %dma_start3A_115 = arith.constant 0 : i32
      %dma_start3A_116 = tpu.memref_slice %arg15[%dma_start3A_114, %dma_start3A_115] : memref<512x32xf32, #tpu.memory_space<vmem>> -> memref<128x32xf32, #tpu.memory_space<vmem>>
      %dma_start3A_117 = arith.constant 384 : i32
      %dma_start3A_118 = tpu.memref_slice %arg11[%dma_start3A_117] : memref<512xi32, #tpu.memory_space<vmem>> -> memref<128xi32, #tpu.memory_space<vmem>>
      %dma_start3A_119 = arith.constant 0 : i32
      %dma_start3A_120 = arith.constant 0 : i32
      %dma_start3A_121 = tpu.memref_slice %arg2[%dma_start3A_119, %dma_start3A_120] : memref<50000x32xf32, #tpu.memory_space<hbm>> -> memref<50000x32xf32, #tpu.memory_space<hbm>>
      tpu.enqueue_indirect_dma source(%dma_start3A_121 : memref<50000x32xf32, #tpu.memory_space<hbm>>) target(%dma_start3A_116 : memref<128x32xf32, #tpu.memory_space<vmem>>) offsets(%dma_start3A_118 : memref<128xi32, #tpu.memory_space<vmem>>) semaphore(%arg21 : memref<!tpu.dma_semaphore, #tpu.memory_space<semaphore_mem>>)
      %dma_start3A_122 = arith.constant 0 : i32
      %dma_start3A_123 = arith.constant 0 : i32
      %dma_start3A_124 = tpu.memref_slice %arg14[%dma_start3A_122, %dma_start3A_123] : memref<512x32xf32, #tpu.memory_space<vmem>> -> memref<128x32xf32, #tpu.memory_space<vmem>>
      %dma_start3A_125 = arith.constant 0 : i32
      %dma_start3A_126 = tpu.memref_slice %arg10[%dma_start3A_125] : memref<512xi32, #tpu.memory_space<vmem>> -> memref<128xi32, #tpu.memory_space<vmem>>
      %dma_start3A_127 = arith.constant 0 : i32
      %dma_start3A_128 = arith.constant 0 : i32
      %dma_start3A_129 = tpu.memref_slice %arg2[%dma_start3A_127, %dma_start3A_128] : memref<50000x32xf32, #tpu.memory_space<hbm>> -> memref<50000x32xf32, #tpu.memory_space<hbm>>
      tpu.enqueue_indirect_dma source(%dma_start3A_129 : memref<50000x32xf32, #tpu.memory_space<hbm>>) target(%dma_start3A_124 : memref<128x32xf32, #tpu.memory_space<vmem>>) offsets(%dma_start3A_126 : memref<128xi32, #tpu.memory_space<vmem>>) semaphore(%arg22 : memref<!tpu.dma_semaphore, #tpu.memory_space<semaphore_mem>>)
      %dma_start3A_130 = arith.constant 0 : i32
      %dma_start3A_131 = arith.constant 0 : i32
      %dma_start3A_132 = tpu.memref_slice %arg16[%dma_start3A_130, %dma_start3A_131] : memref<512x32xf32, #tpu.memory_space<vmem>> -> memref<128x32xf32, #tpu.memory_space<vmem>>
      %dma_start3A_133 = arith.constant 0 : i32
      %dma_start3A_134 = tpu.memref_slice %arg12[%dma_start3A_133] : memref<512xi32, #tpu.memory_space<vmem>> -> memref<128xi32, #tpu.memory_space<vmem>>
      %dma_start3A_135 = arith.constant 0 : i32
      %dma_start3A_136 = arith.constant 0 : i32
      %dma_start3A_137 = tpu.memref_slice %arg2[%dma_start3A_135, %dma_start3A_136] : memref<50000x32xf32, #tpu.memory_space<hbm>> -> memref<50000x32xf32, #tpu.memory_space<hbm>>
      tpu.enqueue_indirect_dma source(%dma_start3A_137 : memref<50000x32xf32, #tpu.memory_space<hbm>>) target(%dma_start3A_132 : memref<128x32xf32, #tpu.memory_space<vmem>>) offsets(%dma_start3A_134 : memref<128xi32, #tpu.memory_space<vmem>>) semaphore(%arg22 : memref<!tpu.dma_semaphore, #tpu.memory_space<semaphore_mem>>)
      %dma_start3A_138 = arith.constant 128 : i32
      %dma_start3A_139 = arith.constant 0 : i32
      %dma_start3A_140 = tpu.memref_slice %arg14[%dma_start3A_138, %dma_start3A_139] : memref<512x32xf32, #tpu.memory_space<vmem>> -> memref<128x32xf32, #tpu.memory_space<vmem>>
      %dma_start3A_141 = arith.constant 128 : i32
      %dma_start3A_142 = tpu.memref_slice %arg10[%dma_start3A_141] : memref<512xi32, #tpu.memory_space<vmem>> -> memref<128xi32, #tpu.memory_space<vmem>>
      %dma_start3A_143 = arith.constant 0 : i32
      %dma_start3A_144 = arith.constant 0 : i32
      %dma_start3A_145 = tpu.memref_slice %arg2[%dma_start3A_143, %dma_start3A_144] : memref<50000x32xf32, #tpu.memory_space<hbm>> -> memref<50000x32xf32, #tpu.memory_space<hbm>>
      tpu.enqueue_indirect_dma source(%dma_start3A_145 : memref<50000x32xf32, #tpu.memory_space<hbm>>) target(%dma_start3A_140 : memref<128x32xf32, #tpu.memory_space<vmem>>) offsets(%dma_start3A_142 : memref<128xi32, #tpu.memory_space<vmem>>) semaphore(%arg22 : memref<!tpu.dma_semaphore, #tpu.memory_space<semaphore_mem>>)
      %dma_start3A_146 = arith.constant 128 : i32
      %dma_start3A_147 = arith.constant 0 : i32
      %dma_start3A_148 = tpu.memref_slice %arg16[%dma_start3A_146, %dma_start3A_147] : memref<512x32xf32, #tpu.memory_space<vmem>> -> memref<128x32xf32, #tpu.memory_space<vmem>>
      %dma_start3A_149 = arith.constant 128 : i32
      %dma_start3A_150 = tpu.memref_slice %arg12[%dma_start3A_149] : memref<512xi32, #tpu.memory_space<vmem>> -> memref<128xi32, #tpu.memory_space<vmem>>
      %dma_start3A_151 = arith.constant 0 : i32
      %dma_start3A_152 = arith.constant 0 : i32
      %dma_start3A_153 = tpu.memref_slice %arg2[%dma_start3A_151, %dma_start3A_152] : memref<50000x32xf32, #tpu.memory_space<hbm>> -> memref<50000x32xf32, #tpu.memory_space<hbm>>
      tpu.enqueue_indirect_dma source(%dma_start3A_153 : memref<50000x32xf32, #tpu.memory_space<hbm>>) target(%dma_start3A_148 : memref<128x32xf32, #tpu.memory_space<vmem>>) offsets(%dma_start3A_150 : memref<128xi32, #tpu.memory_space<vmem>>) semaphore(%arg22 : memref<!tpu.dma_semaphore, #tpu.memory_space<semaphore_mem>>)
      %dma_start3A_154 = arith.constant 256 : i32
      %dma_start3A_155 = arith.constant 0 : i32
      %dma_start3A_156 = tpu.memref_slice %arg14[%dma_start3A_154, %dma_start3A_155] : memref<512x32xf32, #tpu.memory_space<vmem>> -> memref<128x32xf32, #tpu.memory_space<vmem>>
      %dma_start3A_157 = arith.constant 256 : i32
      %dma_start3A_158 = tpu.memref_slice %arg10[%dma_start3A_157] : memref<512xi32, #tpu.memory_space<vmem>> -> memref<128xi32, #tpu.memory_space<vmem>>
      %dma_start3A_159 = arith.constant 0 : i32
      %dma_start3A_160 = arith.constant 0 : i32
      %dma_start3A_161 = tpu.memref_slice %arg2[%dma_start3A_159, %dma_start3A_160] : memref<50000x32xf32, #tpu.memory_space<hbm>> -> memref<50000x32xf32, #tpu.memory_space<hbm>>
      tpu.enqueue_indirect_dma source(%dma_start3A_161 : memref<50000x32xf32, #tpu.memory_space<hbm>>) target(%dma_start3A_156 : memref<128x32xf32, #tpu.memory_space<vmem>>) offsets(%dma_start3A_158 : memref<128xi32, #tpu.memory_space<vmem>>) semaphore(%arg22 : memref<!tpu.dma_semaphore, #tpu.memory_space<semaphore_mem>>)
      %dma_start3A_162 = arith.constant 256 : i32
      %dma_start3A_163 = arith.constant 0 : i32
      %dma_start3A_164 = tpu.memref_slice %arg16[%dma_start3A_162, %dma_start3A_163] : memref<512x32xf32, #tpu.memory_space<vmem>> -> memref<128x32xf32, #tpu.memory_space<vmem>>
      %dma_start3A_165 = arith.constant 256 : i32
      %dma_start3A_166 = tpu.memref_slice %arg12[%dma_start3A_165] : memref<512xi32, #tpu.memory_space<vmem>> -> memref<128xi32, #tpu.memory_space<vmem>>
      %dma_start3A_167 = arith.constant 0 : i32
      %dma_start3A_168 = arith.constant 0 : i32
      %dma_start3A_169 = tpu.memref_slice %arg2[%dma_start3A_167, %dma_start3A_168] : memref<50000x32xf32, #tpu.memory_space<hbm>> -> memref<50000x32xf32, #tpu.memory_space<hbm>>
      tpu.enqueue_indirect_dma source(%dma_start3A_169 : memref<50000x32xf32, #tpu.memory_space<hbm>>) target(%dma_start3A_164 : memref<128x32xf32, #tpu.memory_space<vmem>>) offsets(%dma_start3A_166 : memref<128xi32, #tpu.memory_space<vmem>>) semaphore(%arg22 : memref<!tpu.dma_semaphore, #tpu.memory_space<semaphore_mem>>)
      %dma_start3A_170 = arith.constant 384 : i32
      %dma_start3A_171 = arith.constant 0 : i32
      %dma_start3A_172 = tpu.memref_slice %arg14[%dma_start3A_170, %dma_start3A_171] : memref<512x32xf32, #tpu.memory_space<vmem>> -> memref<128x32xf32, #tpu.memory_space<vmem>>
      %dma_start3A_173 = arith.constant 384 : i32
      %dma_start3A_174 = tpu.memref_slice %arg10[%dma_start3A_173] : memref<512xi32, #tpu.memory_space<vmem>> -> memref<128xi32, #tpu.memory_space<vmem>>
      %dma_start3A_175 = arith.constant 0 : i32
      %dma_start3A_176 = arith.constant 0 : i32
      %dma_start3A_177 = tpu.memref_slice %arg2[%dma_start3A_175, %dma_start3A_176] : memref<50000x32xf32, #tpu.memory_space<hbm>> -> memref<50000x32xf32, #tpu.memory_space<hbm>>
      tpu.enqueue_indirect_dma source(%dma_start3A_177 : memref<50000x32xf32, #tpu.memory_space<hbm>>) target(%dma_start3A_172 : memref<128x32xf32, #tpu.memory_space<vmem>>) offsets(%dma_start3A_174 : memref<128xi32, #tpu.memory_space<vmem>>) semaphore(%arg22 : memref<!tpu.dma_semaphore, #tpu.memory_space<semaphore_mem>>)
      %dma_start3A_178 = arith.constant 384 : i32
      %dma_start3A_179 = arith.constant 0 : i32
      %dma_start3A_180 = tpu.memref_slice %arg16[%dma_start3A_178, %dma_start3A_179] : memref<512x32xf32, #tpu.memory_space<vmem>> -> memref<128x32xf32, #tpu.memory_space<vmem>>
      %dma_start3A_181 = arith.constant 384 : i32
      %dma_start3A_182 = tpu.memref_slice %arg12[%dma_start3A_181] : memref<512xi32, #tpu.memory_space<vmem>> -> memref<128xi32, #tpu.memory_space<vmem>>
      %dma_start3A_183 = arith.constant 0 : i32
      %dma_start3A_184 = arith.constant 0 : i32
      %dma_start3A_185 = tpu.memref_slice %arg2[%dma_start3A_183, %dma_start3A_184] : memref<50000x32xf32, #tpu.memory_space<hbm>> -> memref<50000x32xf32, #tpu.memory_space<hbm>>
      tpu.enqueue_indirect_dma source(%dma_start3A_185 : memref<50000x32xf32, #tpu.memory_space<hbm>>) target(%dma_start3A_180 : memref<128x32xf32, #tpu.memory_space<vmem>>) offsets(%dma_start3A_182 : memref<128xi32, #tpu.memory_space<vmem>>) semaphore(%arg22 : memref<!tpu.dma_semaphore, #tpu.memory_space<semaphore_mem>>)
      %dma_wait3A = arith.constant 0 : i32
      %dma_wait3A_186 = arith.constant 0 : i32
      %dma_wait3A_187 = tpu.memref_slice %arg13[%dma_wait3A, %dma_wait3A_186] : memref<512x32xf32, #tpu.memory_space<vmem>> -> memref<128x32xf32, #tpu.memory_space<vmem>>
      %dma_wait3A_188 = arith.constant 0 : i32
      %dma_wait3A_189 = tpu.memref_slice %arg9[%dma_wait3A_188] : memref<512xi32, #tpu.memory_space<vmem>> -> memref<128xi32, #tpu.memory_space<vmem>>
      %dma_wait3A_190 = arith.constant 0 : i32
      %dma_wait3A_191 = arith.constant 0 : i32
      %dma_wait3A_192 = tpu.memref_slice %arg2[%dma_wait3A_190, %dma_wait3A_191] : memref<50000x32xf32, #tpu.memory_space<hbm>> -> memref<50000x32xf32, #tpu.memory_space<hbm>>
      tpu.wait_indirect_dma semaphore(%arg21 : memref<!tpu.dma_semaphore, #tpu.memory_space<semaphore_mem>>) src(%dma_wait3A_192 : memref<50000x32xf32, #tpu.memory_space<hbm>>) dst(%dma_wait3A_187 : memref<128x32xf32, #tpu.memory_space<vmem>>)
      %dma_wait3A_193 = arith.constant 0 : i32
      %dma_wait3A_194 = arith.constant 0 : i32
      %dma_wait3A_195 = tpu.memref_slice %arg15[%dma_wait3A_193, %dma_wait3A_194] : memref<512x32xf32, #tpu.memory_space<vmem>> -> memref<128x32xf32, #tpu.memory_space<vmem>>
      %dma_wait3A_196 = arith.constant 0 : i32
      %dma_wait3A_197 = tpu.memref_slice %arg11[%dma_wait3A_196] : memref<512xi32, #tpu.memory_space<vmem>> -> memref<128xi32, #tpu.memory_space<vmem>>
      %dma_wait3A_198 = arith.constant 0 : i32
      %dma_wait3A_199 = arith.constant 0 : i32
      %dma_wait3A_200 = tpu.memref_slice %arg2[%dma_wait3A_198, %dma_wait3A_199] : memref<50000x32xf32, #tpu.memory_space<hbm>> -> memref<50000x32xf32, #tpu.memory_space<hbm>>
      tpu.wait_indirect_dma semaphore(%arg21 : memref<!tpu.dma_semaphore, #tpu.memory_space<semaphore_mem>>) src(%dma_wait3A_200 : memref<50000x32xf32, #tpu.memory_space<hbm>>) dst(%dma_wait3A_195 : memref<128x32xf32, #tpu.memory_space<vmem>>)
      %dma_wait3A_201 = arith.constant 128 : i32
      %dma_wait3A_202 = arith.constant 0 : i32
      %dma_wait3A_203 = tpu.memref_slice %arg13[%dma_wait3A_201, %dma_wait3A_202] : memref<512x32xf32, #tpu.memory_space<vmem>> -> memref<128x32xf32, #tpu.memory_space<vmem>>
      %dma_wait3A_204 = arith.constant 128 : i32
      %dma_wait3A_205 = tpu.memref_slice %arg9[%dma_wait3A_204] : memref<512xi32, #tpu.memory_space<vmem>> -> memref<128xi32, #tpu.memory_space<vmem>>
      %dma_wait3A_206 = arith.constant 0 : i32
      %dma_wait3A_207 = arith.constant 0 : i32
      %dma_wait3A_208 = tpu.memref_slice %arg2[%dma_wait3A_206, %dma_wait3A_207] : memref<50000x32xf32, #tpu.memory_space<hbm>> -> memref<50000x32xf32, #tpu.memory_space<hbm>>
      tpu.wait_indirect_dma semaphore(%arg21 : memref<!tpu.dma_semaphore, #tpu.memory_space<semaphore_mem>>) src(%dma_wait3A_208 : memref<50000x32xf32, #tpu.memory_space<hbm>>) dst(%dma_wait3A_203 : memref<128x32xf32, #tpu.memory_space<vmem>>)
      %dma_wait3A_209 = arith.constant 128 : i32
      %dma_wait3A_210 = arith.constant 0 : i32
      %dma_wait3A_211 = tpu.memref_slice %arg15[%dma_wait3A_209, %dma_wait3A_210] : memref<512x32xf32, #tpu.memory_space<vmem>> -> memref<128x32xf32, #tpu.memory_space<vmem>>
      %dma_wait3A_212 = arith.constant 128 : i32
      %dma_wait3A_213 = tpu.memref_slice %arg11[%dma_wait3A_212] : memref<512xi32, #tpu.memory_space<vmem>> -> memref<128xi32, #tpu.memory_space<vmem>>
      %dma_wait3A_214 = arith.constant 0 : i32
      %dma_wait3A_215 = arith.constant 0 : i32
      %dma_wait3A_216 = tpu.memref_slice %arg2[%dma_wait3A_214, %dma_wait3A_215] : memref<50000x32xf32, #tpu.memory_space<hbm>> -> memref<50000x32xf32, #tpu.memory_space<hbm>>
      tpu.wait_indirect_dma semaphore(%arg21 : memref<!tpu.dma_semaphore, #tpu.memory_space<semaphore_mem>>) src(%dma_wait3A_216 : memref<50000x32xf32, #tpu.memory_space<hbm>>) dst(%dma_wait3A_211 : memref<128x32xf32, #tpu.memory_space<vmem>>)
      %dma_wait3A_217 = arith.constant 256 : i32
      %dma_wait3A_218 = arith.constant 0 : i32
      %dma_wait3A_219 = tpu.memref_slice %arg13[%dma_wait3A_217, %dma_wait3A_218] : memref<512x32xf32, #tpu.memory_space<vmem>> -> memref<128x32xf32, #tpu.memory_space<vmem>>
      %dma_wait3A_220 = arith.constant 256 : i32
      %dma_wait3A_221 = tpu.memref_slice %arg9[%dma_wait3A_220] : memref<512xi32, #tpu.memory_space<vmem>> -> memref<128xi32, #tpu.memory_space<vmem>>
      %dma_wait3A_222 = arith.constant 0 : i32
      %dma_wait3A_223 = arith.constant 0 : i32
      %dma_wait3A_224 = tpu.memref_slice %arg2[%dma_wait3A_222, %dma_wait3A_223] : memref<50000x32xf32, #tpu.memory_space<hbm>> -> memref<50000x32xf32, #tpu.memory_space<hbm>>
      tpu.wait_indirect_dma semaphore(%arg21 : memref<!tpu.dma_semaphore, #tpu.memory_space<semaphore_mem>>) src(%dma_wait3A_224 : memref<50000x32xf32, #tpu.memory_space<hbm>>) dst(%dma_wait3A_219 : memref<128x32xf32, #tpu.memory_space<vmem>>)
      %dma_wait3A_225 = arith.constant 256 : i32
      %dma_wait3A_226 = arith.constant 0 : i32
      %dma_wait3A_227 = tpu.memref_slice %arg15[%dma_wait3A_225, %dma_wait3A_226] : memref<512x32xf32, #tpu.memory_space<vmem>> -> memref<128x32xf32, #tpu.memory_space<vmem>>
      %dma_wait3A_228 = arith.constant 256 : i32
      %dma_wait3A_229 = tpu.memref_slice %arg11[%dma_wait3A_228] : memref<512xi32, #tpu.memory_space<vmem>> -> memref<128xi32, #tpu.memory_space<vmem>>
      %dma_wait3A_230 = arith.constant 0 : i32
      %dma_wait3A_231 = arith.constant 0 : i32
      %dma_wait3A_232 = tpu.memref_slice %arg2[%dma_wait3A_230, %dma_wait3A_231] : memref<50000x32xf32, #tpu.memory_space<hbm>> -> memref<50000x32xf32, #tpu.memory_space<hbm>>
      tpu.wait_indirect_dma semaphore(%arg21 : memref<!tpu.dma_semaphore, #tpu.memory_space<semaphore_mem>>) src(%dma_wait3A_232 : memref<50000x32xf32, #tpu.memory_space<hbm>>) dst(%dma_wait3A_227 : memref<128x32xf32, #tpu.memory_space<vmem>>)
      %dma_wait3A_233 = arith.constant 384 : i32
      %dma_wait3A_234 = arith.constant 0 : i32
      %dma_wait3A_235 = tpu.memref_slice %arg13[%dma_wait3A_233, %dma_wait3A_234] : memref<512x32xf32, #tpu.memory_space<vmem>> -> memref<128x32xf32, #tpu.memory_space<vmem>>
      %dma_wait3A_236 = arith.constant 384 : i32
      %dma_wait3A_237 = tpu.memref_slice %arg9[%dma_wait3A_236] : memref<512xi32, #tpu.memory_space<vmem>> -> memref<128xi32, #tpu.memory_space<vmem>>
      %dma_wait3A_238 = arith.constant 0 : i32
      %dma_wait3A_239 = arith.constant 0 : i32
      %dma_wait3A_240 = tpu.memref_slice %arg2[%dma_wait3A_238, %dma_wait3A_239] : memref<50000x32xf32, #tpu.memory_space<hbm>> -> memref<50000x32xf32, #tpu.memory_space<hbm>>
      tpu.wait_indirect_dma semaphore(%arg21 : memref<!tpu.dma_semaphore, #tpu.memory_space<semaphore_mem>>) src(%dma_wait3A_240 : memref<50000x32xf32, #tpu.memory_space<hbm>>) dst(%dma_wait3A_235 : memref<128x32xf32, #tpu.memory_space<vmem>>)
      %dma_wait3A_241 = arith.constant 384 : i32
      %dma_wait3A_242 = arith.constant 0 : i32
      %dma_wait3A_243 = tpu.memref_slice %arg15[%dma_wait3A_241, %dma_wait3A_242] : memref<512x32xf32, #tpu.memory_space<vmem>> -> memref<128x32xf32, #tpu.memory_space<vmem>>
      %dma_wait3A_244 = arith.constant 384 : i32
      %dma_wait3A_245 = tpu.memref_slice %arg11[%dma_wait3A_244] : memref<512xi32, #tpu.memory_space<vmem>> -> memref<128xi32, #tpu.memory_space<vmem>>
      %dma_wait3A_246 = arith.constant 0 : i32
      %dma_wait3A_247 = arith.constant 0 : i32
      %dma_wait3A_248 = tpu.memref_slice %arg2[%dma_wait3A_246, %dma_wait3A_247] : memref<50000x32xf32, #tpu.memory_space<hbm>> -> memref<50000x32xf32, #tpu.memory_space<hbm>>
      tpu.wait_indirect_dma semaphore(%arg21 : memref<!tpu.dma_semaphore, #tpu.memory_space<semaphore_mem>>) src(%dma_wait3A_248 : memref<50000x32xf32, #tpu.memory_space<hbm>>) dst(%dma_wait3A_243 : memref<128x32xf32, #tpu.memory_space<vmem>>)
      %parallel_loop3A_249 = arith.constant 0 : i32
      %parallel_loop3A_250 = arith.constant 32 : i32
      %parallel_loop3A_251 = arith.constant 1 : i32
      scf.for %parallel_loop3A_387 = %parallel_loop3A_249 to %parallel_loop3A_250 step %parallel_loop3A_251  : i32 {
        %parallel_loop3A_388 = arith.constant 16 : i32
        %parallel_loop3A_389 = arith.muli %parallel_loop3A_387, %parallel_loop3A_388 : i32
        %parallel_loop3A_390 = vector.broadcast %parallel_loop3A_389 : i32 to vector<16xi32>
        %parallel_loop3A_391 = arith.addi %parallel_loop3A_390, %iota3A : vector<16xi32>
        %parallel_loop3A_392 = arith.constant 0 : i32
        %parallel_loop3A_393 = vector.broadcast %parallel_loop3A_392 : i32 to vector<16xi32>
        %parallel_loop3A_394 = tpu.vector_load_idx %arg13[%parallel_loop3A_391, %parallel_loop3A_393] : memref<512x32xf32, #tpu.memory_space<vmem>>[vector<16xi32>, vector<16xi32>], vector<16xf32>,
        %parallel_loop3A_395 = arith.constant 1 : i32
        %parallel_loop3A_396 = vector.broadcast %parallel_loop3A_395 : i32 to vector<16xi32>
        %parallel_loop3A_397 = tpu.vector_load_idx %arg13[%parallel_loop3A_391, %parallel_loop3A_396] : memref<512x32xf32, #tpu.memory_space<vmem>>[vector<16xi32>, vector<16xi32>], vector<16xf32>,
        %parallel_loop3A_398 = arith.constant 2 : i32
        %parallel_loop3A_399 = vector.broadcast %parallel_loop3A_398 : i32 to vector<16xi32>
        %parallel_loop3A_400 = tpu.vector_load_idx %arg13[%parallel_loop3A_391, %parallel_loop3A_399] : memref<512x32xf32, #tpu.memory_space<vmem>>[vector<16xi32>, vector<16xi32>], vector<16xf32>,
        %parallel_loop3A_401 = arith.constant 3 : i32
        %parallel_loop3A_402 = vector.broadcast %parallel_loop3A_401 : i32 to vector<16xi32>
        %parallel_loop3A_403 = tpu.vector_load_idx %arg13[%parallel_loop3A_391, %parallel_loop3A_402] : memref<512x32xf32, #tpu.memory_space<vmem>>[vector<16xi32>, vector<16xi32>], vector<16xf32>,
        %parallel_loop3A_404 = arith.constant 0 : i32
        %parallel_loop3A_405 = vector.broadcast %parallel_loop3A_404 : i32 to vector<16xi32>
        %parallel_loop3A_406 = tpu.vector_load_idx %arg15[%parallel_loop3A_391, %parallel_loop3A_405] : memref<512x32xf32, #tpu.memory_space<vmem>>[vector<16xi32>, vector<16xi32>], vector<16xf32>,
        %parallel_loop3A_407 = arith.constant 1 : i32
        %parallel_loop3A_408 = vector.broadcast %parallel_loop3A_407 : i32 to vector<16xi32>
        %parallel_loop3A_409 = tpu.vector_load_idx %arg15[%parallel_loop3A_391, %parallel_loop3A_408] : memref<512x32xf32, #tpu.memory_space<vmem>>[vector<16xi32>, vector<16xi32>], vector<16xf32>,
        %parallel_loop3A_410 = arith.constant 2 : i32
        %parallel_loop3A_411 = vector.broadcast %parallel_loop3A_410 : i32 to vector<16xi32>
        %parallel_loop3A_412 = tpu.vector_load_idx %arg15[%parallel_loop3A_391, %parallel_loop3A_411] : memref<512x32xf32, #tpu.memory_space<vmem>>[vector<16xi32>, vector<16xi32>], vector<16xf32>,
        %parallel_loop3A_413 = arith.constant 3 : i32
        %parallel_loop3A_414 = vector.broadcast %parallel_loop3A_413 : i32 to vector<16xi32>
        %parallel_loop3A_415 = tpu.vector_load_idx %arg15[%parallel_loop3A_391, %parallel_loop3A_414] : memref<512x32xf32, #tpu.memory_space<vmem>>[vector<16xi32>, vector<16xi32>], vector<16xf32>,
        %parallel_loop3A_416 = arith.mulf %parallel_loop3A_394, %parallel_loop3A_406 : vector<16xf32>
        %parallel_loop3A_417 = arith.mulf %parallel_loop3A_397, %parallel_loop3A_409 : vector<16xf32>
        %parallel_loop3A_418 = arith.addf %parallel_loop3A_416, %parallel_loop3A_417 : vector<16xf32>
        %parallel_loop3A_419 = arith.mulf %parallel_loop3A_400, %parallel_loop3A_412 : vector<16xf32>
        %parallel_loop3A_420 = arith.mulf %parallel_loop3A_403, %parallel_loop3A_415 : vector<16xf32>
        %parallel_loop3A_421 = arith.addf %parallel_loop3A_419, %parallel_loop3A_420 : vector<16xf32>
        %parallel_loop3A_422 = arith.addf %parallel_loop3A_418, %parallel_loop3A_421 : vector<16xf32>
        %parallel_loop3A_423 = arith.mulf %parallel_loop3A_397, %parallel_loop3A_406 : vector<16xf32>
        %parallel_loop3A_424 = arith.mulf %parallel_loop3A_394, %parallel_loop3A_409 : vector<16xf32>
        %parallel_loop3A_425 = arith.subf %parallel_loop3A_423, %parallel_loop3A_424 : vector<16xf32>
        %parallel_loop3A_426 = arith.mulf %parallel_loop3A_403, %parallel_loop3A_412 : vector<16xf32>
        %parallel_loop3A_427 = arith.mulf %parallel_loop3A_400, %parallel_loop3A_415 : vector<16xf32>
        %parallel_loop3A_428 = arith.subf %parallel_loop3A_426, %parallel_loop3A_427 : vector<16xf32>
        %parallel_loop3A_429 = arith.addf %parallel_loop3A_425, %parallel_loop3A_428 : vector<16xf32>
        %parallel_loop3A_430 = arith.mulf %parallel_loop3A_400, %parallel_loop3A_406 : vector<16xf32>
        %parallel_loop3A_431 = arith.mulf %parallel_loop3A_394, %parallel_loop3A_412 : vector<16xf32>
        %parallel_loop3A_432 = arith.subf %parallel_loop3A_430, %parallel_loop3A_431 : vector<16xf32>
        %parallel_loop3A_433 = arith.mulf %parallel_loop3A_397, %parallel_loop3A_415 : vector<16xf32>
        %parallel_loop3A_434 = arith.mulf %parallel_loop3A_403, %parallel_loop3A_409 : vector<16xf32>
        %parallel_loop3A_435 = arith.subf %parallel_loop3A_433, %parallel_loop3A_434 : vector<16xf32>
        %parallel_loop3A_436 = arith.addf %parallel_loop3A_432, %parallel_loop3A_435 : vector<16xf32>
        %parallel_loop3A_437 = arith.mulf %parallel_loop3A_403, %parallel_loop3A_406 : vector<16xf32>
        %parallel_loop3A_438 = arith.mulf %parallel_loop3A_394, %parallel_loop3A_415 : vector<16xf32>
        %parallel_loop3A_439 = arith.subf %parallel_loop3A_437, %parallel_loop3A_438 : vector<16xf32>
        %parallel_loop3A_440 = arith.mulf %parallel_loop3A_400, %parallel_loop3A_409 : vector<16xf32>
        %parallel_loop3A_441 = arith.mulf %parallel_loop3A_397, %parallel_loop3A_412 : vector<16xf32>
        %parallel_loop3A_442 = arith.subf %parallel_loop3A_440, %parallel_loop3A_441 : vector<16xf32>
        %parallel_loop3A_443 = arith.addf %parallel_loop3A_439, %parallel_loop3A_442 : vector<16xf32>
        %parallel_loop3A_444 = arith.constant 0 : i32
        %parallel_loop3A_445 = vector.broadcast %parallel_loop3A_444 : i32 to vector<16xi32>
        tpu.vector_store_idx %arg17[%parallel_loop3A_391, %parallel_loop3A_445], %parallel_loop3A_422 : memref<512x32xf32, #tpu.memory_space<vmem>>[vector<16xi32>, vector<16xi32>], vector<16xf32>,
        %parallel_loop3A_446 = arith.constant 1 : i32
        %parallel_loop3A_447 = vector.broadcast %parallel_loop3A_446 : i32 to vector<16xi32>
        tpu.vector_store_idx %arg17[%parallel_loop3A_391, %parallel_loop3A_447], %parallel_loop3A_429 : memref<512x32xf32, #tpu.memory_space<vmem>>[vector<16xi32>, vector<16xi32>], vector<16xf32>,
        %parallel_loop3A_448 = arith.constant 2 : i32
        %parallel_loop3A_449 = vector.broadcast %parallel_loop3A_448 : i32 to vector<16xi32>
        tpu.vector_store_idx %arg17[%parallel_loop3A_391, %parallel_loop3A_449], %parallel_loop3A_436 : memref<512x32xf32, #tpu.memory_space<vmem>>[vector<16xi32>, vector<16xi32>], vector<16xf32>,
        %parallel_loop3A_450 = arith.constant 3 : i32
        %parallel_loop3A_451 = vector.broadcast %parallel_loop3A_450 : i32 to vector<16xi32>
        tpu.vector_store_idx %arg17[%parallel_loop3A_391, %parallel_loop3A_451], %parallel_loop3A_443 : memref<512x32xf32, #tpu.memory_space<vmem>>[vector<16xi32>, vector<16xi32>], vector<16xf32>,
        %parallel_loop3A_452 = arith.constant 4 : i32
        %parallel_loop3A_453 = vector.broadcast %parallel_loop3A_452 : i32 to vector<16xi32>
        %parallel_loop3A_454 = tpu.vector_load_idx %arg13[%parallel_loop3A_391, %parallel_loop3A_453] : memref<512x32xf32, #tpu.memory_space<vmem>>[vector<16xi32>, vector<16xi32>], vector<16xf32>,
        %parallel_loop3A_455 = arith.constant 5 : i32
        %parallel_loop3A_456 = vector.broadcast %parallel_loop3A_455 : i32 to vector<16xi32>
        %parallel_loop3A_457 = tpu.vector_load_idx %arg13[%parallel_loop3A_391, %parallel_loop3A_456] : memref<512x32xf32, #tpu.memory_space<vmem>>[vector<16xi32>, vector<16xi32>], vector<16xf32>,
        %parallel_loop3A_458 = arith.constant 6 : i32
        %parallel_loop3A_459 = vector.broadcast %parallel_loop3A_458 : i32 to vector<16xi32>
        %parallel_loop3A_460 = tpu.vector_load_idx %arg13[%parallel_loop3A_391, %parallel_loop3A_459] : memref<512x32xf32, #tpu.memory_space<vmem>>[vector<16xi32>, vector<16xi32>], vector<16xf32>,
        %parallel_loop3A_461 = arith.constant 7 : i32
        %parallel_loop3A_462 = vector.broadcast %parallel_loop3A_461 : i32 to vector<16xi32>
        %parallel_loop3A_463 = tpu.vector_load_idx %arg13[%parallel_loop3A_391, %parallel_loop3A_462] : memref<512x32xf32, #tpu.memory_space<vmem>>[vector<16xi32>, vector<16xi32>], vector<16xf32>,
        %parallel_loop3A_464 = arith.constant 4 : i32
        %parallel_loop3A_465 = vector.broadcast %parallel_loop3A_464 : i32 to vector<16xi32>
        %parallel_loop3A_466 = tpu.vector_load_idx %arg15[%parallel_loop3A_391, %parallel_loop3A_465] : memref<512x32xf32, #tpu.memory_space<vmem>>[vector<16xi32>, vector<16xi32>], vector<16xf32>,
        %parallel_loop3A_467 = arith.constant 5 : i32
        %parallel_loop3A_468 = vector.broadcast %parallel_loop3A_467 : i32 to vector<16xi32>
        %parallel_loop3A_469 = tpu.vector_load_idx %arg15[%parallel_loop3A_391, %parallel_loop3A_468] : memref<512x32xf32, #tpu.memory_space<vmem>>[vector<16xi32>, vector<16xi32>], vector<16xf32>,
        %parallel_loop3A_470 = arith.constant 6 : i32
        %parallel_loop3A_471 = vector.broadcast %parallel_loop3A_470 : i32 to vector<16xi32>
        %parallel_loop3A_472 = tpu.vector_load_idx %arg15[%parallel_loop3A_391, %parallel_loop3A_471] : memref<512x32xf32, #tpu.memory_space<vmem>>[vector<16xi32>, vector<16xi32>], vector<16xf32>,
        %parallel_loop3A_473 = arith.constant 7 : i32
        %parallel_loop3A_474 = vector.broadcast %parallel_loop3A_473 : i32 to vector<16xi32>
        %parallel_loop3A_475 = tpu.vector_load_idx %arg15[%parallel_loop3A_391, %parallel_loop3A_474] : memref<512x32xf32, #tpu.memory_space<vmem>>[vector<16xi32>, vector<16xi32>], vector<16xf32>,
        %parallel_loop3A_476 = arith.mulf %parallel_loop3A_454, %parallel_loop3A_466 : vector<16xf32>
        %parallel_loop3A_477 = arith.mulf %parallel_loop3A_457, %parallel_loop3A_469 : vector<16xf32>
        %parallel_loop3A_478 = arith.addf %parallel_loop3A_476, %parallel_loop3A_477 : vector<16xf32>
        %parallel_loop3A_479 = arith.mulf %parallel_loop3A_460, %parallel_loop3A_472 : vector<16xf32>
        %parallel_loop3A_480 = arith.mulf %parallel_loop3A_463, %parallel_loop3A_475 : vector<16xf32>
        %parallel_loop3A_481 = arith.addf %parallel_loop3A_479, %parallel_loop3A_480 : vector<16xf32>
        %parallel_loop3A_482 = arith.addf %parallel_loop3A_478, %parallel_loop3A_481 : vector<16xf32>
        %parallel_loop3A_483 = arith.mulf %parallel_loop3A_457, %parallel_loop3A_466 : vector<16xf32>
        %parallel_loop3A_484 = arith.mulf %parallel_loop3A_454, %parallel_loop3A_469 : vector<16xf32>
        %parallel_loop3A_485 = arith.subf %parallel_loop3A_483, %parallel_loop3A_484 : vector<16xf32>
        %parallel_loop3A_486 = arith.mulf %parallel_loop3A_463, %parallel_loop3A_472 : vector<16xf32>
        %parallel_loop3A_487 = arith.mulf %parallel_loop3A_460, %parallel_loop3A_475 : vector<16xf32>
        %parallel_loop3A_488 = arith.subf %parallel_loop3A_486, %parallel_loop3A_487 : vector<16xf32>
        %parallel_loop3A_489 = arith.addf %parallel_loop3A_485, %parallel_loop3A_488 : vector<16xf32>
        %parallel_loop3A_490 = arith.mulf %parallel_loop3A_460, %parallel_loop3A_466 : vector<16xf32>
        %parallel_loop3A_491 = arith.mulf %parallel_loop3A_454, %parallel_loop3A_472 : vector<16xf32>
        %parallel_loop3A_492 = arith.subf %parallel_loop3A_490, %parallel_loop3A_491 : vector<16xf32>
        %parallel_loop3A_493 = arith.mulf %parallel_loop3A_457, %parallel_loop3A_475 : vector<16xf32>
        %parallel_loop3A_494 = arith.mulf %parallel_loop3A_463, %parallel_loop3A_469 : vector<16xf32>
        %parallel_loop3A_495 = arith.subf %parallel_loop3A_493, %parallel_loop3A_494 : vector<16xf32>
        %parallel_loop3A_496 = arith.addf %parallel_loop3A_492, %parallel_loop3A_495 : vector<16xf32>
        %parallel_loop3A_497 = arith.mulf %parallel_loop3A_463, %parallel_loop3A_466 : vector<16xf32>
        %parallel_loop3A_498 = arith.mulf %parallel_loop3A_454, %parallel_loop3A_475 : vector<16xf32>
        %parallel_loop3A_499 = arith.subf %parallel_loop3A_497, %parallel_loop3A_498 : vector<16xf32>
        %parallel_loop3A_500 = arith.mulf %parallel_loop3A_460, %parallel_loop3A_469 : vector<16xf32>
        %parallel_loop3A_501 = arith.mulf %parallel_loop3A_457, %parallel_loop3A_472 : vector<16xf32>
        %parallel_loop3A_502 = arith.subf %parallel_loop3A_500, %parallel_loop3A_501 : vector<16xf32>
        %parallel_loop3A_503 = arith.addf %parallel_loop3A_499, %parallel_loop3A_502 : vector<16xf32>
        %parallel_loop3A_504 = arith.constant 4 : i32
        %parallel_loop3A_505 = vector.broadcast %parallel_loop3A_504 : i32 to vector<16xi32>
        tpu.vector_store_idx %arg17[%parallel_loop3A_391, %parallel_loop3A_505], %parallel_loop3A_482 : memref<512x32xf32, #tpu.memory_space<vmem>>[vector<16xi32>, vector<16xi32>], vector<16xf32>,
        %parallel_loop3A_506 = arith.constant 5 : i32
        %parallel_loop3A_507 = vector.broadcast %parallel_loop3A_506 : i32 to vector<16xi32>
        tpu.vector_store_idx %arg17[%parallel_loop3A_391, %parallel_loop3A_507], %parallel_loop3A_489 : memref<512x32xf32, #tpu.memory_space<vmem>>[vector<16xi32>, vector<16xi32>], vector<16xf32>,
        %parallel_loop3A_508 = arith.constant 6 : i32
        %parallel_loop3A_509 = vector.broadcast %parallel_loop3A_508 : i32 to vector<16xi32>
        tpu.vector_store_idx %arg17[%parallel_loop3A_391, %parallel_loop3A_509], %parallel_loop3A_496 : memref<512x32xf32, #tpu.memory_space<vmem>>[vector<16xi32>, vector<16xi32>], vector<16xf32>,
        %parallel_loop3A_510 = arith.constant 7 : i32
        %parallel_loop3A_511 = vector.broadcast %parallel_loop3A_510 : i32 to vector<16xi32>
        tpu.vector_store_idx %arg17[%parallel_loop3A_391, %parallel_loop3A_511], %parallel_loop3A_503 : memref<512x32xf32, #tpu.memory_space<vmem>>[vector<16xi32>, vector<16xi32>], vector<16xf32>,
        %parallel_loop3A_512 = arith.constant 8 : i32
        %parallel_loop3A_513 = vector.broadcast %parallel_loop3A_512 : i32 to vector<16xi32>
        %parallel_loop3A_514 = tpu.vector_load_idx %arg13[%parallel_loop3A_391, %parallel_loop3A_513] : memref<512x32xf32, #tpu.memory_space<vmem>>[vector<16xi32>, vector<16xi32>], vector<16xf32>,
        %parallel_loop3A_515 = arith.constant 9 : i32
        %parallel_loop3A_516 = vector.broadcast %parallel_loop3A_515 : i32 to vector<16xi32>
        %parallel_loop3A_517 = tpu.vector_load_idx %arg13[%parallel_loop3A_391, %parallel_loop3A_516] : memref<512x32xf32, #tpu.memory_space<vmem>>[vector<16xi32>, vector<16xi32>], vector<16xf32>,
        %parallel_loop3A_518 = arith.constant 10 : i32
        %parallel_loop3A_519 = vector.broadcast %parallel_loop3A_518 : i32 to vector<16xi32>
        %parallel_loop3A_520 = tpu.vector_load_idx %arg13[%parallel_loop3A_391, %parallel_loop3A_519] : memref<512x32xf32, #tpu.memory_space<vmem>>[vector<16xi32>, vector<16xi32>], vector<16xf32>,
        %parallel_loop3A_521 = arith.constant 11 : i32
        %parallel_loop3A_522 = vector.broadcast %parallel_loop3A_521 : i32 to vector<16xi32>
        %parallel_loop3A_523 = tpu.vector_load_idx %arg13[%parallel_loop3A_391, %parallel_loop3A_522] : memref<512x32xf32, #tpu.memory_space<vmem>>[vector<16xi32>, vector<16xi32>], vector<16xf32>,
        %parallel_loop3A_524 = arith.constant 8 : i32
        %parallel_loop3A_525 = vector.broadcast %parallel_loop3A_524 : i32 to vector<16xi32>
        %parallel_loop3A_526 = tpu.vector_load_idx %arg15[%parallel_loop3A_391, %parallel_loop3A_525] : memref<512x32xf32, #tpu.memory_space<vmem>>[vector<16xi32>, vector<16xi32>], vector<16xf32>,
        %parallel_loop3A_527 = arith.constant 9 : i32
        %parallel_loop3A_528 = vector.broadcast %parallel_loop3A_527 : i32 to vector<16xi32>
        %parallel_loop3A_529 = tpu.vector_load_idx %arg15[%parallel_loop3A_391, %parallel_loop3A_528] : memref<512x32xf32, #tpu.memory_space<vmem>>[vector<16xi32>, vector<16xi32>], vector<16xf32>,
        %parallel_loop3A_530 = arith.constant 10 : i32
        %parallel_loop3A_531 = vector.broadcast %parallel_loop3A_530 : i32 to vector<16xi32>
        %parallel_loop3A_532 = tpu.vector_load_idx %arg15[%parallel_loop3A_391, %parallel_loop3A_531] : memref<512x32xf32, #tpu.memory_space<vmem>>[vector<16xi32>, vector<16xi32>], vector<16xf32>,
        %parallel_loop3A_533 = arith.constant 11 : i32
        %parallel_loop3A_534 = vector.broadcast %parallel_loop3A_533 : i32 to vector<16xi32>
        %parallel_loop3A_535 = tpu.vector_load_idx %arg15[%parallel_loop3A_391, %parallel_loop3A_534] : memref<512x32xf32, #tpu.memory_space<vmem>>[vector<16xi32>, vector<16xi32>], vector<16xf32>,
        %parallel_loop3A_536 = arith.mulf %parallel_loop3A_514, %parallel_loop3A_526 : vector<16xf32>
        %parallel_loop3A_537 = arith.mulf %parallel_loop3A_517, %parallel_loop3A_529 : vector<16xf32>
        %parallel_loop3A_538 = arith.addf %parallel_loop3A_536, %parallel_loop3A_537 : vector<16xf32>
        %parallel_loop3A_539 = arith.mulf %parallel_loop3A_520, %parallel_loop3A_532 : vector<16xf32>
        %parallel_loop3A_540 = arith.mulf %parallel_loop3A_523, %parallel_loop3A_535 : vector<16xf32>
        %parallel_loop3A_541 = arith.addf %parallel_loop3A_539, %parallel_loop3A_540 : vector<16xf32>
        %parallel_loop3A_542 = arith.addf %parallel_loop3A_538, %parallel_loop3A_541 : vector<16xf32>
        %parallel_loop3A_543 = arith.mulf %parallel_loop3A_517, %parallel_loop3A_526 : vector<16xf32>
        %parallel_loop3A_544 = arith.mulf %parallel_loop3A_514, %parallel_loop3A_529 : vector<16xf32>
        %parallel_loop3A_545 = arith.subf %parallel_loop3A_543, %parallel_loop3A_544 : vector<16xf32>
        %parallel_loop3A_546 = arith.mulf %parallel_loop3A_523, %parallel_loop3A_532 : vector<16xf32>
        %parallel_loop3A_547 = arith.mulf %parallel_loop3A_520, %parallel_loop3A_535 : vector<16xf32>
        %parallel_loop3A_548 = arith.subf %parallel_loop3A_546, %parallel_loop3A_547 : vector<16xf32>
        %parallel_loop3A_549 = arith.addf %parallel_loop3A_545, %parallel_loop3A_548 : vector<16xf32>
        %parallel_loop3A_550 = arith.mulf %parallel_loop3A_520, %parallel_loop3A_526 : vector<16xf32>
        %parallel_loop3A_551 = arith.mulf %parallel_loop3A_514, %parallel_loop3A_532 : vector<16xf32>
        %parallel_loop3A_552 = arith.subf %parallel_loop3A_550, %parallel_loop3A_551 : vector<16xf32>
        %parallel_loop3A_553 = arith.mulf %parallel_loop3A_517, %parallel_loop3A_535 : vector<16xf32>
        %parallel_loop3A_554 = arith.mulf %parallel_loop3A_523, %parallel_loop3A_529 : vector<16xf32>
        %parallel_loop3A_555 = arith.subf %parallel_loop3A_553, %parallel_loop3A_554 : vector<16xf32>
        %parallel_loop3A_556 = arith.addf %parallel_loop3A_552, %parallel_loop3A_555 : vector<16xf32>
        %parallel_loop3A_557 = arith.mulf %parallel_loop3A_523, %parallel_loop3A_526 : vector<16xf32>
        %parallel_loop3A_558 = arith.mulf %parallel_loop3A_514, %parallel_loop3A_535 : vector<16xf32>
        %parallel_loop3A_559 = arith.subf %parallel_loop3A_557, %parallel_loop3A_558 : vector<16xf32>
        %parallel_loop3A_560 = arith.mulf %parallel_loop3A_520, %parallel_loop3A_529 : vector<16xf32>
        %parallel_loop3A_561 = arith.mulf %parallel_loop3A_517, %parallel_loop3A_532 : vector<16xf32>
        %parallel_loop3A_562 = arith.subf %parallel_loop3A_560, %parallel_loop3A_561 : vector<16xf32>
        %parallel_loop3A_563 = arith.addf %parallel_loop3A_559, %parallel_loop3A_562 : vector<16xf32>
        %parallel_loop3A_564 = arith.constant 8 : i32
        %parallel_loop3A_565 = vector.broadcast %parallel_loop3A_564 : i32 to vector<16xi32>
        tpu.vector_store_idx %arg17[%parallel_loop3A_391, %parallel_loop3A_565], %parallel_loop3A_542 : memref<512x32xf32, #tpu.memory_space<vmem>>[vector<16xi32>, vector<16xi32>], vector<16xf32>,
        %parallel_loop3A_566 = arith.constant 9 : i32
        %parallel_loop3A_567 = vector.broadcast %parallel_loop3A_566 : i32 to vector<16xi32>
        tpu.vector_store_idx %arg17[%parallel_loop3A_391, %parallel_loop3A_567], %parallel_loop3A_549 : memref<512x32xf32, #tpu.memory_space<vmem>>[vector<16xi32>, vector<16xi32>], vector<16xf32>,
        %parallel_loop3A_568 = arith.constant 10 : i32
        %parallel_loop3A_569 = vector.broadcast %parallel_loop3A_568 : i32 to vector<16xi32>
        tpu.vector_store_idx %arg17[%parallel_loop3A_391, %parallel_loop3A_569], %parallel_loop3A_556 : memref<512x32xf32, #tpu.memory_space<vmem>>[vector<16xi32>, vector<16xi32>], vector<16xf32>,
        %parallel_loop3A_570 = arith.constant 11 : i32
        %parallel_loop3A_571 = vector.broadcast %parallel_loop3A_570 : i32 to vector<16xi32>
        tpu.vector_store_idx %arg17[%parallel_loop3A_391, %parallel_loop3A_571], %parallel_loop3A_563 : memref<512x32xf32, #tpu.memory_space<vmem>>[vector<16xi32>, vector<16xi32>], vector<16xf32>,
        %parallel_loop3A_572 = arith.constant 12 : i32
        %parallel_loop3A_573 = vector.broadcast %parallel_loop3A_572 : i32 to vector<16xi32>
        %parallel_loop3A_574 = tpu.vector_load_idx %arg13[%parallel_loop3A_391, %parallel_loop3A_573] : memref<512x32xf32, #tpu.memory_space<vmem>>[vector<16xi32>, vector<16xi32>], vector<16xf32>,
        %parallel_loop3A_575 = arith.constant 13 : i32
        %parallel_loop3A_576 = vector.broadcast %parallel_loop3A_575 : i32 to vector<16xi32>
        %parallel_loop3A_577 = tpu.vector_load_idx %arg13[%parallel_loop3A_391, %parallel_loop3A_576] : memref<512x32xf32, #tpu.memory_space<vmem>>[vector<16xi32>, vector<16xi32>], vector<16xf32>,
        %parallel_loop3A_578 = arith.constant 14 : i32
        %parallel_loop3A_579 = vector.broadcast %parallel_loop3A_578 : i32 to vector<16xi32>
        %parallel_loop3A_580 = tpu.vector_load_idx %arg13[%parallel_loop3A_391, %parallel_loop3A_579] : memref<512x32xf32, #tpu.memory_space<vmem>>[vector<16xi32>, vector<16xi32>], vector<16xf32>,
        %parallel_loop3A_581 = arith.constant 15 : i32
        %parallel_loop3A_582 = vector.broadcast %parallel_loop3A_581 : i32 to vector<16xi32>
        %parallel_loop3A_583 = tpu.vector_load_idx %arg13[%parallel_loop3A_391, %parallel_loop3A_582] : memref<512x32xf32, #tpu.memory_space<vmem>>[vector<16xi32>, vector<16xi32>], vector<16xf32>,
        %parallel_loop3A_584 = arith.constant 12 : i32
        %parallel_loop3A_585 = vector.broadcast %parallel_loop3A_584 : i32 to vector<16xi32>
        %parallel_loop3A_586 = tpu.vector_load_idx %arg15[%parallel_loop3A_391, %parallel_loop3A_585] : memref<512x32xf32, #tpu.memory_space<vmem>>[vector<16xi32>, vector<16xi32>], vector<16xf32>,
        %parallel_loop3A_587 = arith.constant 13 : i32
        %parallel_loop3A_588 = vector.broadcast %parallel_loop3A_587 : i32 to vector<16xi32>
        %parallel_loop3A_589 = tpu.vector_load_idx %arg15[%parallel_loop3A_391, %parallel_loop3A_588] : memref<512x32xf32, #tpu.memory_space<vmem>>[vector<16xi32>, vector<16xi32>], vector<16xf32>,
        %parallel_loop3A_590 = arith.constant 14 : i32
        %parallel_loop3A_591 = vector.broadcast %parallel_loop3A_590 : i32 to vector<16xi32>
        %parallel_loop3A_592 = tpu.vector_load_idx %arg15[%parallel_loop3A_391, %parallel_loop3A_591] : memref<512x32xf32, #tpu.memory_space<vmem>>[vector<16xi32>, vector<16xi32>], vector<16xf32>,
        %parallel_loop3A_593 = arith.constant 15 : i32
        %parallel_loop3A_594 = vector.broadcast %parallel_loop3A_593 : i32 to vector<16xi32>
        %parallel_loop3A_595 = tpu.vector_load_idx %arg15[%parallel_loop3A_391, %parallel_loop3A_594] : memref<512x32xf32, #tpu.memory_space<vmem>>[vector<16xi32>, vector<16xi32>], vector<16xf32>,
        %parallel_loop3A_596 = arith.mulf %parallel_loop3A_574, %parallel_loop3A_586 : vector<16xf32>
        %parallel_loop3A_597 = arith.mulf %parallel_loop3A_577, %parallel_loop3A_589 : vector<16xf32>
        %parallel_loop3A_598 = arith.addf %parallel_loop3A_596, %parallel_loop3A_597 : vector<16xf32>
        %parallel_loop3A_599 = arith.mulf %parallel_loop3A_580, %parallel_loop3A_592 : vector<16xf32>
        %parallel_loop3A_600 = arith.mulf %parallel_loop3A_583, %parallel_loop3A_595 : vector<16xf32>
        %parallel_loop3A_601 = arith.addf %parallel_loop3A_599, %parallel_loop3A_600 : vector<16xf32>
        %parallel_loop3A_602 = arith.addf %parallel_loop3A_598, %parallel_loop3A_601 : vector<16xf32>
        %parallel_loop3A_603 = arith.mulf %parallel_loop3A_577, %parallel_loop3A_586 : vector<16xf32>
        %parallel_loop3A_604 = arith.mulf %parallel_loop3A_574, %parallel_loop3A_589 : vector<16xf32>
        %parallel_loop3A_605 = arith.subf %parallel_loop3A_603, %parallel_loop3A_604 : vector<16xf32>
        %parallel_loop3A_606 = arith.mulf %parallel_loop3A_583, %parallel_loop3A_592 : vector<16xf32>
        %parallel_loop3A_607 = arith.mulf %parallel_loop3A_580, %parallel_loop3A_595 : vector<16xf32>
        %parallel_loop3A_608 = arith.subf %parallel_loop3A_606, %parallel_loop3A_607 : vector<16xf32>
        %parallel_loop3A_609 = arith.addf %parallel_loop3A_605, %parallel_loop3A_608 : vector<16xf32>
        %parallel_loop3A_610 = arith.mulf %parallel_loop3A_580, %parallel_loop3A_586 : vector<16xf32>
        %parallel_loop3A_611 = arith.mulf %parallel_loop3A_574, %parallel_loop3A_592 : vector<16xf32>
        %parallel_loop3A_612 = arith.subf %parallel_loop3A_610, %parallel_loop3A_611 : vector<16xf32>
        %parallel_loop3A_613 = arith.mulf %parallel_loop3A_577, %parallel_loop3A_595 : vector<16xf32>
        %parallel_loop3A_614 = arith.mulf %parallel_loop3A_583, %parallel_loop3A_589 : vector<16xf32>
        %parallel_loop3A_615 = arith.subf %parallel_loop3A_613, %parallel_loop3A_614 : vector<16xf32>
        %parallel_loop3A_616 = arith.addf %parallel_loop3A_612, %parallel_loop3A_615 : vector<16xf32>
        %parallel_loop3A_617 = arith.mulf %parallel_loop3A_583, %parallel_loop3A_586 : vector<16xf32>
        %parallel_loop3A_618 = arith.mulf %parallel_loop3A_574, %parallel_loop3A_595 : vector<16xf32>
        %parallel_loop3A_619 = arith.subf %parallel_loop3A_617, %parallel_loop3A_618 : vector<16xf32>
        %parallel_loop3A_620 = arith.mulf %parallel_loop3A_580, %parallel_loop3A_589 : vector<16xf32>
        %parallel_loop3A_621 = arith.mulf %parallel_loop3A_577, %parallel_loop3A_592 : vector<16xf32>
        %parallel_loop3A_622 = arith.subf %parallel_loop3A_620, %parallel_loop3A_621 : vector<16xf32>
        %parallel_loop3A_623 = arith.addf %parallel_loop3A_619, %parallel_loop3A_622 : vector<16xf32>
        %parallel_loop3A_624 = arith.constant 12 : i32
        %parallel_loop3A_625 = vector.broadcast %parallel_loop3A_624 : i32 to vector<16xi32>
        tpu.vector_store_idx %arg17[%parallel_loop3A_391, %parallel_loop3A_625], %parallel_loop3A_602 : memref<512x32xf32, #tpu.memory_space<vmem>>[vector<16xi32>, vector<16xi32>], vector<16xf32>,
        %parallel_loop3A_626 = arith.constant 13 : i32
        %parallel_loop3A_627 = vector.broadcast %parallel_loop3A_626 : i32 to vector<16xi32>
        tpu.vector_store_idx %arg17[%parallel_loop3A_391, %parallel_loop3A_627], %parallel_loop3A_609 : memref<512x32xf32, #tpu.memory_space<vmem>>[vector<16xi32>, vector<16xi32>], vector<16xf32>,
        %parallel_loop3A_628 = arith.constant 14 : i32
        %parallel_loop3A_629 = vector.broadcast %parallel_loop3A_628 : i32 to vector<16xi32>
        tpu.vector_store_idx %arg17[%parallel_loop3A_391, %parallel_loop3A_629], %parallel_loop3A_616 : memref<512x32xf32, #tpu.memory_space<vmem>>[vector<16xi32>, vector<16xi32>], vector<16xf32>,
        %parallel_loop3A_630 = arith.constant 15 : i32
        %parallel_loop3A_631 = vector.broadcast %parallel_loop3A_630 : i32 to vector<16xi32>
        tpu.vector_store_idx %arg17[%parallel_loop3A_391, %parallel_loop3A_631], %parallel_loop3A_623 : memref<512x32xf32, #tpu.memory_space<vmem>>[vector<16xi32>, vector<16xi32>], vector<16xf32>,
        %parallel_loop3A_632 = arith.constant 16 : i32
        %parallel_loop3A_633 = vector.broadcast %parallel_loop3A_632 : i32 to vector<16xi32>
        %parallel_loop3A_634 = tpu.vector_load_idx %arg13[%parallel_loop3A_391, %parallel_loop3A_633] : memref<512x32xf32, #tpu.memory_space<vmem>>[vector<16xi32>, vector<16xi32>], vector<16xf32>,
        %parallel_loop3A_635 = arith.constant 17 : i32
        %parallel_loop3A_636 = vector.broadcast %parallel_loop3A_635 : i32 to vector<16xi32>
        %parallel_loop3A_637 = tpu.vector_load_idx %arg13[%parallel_loop3A_391, %parallel_loop3A_636] : memref<512x32xf32, #tpu.memory_space<vmem>>[vector<16xi32>, vector<16xi32>], vector<16xf32>,
        %parallel_loop3A_638 = arith.constant 18 : i32
        %parallel_loop3A_639 = vector.broadcast %parallel_loop3A_638 : i32 to vector<16xi32>
        %parallel_loop3A_640 = tpu.vector_load_idx %arg13[%parallel_loop3A_391, %parallel_loop3A_639] : memref<512x32xf32, #tpu.memory_space<vmem>>[vector<16xi32>, vector<16xi32>], vector<16xf32>,
        %parallel_loop3A_641 = arith.constant 19 : i32
        %parallel_loop3A_642 = vector.broadcast %parallel_loop3A_641 : i32 to vector<16xi32>
        %parallel_loop3A_643 = tpu.vector_load_idx %arg13[%parallel_loop3A_391, %parallel_loop3A_642] : memref<512x32xf32, #tpu.memory_space<vmem>>[vector<16xi32>, vector<16xi32>], vector<16xf32>,
        %parallel_loop3A_644 = arith.constant 16 : i32
        %parallel_loop3A_645 = vector.broadcast %parallel_loop3A_644 : i32 to vector<16xi32>
        %parallel_loop3A_646 = tpu.vector_load_idx %arg15[%parallel_loop3A_391, %parallel_loop3A_645] : memref<512x32xf32, #tpu.memory_space<vmem>>[vector<16xi32>, vector<16xi32>], vector<16xf32>,
        %parallel_loop3A_647 = arith.constant 17 : i32
        %parallel_loop3A_648 = vector.broadcast %parallel_loop3A_647 : i32 to vector<16xi32>
        %parallel_loop3A_649 = tpu.vector_load_idx %arg15[%parallel_loop3A_391, %parallel_loop3A_648] : memref<512x32xf32, #tpu.memory_space<vmem>>[vector<16xi32>, vector<16xi32>], vector<16xf32>,
        %parallel_loop3A_650 = arith.constant 18 : i32
        %parallel_loop3A_651 = vector.broadcast %parallel_loop3A_650 : i32 to vector<16xi32>
        %parallel_loop3A_652 = tpu.vector_load_idx %arg15[%parallel_loop3A_391, %parallel_loop3A_651] : memref<512x32xf32, #tpu.memory_space<vmem>>[vector<16xi32>, vector<16xi32>], vector<16xf32>,
        %parallel_loop3A_653 = arith.constant 19 : i32
        %parallel_loop3A_654 = vector.broadcast %parallel_loop3A_653 : i32 to vector<16xi32>
        %parallel_loop3A_655 = tpu.vector_load_idx %arg15[%parallel_loop3A_391, %parallel_loop3A_654] : memref<512x32xf32, #tpu.memory_space<vmem>>[vector<16xi32>, vector<16xi32>], vector<16xf32>,
        %parallel_loop3A_656 = arith.mulf %parallel_loop3A_634, %parallel_loop3A_646 : vector<16xf32>
        %parallel_loop3A_657 = arith.mulf %parallel_loop3A_637, %parallel_loop3A_649 : vector<16xf32>
        %parallel_loop3A_658 = arith.addf %parallel_loop3A_656, %parallel_loop3A_657 : vector<16xf32>
        %parallel_loop3A_659 = arith.mulf %parallel_loop3A_640, %parallel_loop3A_652 : vector<16xf32>
        %parallel_loop3A_660 = arith.mulf %parallel_loop3A_643, %parallel_loop3A_655 : vector<16xf32>
        %parallel_loop3A_661 = arith.addf %parallel_loop3A_659, %parallel_loop3A_660 : vector<16xf32>
        %parallel_loop3A_662 = arith.addf %parallel_loop3A_658, %parallel_loop3A_661 : vector<16xf32>
        %parallel_loop3A_663 = arith.mulf %parallel_loop3A_637, %parallel_loop3A_646 : vector<16xf32>
        %parallel_loop3A_664 = arith.mulf %parallel_loop3A_634, %parallel_loop3A_649 : vector<16xf32>
        %parallel_loop3A_665 = arith.subf %parallel_loop3A_663, %parallel_loop3A_664 : vector<16xf32>
        %parallel_loop3A_666 = arith.mulf %parallel_loop3A_643, %parallel_loop3A_652 : vector<16xf32>
        %parallel_loop3A_667 = arith.mulf %parallel_loop3A_640, %parallel_loop3A_655 : vector<16xf32>
        %parallel_loop3A_668 = arith.subf %parallel_loop3A_666, %parallel_loop3A_667 : vector<16xf32>
        %parallel_loop3A_669 = arith.addf %parallel_loop3A_665, %parallel_loop3A_668 : vector<16xf32>
        %parallel_loop3A_670 = arith.mulf %parallel_loop3A_640, %parallel_loop3A_646 : vector<16xf32>
        %parallel_loop3A_671 = arith.mulf %parallel_loop3A_634, %parallel_loop3A_652 : vector<16xf32>
        %parallel_loop3A_672 = arith.subf %parallel_loop3A_670, %parallel_loop3A_671 : vector<16xf32>
        %parallel_loop3A_673 = arith.mulf %parallel_loop3A_637, %parallel_loop3A_655 : vector<16xf32>
        %parallel_loop3A_674 = arith.mulf %parallel_loop3A_643, %parallel_loop3A_649 : vector<16xf32>
        %parallel_loop3A_675 = arith.subf %parallel_loop3A_673, %parallel_loop3A_674 : vector<16xf32>
        %parallel_loop3A_676 = arith.addf %parallel_loop3A_672, %parallel_loop3A_675 : vector<16xf32>
        %parallel_loop3A_677 = arith.mulf %parallel_loop3A_643, %parallel_loop3A_646 : vector<16xf32>
        %parallel_loop3A_678 = arith.mulf %parallel_loop3A_634, %parallel_loop3A_655 : vector<16xf32>
        %parallel_loop3A_679 = arith.subf %parallel_loop3A_677, %parallel_loop3A_678 : vector<16xf32>
        %parallel_loop3A_680 = arith.mulf %parallel_loop3A_640, %parallel_loop3A_649 : vector<16xf32>
        %parallel_loop3A_681 = arith.mulf %parallel_loop3A_637, %parallel_loop3A_652 : vector<16xf32>
        %parallel_loop3A_682 = arith.subf %parallel_loop3A_680, %parallel_loop3A_681 : vector<16xf32>
        %parallel_loop3A_683 = arith.addf %parallel_loop3A_679, %parallel_loop3A_682 : vector<16xf32>
        %parallel_loop3A_684 = arith.constant 16 : i32
        %parallel_loop3A_685 = vector.broadcast %parallel_loop3A_684 : i32 to vector<16xi32>
        tpu.vector_store_idx %arg17[%parallel_loop3A_391, %parallel_loop3A_685], %parallel_loop3A_662 : memref<512x32xf32, #tpu.memory_space<vmem>>[vector<16xi32>, vector<16xi32>], vector<16xf32>,
        %parallel_loop3A_686 = arith.constant 17 : i32
        %parallel_loop3A_687 = vector.broadcast %parallel_loop3A_686 : i32 to vector<16xi32>
        tpu.vector_store_idx %arg17[%parallel_loop3A_391, %parallel_loop3A_687], %parallel_loop3A_669 : memref<512x32xf32, #tpu.memory_space<vmem>>[vector<16xi32>, vector<16xi32>], vector<16xf32>,
        %parallel_loop3A_688 = arith.constant 18 : i32
        %parallel_loop3A_689 = vector.broadcast %parallel_loop3A_688 : i32 to vector<16xi32>
        tpu.vector_store_idx %arg17[%parallel_loop3A_391, %parallel_loop3A_689], %parallel_loop3A_676 : memref<512x32xf32, #tpu.memory_space<vmem>>[vector<16xi32>, vector<16xi32>], vector<16xf32>,
        %parallel_loop3A_690 = arith.constant 19 : i32
        %parallel_loop3A_691 = vector.broadcast %parallel_loop3A_690 : i32 to vector<16xi32>
        tpu.vector_store_idx %arg17[%parallel_loop3A_391, %parallel_loop3A_691], %parallel_loop3A_683 : memref<512x32xf32, #tpu.memory_space<vmem>>[vector<16xi32>, vector<16xi32>], vector<16xf32>,
        %parallel_loop3A_692 = arith.constant 20 : i32
        %parallel_loop3A_693 = vector.broadcast %parallel_loop3A_692 : i32 to vector<16xi32>
        %parallel_loop3A_694 = tpu.vector_load_idx %arg13[%parallel_loop3A_391, %parallel_loop3A_693] : memref<512x32xf32, #tpu.memory_space<vmem>>[vector<16xi32>, vector<16xi32>], vector<16xf32>,
        %parallel_loop3A_695 = arith.constant 21 : i32
        %parallel_loop3A_696 = vector.broadcast %parallel_loop3A_695 : i32 to vector<16xi32>
        %parallel_loop3A_697 = tpu.vector_load_idx %arg13[%parallel_loop3A_391, %parallel_loop3A_696] : memref<512x32xf32, #tpu.memory_space<vmem>>[vector<16xi32>, vector<16xi32>], vector<16xf32>,
        %parallel_loop3A_698 = arith.constant 22 : i32
        %parallel_loop3A_699 = vector.broadcast %parallel_loop3A_698 : i32 to vector<16xi32>
        %parallel_loop3A_700 = tpu.vector_load_idx %arg13[%parallel_loop3A_391, %parallel_loop3A_699] : memref<512x32xf32, #tpu.memory_space<vmem>>[vector<16xi32>, vector<16xi32>], vector<16xf32>,
        %parallel_loop3A_701 = arith.constant 23 : i32
        %parallel_loop3A_702 = vector.broadcast %parallel_loop3A_701 : i32 to vector<16xi32>
        %parallel_loop3A_703 = tpu.vector_load_idx %arg13[%parallel_loop3A_391, %parallel_loop3A_702] : memref<512x32xf32, #tpu.memory_space<vmem>>[vector<16xi32>, vector<16xi32>], vector<16xf32>,
        %parallel_loop3A_704 = arith.constant 20 : i32
        %parallel_loop3A_705 = vector.broadcast %parallel_loop3A_704 : i32 to vector<16xi32>
        %parallel_loop3A_706 = tpu.vector_load_idx %arg15[%parallel_loop3A_391, %parallel_loop3A_705] : memref<512x32xf32, #tpu.memory_space<vmem>>[vector<16xi32>, vector<16xi32>], vector<16xf32>,
        %parallel_loop3A_707 = arith.constant 21 : i32
        %parallel_loop3A_708 = vector.broadcast %parallel_loop3A_707 : i32 to vector<16xi32>
        %parallel_loop3A_709 = tpu.vector_load_idx %arg15[%parallel_loop3A_391, %parallel_loop3A_708] : memref<512x32xf32, #tpu.memory_space<vmem>>[vector<16xi32>, vector<16xi32>], vector<16xf32>,
        %parallel_loop3A_710 = arith.constant 22 : i32
        %parallel_loop3A_711 = vector.broadcast %parallel_loop3A_710 : i32 to vector<16xi32>
        %parallel_loop3A_712 = tpu.vector_load_idx %arg15[%parallel_loop3A_391, %parallel_loop3A_711] : memref<512x32xf32, #tpu.memory_space<vmem>>[vector<16xi32>, vector<16xi32>], vector<16xf32>,
        %parallel_loop3A_713 = arith.constant 23 : i32
        %parallel_loop3A_714 = vector.broadcast %parallel_loop3A_713 : i32 to vector<16xi32>
        %parallel_loop3A_715 = tpu.vector_load_idx %arg15[%parallel_loop3A_391, %parallel_loop3A_714] : memref<512x32xf32, #tpu.memory_space<vmem>>[vector<16xi32>, vector<16xi32>], vector<16xf32>,
        %parallel_loop3A_716 = arith.mulf %parallel_loop3A_694, %parallel_loop3A_706 : vector<16xf32>
        %parallel_loop3A_717 = arith.mulf %parallel_loop3A_697, %parallel_loop3A_709 : vector<16xf32>
        %parallel_loop3A_718 = arith.addf %parallel_loop3A_716, %parallel_loop3A_717 : vector<16xf32>
        %parallel_loop3A_719 = arith.mulf %parallel_loop3A_700, %parallel_loop3A_712 : vector<16xf32>
        %parallel_loop3A_720 = arith.mulf %parallel_loop3A_703, %parallel_loop3A_715 : vector<16xf32>
        %parallel_loop3A_721 = arith.addf %parallel_loop3A_719, %parallel_loop3A_720 : vector<16xf32>
        %parallel_loop3A_722 = arith.addf %parallel_loop3A_718, %parallel_loop3A_721 : vector<16xf32>
        %parallel_loop3A_723 = arith.mulf %parallel_loop3A_697, %parallel_loop3A_706 : vector<16xf32>
        %parallel_loop3A_724 = arith.mulf %parallel_loop3A_694, %parallel_loop3A_709 : vector<16xf32>
        %parallel_loop3A_725 = arith.subf %parallel_loop3A_723, %parallel_loop3A_724 : vector<16xf32>
        %parallel_loop3A_726 = arith.mulf %parallel_loop3A_703, %parallel_loop3A_712 : vector<16xf32>
        %parallel_loop3A_727 = arith.mulf %parallel_loop3A_700, %parallel_loop3A_715 : vector<16xf32>
        %parallel_loop3A_728 = arith.subf %parallel_loop3A_726, %parallel_loop3A_727 : vector<16xf32>
        %parallel_loop3A_729 = arith.addf %parallel_loop3A_725, %parallel_loop3A_728 : vector<16xf32>
        %parallel_loop3A_730 = arith.mulf %parallel_loop3A_700, %parallel_loop3A_706 : vector<16xf32>
        %parallel_loop3A_731 = arith.mulf %parallel_loop3A_694, %parallel_loop3A_712 : vector<16xf32>
        %parallel_loop3A_732 = arith.subf %parallel_loop3A_730, %parallel_loop3A_731 : vector<16xf32>
        %parallel_loop3A_733 = arith.mulf %parallel_loop3A_697, %parallel_loop3A_715 : vector<16xf32>
        %parallel_loop3A_734 = arith.mulf %parallel_loop3A_703, %parallel_loop3A_709 : vector<16xf32>
        %parallel_loop3A_735 = arith.subf %parallel_loop3A_733, %parallel_loop3A_734 : vector<16xf32>
        %parallel_loop3A_736 = arith.addf %parallel_loop3A_732, %parallel_loop3A_735 : vector<16xf32>
        %parallel_loop3A_737 = arith.mulf %parallel_loop3A_703, %parallel_loop3A_706 : vector<16xf32>
        %parallel_loop3A_738 = arith.mulf %parallel_loop3A_694, %parallel_loop3A_715 : vector<16xf32>
        %parallel_loop3A_739 = arith.subf %parallel_loop3A_737, %parallel_loop3A_738 : vector<16xf32>
        %parallel_loop3A_740 = arith.mulf %parallel_loop3A_700, %parallel_loop3A_709 : vector<16xf32>
        %parallel_loop3A_741 = arith.mulf %parallel_loop3A_697, %parallel_loop3A_712 : vector<16xf32>
        %parallel_loop3A_742 = arith.subf %parallel_loop3A_740, %parallel_loop3A_741 : vector<16xf32>
        %parallel_loop3A_743 = arith.addf %parallel_loop3A_739, %parallel_loop3A_742 : vector<16xf32>
        %parallel_loop3A_744 = arith.constant 20 : i32
        %parallel_loop3A_745 = vector.broadcast %parallel_loop3A_744 : i32 to vector<16xi32>
        tpu.vector_store_idx %arg17[%parallel_loop3A_391, %parallel_loop3A_745], %parallel_loop3A_722 : memref<512x32xf32, #tpu.memory_space<vmem>>[vector<16xi32>, vector<16xi32>], vector<16xf32>,
        %parallel_loop3A_746 = arith.constant 21 : i32
        %parallel_loop3A_747 = vector.broadcast %parallel_loop3A_746 : i32 to vector<16xi32>
        tpu.vector_store_idx %arg17[%parallel_loop3A_391, %parallel_loop3A_747], %parallel_loop3A_729 : memref<512x32xf32, #tpu.memory_space<vmem>>[vector<16xi32>, vector<16xi32>], vector<16xf32>,
        %parallel_loop3A_748 = arith.constant 22 : i32
        %parallel_loop3A_749 = vector.broadcast %parallel_loop3A_748 : i32 to vector<16xi32>
        tpu.vector_store_idx %arg17[%parallel_loop3A_391, %parallel_loop3A_749], %parallel_loop3A_736 : memref<512x32xf32, #tpu.memory_space<vmem>>[vector<16xi32>, vector<16xi32>], vector<16xf32>,
        %parallel_loop3A_750 = arith.constant 23 : i32
        %parallel_loop3A_751 = vector.broadcast %parallel_loop3A_750 : i32 to vector<16xi32>
        tpu.vector_store_idx %arg17[%parallel_loop3A_391, %parallel_loop3A_751], %parallel_loop3A_743 : memref<512x32xf32, #tpu.memory_space<vmem>>[vector<16xi32>, vector<16xi32>], vector<16xf32>,
        %parallel_loop3A_752 = arith.constant 24 : i32
        %parallel_loop3A_753 = vector.broadcast %parallel_loop3A_752 : i32 to vector<16xi32>
        %parallel_loop3A_754 = tpu.vector_load_idx %arg13[%parallel_loop3A_391, %parallel_loop3A_753] : memref<512x32xf32, #tpu.memory_space<vmem>>[vector<16xi32>, vector<16xi32>], vector<16xf32>,
        %parallel_loop3A_755 = arith.constant 25 : i32
        %parallel_loop3A_756 = vector.broadcast %parallel_loop3A_755 : i32 to vector<16xi32>
        %parallel_loop3A_757 = tpu.vector_load_idx %arg13[%parallel_loop3A_391, %parallel_loop3A_756] : memref<512x32xf32, #tpu.memory_space<vmem>>[vector<16xi32>, vector<16xi32>], vector<16xf32>,
        %parallel_loop3A_758 = arith.constant 26 : i32
        %parallel_loop3A_759 = vector.broadcast %parallel_loop3A_758 : i32 to vector<16xi32>
        %parallel_loop3A_760 = tpu.vector_load_idx %arg13[%parallel_loop3A_391, %parallel_loop3A_759] : memref<512x32xf32, #tpu.memory_space<vmem>>[vector<16xi32>, vector<16xi32>], vector<16xf32>,
        %parallel_loop3A_761 = arith.constant 27 : i32
        %parallel_loop3A_762 = vector.broadcast %parallel_loop3A_761 : i32 to vector<16xi32>
        %parallel_loop3A_763 = tpu.vector_load_idx %arg13[%parallel_loop3A_391, %parallel_loop3A_762] : memref<512x32xf32, #tpu.memory_space<vmem>>[vector<16xi32>, vector<16xi32>], vector<16xf32>,
        %parallel_loop3A_764 = arith.constant 24 : i32
        %parallel_loop3A_765 = vector.broadcast %parallel_loop3A_764 : i32 to vector<16xi32>
        %parallel_loop3A_766 = tpu.vector_load_idx %arg15[%parallel_loop3A_391, %parallel_loop3A_765] : memref<512x32xf32, #tpu.memory_space<vmem>>[vector<16xi32>, vector<16xi32>], vector<16xf32>,
        %parallel_loop3A_767 = arith.constant 25 : i32
        %parallel_loop3A_768 = vector.broadcast %parallel_loop3A_767 : i32 to vector<16xi32>
        %parallel_loop3A_769 = tpu.vector_load_idx %arg15[%parallel_loop3A_391, %parallel_loop3A_768] : memref<512x32xf32, #tpu.memory_space<vmem>>[vector<16xi32>, vector<16xi32>], vector<16xf32>,
        %parallel_loop3A_770 = arith.constant 26 : i32
        %parallel_loop3A_771 = vector.broadcast %parallel_loop3A_770 : i32 to vector<16xi32>
        %parallel_loop3A_772 = tpu.vector_load_idx %arg15[%parallel_loop3A_391, %parallel_loop3A_771] : memref<512x32xf32, #tpu.memory_space<vmem>>[vector<16xi32>, vector<16xi32>], vector<16xf32>,
        %parallel_loop3A_773 = arith.constant 27 : i32
        %parallel_loop3A_774 = vector.broadcast %parallel_loop3A_773 : i32 to vector<16xi32>
        %parallel_loop3A_775 = tpu.vector_load_idx %arg15[%parallel_loop3A_391, %parallel_loop3A_774] : memref<512x32xf32, #tpu.memory_space<vmem>>[vector<16xi32>, vector<16xi32>], vector<16xf32>,
        %parallel_loop3A_776 = arith.mulf %parallel_loop3A_754, %parallel_loop3A_766 : vector<16xf32>
        %parallel_loop3A_777 = arith.mulf %parallel_loop3A_757, %parallel_loop3A_769 : vector<16xf32>
        %parallel_loop3A_778 = arith.addf %parallel_loop3A_776, %parallel_loop3A_777 : vector<16xf32>
        %parallel_loop3A_779 = arith.mulf %parallel_loop3A_760, %parallel_loop3A_772 : vector<16xf32>
        %parallel_loop3A_780 = arith.mulf %parallel_loop3A_763, %parallel_loop3A_775 : vector<16xf32>
        %parallel_loop3A_781 = arith.addf %parallel_loop3A_779, %parallel_loop3A_780 : vector<16xf32>
        %parallel_loop3A_782 = arith.addf %parallel_loop3A_778, %parallel_loop3A_781 : vector<16xf32>
        %parallel_loop3A_783 = arith.mulf %parallel_loop3A_757, %parallel_loop3A_766 : vector<16xf32>
        %parallel_loop3A_784 = arith.mulf %parallel_loop3A_754, %parallel_loop3A_769 : vector<16xf32>
        %parallel_loop3A_785 = arith.subf %parallel_loop3A_783, %parallel_loop3A_784 : vector<16xf32>
        %parallel_loop3A_786 = arith.mulf %parallel_loop3A_763, %parallel_loop3A_772 : vector<16xf32>
        %parallel_loop3A_787 = arith.mulf %parallel_loop3A_760, %parallel_loop3A_775 : vector<16xf32>
        %parallel_loop3A_788 = arith.subf %parallel_loop3A_786, %parallel_loop3A_787 : vector<16xf32>
        %parallel_loop3A_789 = arith.addf %parallel_loop3A_785, %parallel_loop3A_788 : vector<16xf32>
        %parallel_loop3A_790 = arith.mulf %parallel_loop3A_760, %parallel_loop3A_766 : vector<16xf32>
        %parallel_loop3A_791 = arith.mulf %parallel_loop3A_754, %parallel_loop3A_772 : vector<16xf32>
        %parallel_loop3A_792 = arith.subf %parallel_loop3A_790, %parallel_loop3A_791 : vector<16xf32>
        %parallel_loop3A_793 = arith.mulf %parallel_loop3A_757, %parallel_loop3A_775 : vector<16xf32>
        %parallel_loop3A_794 = arith.mulf %parallel_loop3A_763, %parallel_loop3A_769 : vector<16xf32>
        %parallel_loop3A_795 = arith.subf %parallel_loop3A_793, %parallel_loop3A_794 : vector<16xf32>
        %parallel_loop3A_796 = arith.addf %parallel_loop3A_792, %parallel_loop3A_795 : vector<16xf32>
        %parallel_loop3A_797 = arith.mulf %parallel_loop3A_763, %parallel_loop3A_766 : vector<16xf32>
        %parallel_loop3A_798 = arith.mulf %parallel_loop3A_754, %parallel_loop3A_775 : vector<16xf32>
        %parallel_loop3A_799 = arith.subf %parallel_loop3A_797, %parallel_loop3A_798 : vector<16xf32>
        %parallel_loop3A_800 = arith.mulf %parallel_loop3A_760, %parallel_loop3A_769 : vector<16xf32>
        %parallel_loop3A_801 = arith.mulf %parallel_loop3A_757, %parallel_loop3A_772 : vector<16xf32>
        %parallel_loop3A_802 = arith.subf %parallel_loop3A_800, %parallel_loop3A_801 : vector<16xf32>
        %parallel_loop3A_803 = arith.addf %parallel_loop3A_799, %parallel_loop3A_802 : vector<16xf32>
        %parallel_loop3A_804 = arith.constant 24 : i32
        %parallel_loop3A_805 = vector.broadcast %parallel_loop3A_804 : i32 to vector<16xi32>
        tpu.vector_store_idx %arg17[%parallel_loop3A_391, %parallel_loop3A_805], %parallel_loop3A_782 : memref<512x32xf32, #tpu.memory_space<vmem>>[vector<16xi32>, vector<16xi32>], vector<16xf32>,
        %parallel_loop3A_806 = arith.constant 25 : i32
        %parallel_loop3A_807 = vector.broadcast %parallel_loop3A_806 : i32 to vector<16xi32>
        tpu.vector_store_idx %arg17[%parallel_loop3A_391, %parallel_loop3A_807], %parallel_loop3A_789 : memref<512x32xf32, #tpu.memory_space<vmem>>[vector<16xi32>, vector<16xi32>], vector<16xf32>,
        %parallel_loop3A_808 = arith.constant 26 : i32
        %parallel_loop3A_809 = vector.broadcast %parallel_loop3A_808 : i32 to vector<16xi32>
        tpu.vector_store_idx %arg17[%parallel_loop3A_391, %parallel_loop3A_809], %parallel_loop3A_796 : memref<512x32xf32, #tpu.memory_space<vmem>>[vector<16xi32>, vector<16xi32>], vector<16xf32>,
        %parallel_loop3A_810 = arith.constant 27 : i32
        %parallel_loop3A_811 = vector.broadcast %parallel_loop3A_810 : i32 to vector<16xi32>
        tpu.vector_store_idx %arg17[%parallel_loop3A_391, %parallel_loop3A_811], %parallel_loop3A_803 : memref<512x32xf32, #tpu.memory_space<vmem>>[vector<16xi32>, vector<16xi32>], vector<16xf32>,
        %parallel_loop3A_812 = arith.constant 28 : i32
        %parallel_loop3A_813 = vector.broadcast %parallel_loop3A_812 : i32 to vector<16xi32>
        %parallel_loop3A_814 = tpu.vector_load_idx %arg13[%parallel_loop3A_391, %parallel_loop3A_813] : memref<512x32xf32, #tpu.memory_space<vmem>>[vector<16xi32>, vector<16xi32>], vector<16xf32>,
        %parallel_loop3A_815 = arith.constant 29 : i32
        %parallel_loop3A_816 = vector.broadcast %parallel_loop3A_815 : i32 to vector<16xi32>
        %parallel_loop3A_817 = tpu.vector_load_idx %arg13[%parallel_loop3A_391, %parallel_loop3A_816] : memref<512x32xf32, #tpu.memory_space<vmem>>[vector<16xi32>, vector<16xi32>], vector<16xf32>,
        %parallel_loop3A_818 = arith.constant 30 : i32
        %parallel_loop3A_819 = vector.broadcast %parallel_loop3A_818 : i32 to vector<16xi32>
        %parallel_loop3A_820 = tpu.vector_load_idx %arg13[%parallel_loop3A_391, %parallel_loop3A_819] : memref<512x32xf32, #tpu.memory_space<vmem>>[vector<16xi32>, vector<16xi32>], vector<16xf32>,
        %parallel_loop3A_821 = arith.constant 31 : i32
        %parallel_loop3A_822 = vector.broadcast %parallel_loop3A_821 : i32 to vector<16xi32>
        %parallel_loop3A_823 = tpu.vector_load_idx %arg13[%parallel_loop3A_391, %parallel_loop3A_822] : memref<512x32xf32, #tpu.memory_space<vmem>>[vector<16xi32>, vector<16xi32>], vector<16xf32>,
        %parallel_loop3A_824 = arith.constant 28 : i32
        %parallel_loop3A_825 = vector.broadcast %parallel_loop3A_824 : i32 to vector<16xi32>
        %parallel_loop3A_826 = tpu.vector_load_idx %arg15[%parallel_loop3A_391, %parallel_loop3A_825] : memref<512x32xf32, #tpu.memory_space<vmem>>[vector<16xi32>, vector<16xi32>], vector<16xf32>,
        %parallel_loop3A_827 = arith.constant 29 : i32
        %parallel_loop3A_828 = vector.broadcast %parallel_loop3A_827 : i32 to vector<16xi32>
        %parallel_loop3A_829 = tpu.vector_load_idx %arg15[%parallel_loop3A_391, %parallel_loop3A_828] : memref<512x32xf32, #tpu.memory_space<vmem>>[vector<16xi32>, vector<16xi32>], vector<16xf32>,
        %parallel_loop3A_830 = arith.constant 30 : i32
        %parallel_loop3A_831 = vector.broadcast %parallel_loop3A_830 : i32 to vector<16xi32>
        %parallel_loop3A_832 = tpu.vector_load_idx %arg15[%parallel_loop3A_391, %parallel_loop3A_831] : memref<512x32xf32, #tpu.memory_space<vmem>>[vector<16xi32>, vector<16xi32>], vector<16xf32>,
        %parallel_loop3A_833 = arith.constant 31 : i32
        %parallel_loop3A_834 = vector.broadcast %parallel_loop3A_833 : i32 to vector<16xi32>
        %parallel_loop3A_835 = tpu.vector_load_idx %arg15[%parallel_loop3A_391, %parallel_loop3A_834] : memref<512x32xf32, #tpu.memory_space<vmem>>[vector<16xi32>, vector<16xi32>], vector<16xf32>,
        %parallel_loop3A_836 = arith.mulf %parallel_loop3A_814, %parallel_loop3A_826 : vector<16xf32>
        %parallel_loop3A_837 = arith.mulf %parallel_loop3A_817, %parallel_loop3A_829 : vector<16xf32>
        %parallel_loop3A_838 = arith.addf %parallel_loop3A_836, %parallel_loop3A_837 : vector<16xf32>
        %parallel_loop3A_839 = arith.mulf %parallel_loop3A_820, %parallel_loop3A_832 : vector<16xf32>
        %parallel_loop3A_840 = arith.mulf %parallel_loop3A_823, %parallel_loop3A_835 : vector<16xf32>
        %parallel_loop3A_841 = arith.addf %parallel_loop3A_839, %parallel_loop3A_840 : vector<16xf32>
        %parallel_loop3A_842 = arith.addf %parallel_loop3A_838, %parallel_loop3A_841 : vector<16xf32>
        %parallel_loop3A_843 = arith.mulf %parallel_loop3A_817, %parallel_loop3A_826 : vector<16xf32>
        %parallel_loop3A_844 = arith.mulf %parallel_loop3A_814, %parallel_loop3A_829 : vector<16xf32>
        %parallel_loop3A_845 = arith.subf %parallel_loop3A_843, %parallel_loop3A_844 : vector<16xf32>
        %parallel_loop3A_846 = arith.mulf %parallel_loop3A_823, %parallel_loop3A_832 : vector<16xf32>
        %parallel_loop3A_847 = arith.mulf %parallel_loop3A_820, %parallel_loop3A_835 : vector<16xf32>
        %parallel_loop3A_848 = arith.subf %parallel_loop3A_846, %parallel_loop3A_847 : vector<16xf32>
        %parallel_loop3A_849 = arith.addf %parallel_loop3A_845, %parallel_loop3A_848 : vector<16xf32>
        %parallel_loop3A_850 = arith.mulf %parallel_loop3A_820, %parallel_loop3A_826 : vector<16xf32>
        %parallel_loop3A_851 = arith.mulf %parallel_loop3A_814, %parallel_loop3A_832 : vector<16xf32>
        %parallel_loop3A_852 = arith.subf %parallel_loop3A_850, %parallel_loop3A_851 : vector<16xf32>
        %parallel_loop3A_853 = arith.mulf %parallel_loop3A_817, %parallel_loop3A_835 : vector<16xf32>
        %parallel_loop3A_854 = arith.mulf %parallel_loop3A_823, %parallel_loop3A_829 : vector<16xf32>
        %parallel_loop3A_855 = arith.subf %parallel_loop3A_853, %parallel_loop3A_854 : vector<16xf32>
        %parallel_loop3A_856 = arith.addf %parallel_loop3A_852, %parallel_loop3A_855 : vector<16xf32>
        %parallel_loop3A_857 = arith.mulf %parallel_loop3A_823, %parallel_loop3A_826 : vector<16xf32>
        %parallel_loop3A_858 = arith.mulf %parallel_loop3A_814, %parallel_loop3A_835 : vector<16xf32>
        %parallel_loop3A_859 = arith.subf %parallel_loop3A_857, %parallel_loop3A_858 : vector<16xf32>
        %parallel_loop3A_860 = arith.mulf %parallel_loop3A_820, %parallel_loop3A_829 : vector<16xf32>
        %parallel_loop3A_861 = arith.mulf %parallel_loop3A_817, %parallel_loop3A_832 : vector<16xf32>
        %parallel_loop3A_862 = arith.subf %parallel_loop3A_860, %parallel_loop3A_861 : vector<16xf32>
        %parallel_loop3A_863 = arith.addf %parallel_loop3A_859, %parallel_loop3A_862 : vector<16xf32>
        %parallel_loop3A_864 = arith.constant 28 : i32
        %parallel_loop3A_865 = vector.broadcast %parallel_loop3A_864 : i32 to vector<16xi32>
        tpu.vector_store_idx %arg17[%parallel_loop3A_391, %parallel_loop3A_865], %parallel_loop3A_842 : memref<512x32xf32, #tpu.memory_space<vmem>>[vector<16xi32>, vector<16xi32>], vector<16xf32>,
        %parallel_loop3A_866 = arith.constant 29 : i32
        %parallel_loop3A_867 = vector.broadcast %parallel_loop3A_866 : i32 to vector<16xi32>
        tpu.vector_store_idx %arg17[%parallel_loop3A_391, %parallel_loop3A_867], %parallel_loop3A_849 : memref<512x32xf32, #tpu.memory_space<vmem>>[vector<16xi32>, vector<16xi32>], vector<16xf32>,
        %parallel_loop3A_868 = arith.constant 30 : i32
        %parallel_loop3A_869 = vector.broadcast %parallel_loop3A_868 : i32 to vector<16xi32>
        tpu.vector_store_idx %arg17[%parallel_loop3A_391, %parallel_loop3A_869], %parallel_loop3A_856 : memref<512x32xf32, #tpu.memory_space<vmem>>[vector<16xi32>, vector<16xi32>], vector<16xf32>,
        %parallel_loop3A_870 = arith.constant 31 : i32
        %parallel_loop3A_871 = vector.broadcast %parallel_loop3A_870 : i32 to vector<16xi32>
        tpu.vector_store_idx %arg17[%parallel_loop3A_391, %parallel_loop3A_871], %parallel_loop3A_863 : memref<512x32xf32, #tpu.memory_space<vmem>>[vector<16xi32>, vector<16xi32>], vector<16xf32>,
      } {sc.loop_unroll_factor = 1 : i64, sc.parallel_access}
      %dma_start3A_252 = arith.constant 0 : i32
      %dma_start3A_253 = arith.constant 0 : i32
      %dma_start3A_254 = tpu.memref_slice %arg17[%dma_start3A_252, %dma_start3A_253] : memref<512x32xf32, #tpu.memory_space<vmem>> -> memref<500x32xf32, #tpu.memory_space<vmem>>
      %dma_start3A_255 = arith.constant 0 : i32
      %dma_start3A_256 = tpu.memref_slice %arg5[%add3A_51, %dma_start3A_255] : memref<800000x32xf32, #tpu.memory_space<hbm>> -> memref<500x32xf32, #tpu.memory_space<hbm>>
      %dma_start3A_257 = arith.constant 0 : i32
      %dma_start3A_258 = tpu.memref_slice %arg5[%add3A_51, %dma_start3A_257] : memref<800000x32xf32, #tpu.memory_space<hbm>> -> memref<500x32xf32, #tpu.memory_space<hbm>>
      %dma_start3A_259 = arith.constant 0 : i32
      %dma_start3A_260 = arith.constant 0 : i32
      %dma_start3A_261 = tpu.memref_slice %arg17[%dma_start3A_259, %dma_start3A_260] : memref<512x32xf32, #tpu.memory_space<vmem>> -> memref<500x32xf32, #tpu.memory_space<vmem>>
      tpu.enqueue_dma source(%dma_start3A_261 : memref<500x32xf32, #tpu.memory_space<vmem>>) target(%dma_start3A_258 : memref<500x32xf32, #tpu.memory_space<hbm>>) target_semaphore(%arg23 : memref<!tpu.dma_semaphore, #tpu.memory_space<semaphore_mem>>)
      %mul3A_262 = arith.constant 8 : i32
      %mul3A_263 = arith.muli %add3A_51, %mul3A_262 : i32
      %dma_start3A_264 = arith.constant 0 : i32
      %dma_start3A_265 = tpu.memref_slice %arg19[%dma_start3A_264] : memref<4000xf32, #tpu.memory_space<vmem>> -> memref<4000xf32, #tpu.memory_space<vmem>>
      %dma_start3A_266 = tpu.memref_slice %arg6[%mul3A_263] : memref<6400000xf32, #tpu.memory_space<hbm>> -> memref<4000xf32, #tpu.memory_space<hbm>>
      %dma_start3A_267 = tpu.memref_slice %arg6[%mul3A_263] : memref<6400000xf32, #tpu.memory_space<hbm>> -> memref<4000xf32, #tpu.memory_space<hbm>>
      %dma_start3A_268 = arith.constant 0 : i32
      %dma_start3A_269 = tpu.memref_slice %arg19[%dma_start3A_268] : memref<4000xf32, #tpu.memory_space<vmem>> -> memref<4000xf32, #tpu.memory_space<vmem>>
      tpu.enqueue_dma source(%dma_start3A_269 : memref<4000xf32, #tpu.memory_space<vmem>>) target(%dma_start3A_267 : memref<4000xf32, #tpu.memory_space<hbm>>) target_semaphore(%arg23 : memref<!tpu.dma_semaphore, #tpu.memory_space<semaphore_mem>>)
      %dma_wait3A_270 = arith.constant 0 : i32
      %dma_wait3A_271 = arith.constant 0 : i32
      %dma_wait3A_272 = tpu.memref_slice %arg14[%dma_wait3A_270, %dma_wait3A_271] : memref<512x32xf32, #tpu.memory_space<vmem>> -> memref<128x32xf32, #tpu.memory_space<vmem>>
      %dma_wait3A_273 = arith.constant 0 : i32
      %dma_wait3A_274 = tpu.memref_slice %arg10[%dma_wait3A_273] : memref<512xi32, #tpu.memory_space<vmem>> -> memref<128xi32, #tpu.memory_space<vmem>>
      %dma_wait3A_275 = arith.constant 0 : i32
      %dma_wait3A_276 = arith.constant 0 : i32
      %dma_wait3A_277 = tpu.memref_slice %arg2[%dma_wait3A_275, %dma_wait3A_276] : memref<50000x32xf32, #tpu.memory_space<hbm>> -> memref<50000x32xf32, #tpu.memory_space<hbm>>
      tpu.wait_indirect_dma semaphore(%arg22 : memref<!tpu.dma_semaphore, #tpu.memory_space<semaphore_mem>>) src(%dma_wait3A_277 : memref<50000x32xf32, #tpu.memory_space<hbm>>) dst(%dma_wait3A_272 : memref<128x32xf32, #tpu.memory_space<vmem>>)
      %dma_wait3A_278 = arith.constant 0 : i32
      %dma_wait3A_279 = arith.constant 0 : i32
      %dma_wait3A_280 = tpu.memref_slice %arg16[%dma_wait3A_278, %dma_wait3A_279] : memref<512x32xf32, #tpu.memory_space<vmem>> -> memref<128x32xf32, #tpu.memory_space<vmem>>
      %dma_wait3A_281 = arith.constant 0 : i32
      %dma_wait3A_282 = tpu.memref_slice %arg12[%dma_wait3A_281] : memref<512xi32, #tpu.memory_space<vmem>> -> memref<128xi32, #tpu.memory_space<vmem>>
      %dma_wait3A_283 = arith.constant 0 : i32
      %dma_wait3A_284 = arith.constant 0 : i32
      %dma_wait3A_285 = tpu.memref_slice %arg2[%dma_wait3A_283, %dma_wait3A_284] : memref<50000x32xf32, #tpu.memory_space<hbm>> -> memref<50000x32xf32, #tpu.memory_space<hbm>>
      tpu.wait_indirect_dma semaphore(%arg22 : memref<!tpu.dma_semaphore, #tpu.memory_space<semaphore_mem>>) src(%dma_wait3A_285 : memref<50000x32xf32, #tpu.memory_space<hbm>>) dst(%dma_wait3A_280 : memref<128x32xf32, #tpu.memory_space<vmem>>)
      %dma_wait3A_286 = arith.constant 128 : i32
      %dma_wait3A_287 = arith.constant 0 : i32
      %dma_wait3A_288 = tpu.memref_slice %arg14[%dma_wait3A_286, %dma_wait3A_287] : memref<512x32xf32, #tpu.memory_space<vmem>> -> memref<128x32xf32, #tpu.memory_space<vmem>>
      %dma_wait3A_289 = arith.constant 128 : i32
      %dma_wait3A_290 = tpu.memref_slice %arg10[%dma_wait3A_289] : memref<512xi32, #tpu.memory_space<vmem>> -> memref<128xi32, #tpu.memory_space<vmem>>
      %dma_wait3A_291 = arith.constant 0 : i32
      %dma_wait3A_292 = arith.constant 0 : i32
      %dma_wait3A_293 = tpu.memref_slice %arg2[%dma_wait3A_291, %dma_wait3A_292] : memref<50000x32xf32, #tpu.memory_space<hbm>> -> memref<50000x32xf32, #tpu.memory_space<hbm>>
      tpu.wait_indirect_dma semaphore(%arg22 : memref<!tpu.dma_semaphore, #tpu.memory_space<semaphore_mem>>) src(%dma_wait3A_293 : memref<50000x32xf32, #tpu.memory_space<hbm>>) dst(%dma_wait3A_288 : memref<128x32xf32, #tpu.memory_space<vmem>>)
      %dma_wait3A_294 = arith.constant 128 : i32
      %dma_wait3A_295 = arith.constant 0 : i32
      %dma_wait3A_296 = tpu.memref_slice %arg16[%dma_wait3A_294, %dma_wait3A_295] : memref<512x32xf32, #tpu.memory_space<vmem>> -> memref<128x32xf32, #tpu.memory_space<vmem>>
      %dma_wait3A_297 = arith.constant 128 : i32
      %dma_wait3A_298 = tpu.memref_slice %arg12[%dma_wait3A_297] : memref<512xi32, #tpu.memory_space<vmem>> -> memref<128xi32, #tpu.memory_space<vmem>>
      %dma_wait3A_299 = arith.constant 0 : i32
      %dma_wait3A_300 = arith.constant 0 : i32
      %dma_wait3A_301 = tpu.memref_slice %arg2[%dma_wait3A_299, %dma_wait3A_300] : memref<50000x32xf32, #tpu.memory_space<hbm>> -> memref<50000x32xf32, #tpu.memory_space<hbm>>
      tpu.wait_indirect_dma semaphore(%arg22 : memref<!tpu.dma_semaphore, #tpu.memory_space<semaphore_mem>>) src(%dma_wait3A_301 : memref<50000x32xf32, #tpu.memory_space<hbm>>) dst(%dma_wait3A_296 : memref<128x32xf32, #tpu.memory_space<vmem>>)
      %dma_wait3A_302 = arith.constant 256 : i32
      %dma_wait3A_303 = arith.constant 0 : i32
      %dma_wait3A_304 = tpu.memref_slice %arg14[%dma_wait3A_302, %dma_wait3A_303] : memref<512x32xf32, #tpu.memory_space<vmem>> -> memref<128x32xf32, #tpu.memory_space<vmem>>
      %dma_wait3A_305 = arith.constant 256 : i32
      %dma_wait3A_306 = tpu.memref_slice %arg10[%dma_wait3A_305] : memref<512xi32, #tpu.memory_space<vmem>> -> memref<128xi32, #tpu.memory_space<vmem>>
      %dma_wait3A_307 = arith.constant 0 : i32
      %dma_wait3A_308 = arith.constant 0 : i32
      %dma_wait3A_309 = tpu.memref_slice %arg2[%dma_wait3A_307, %dma_wait3A_308] : memref<50000x32xf32, #tpu.memory_space<hbm>> -> memref<50000x32xf32, #tpu.memory_space<hbm>>
      tpu.wait_indirect_dma semaphore(%arg22 : memref<!tpu.dma_semaphore, #tpu.memory_space<semaphore_mem>>) src(%dma_wait3A_309 : memref<50000x32xf32, #tpu.memory_space<hbm>>) dst(%dma_wait3A_304 : memref<128x32xf32, #tpu.memory_space<vmem>>)
      %dma_wait3A_310 = arith.constant 256 : i32
      %dma_wait3A_311 = arith.constant 0 : i32
      %dma_wait3A_312 = tpu.memref_slice %arg16[%dma_wait3A_310, %dma_wait3A_311] : memref<512x32xf32, #tpu.memory_space<vmem>> -> memref<128x32xf32, #tpu.memory_space<vmem>>
      %dma_wait3A_313 = arith.constant 256 : i32
      %dma_wait3A_314 = tpu.memref_slice %arg12[%dma_wait3A_313] : memref<512xi32, #tpu.memory_space<vmem>> -> memref<128xi32, #tpu.memory_space<vmem>>
      %dma_wait3A_315 = arith.constant 0 : i32
      %dma_wait3A_316 = arith.constant 0 : i32
      %dma_wait3A_317 = tpu.memref_slice %arg2[%dma_wait3A_315, %dma_wait3A_316] : memref<50000x32xf32, #tpu.memory_space<hbm>> -> memref<50000x32xf32, #tpu.memory_space<hbm>>
      tpu.wait_indirect_dma semaphore(%arg22 : memref<!tpu.dma_semaphore, #tpu.memory_space<semaphore_mem>>) src(%dma_wait3A_317 : memref<50000x32xf32, #tpu.memory_space<hbm>>) dst(%dma_wait3A_312 : memref<128x32xf32, #tpu.memory_space<vmem>>)
      %dma_wait3A_318 = arith.constant 384 : i32
      %dma_wait3A_319 = arith.constant 0 : i32
      %dma_wait3A_320 = tpu.memref_slice %arg14[%dma_wait3A_318, %dma_wait3A_319] : memref<512x32xf32, #tpu.memory_space<vmem>> -> memref<128x32xf32, #tpu.memory_space<vmem>>
      %dma_wait3A_321 = arith.constant 384 : i32
      %dma_wait3A_322 = tpu.memref_slice %arg10[%dma_wait3A_321] : memref<512xi32, #tpu.memory_space<vmem>> -> memref<128xi32, #tpu.memory_space<vmem>>
      %dma_wait3A_323 = arith.constant 0 : i32
      %dma_wait3A_324 = arith.constant 0 : i32
      %dma_wait3A_325 = tpu.memref_slice %arg2[%dma_wait3A_323, %dma_wait3A_324] : memref<50000x32xf32, #tpu.memory_space<hbm>> -> memref<50000x32xf32, #tpu.memory_space<hbm>>
      tpu.wait_indirect_dma semaphore(%arg22 : memref<!tpu.dma_semaphore, #tpu.memory_space<semaphore_mem>>) src(%dma_wait3A_325 : memref<50000x32xf32, #tpu.memory_space<hbm>>) dst(%dma_wait3A_320 : memref<128x32xf32, #tpu.memory_space<vmem>>)
      %dma_wait3A_326 = arith.constant 384 : i32
      %dma_wait3A_327 = arith.constant 0 : i32
      %dma_wait3A_328 = tpu.memref_slice %arg16[%dma_wait3A_326, %dma_wait3A_327] : memref<512x32xf32, #tpu.memory_space<vmem>> -> memref<128x32xf32, #tpu.memory_space<vmem>>
      %dma_wait3A_329 = arith.constant 384 : i32
      %dma_wait3A_330 = tpu.memref_slice %arg12[%dma_wait3A_329] : memref<512xi32, #tpu.memory_space<vmem>> -> memref<128xi32, #tpu.memory_space<vmem>>
      %dma_wait3A_331 = arith.constant 0 : i32
      %dma_wait3A_332 = arith.constant 0 : i32
      %dma_wait3A_333 = tpu.memref_slice %arg2[%dma_wait3A_331, %dma_wait3A_332] : memref<50000x32xf32, #tpu.memory_space<hbm>> -> memref<50000x32xf32, #tpu.memory_space<hbm>>
      tpu.wait_indirect_dma semaphore(%arg22 : memref<!tpu.dma_semaphore, #tpu.memory_space<semaphore_mem>>) src(%dma_wait3A_333 : memref<50000x32xf32, #tpu.memory_space<hbm>>) dst(%dma_wait3A_328 : memref<128x32xf32, #tpu.memory_space<vmem>>)
      %parallel_loop3A_334 = arith.constant 0 : i32
      %parallel_loop3A_335 = arith.constant 32 : i32
      %parallel_loop3A_336 = arith.constant 1 : i32
      scf.for %parallel_loop3A_387 = %parallel_loop3A_334 to %parallel_loop3A_335 step %parallel_loop3A_336  : i32 {
        %parallel_loop3A_388 = arith.constant 16 : i32
        %parallel_loop3A_389 = arith.muli %parallel_loop3A_387, %parallel_loop3A_388 : i32
        %parallel_loop3A_390 = vector.broadcast %parallel_loop3A_389 : i32 to vector<16xi32>
        %parallel_loop3A_391 = arith.addi %parallel_loop3A_390, %iota3A : vector<16xi32>
        %parallel_loop3A_392 = arith.constant 0 : i32
        %parallel_loop3A_393 = vector.broadcast %parallel_loop3A_392 : i32 to vector<16xi32>
        %parallel_loop3A_394 = tpu.vector_load_idx %arg14[%parallel_loop3A_391, %parallel_loop3A_393] : memref<512x32xf32, #tpu.memory_space<vmem>>[vector<16xi32>, vector<16xi32>], vector<16xf32>,
        %parallel_loop3A_395 = arith.constant 1 : i32
        %parallel_loop3A_396 = vector.broadcast %parallel_loop3A_395 : i32 to vector<16xi32>
        %parallel_loop3A_397 = tpu.vector_load_idx %arg14[%parallel_loop3A_391, %parallel_loop3A_396] : memref<512x32xf32, #tpu.memory_space<vmem>>[vector<16xi32>, vector<16xi32>], vector<16xf32>,
        %parallel_loop3A_398 = arith.constant 2 : i32
        %parallel_loop3A_399 = vector.broadcast %parallel_loop3A_398 : i32 to vector<16xi32>
        %parallel_loop3A_400 = tpu.vector_load_idx %arg14[%parallel_loop3A_391, %parallel_loop3A_399] : memref<512x32xf32, #tpu.memory_space<vmem>>[vector<16xi32>, vector<16xi32>], vector<16xf32>,
        %parallel_loop3A_401 = arith.constant 3 : i32
        %parallel_loop3A_402 = vector.broadcast %parallel_loop3A_401 : i32 to vector<16xi32>
        %parallel_loop3A_403 = tpu.vector_load_idx %arg14[%parallel_loop3A_391, %parallel_loop3A_402] : memref<512x32xf32, #tpu.memory_space<vmem>>[vector<16xi32>, vector<16xi32>], vector<16xf32>,
        %parallel_loop3A_404 = arith.constant 0 : i32
        %parallel_loop3A_405 = vector.broadcast %parallel_loop3A_404 : i32 to vector<16xi32>
        %parallel_loop3A_406 = tpu.vector_load_idx %arg16[%parallel_loop3A_391, %parallel_loop3A_405] : memref<512x32xf32, #tpu.memory_space<vmem>>[vector<16xi32>, vector<16xi32>], vector<16xf32>,
        %parallel_loop3A_407 = arith.constant 1 : i32
        %parallel_loop3A_408 = vector.broadcast %parallel_loop3A_407 : i32 to vector<16xi32>
        %parallel_loop3A_409 = tpu.vector_load_idx %arg16[%parallel_loop3A_391, %parallel_loop3A_408] : memref<512x32xf32, #tpu.memory_space<vmem>>[vector<16xi32>, vector<16xi32>], vector<16xf32>,
        %parallel_loop3A_410 = arith.constant 2 : i32
        %parallel_loop3A_411 = vector.broadcast %parallel_loop3A_410 : i32 to vector<16xi32>
        %parallel_loop3A_412 = tpu.vector_load_idx %arg16[%parallel_loop3A_391, %parallel_loop3A_411] : memref<512x32xf32, #tpu.memory_space<vmem>>[vector<16xi32>, vector<16xi32>], vector<16xf32>,
        %parallel_loop3A_413 = arith.constant 3 : i32
        %parallel_loop3A_414 = vector.broadcast %parallel_loop3A_413 : i32 to vector<16xi32>
        %parallel_loop3A_415 = tpu.vector_load_idx %arg16[%parallel_loop3A_391, %parallel_loop3A_414] : memref<512x32xf32, #tpu.memory_space<vmem>>[vector<16xi32>, vector<16xi32>], vector<16xf32>,
        %parallel_loop3A_416 = arith.mulf %parallel_loop3A_394, %parallel_loop3A_406 : vector<16xf32>
        %parallel_loop3A_417 = arith.mulf %parallel_loop3A_397, %parallel_loop3A_409 : vector<16xf32>
        %parallel_loop3A_418 = arith.addf %parallel_loop3A_416, %parallel_loop3A_417 : vector<16xf32>
        %parallel_loop3A_419 = arith.mulf %parallel_loop3A_400, %parallel_loop3A_412 : vector<16xf32>
        %parallel_loop3A_420 = arith.mulf %parallel_loop3A_403, %parallel_loop3A_415 : vector<16xf32>
        %parallel_loop3A_421 = arith.addf %parallel_loop3A_419, %parallel_loop3A_420 : vector<16xf32>
        %parallel_loop3A_422 = arith.addf %parallel_loop3A_418, %parallel_loop3A_421 : vector<16xf32>
        %parallel_loop3A_423 = arith.mulf %parallel_loop3A_397, %parallel_loop3A_406 : vector<16xf32>
        %parallel_loop3A_424 = arith.mulf %parallel_loop3A_394, %parallel_loop3A_409 : vector<16xf32>
        %parallel_loop3A_425 = arith.subf %parallel_loop3A_423, %parallel_loop3A_424 : vector<16xf32>
        %parallel_loop3A_426 = arith.mulf %parallel_loop3A_403, %parallel_loop3A_412 : vector<16xf32>
        %parallel_loop3A_427 = arith.mulf %parallel_loop3A_400, %parallel_loop3A_415 : vector<16xf32>
        %parallel_loop3A_428 = arith.subf %parallel_loop3A_426, %parallel_loop3A_427 : vector<16xf32>
        %parallel_loop3A_429 = arith.addf %parallel_loop3A_425, %parallel_loop3A_428 : vector<16xf32>
        %parallel_loop3A_430 = arith.mulf %parallel_loop3A_400, %parallel_loop3A_406 : vector<16xf32>
        %parallel_loop3A_431 = arith.mulf %parallel_loop3A_394, %parallel_loop3A_412 : vector<16xf32>
        %parallel_loop3A_432 = arith.subf %parallel_loop3A_430, %parallel_loop3A_431 : vector<16xf32>
        %parallel_loop3A_433 = arith.mulf %parallel_loop3A_397, %parallel_loop3A_415 : vector<16xf32>
        %parallel_loop3A_434 = arith.mulf %parallel_loop3A_403, %parallel_loop3A_409 : vector<16xf32>
        %parallel_loop3A_435 = arith.subf %parallel_loop3A_433, %parallel_loop3A_434 : vector<16xf32>
        %parallel_loop3A_436 = arith.addf %parallel_loop3A_432, %parallel_loop3A_435 : vector<16xf32>
        %parallel_loop3A_437 = arith.mulf %parallel_loop3A_403, %parallel_loop3A_406 : vector<16xf32>
        %parallel_loop3A_438 = arith.mulf %parallel_loop3A_394, %parallel_loop3A_415 : vector<16xf32>
        %parallel_loop3A_439 = arith.subf %parallel_loop3A_437, %parallel_loop3A_438 : vector<16xf32>
        %parallel_loop3A_440 = arith.mulf %parallel_loop3A_400, %parallel_loop3A_409 : vector<16xf32>
        %parallel_loop3A_441 = arith.mulf %parallel_loop3A_397, %parallel_loop3A_412 : vector<16xf32>
        %parallel_loop3A_442 = arith.subf %parallel_loop3A_440, %parallel_loop3A_441 : vector<16xf32>
        %parallel_loop3A_443 = arith.addf %parallel_loop3A_439, %parallel_loop3A_442 : vector<16xf32>
        %parallel_loop3A_444 = arith.constant 0 : i32
        %parallel_loop3A_445 = vector.broadcast %parallel_loop3A_444 : i32 to vector<16xi32>
        tpu.vector_store_idx %arg18[%parallel_loop3A_391, %parallel_loop3A_445], %parallel_loop3A_422 : memref<512x32xf32, #tpu.memory_space<vmem>>[vector<16xi32>, vector<16xi32>], vector<16xf32>,
        %parallel_loop3A_446 = arith.constant 1 : i32
        %parallel_loop3A_447 = vector.broadcast %parallel_loop3A_446 : i32 to vector<16xi32>
        tpu.vector_store_idx %arg18[%parallel_loop3A_391, %parallel_loop3A_447], %parallel_loop3A_429 : memref<512x32xf32, #tpu.memory_space<vmem>>[vector<16xi32>, vector<16xi32>], vector<16xf32>,
        %parallel_loop3A_448 = arith.constant 2 : i32
        %parallel_loop3A_449 = vector.broadcast %parallel_loop3A_448 : i32 to vector<16xi32>
        tpu.vector_store_idx %arg18[%parallel_loop3A_391, %parallel_loop3A_449], %parallel_loop3A_436 : memref<512x32xf32, #tpu.memory_space<vmem>>[vector<16xi32>, vector<16xi32>], vector<16xf32>,
        %parallel_loop3A_450 = arith.constant 3 : i32
        %parallel_loop3A_451 = vector.broadcast %parallel_loop3A_450 : i32 to vector<16xi32>
        tpu.vector_store_idx %arg18[%parallel_loop3A_391, %parallel_loop3A_451], %parallel_loop3A_443 : memref<512x32xf32, #tpu.memory_space<vmem>>[vector<16xi32>, vector<16xi32>], vector<16xf32>,
        %parallel_loop3A_452 = arith.constant 4 : i32
        %parallel_loop3A_453 = vector.broadcast %parallel_loop3A_452 : i32 to vector<16xi32>
        %parallel_loop3A_454 = tpu.vector_load_idx %arg14[%parallel_loop3A_391, %parallel_loop3A_453] : memref<512x32xf32, #tpu.memory_space<vmem>>[vector<16xi32>, vector<16xi32>], vector<16xf32>,
        %parallel_loop3A_455 = arith.constant 5 : i32
        %parallel_loop3A_456 = vector.broadcast %parallel_loop3A_455 : i32 to vector<16xi32>
        %parallel_loop3A_457 = tpu.vector_load_idx %arg14[%parallel_loop3A_391, %parallel_loop3A_456] : memref<512x32xf32, #tpu.memory_space<vmem>>[vector<16xi32>, vector<16xi32>], vector<16xf32>,
        %parallel_loop3A_458 = arith.constant 6 : i32
        %parallel_loop3A_459 = vector.broadcast %parallel_loop3A_458 : i32 to vector<16xi32>
        %parallel_loop3A_460 = tpu.vector_load_idx %arg14[%parallel_loop3A_391, %parallel_loop3A_459] : memref<512x32xf32, #tpu.memory_space<vmem>>[vector<16xi32>, vector<16xi32>], vector<16xf32>,
        %parallel_loop3A_461 = arith.constant 7 : i32
        %parallel_loop3A_462 = vector.broadcast %parallel_loop3A_461 : i32 to vector<16xi32>
        %parallel_loop3A_463 = tpu.vector_load_idx %arg14[%parallel_loop3A_391, %parallel_loop3A_462] : memref<512x32xf32, #tpu.memory_space<vmem>>[vector<16xi32>, vector<16xi32>], vector<16xf32>,
        %parallel_loop3A_464 = arith.constant 4 : i32
        %parallel_loop3A_465 = vector.broadcast %parallel_loop3A_464 : i32 to vector<16xi32>
        %parallel_loop3A_466 = tpu.vector_load_idx %arg16[%parallel_loop3A_391, %parallel_loop3A_465] : memref<512x32xf32, #tpu.memory_space<vmem>>[vector<16xi32>, vector<16xi32>], vector<16xf32>,
        %parallel_loop3A_467 = arith.constant 5 : i32
        %parallel_loop3A_468 = vector.broadcast %parallel_loop3A_467 : i32 to vector<16xi32>
        %parallel_loop3A_469 = tpu.vector_load_idx %arg16[%parallel_loop3A_391, %parallel_loop3A_468] : memref<512x32xf32, #tpu.memory_space<vmem>>[vector<16xi32>, vector<16xi32>], vector<16xf32>,
        %parallel_loop3A_470 = arith.constant 6 : i32
        %parallel_loop3A_471 = vector.broadcast %parallel_loop3A_470 : i32 to vector<16xi32>
        %parallel_loop3A_472 = tpu.vector_load_idx %arg16[%parallel_loop3A_391, %parallel_loop3A_471] : memref<512x32xf32, #tpu.memory_space<vmem>>[vector<16xi32>, vector<16xi32>], vector<16xf32>,
        %parallel_loop3A_473 = arith.constant 7 : i32
        %parallel_loop3A_474 = vector.broadcast %parallel_loop3A_473 : i32 to vector<16xi32>
        %parallel_loop3A_475 = tpu.vector_load_idx %arg16[%parallel_loop3A_391, %parallel_loop3A_474] : memref<512x32xf32, #tpu.memory_space<vmem>>[vector<16xi32>, vector<16xi32>], vector<16xf32>,
        %parallel_loop3A_476 = arith.mulf %parallel_loop3A_454, %parallel_loop3A_466 : vector<16xf32>
        %parallel_loop3A_477 = arith.mulf %parallel_loop3A_457, %parallel_loop3A_469 : vector<16xf32>
        %parallel_loop3A_478 = arith.addf %parallel_loop3A_476, %parallel_loop3A_477 : vector<16xf32>
        %parallel_loop3A_479 = arith.mulf %parallel_loop3A_460, %parallel_loop3A_472 : vector<16xf32>
        %parallel_loop3A_480 = arith.mulf %parallel_loop3A_463, %parallel_loop3A_475 : vector<16xf32>
        %parallel_loop3A_481 = arith.addf %parallel_loop3A_479, %parallel_loop3A_480 : vector<16xf32>
        %parallel_loop3A_482 = arith.addf %parallel_loop3A_478, %parallel_loop3A_481 : vector<16xf32>
        %parallel_loop3A_483 = arith.mulf %parallel_loop3A_457, %parallel_loop3A_466 : vector<16xf32>
        %parallel_loop3A_484 = arith.mulf %parallel_loop3A_454, %parallel_loop3A_469 : vector<16xf32>
        %parallel_loop3A_485 = arith.subf %parallel_loop3A_483, %parallel_loop3A_484 : vector<16xf32>
        %parallel_loop3A_486 = arith.mulf %parallel_loop3A_463, %parallel_loop3A_472 : vector<16xf32>
        %parallel_loop3A_487 = arith.mulf %parallel_loop3A_460, %parallel_loop3A_475 : vector<16xf32>
        %parallel_loop3A_488 = arith.subf %parallel_loop3A_486, %parallel_loop3A_487 : vector<16xf32>
        %parallel_loop3A_489 = arith.addf %parallel_loop3A_485, %parallel_loop3A_488 : vector<16xf32>
        %parallel_loop3A_490 = arith.mulf %parallel_loop3A_460, %parallel_loop3A_466 : vector<16xf32>
        %parallel_loop3A_491 = arith.mulf %parallel_loop3A_454, %parallel_loop3A_472 : vector<16xf32>
        %parallel_loop3A_492 = arith.subf %parallel_loop3A_490, %parallel_loop3A_491 : vector<16xf32>
        %parallel_loop3A_493 = arith.mulf %parallel_loop3A_457, %parallel_loop3A_475 : vector<16xf32>
        %parallel_loop3A_494 = arith.mulf %parallel_loop3A_463, %parallel_loop3A_469 : vector<16xf32>
        %parallel_loop3A_495 = arith.subf %parallel_loop3A_493, %parallel_loop3A_494 : vector<16xf32>
        %parallel_loop3A_496 = arith.addf %parallel_loop3A_492, %parallel_loop3A_495 : vector<16xf32>
        %parallel_loop3A_497 = arith.mulf %parallel_loop3A_463, %parallel_loop3A_466 : vector<16xf32>
        %parallel_loop3A_498 = arith.mulf %parallel_loop3A_454, %parallel_loop3A_475 : vector<16xf32>
        %parallel_loop3A_499 = arith.subf %parallel_loop3A_497, %parallel_loop3A_498 : vector<16xf32>
        %parallel_loop3A_500 = arith.mulf %parallel_loop3A_460, %parallel_loop3A_469 : vector<16xf32>
        %parallel_loop3A_501 = arith.mulf %parallel_loop3A_457, %parallel_loop3A_472 : vector<16xf32>
        %parallel_loop3A_502 = arith.subf %parallel_loop3A_500, %parallel_loop3A_501 : vector<16xf32>
        %parallel_loop3A_503 = arith.addf %parallel_loop3A_499, %parallel_loop3A_502 : vector<16xf32>
        %parallel_loop3A_504 = arith.constant 4 : i32
        %parallel_loop3A_505 = vector.broadcast %parallel_loop3A_504 : i32 to vector<16xi32>
        tpu.vector_store_idx %arg18[%parallel_loop3A_391, %parallel_loop3A_505], %parallel_loop3A_482 : memref<512x32xf32, #tpu.memory_space<vmem>>[vector<16xi32>, vector<16xi32>], vector<16xf32>,
        %parallel_loop3A_506 = arith.constant 5 : i32
        %parallel_loop3A_507 = vector.broadcast %parallel_loop3A_506 : i32 to vector<16xi32>
        tpu.vector_store_idx %arg18[%parallel_loop3A_391, %parallel_loop3A_507], %parallel_loop3A_489 : memref<512x32xf32, #tpu.memory_space<vmem>>[vector<16xi32>, vector<16xi32>], vector<16xf32>,
        %parallel_loop3A_508 = arith.constant 6 : i32
        %parallel_loop3A_509 = vector.broadcast %parallel_loop3A_508 : i32 to vector<16xi32>
        tpu.vector_store_idx %arg18[%parallel_loop3A_391, %parallel_loop3A_509], %parallel_loop3A_496 : memref<512x32xf32, #tpu.memory_space<vmem>>[vector<16xi32>, vector<16xi32>], vector<16xf32>,
        %parallel_loop3A_510 = arith.constant 7 : i32
        %parallel_loop3A_511 = vector.broadcast %parallel_loop3A_510 : i32 to vector<16xi32>
        tpu.vector_store_idx %arg18[%parallel_loop3A_391, %parallel_loop3A_511], %parallel_loop3A_503 : memref<512x32xf32, #tpu.memory_space<vmem>>[vector<16xi32>, vector<16xi32>], vector<16xf32>,
        %parallel_loop3A_512 = arith.constant 8 : i32
        %parallel_loop3A_513 = vector.broadcast %parallel_loop3A_512 : i32 to vector<16xi32>
        %parallel_loop3A_514 = tpu.vector_load_idx %arg14[%parallel_loop3A_391, %parallel_loop3A_513] : memref<512x32xf32, #tpu.memory_space<vmem>>[vector<16xi32>, vector<16xi32>], vector<16xf32>,
        %parallel_loop3A_515 = arith.constant 9 : i32
        %parallel_loop3A_516 = vector.broadcast %parallel_loop3A_515 : i32 to vector<16xi32>
        %parallel_loop3A_517 = tpu.vector_load_idx %arg14[%parallel_loop3A_391, %parallel_loop3A_516] : memref<512x32xf32, #tpu.memory_space<vmem>>[vector<16xi32>, vector<16xi32>], vector<16xf32>,
        %parallel_loop3A_518 = arith.constant 10 : i32
        %parallel_loop3A_519 = vector.broadcast %parallel_loop3A_518 : i32 to vector<16xi32>
        %parallel_loop3A_520 = tpu.vector_load_idx %arg14[%parallel_loop3A_391, %parallel_loop3A_519] : memref<512x32xf32, #tpu.memory_space<vmem>>[vector<16xi32>, vector<16xi32>], vector<16xf32>,
        %parallel_loop3A_521 = arith.constant 11 : i32
        %parallel_loop3A_522 = vector.broadcast %parallel_loop3A_521 : i32 to vector<16xi32>
        %parallel_loop3A_523 = tpu.vector_load_idx %arg14[%parallel_loop3A_391, %parallel_loop3A_522] : memref<512x32xf32, #tpu.memory_space<vmem>>[vector<16xi32>, vector<16xi32>], vector<16xf32>,
        %parallel_loop3A_524 = arith.constant 8 : i32
        %parallel_loop3A_525 = vector.broadcast %parallel_loop3A_524 : i32 to vector<16xi32>
        %parallel_loop3A_526 = tpu.vector_load_idx %arg16[%parallel_loop3A_391, %parallel_loop3A_525] : memref<512x32xf32, #tpu.memory_space<vmem>>[vector<16xi32>, vector<16xi32>], vector<16xf32>,
        %parallel_loop3A_527 = arith.constant 9 : i32
        %parallel_loop3A_528 = vector.broadcast %parallel_loop3A_527 : i32 to vector<16xi32>
        %parallel_loop3A_529 = tpu.vector_load_idx %arg16[%parallel_loop3A_391, %parallel_loop3A_528] : memref<512x32xf32, #tpu.memory_space<vmem>>[vector<16xi32>, vector<16xi32>], vector<16xf32>,
        %parallel_loop3A_530 = arith.constant 10 : i32
        %parallel_loop3A_531 = vector.broadcast %parallel_loop3A_530 : i32 to vector<16xi32>
        %parallel_loop3A_532 = tpu.vector_load_idx %arg16[%parallel_loop3A_391, %parallel_loop3A_531] : memref<512x32xf32, #tpu.memory_space<vmem>>[vector<16xi32>, vector<16xi32>], vector<16xf32>,
        %parallel_loop3A_533 = arith.constant 11 : i32
        %parallel_loop3A_534 = vector.broadcast %parallel_loop3A_533 : i32 to vector<16xi32>
        %parallel_loop3A_535 = tpu.vector_load_idx %arg16[%parallel_loop3A_391, %parallel_loop3A_534] : memref<512x32xf32, #tpu.memory_space<vmem>>[vector<16xi32>, vector<16xi32>], vector<16xf32>,
        %parallel_loop3A_536 = arith.mulf %parallel_loop3A_514, %parallel_loop3A_526 : vector<16xf32>
        %parallel_loop3A_537 = arith.mulf %parallel_loop3A_517, %parallel_loop3A_529 : vector<16xf32>
        %parallel_loop3A_538 = arith.addf %parallel_loop3A_536, %parallel_loop3A_537 : vector<16xf32>
        %parallel_loop3A_539 = arith.mulf %parallel_loop3A_520, %parallel_loop3A_532 : vector<16xf32>
        %parallel_loop3A_540 = arith.mulf %parallel_loop3A_523, %parallel_loop3A_535 : vector<16xf32>
        %parallel_loop3A_541 = arith.addf %parallel_loop3A_539, %parallel_loop3A_540 : vector<16xf32>
        %parallel_loop3A_542 = arith.addf %parallel_loop3A_538, %parallel_loop3A_541 : vector<16xf32>
        %parallel_loop3A_543 = arith.mulf %parallel_loop3A_517, %parallel_loop3A_526 : vector<16xf32>
        %parallel_loop3A_544 = arith.mulf %parallel_loop3A_514, %parallel_loop3A_529 : vector<16xf32>
        %parallel_loop3A_545 = arith.subf %parallel_loop3A_543, %parallel_loop3A_544 : vector<16xf32>
        %parallel_loop3A_546 = arith.mulf %parallel_loop3A_523, %parallel_loop3A_532 : vector<16xf32>
        %parallel_loop3A_547 = arith.mulf %parallel_loop3A_520, %parallel_loop3A_535 : vector<16xf32>
        %parallel_loop3A_548 = arith.subf %parallel_loop3A_546, %parallel_loop3A_547 : vector<16xf32>
        %parallel_loop3A_549 = arith.addf %parallel_loop3A_545, %parallel_loop3A_548 : vector<16xf32>
        %parallel_loop3A_550 = arith.mulf %parallel_loop3A_520, %parallel_loop3A_526 : vector<16xf32>
        %parallel_loop3A_551 = arith.mulf %parallel_loop3A_514, %parallel_loop3A_532 : vector<16xf32>
        %parallel_loop3A_552 = arith.subf %parallel_loop3A_550, %parallel_loop3A_551 : vector<16xf32>
        %parallel_loop3A_553 = arith.mulf %parallel_loop3A_517, %parallel_loop3A_535 : vector<16xf32>
        %parallel_loop3A_554 = arith.mulf %parallel_loop3A_523, %parallel_loop3A_529 : vector<16xf32>
        %parallel_loop3A_555 = arith.subf %parallel_loop3A_553, %parallel_loop3A_554 : vector<16xf32>
        %parallel_loop3A_556 = arith.addf %parallel_loop3A_552, %parallel_loop3A_555 : vector<16xf32>
        %parallel_loop3A_557 = arith.mulf %parallel_loop3A_523, %parallel_loop3A_526 : vector<16xf32>
        %parallel_loop3A_558 = arith.mulf %parallel_loop3A_514, %parallel_loop3A_535 : vector<16xf32>
        %parallel_loop3A_559 = arith.subf %parallel_loop3A_557, %parallel_loop3A_558 : vector<16xf32>
        %parallel_loop3A_560 = arith.mulf %parallel_loop3A_520, %parallel_loop3A_529 : vector<16xf32>
        %parallel_loop3A_561 = arith.mulf %parallel_loop3A_517, %parallel_loop3A_532 : vector<16xf32>
        %parallel_loop3A_562 = arith.subf %parallel_loop3A_560, %parallel_loop3A_561 : vector<16xf32>
        %parallel_loop3A_563 = arith.addf %parallel_loop3A_559, %parallel_loop3A_562 : vector<16xf32>
        %parallel_loop3A_564 = arith.constant 8 : i32
        %parallel_loop3A_565 = vector.broadcast %parallel_loop3A_564 : i32 to vector<16xi32>
        tpu.vector_store_idx %arg18[%parallel_loop3A_391, %parallel_loop3A_565], %parallel_loop3A_542 : memref<512x32xf32, #tpu.memory_space<vmem>>[vector<16xi32>, vector<16xi32>], vector<16xf32>,
        %parallel_loop3A_566 = arith.constant 9 : i32
        %parallel_loop3A_567 = vector.broadcast %parallel_loop3A_566 : i32 to vector<16xi32>
        tpu.vector_store_idx %arg18[%parallel_loop3A_391, %parallel_loop3A_567], %parallel_loop3A_549 : memref<512x32xf32, #tpu.memory_space<vmem>>[vector<16xi32>, vector<16xi32>], vector<16xf32>,
        %parallel_loop3A_568 = arith.constant 10 : i32
        %parallel_loop3A_569 = vector.broadcast %parallel_loop3A_568 : i32 to vector<16xi32>
        tpu.vector_store_idx %arg18[%parallel_loop3A_391, %parallel_loop3A_569], %parallel_loop3A_556 : memref<512x32xf32, #tpu.memory_space<vmem>>[vector<16xi32>, vector<16xi32>], vector<16xf32>,
        %parallel_loop3A_570 = arith.constant 11 : i32
        %parallel_loop3A_571 = vector.broadcast %parallel_loop3A_570 : i32 to vector<16xi32>
        tpu.vector_store_idx %arg18[%parallel_loop3A_391, %parallel_loop3A_571], %parallel_loop3A_563 : memref<512x32xf32, #tpu.memory_space<vmem>>[vector<16xi32>, vector<16xi32>], vector<16xf32>,
        %parallel_loop3A_572 = arith.constant 12 : i32
        %parallel_loop3A_573 = vector.broadcast %parallel_loop3A_572 : i32 to vector<16xi32>
        %parallel_loop3A_574 = tpu.vector_load_idx %arg14[%parallel_loop3A_391, %parallel_loop3A_573] : memref<512x32xf32, #tpu.memory_space<vmem>>[vector<16xi32>, vector<16xi32>], vector<16xf32>,
        %parallel_loop3A_575 = arith.constant 13 : i32
        %parallel_loop3A_576 = vector.broadcast %parallel_loop3A_575 : i32 to vector<16xi32>
        %parallel_loop3A_577 = tpu.vector_load_idx %arg14[%parallel_loop3A_391, %parallel_loop3A_576] : memref<512x32xf32, #tpu.memory_space<vmem>>[vector<16xi32>, vector<16xi32>], vector<16xf32>,
        %parallel_loop3A_578 = arith.constant 14 : i32
        %parallel_loop3A_579 = vector.broadcast %parallel_loop3A_578 : i32 to vector<16xi32>
        %parallel_loop3A_580 = tpu.vector_load_idx %arg14[%parallel_loop3A_391, %parallel_loop3A_579] : memref<512x32xf32, #tpu.memory_space<vmem>>[vector<16xi32>, vector<16xi32>], vector<16xf32>,
        %parallel_loop3A_581 = arith.constant 15 : i32
        %parallel_loop3A_582 = vector.broadcast %parallel_loop3A_581 : i32 to vector<16xi32>
        %parallel_loop3A_583 = tpu.vector_load_idx %arg14[%parallel_loop3A_391, %parallel_loop3A_582] : memref<512x32xf32, #tpu.memory_space<vmem>>[vector<16xi32>, vector<16xi32>], vector<16xf32>,
        %parallel_loop3A_584 = arith.constant 12 : i32
        %parallel_loop3A_585 = vector.broadcast %parallel_loop3A_584 : i32 to vector<16xi32>
        %parallel_loop3A_586 = tpu.vector_load_idx %arg16[%parallel_loop3A_391, %parallel_loop3A_585] : memref<512x32xf32, #tpu.memory_space<vmem>>[vector<16xi32>, vector<16xi32>], vector<16xf32>,
        %parallel_loop3A_587 = arith.constant 13 : i32
        %parallel_loop3A_588 = vector.broadcast %parallel_loop3A_587 : i32 to vector<16xi32>
        %parallel_loop3A_589 = tpu.vector_load_idx %arg16[%parallel_loop3A_391, %parallel_loop3A_588] : memref<512x32xf32, #tpu.memory_space<vmem>>[vector<16xi32>, vector<16xi32>], vector<16xf32>,
        %parallel_loop3A_590 = arith.constant 14 : i32
        %parallel_loop3A_591 = vector.broadcast %parallel_loop3A_590 : i32 to vector<16xi32>
        %parallel_loop3A_592 = tpu.vector_load_idx %arg16[%parallel_loop3A_391, %parallel_loop3A_591] : memref<512x32xf32, #tpu.memory_space<vmem>>[vector<16xi32>, vector<16xi32>], vector<16xf32>,
        %parallel_loop3A_593 = arith.constant 15 : i32
        %parallel_loop3A_594 = vector.broadcast %parallel_loop3A_593 : i32 to vector<16xi32>
        %parallel_loop3A_595 = tpu.vector_load_idx %arg16[%parallel_loop3A_391, %parallel_loop3A_594] : memref<512x32xf32, #tpu.memory_space<vmem>>[vector<16xi32>, vector<16xi32>], vector<16xf32>,
        %parallel_loop3A_596 = arith.mulf %parallel_loop3A_574, %parallel_loop3A_586 : vector<16xf32>
        %parallel_loop3A_597 = arith.mulf %parallel_loop3A_577, %parallel_loop3A_589 : vector<16xf32>
        %parallel_loop3A_598 = arith.addf %parallel_loop3A_596, %parallel_loop3A_597 : vector<16xf32>
        %parallel_loop3A_599 = arith.mulf %parallel_loop3A_580, %parallel_loop3A_592 : vector<16xf32>
        %parallel_loop3A_600 = arith.mulf %parallel_loop3A_583, %parallel_loop3A_595 : vector<16xf32>
        %parallel_loop3A_601 = arith.addf %parallel_loop3A_599, %parallel_loop3A_600 : vector<16xf32>
        %parallel_loop3A_602 = arith.addf %parallel_loop3A_598, %parallel_loop3A_601 : vector<16xf32>
        %parallel_loop3A_603 = arith.mulf %parallel_loop3A_577, %parallel_loop3A_586 : vector<16xf32>
        %parallel_loop3A_604 = arith.mulf %parallel_loop3A_574, %parallel_loop3A_589 : vector<16xf32>
        %parallel_loop3A_605 = arith.subf %parallel_loop3A_603, %parallel_loop3A_604 : vector<16xf32>
        %parallel_loop3A_606 = arith.mulf %parallel_loop3A_583, %parallel_loop3A_592 : vector<16xf32>
        %parallel_loop3A_607 = arith.mulf %parallel_loop3A_580, %parallel_loop3A_595 : vector<16xf32>
        %parallel_loop3A_608 = arith.subf %parallel_loop3A_606, %parallel_loop3A_607 : vector<16xf32>
        %parallel_loop3A_609 = arith.addf %parallel_loop3A_605, %parallel_loop3A_608 : vector<16xf32>
        %parallel_loop3A_610 = arith.mulf %parallel_loop3A_580, %parallel_loop3A_586 : vector<16xf32>
        %parallel_loop3A_611 = arith.mulf %parallel_loop3A_574, %parallel_loop3A_592 : vector<16xf32>
        %parallel_loop3A_612 = arith.subf %parallel_loop3A_610, %parallel_loop3A_611 : vector<16xf32>
        %parallel_loop3A_613 = arith.mulf %parallel_loop3A_577, %parallel_loop3A_595 : vector<16xf32>
        %parallel_loop3A_614 = arith.mulf %parallel_loop3A_583, %parallel_loop3A_589 : vector<16xf32>
        %parallel_loop3A_615 = arith.subf %parallel_loop3A_613, %parallel_loop3A_614 : vector<16xf32>
        %parallel_loop3A_616 = arith.addf %parallel_loop3A_612, %parallel_loop3A_615 : vector<16xf32>
        %parallel_loop3A_617 = arith.mulf %parallel_loop3A_583, %parallel_loop3A_586 : vector<16xf32>
        %parallel_loop3A_618 = arith.mulf %parallel_loop3A_574, %parallel_loop3A_595 : vector<16xf32>
        %parallel_loop3A_619 = arith.subf %parallel_loop3A_617, %parallel_loop3A_618 : vector<16xf32>
        %parallel_loop3A_620 = arith.mulf %parallel_loop3A_580, %parallel_loop3A_589 : vector<16xf32>
        %parallel_loop3A_621 = arith.mulf %parallel_loop3A_577, %parallel_loop3A_592 : vector<16xf32>
        %parallel_loop3A_622 = arith.subf %parallel_loop3A_620, %parallel_loop3A_621 : vector<16xf32>
        %parallel_loop3A_623 = arith.addf %parallel_loop3A_619, %parallel_loop3A_622 : vector<16xf32>
        %parallel_loop3A_624 = arith.constant 12 : i32
        %parallel_loop3A_625 = vector.broadcast %parallel_loop3A_624 : i32 to vector<16xi32>
        tpu.vector_store_idx %arg18[%parallel_loop3A_391, %parallel_loop3A_625], %parallel_loop3A_602 : memref<512x32xf32, #tpu.memory_space<vmem>>[vector<16xi32>, vector<16xi32>], vector<16xf32>,
        %parallel_loop3A_626 = arith.constant 13 : i32
        %parallel_loop3A_627 = vector.broadcast %parallel_loop3A_626 : i32 to vector<16xi32>
        tpu.vector_store_idx %arg18[%parallel_loop3A_391, %parallel_loop3A_627], %parallel_loop3A_609 : memref<512x32xf32, #tpu.memory_space<vmem>>[vector<16xi32>, vector<16xi32>], vector<16xf32>,
        %parallel_loop3A_628 = arith.constant 14 : i32
        %parallel_loop3A_629 = vector.broadcast %parallel_loop3A_628 : i32 to vector<16xi32>
        tpu.vector_store_idx %arg18[%parallel_loop3A_391, %parallel_loop3A_629], %parallel_loop3A_616 : memref<512x32xf32, #tpu.memory_space<vmem>>[vector<16xi32>, vector<16xi32>], vector<16xf32>,
        %parallel_loop3A_630 = arith.constant 15 : i32
        %parallel_loop3A_631 = vector.broadcast %parallel_loop3A_630 : i32 to vector<16xi32>
        tpu.vector_store_idx %arg18[%parallel_loop3A_391, %parallel_loop3A_631], %parallel_loop3A_623 : memref<512x32xf32, #tpu.memory_space<vmem>>[vector<16xi32>, vector<16xi32>], vector<16xf32>,
        %parallel_loop3A_632 = arith.constant 16 : i32
        %parallel_loop3A_633 = vector.broadcast %parallel_loop3A_632 : i32 to vector<16xi32>
        %parallel_loop3A_634 = tpu.vector_load_idx %arg14[%parallel_loop3A_391, %parallel_loop3A_633] : memref<512x32xf32, #tpu.memory_space<vmem>>[vector<16xi32>, vector<16xi32>], vector<16xf32>,
        %parallel_loop3A_635 = arith.constant 17 : i32
        %parallel_loop3A_636 = vector.broadcast %parallel_loop3A_635 : i32 to vector<16xi32>
        %parallel_loop3A_637 = tpu.vector_load_idx %arg14[%parallel_loop3A_391, %parallel_loop3A_636] : memref<512x32xf32, #tpu.memory_space<vmem>>[vector<16xi32>, vector<16xi32>], vector<16xf32>,
        %parallel_loop3A_638 = arith.constant 18 : i32
        %parallel_loop3A_639 = vector.broadcast %parallel_loop3A_638 : i32 to vector<16xi32>
        %parallel_loop3A_640 = tpu.vector_load_idx %arg14[%parallel_loop3A_391, %parallel_loop3A_639] : memref<512x32xf32, #tpu.memory_space<vmem>>[vector<16xi32>, vector<16xi32>], vector<16xf32>,
        %parallel_loop3A_641 = arith.constant 19 : i32
        %parallel_loop3A_642 = vector.broadcast %parallel_loop3A_641 : i32 to vector<16xi32>
        %parallel_loop3A_643 = tpu.vector_load_idx %arg14[%parallel_loop3A_391, %parallel_loop3A_642] : memref<512x32xf32, #tpu.memory_space<vmem>>[vector<16xi32>, vector<16xi32>], vector<16xf32>,
        %parallel_loop3A_644 = arith.constant 16 : i32
        %parallel_loop3A_645 = vector.broadcast %parallel_loop3A_644 : i32 to vector<16xi32>
        %parallel_loop3A_646 = tpu.vector_load_idx %arg16[%parallel_loop3A_391, %parallel_loop3A_645] : memref<512x32xf32, #tpu.memory_space<vmem>>[vector<16xi32>, vector<16xi32>], vector<16xf32>,
        %parallel_loop3A_647 = arith.constant 17 : i32
        %parallel_loop3A_648 = vector.broadcast %parallel_loop3A_647 : i32 to vector<16xi32>
        %parallel_loop3A_649 = tpu.vector_load_idx %arg16[%parallel_loop3A_391, %parallel_loop3A_648] : memref<512x32xf32, #tpu.memory_space<vmem>>[vector<16xi32>, vector<16xi32>], vector<16xf32>,
        %parallel_loop3A_650 = arith.constant 18 : i32
        %parallel_loop3A_651 = vector.broadcast %parallel_loop3A_650 : i32 to vector<16xi32>
        %parallel_loop3A_652 = tpu.vector_load_idx %arg16[%parallel_loop3A_391, %parallel_loop3A_651] : memref<512x32xf32, #tpu.memory_space<vmem>>[vector<16xi32>, vector<16xi32>], vector<16xf32>,
        %parallel_loop3A_653 = arith.constant 19 : i32
        %parallel_loop3A_654 = vector.broadcast %parallel_loop3A_653 : i32 to vector<16xi32>
        %parallel_loop3A_655 = tpu.vector_load_idx %arg16[%parallel_loop3A_391, %parallel_loop3A_654] : memref<512x32xf32, #tpu.memory_space<vmem>>[vector<16xi32>, vector<16xi32>], vector<16xf32>,
        %parallel_loop3A_656 = arith.mulf %parallel_loop3A_634, %parallel_loop3A_646 : vector<16xf32>
        %parallel_loop3A_657 = arith.mulf %parallel_loop3A_637, %parallel_loop3A_649 : vector<16xf32>
        %parallel_loop3A_658 = arith.addf %parallel_loop3A_656, %parallel_loop3A_657 : vector<16xf32>
        %parallel_loop3A_659 = arith.mulf %parallel_loop3A_640, %parallel_loop3A_652 : vector<16xf32>
        %parallel_loop3A_660 = arith.mulf %parallel_loop3A_643, %parallel_loop3A_655 : vector<16xf32>
        %parallel_loop3A_661 = arith.addf %parallel_loop3A_659, %parallel_loop3A_660 : vector<16xf32>
        %parallel_loop3A_662 = arith.addf %parallel_loop3A_658, %parallel_loop3A_661 : vector<16xf32>
        %parallel_loop3A_663 = arith.mulf %parallel_loop3A_637, %parallel_loop3A_646 : vector<16xf32>
        %parallel_loop3A_664 = arith.mulf %parallel_loop3A_634, %parallel_loop3A_649 : vector<16xf32>
        %parallel_loop3A_665 = arith.subf %parallel_loop3A_663, %parallel_loop3A_664 : vector<16xf32>
        %parallel_loop3A_666 = arith.mulf %parallel_loop3A_643, %parallel_loop3A_652 : vector<16xf32>
        %parallel_loop3A_667 = arith.mulf %parallel_loop3A_640, %parallel_loop3A_655 : vector<16xf32>
        %parallel_loop3A_668 = arith.subf %parallel_loop3A_666, %parallel_loop3A_667 : vector<16xf32>
        %parallel_loop3A_669 = arith.addf %parallel_loop3A_665, %parallel_loop3A_668 : vector<16xf32>
        %parallel_loop3A_670 = arith.mulf %parallel_loop3A_640, %parallel_loop3A_646 : vector<16xf32>
        %parallel_loop3A_671 = arith.mulf %parallel_loop3A_634, %parallel_loop3A_652 : vector<16xf32>
        %parallel_loop3A_672 = arith.subf %parallel_loop3A_670, %parallel_loop3A_671 : vector<16xf32>
        %parallel_loop3A_673 = arith.mulf %parallel_loop3A_637, %parallel_loop3A_655 : vector<16xf32>
        %parallel_loop3A_674 = arith.mulf %parallel_loop3A_643, %parallel_loop3A_649 : vector<16xf32>
        %parallel_loop3A_675 = arith.subf %parallel_loop3A_673, %parallel_loop3A_674 : vector<16xf32>
        %parallel_loop3A_676 = arith.addf %parallel_loop3A_672, %parallel_loop3A_675 : vector<16xf32>
        %parallel_loop3A_677 = arith.mulf %parallel_loop3A_643, %parallel_loop3A_646 : vector<16xf32>
        %parallel_loop3A_678 = arith.mulf %parallel_loop3A_634, %parallel_loop3A_655 : vector<16xf32>
        %parallel_loop3A_679 = arith.subf %parallel_loop3A_677, %parallel_loop3A_678 : vector<16xf32>
        %parallel_loop3A_680 = arith.mulf %parallel_loop3A_640, %parallel_loop3A_649 : vector<16xf32>
        %parallel_loop3A_681 = arith.mulf %parallel_loop3A_637, %parallel_loop3A_652 : vector<16xf32>
        %parallel_loop3A_682 = arith.subf %parallel_loop3A_680, %parallel_loop3A_681 : vector<16xf32>
        %parallel_loop3A_683 = arith.addf %parallel_loop3A_679, %parallel_loop3A_682 : vector<16xf32>
        %parallel_loop3A_684 = arith.constant 16 : i32
        %parallel_loop3A_685 = vector.broadcast %parallel_loop3A_684 : i32 to vector<16xi32>
        tpu.vector_store_idx %arg18[%parallel_loop3A_391, %parallel_loop3A_685], %parallel_loop3A_662 : memref<512x32xf32, #tpu.memory_space<vmem>>[vector<16xi32>, vector<16xi32>], vector<16xf32>,
        %parallel_loop3A_686 = arith.constant 17 : i32
        %parallel_loop3A_687 = vector.broadcast %parallel_loop3A_686 : i32 to vector<16xi32>
        tpu.vector_store_idx %arg18[%parallel_loop3A_391, %parallel_loop3A_687], %parallel_loop3A_669 : memref<512x32xf32, #tpu.memory_space<vmem>>[vector<16xi32>, vector<16xi32>], vector<16xf32>,
        %parallel_loop3A_688 = arith.constant 18 : i32
        %parallel_loop3A_689 = vector.broadcast %parallel_loop3A_688 : i32 to vector<16xi32>
        tpu.vector_store_idx %arg18[%parallel_loop3A_391, %parallel_loop3A_689], %parallel_loop3A_676 : memref<512x32xf32, #tpu.memory_space<vmem>>[vector<16xi32>, vector<16xi32>], vector<16xf32>,
        %parallel_loop3A_690 = arith.constant 19 : i32
        %parallel_loop3A_691 = vector.broadcast %parallel_loop3A_690 : i32 to vector<16xi32>
        tpu.vector_store_idx %arg18[%parallel_loop3A_391, %parallel_loop3A_691], %parallel_loop3A_683 : memref<512x32xf32, #tpu.memory_space<vmem>>[vector<16xi32>, vector<16xi32>], vector<16xf32>,
        %parallel_loop3A_692 = arith.constant 20 : i32
        %parallel_loop3A_693 = vector.broadcast %parallel_loop3A_692 : i32 to vector<16xi32>
        %parallel_loop3A_694 = tpu.vector_load_idx %arg14[%parallel_loop3A_391, %parallel_loop3A_693] : memref<512x32xf32, #tpu.memory_space<vmem>>[vector<16xi32>, vector<16xi32>], vector<16xf32>,
        %parallel_loop3A_695 = arith.constant 21 : i32
        %parallel_loop3A_696 = vector.broadcast %parallel_loop3A_695 : i32 to vector<16xi32>
        %parallel_loop3A_697 = tpu.vector_load_idx %arg14[%parallel_loop3A_391, %parallel_loop3A_696] : memref<512x32xf32, #tpu.memory_space<vmem>>[vector<16xi32>, vector<16xi32>], vector<16xf32>,
        %parallel_loop3A_698 = arith.constant 22 : i32
        %parallel_loop3A_699 = vector.broadcast %parallel_loop3A_698 : i32 to vector<16xi32>
        %parallel_loop3A_700 = tpu.vector_load_idx %arg14[%parallel_loop3A_391, %parallel_loop3A_699] : memref<512x32xf32, #tpu.memory_space<vmem>>[vector<16xi32>, vector<16xi32>], vector<16xf32>,
        %parallel_loop3A_701 = arith.constant 23 : i32
        %parallel_loop3A_702 = vector.broadcast %parallel_loop3A_701 : i32 to vector<16xi32>
        %parallel_loop3A_703 = tpu.vector_load_idx %arg14[%parallel_loop3A_391, %parallel_loop3A_702] : memref<512x32xf32, #tpu.memory_space<vmem>>[vector<16xi32>, vector<16xi32>], vector<16xf32>,
        %parallel_loop3A_704 = arith.constant 20 : i32
        %parallel_loop3A_705 = vector.broadcast %parallel_loop3A_704 : i32 to vector<16xi32>
        %parallel_loop3A_706 = tpu.vector_load_idx %arg16[%parallel_loop3A_391, %parallel_loop3A_705] : memref<512x32xf32, #tpu.memory_space<vmem>>[vector<16xi32>, vector<16xi32>], vector<16xf32>,
        %parallel_loop3A_707 = arith.constant 21 : i32
        %parallel_loop3A_708 = vector.broadcast %parallel_loop3A_707 : i32 to vector<16xi32>
        %parallel_loop3A_709 = tpu.vector_load_idx %arg16[%parallel_loop3A_391, %parallel_loop3A_708] : memref<512x32xf32, #tpu.memory_space<vmem>>[vector<16xi32>, vector<16xi32>], vector<16xf32>,
        %parallel_loop3A_710 = arith.constant 22 : i32
        %parallel_loop3A_711 = vector.broadcast %parallel_loop3A_710 : i32 to vector<16xi32>
        %parallel_loop3A_712 = tpu.vector_load_idx %arg16[%parallel_loop3A_391, %parallel_loop3A_711] : memref<512x32xf32, #tpu.memory_space<vmem>>[vector<16xi32>, vector<16xi32>], vector<16xf32>,
        %parallel_loop3A_713 = arith.constant 23 : i32
        %parallel_loop3A_714 = vector.broadcast %parallel_loop3A_713 : i32 to vector<16xi32>
        %parallel_loop3A_715 = tpu.vector_load_idx %arg16[%parallel_loop3A_391, %parallel_loop3A_714] : memref<512x32xf32, #tpu.memory_space<vmem>>[vector<16xi32>, vector<16xi32>], vector<16xf32>,
        %parallel_loop3A_716 = arith.mulf %parallel_loop3A_694, %parallel_loop3A_706 : vector<16xf32>
        %parallel_loop3A_717 = arith.mulf %parallel_loop3A_697, %parallel_loop3A_709 : vector<16xf32>
        %parallel_loop3A_718 = arith.addf %parallel_loop3A_716, %parallel_loop3A_717 : vector<16xf32>
        %parallel_loop3A_719 = arith.mulf %parallel_loop3A_700, %parallel_loop3A_712 : vector<16xf32>
        %parallel_loop3A_720 = arith.mulf %parallel_loop3A_703, %parallel_loop3A_715 : vector<16xf32>
        %parallel_loop3A_721 = arith.addf %parallel_loop3A_719, %parallel_loop3A_720 : vector<16xf32>
        %parallel_loop3A_722 = arith.addf %parallel_loop3A_718, %parallel_loop3A_721 : vector<16xf32>
        %parallel_loop3A_723 = arith.mulf %parallel_loop3A_697, %parallel_loop3A_706 : vector<16xf32>
        %parallel_loop3A_724 = arith.mulf %parallel_loop3A_694, %parallel_loop3A_709 : vector<16xf32>
        %parallel_loop3A_725 = arith.subf %parallel_loop3A_723, %parallel_loop3A_724 : vector<16xf32>
        %parallel_loop3A_726 = arith.mulf %parallel_loop3A_703, %parallel_loop3A_712 : vector<16xf32>
        %parallel_loop3A_727 = arith.mulf %parallel_loop3A_700, %parallel_loop3A_715 : vector<16xf32>
        %parallel_loop3A_728 = arith.subf %parallel_loop3A_726, %parallel_loop3A_727 : vector<16xf32>
        %parallel_loop3A_729 = arith.addf %parallel_loop3A_725, %parallel_loop3A_728 : vector<16xf32>
        %parallel_loop3A_730 = arith.mulf %parallel_loop3A_700, %parallel_loop3A_706 : vector<16xf32>
        %parallel_loop3A_731 = arith.mulf %parallel_loop3A_694, %parallel_loop3A_712 : vector<16xf32>
        %parallel_loop3A_732 = arith.subf %parallel_loop3A_730, %parallel_loop3A_731 : vector<16xf32>
        %parallel_loop3A_733 = arith.mulf %parallel_loop3A_697, %parallel_loop3A_715 : vector<16xf32>
        %parallel_loop3A_734 = arith.mulf %parallel_loop3A_703, %parallel_loop3A_709 : vector<16xf32>
        %parallel_loop3A_735 = arith.subf %parallel_loop3A_733, %parallel_loop3A_734 : vector<16xf32>
        %parallel_loop3A_736 = arith.addf %parallel_loop3A_732, %parallel_loop3A_735 : vector<16xf32>
        %parallel_loop3A_737 = arith.mulf %parallel_loop3A_703, %parallel_loop3A_706 : vector<16xf32>
        %parallel_loop3A_738 = arith.mulf %parallel_loop3A_694, %parallel_loop3A_715 : vector<16xf32>
        %parallel_loop3A_739 = arith.subf %parallel_loop3A_737, %parallel_loop3A_738 : vector<16xf32>
        %parallel_loop3A_740 = arith.mulf %parallel_loop3A_700, %parallel_loop3A_709 : vector<16xf32>
        %parallel_loop3A_741 = arith.mulf %parallel_loop3A_697, %parallel_loop3A_712 : vector<16xf32>
        %parallel_loop3A_742 = arith.subf %parallel_loop3A_740, %parallel_loop3A_741 : vector<16xf32>
        %parallel_loop3A_743 = arith.addf %parallel_loop3A_739, %parallel_loop3A_742 : vector<16xf32>
        %parallel_loop3A_744 = arith.constant 20 : i32
        %parallel_loop3A_745 = vector.broadcast %parallel_loop3A_744 : i32 to vector<16xi32>
        tpu.vector_store_idx %arg18[%parallel_loop3A_391, %parallel_loop3A_745], %parallel_loop3A_722 : memref<512x32xf32, #tpu.memory_space<vmem>>[vector<16xi32>, vector<16xi32>], vector<16xf32>,
        %parallel_loop3A_746 = arith.constant 21 : i32
        %parallel_loop3A_747 = vector.broadcast %parallel_loop3A_746 : i32 to vector<16xi32>
        tpu.vector_store_idx %arg18[%parallel_loop3A_391, %parallel_loop3A_747], %parallel_loop3A_729 : memref<512x32xf32, #tpu.memory_space<vmem>>[vector<16xi32>, vector<16xi32>], vector<16xf32>,
        %parallel_loop3A_748 = arith.constant 22 : i32
        %parallel_loop3A_749 = vector.broadcast %parallel_loop3A_748 : i32 to vector<16xi32>
        tpu.vector_store_idx %arg18[%parallel_loop3A_391, %parallel_loop3A_749], %parallel_loop3A_736 : memref<512x32xf32, #tpu.memory_space<vmem>>[vector<16xi32>, vector<16xi32>], vector<16xf32>,
        %parallel_loop3A_750 = arith.constant 23 : i32
        %parallel_loop3A_751 = vector.broadcast %parallel_loop3A_750 : i32 to vector<16xi32>
        tpu.vector_store_idx %arg18[%parallel_loop3A_391, %parallel_loop3A_751], %parallel_loop3A_743 : memref<512x32xf32, #tpu.memory_space<vmem>>[vector<16xi32>, vector<16xi32>], vector<16xf32>,
        %parallel_loop3A_752 = arith.constant 24 : i32
        %parallel_loop3A_753 = vector.broadcast %parallel_loop3A_752 : i32 to vector<16xi32>
        %parallel_loop3A_754 = tpu.vector_load_idx %arg14[%parallel_loop3A_391, %parallel_loop3A_753] : memref<512x32xf32, #tpu.memory_space<vmem>>[vector<16xi32>, vector<16xi32>], vector<16xf32>,
        %parallel_loop3A_755 = arith.constant 25 : i32
        %parallel_loop3A_756 = vector.broadcast %parallel_loop3A_755 : i32 to vector<16xi32>
        %parallel_loop3A_757 = tpu.vector_load_idx %arg14[%parallel_loop3A_391, %parallel_loop3A_756] : memref<512x32xf32, #tpu.memory_space<vmem>>[vector<16xi32>, vector<16xi32>], vector<16xf32>,
        %parallel_loop3A_758 = arith.constant 26 : i32
        %parallel_loop3A_759 = vector.broadcast %parallel_loop3A_758 : i32 to vector<16xi32>
        %parallel_loop3A_760 = tpu.vector_load_idx %arg14[%parallel_loop3A_391, %parallel_loop3A_759] : memref<512x32xf32, #tpu.memory_space<vmem>>[vector<16xi32>, vector<16xi32>], vector<16xf32>,
        %parallel_loop3A_761 = arith.constant 27 : i32
        %parallel_loop3A_762 = vector.broadcast %parallel_loop3A_761 : i32 to vector<16xi32>
        %parallel_loop3A_763 = tpu.vector_load_idx %arg14[%parallel_loop3A_391, %parallel_loop3A_762] : memref<512x32xf32, #tpu.memory_space<vmem>>[vector<16xi32>, vector<16xi32>], vector<16xf32>,
        %parallel_loop3A_764 = arith.constant 24 : i32
        %parallel_loop3A_765 = vector.broadcast %parallel_loop3A_764 : i32 to vector<16xi32>
        %parallel_loop3A_766 = tpu.vector_load_idx %arg16[%parallel_loop3A_391, %parallel_loop3A_765] : memref<512x32xf32, #tpu.memory_space<vmem>>[vector<16xi32>, vector<16xi32>], vector<16xf32>,
        %parallel_loop3A_767 = arith.constant 25 : i32
        %parallel_loop3A_768 = vector.broadcast %parallel_loop3A_767 : i32 to vector<16xi32>
        %parallel_loop3A_769 = tpu.vector_load_idx %arg16[%parallel_loop3A_391, %parallel_loop3A_768] : memref<512x32xf32, #tpu.memory_space<vmem>>[vector<16xi32>, vector<16xi32>], vector<16xf32>,
        %parallel_loop3A_770 = arith.constant 26 : i32
        %parallel_loop3A_771 = vector.broadcast %parallel_loop3A_770 : i32 to vector<16xi32>
        %parallel_loop3A_772 = tpu.vector_load_idx %arg16[%parallel_loop3A_391, %parallel_loop3A_771] : memref<512x32xf32, #tpu.memory_space<vmem>>[vector<16xi32>, vector<16xi32>], vector<16xf32>,
        %parallel_loop3A_773 = arith.constant 27 : i32
        %parallel_loop3A_774 = vector.broadcast %parallel_loop3A_773 : i32 to vector<16xi32>
        %parallel_loop3A_775 = tpu.vector_load_idx %arg16[%parallel_loop3A_391, %parallel_loop3A_774] : memref<512x32xf32, #tpu.memory_space<vmem>>[vector<16xi32>, vector<16xi32>], vector<16xf32>,
        %parallel_loop3A_776 = arith.mulf %parallel_loop3A_754, %parallel_loop3A_766 : vector<16xf32>
        %parallel_loop3A_777 = arith.mulf %parallel_loop3A_757, %parallel_loop3A_769 : vector<16xf32>
        %parallel_loop3A_778 = arith.addf %parallel_loop3A_776, %parallel_loop3A_777 : vector<16xf32>
        %parallel_loop3A_779 = arith.mulf %parallel_loop3A_760, %parallel_loop3A_772 : vector<16xf32>
        %parallel_loop3A_780 = arith.mulf %parallel_loop3A_763, %parallel_loop3A_775 : vector<16xf32>
        %parallel_loop3A_781 = arith.addf %parallel_loop3A_779, %parallel_loop3A_780 : vector<16xf32>
        %parallel_loop3A_782 = arith.addf %parallel_loop3A_778, %parallel_loop3A_781 : vector<16xf32>
        %parallel_loop3A_783 = arith.mulf %parallel_loop3A_757, %parallel_loop3A_766 : vector<16xf32>
        %parallel_loop3A_784 = arith.mulf %parallel_loop3A_754, %parallel_loop3A_769 : vector<16xf32>
        %parallel_loop3A_785 = arith.subf %parallel_loop3A_783, %parallel_loop3A_784 : vector<16xf32>
        %parallel_loop3A_786 = arith.mulf %parallel_loop3A_763, %parallel_loop3A_772 : vector<16xf32>
        %parallel_loop3A_787 = arith.mulf %parallel_loop3A_760, %parallel_loop3A_775 : vector<16xf32>
        %parallel_loop3A_788 = arith.subf %parallel_loop3A_786, %parallel_loop3A_787 : vector<16xf32>
        %parallel_loop3A_789 = arith.addf %parallel_loop3A_785, %parallel_loop3A_788 : vector<16xf32>
        %parallel_loop3A_790 = arith.mulf %parallel_loop3A_760, %parallel_loop3A_766 : vector<16xf32>
        %parallel_loop3A_791 = arith.mulf %parallel_loop3A_754, %parallel_loop3A_772 : vector<16xf32>
        %parallel_loop3A_792 = arith.subf %parallel_loop3A_790, %parallel_loop3A_791 : vector<16xf32>
        %parallel_loop3A_793 = arith.mulf %parallel_loop3A_757, %parallel_loop3A_775 : vector<16xf32>
        %parallel_loop3A_794 = arith.mulf %parallel_loop3A_763, %parallel_loop3A_769 : vector<16xf32>
        %parallel_loop3A_795 = arith.subf %parallel_loop3A_793, %parallel_loop3A_794 : vector<16xf32>
        %parallel_loop3A_796 = arith.addf %parallel_loop3A_792, %parallel_loop3A_795 : vector<16xf32>
        %parallel_loop3A_797 = arith.mulf %parallel_loop3A_763, %parallel_loop3A_766 : vector<16xf32>
        %parallel_loop3A_798 = arith.mulf %parallel_loop3A_754, %parallel_loop3A_775 : vector<16xf32>
        %parallel_loop3A_799 = arith.subf %parallel_loop3A_797, %parallel_loop3A_798 : vector<16xf32>
        %parallel_loop3A_800 = arith.mulf %parallel_loop3A_760, %parallel_loop3A_769 : vector<16xf32>
        %parallel_loop3A_801 = arith.mulf %parallel_loop3A_757, %parallel_loop3A_772 : vector<16xf32>
        %parallel_loop3A_802 = arith.subf %parallel_loop3A_800, %parallel_loop3A_801 : vector<16xf32>
        %parallel_loop3A_803 = arith.addf %parallel_loop3A_799, %parallel_loop3A_802 : vector<16xf32>
        %parallel_loop3A_804 = arith.constant 24 : i32
        %parallel_loop3A_805 = vector.broadcast %parallel_loop3A_804 : i32 to vector<16xi32>
        tpu.vector_store_idx %arg18[%parallel_loop3A_391, %parallel_loop3A_805], %parallel_loop3A_782 : memref<512x32xf32, #tpu.memory_space<vmem>>[vector<16xi32>, vector<16xi32>], vector<16xf32>,
        %parallel_loop3A_806 = arith.constant 25 : i32
        %parallel_loop3A_807 = vector.broadcast %parallel_loop3A_806 : i32 to vector<16xi32>
        tpu.vector_store_idx %arg18[%parallel_loop3A_391, %parallel_loop3A_807], %parallel_loop3A_789 : memref<512x32xf32, #tpu.memory_space<vmem>>[vector<16xi32>, vector<16xi32>], vector<16xf32>,
        %parallel_loop3A_808 = arith.constant 26 : i32
        %parallel_loop3A_809 = vector.broadcast %parallel_loop3A_808 : i32 to vector<16xi32>
        tpu.vector_store_idx %arg18[%parallel_loop3A_391, %parallel_loop3A_809], %parallel_loop3A_796 : memref<512x32xf32, #tpu.memory_space<vmem>>[vector<16xi32>, vector<16xi32>], vector<16xf32>,
        %parallel_loop3A_810 = arith.constant 27 : i32
        %parallel_loop3A_811 = vector.broadcast %parallel_loop3A_810 : i32 to vector<16xi32>
        tpu.vector_store_idx %arg18[%parallel_loop3A_391, %parallel_loop3A_811], %parallel_loop3A_803 : memref<512x32xf32, #tpu.memory_space<vmem>>[vector<16xi32>, vector<16xi32>], vector<16xf32>,
        %parallel_loop3A_812 = arith.constant 28 : i32
        %parallel_loop3A_813 = vector.broadcast %parallel_loop3A_812 : i32 to vector<16xi32>
        %parallel_loop3A_814 = tpu.vector_load_idx %arg14[%parallel_loop3A_391, %parallel_loop3A_813] : memref<512x32xf32, #tpu.memory_space<vmem>>[vector<16xi32>, vector<16xi32>], vector<16xf32>,
        %parallel_loop3A_815 = arith.constant 29 : i32
        %parallel_loop3A_816 = vector.broadcast %parallel_loop3A_815 : i32 to vector<16xi32>
        %parallel_loop3A_817 = tpu.vector_load_idx %arg14[%parallel_loop3A_391, %parallel_loop3A_816] : memref<512x32xf32, #tpu.memory_space<vmem>>[vector<16xi32>, vector<16xi32>], vector<16xf32>,
        %parallel_loop3A_818 = arith.constant 30 : i32
        %parallel_loop3A_819 = vector.broadcast %parallel_loop3A_818 : i32 to vector<16xi32>
        %parallel_loop3A_820 = tpu.vector_load_idx %arg14[%parallel_loop3A_391, %parallel_loop3A_819] : memref<512x32xf32, #tpu.memory_space<vmem>>[vector<16xi32>, vector<16xi32>], vector<16xf32>,
        %parallel_loop3A_821 = arith.constant 31 : i32
        %parallel_loop3A_822 = vector.broadcast %parallel_loop3A_821 : i32 to vector<16xi32>
        %parallel_loop3A_823 = tpu.vector_load_idx %arg14[%parallel_loop3A_391, %parallel_loop3A_822] : memref<512x32xf32, #tpu.memory_space<vmem>>[vector<16xi32>, vector<16xi32>], vector<16xf32>,
        %parallel_loop3A_824 = arith.constant 28 : i32
        %parallel_loop3A_825 = vector.broadcast %parallel_loop3A_824 : i32 to vector<16xi32>
        %parallel_loop3A_826 = tpu.vector_load_idx %arg16[%parallel_loop3A_391, %parallel_loop3A_825] : memref<512x32xf32, #tpu.memory_space<vmem>>[vector<16xi32>, vector<16xi32>], vector<16xf32>,
        %parallel_loop3A_827 = arith.constant 29 : i32
        %parallel_loop3A_828 = vector.broadcast %parallel_loop3A_827 : i32 to vector<16xi32>
        %parallel_loop3A_829 = tpu.vector_load_idx %arg16[%parallel_loop3A_391, %parallel_loop3A_828] : memref<512x32xf32, #tpu.memory_space<vmem>>[vector<16xi32>, vector<16xi32>], vector<16xf32>,
        %parallel_loop3A_830 = arith.constant 30 : i32
        %parallel_loop3A_831 = vector.broadcast %parallel_loop3A_830 : i32 to vector<16xi32>
        %parallel_loop3A_832 = tpu.vector_load_idx %arg16[%parallel_loop3A_391, %parallel_loop3A_831] : memref<512x32xf32, #tpu.memory_space<vmem>>[vector<16xi32>, vector<16xi32>], vector<16xf32>,
        %parallel_loop3A_833 = arith.constant 31 : i32
        %parallel_loop3A_834 = vector.broadcast %parallel_loop3A_833 : i32 to vector<16xi32>
        %parallel_loop3A_835 = tpu.vector_load_idx %arg16[%parallel_loop3A_391, %parallel_loop3A_834] : memref<512x32xf32, #tpu.memory_space<vmem>>[vector<16xi32>, vector<16xi32>], vector<16xf32>,
        %parallel_loop3A_836 = arith.mulf %parallel_loop3A_814, %parallel_loop3A_826 : vector<16xf32>
        %parallel_loop3A_837 = arith.mulf %parallel_loop3A_817, %parallel_loop3A_829 : vector<16xf32>
        %parallel_loop3A_838 = arith.addf %parallel_loop3A_836, %parallel_loop3A_837 : vector<16xf32>
        %parallel_loop3A_839 = arith.mulf %parallel_loop3A_820, %parallel_loop3A_832 : vector<16xf32>
        %parallel_loop3A_840 = arith.mulf %parallel_loop3A_823, %parallel_loop3A_835 : vector<16xf32>
        %parallel_loop3A_841 = arith.addf %parallel_loop3A_839, %parallel_loop3A_840 : vector<16xf32>
        %parallel_loop3A_842 = arith.addf %parallel_loop3A_838, %parallel_loop3A_841 : vector<16xf32>
        %parallel_loop3A_843 = arith.mulf %parallel_loop3A_817, %parallel_loop3A_826 : vector<16xf32>
        %parallel_loop3A_844 = arith.mulf %parallel_loop3A_814, %parallel_loop3A_829 : vector<16xf32>
        %parallel_loop3A_845 = arith.subf %parallel_loop3A_843, %parallel_loop3A_844 : vector<16xf32>
        %parallel_loop3A_846 = arith.mulf %parallel_loop3A_823, %parallel_loop3A_832 : vector<16xf32>
        %parallel_loop3A_847 = arith.mulf %parallel_loop3A_820, %parallel_loop3A_835 : vector<16xf32>
        %parallel_loop3A_848 = arith.subf %parallel_loop3A_846, %parallel_loop3A_847 : vector<16xf32>
        %parallel_loop3A_849 = arith.addf %parallel_loop3A_845, %parallel_loop3A_848 : vector<16xf32>
        %parallel_loop3A_850 = arith.mulf %parallel_loop3A_820, %parallel_loop3A_826 : vector<16xf32>
        %parallel_loop3A_851 = arith.mulf %parallel_loop3A_814, %parallel_loop3A_832 : vector<16xf32>
        %parallel_loop3A_852 = arith.subf %parallel_loop3A_850, %parallel_loop3A_851 : vector<16xf32>
        %parallel_loop3A_853 = arith.mulf %parallel_loop3A_817, %parallel_loop3A_835 : vector<16xf32>
        %parallel_loop3A_854 = arith.mulf %parallel_loop3A_823, %parallel_loop3A_829 : vector<16xf32>
        %parallel_loop3A_855 = arith.subf %parallel_loop3A_853, %parallel_loop3A_854 : vector<16xf32>
        %parallel_loop3A_856 = arith.addf %parallel_loop3A_852, %parallel_loop3A_855 : vector<16xf32>
        %parallel_loop3A_857 = arith.mulf %parallel_loop3A_823, %parallel_loop3A_826 : vector<16xf32>
        %parallel_loop3A_858 = arith.mulf %parallel_loop3A_814, %parallel_loop3A_835 : vector<16xf32>
        %parallel_loop3A_859 = arith.subf %parallel_loop3A_857, %parallel_loop3A_858 : vector<16xf32>
        %parallel_loop3A_860 = arith.mulf %parallel_loop3A_820, %parallel_loop3A_829 : vector<16xf32>
        %parallel_loop3A_861 = arith.mulf %parallel_loop3A_817, %parallel_loop3A_832 : vector<16xf32>
        %parallel_loop3A_862 = arith.subf %parallel_loop3A_860, %parallel_loop3A_861 : vector<16xf32>
        %parallel_loop3A_863 = arith.addf %parallel_loop3A_859, %parallel_loop3A_862 : vector<16xf32>
        %parallel_loop3A_864 = arith.constant 28 : i32
        %parallel_loop3A_865 = vector.broadcast %parallel_loop3A_864 : i32 to vector<16xi32>
        tpu.vector_store_idx %arg18[%parallel_loop3A_391, %parallel_loop3A_865], %parallel_loop3A_842 : memref<512x32xf32, #tpu.memory_space<vmem>>[vector<16xi32>, vector<16xi32>], vector<16xf32>,
        %parallel_loop3A_866 = arith.constant 29 : i32
        %parallel_loop3A_867 = vector.broadcast %parallel_loop3A_866 : i32 to vector<16xi32>
        tpu.vector_store_idx %arg18[%parallel_loop3A_391, %parallel_loop3A_867], %parallel_loop3A_849 : memref<512x32xf32, #tpu.memory_space<vmem>>[vector<16xi32>, vector<16xi32>], vector<16xf32>,
        %parallel_loop3A_868 = arith.constant 30 : i32
        %parallel_loop3A_869 = vector.broadcast %parallel_loop3A_868 : i32 to vector<16xi32>
        tpu.vector_store_idx %arg18[%parallel_loop3A_391, %parallel_loop3A_869], %parallel_loop3A_856 : memref<512x32xf32, #tpu.memory_space<vmem>>[vector<16xi32>, vector<16xi32>], vector<16xf32>,
        %parallel_loop3A_870 = arith.constant 31 : i32
        %parallel_loop3A_871 = vector.broadcast %parallel_loop3A_870 : i32 to vector<16xi32>
        tpu.vector_store_idx %arg18[%parallel_loop3A_391, %parallel_loop3A_871], %parallel_loop3A_863 : memref<512x32xf32, #tpu.memory_space<vmem>>[vector<16xi32>, vector<16xi32>], vector<16xf32>,
      } {sc.loop_unroll_factor = 1 : i64, sc.parallel_access}
      %dma_start3A_337 = arith.constant 0 : i32
      %dma_start3A_338 = arith.constant 0 : i32
      %dma_start3A_339 = tpu.memref_slice %arg18[%dma_start3A_337, %dma_start3A_338] : memref<512x32xf32, #tpu.memory_space<vmem>> -> memref<500x32xf32, #tpu.memory_space<vmem>>
      %dma_start3A_340 = arith.constant 0 : i32
      %dma_start3A_341 = tpu.memref_slice %arg5[%add3A_53, %dma_start3A_340] : memref<800000x32xf32, #tpu.memory_space<hbm>> -> memref<500x32xf32, #tpu.memory_space<hbm>>
      %dma_start3A_342 = arith.constant 0 : i32
      %dma_start3A_343 = tpu.memref_slice %arg5[%add3A_53, %dma_start3A_342] : memref<800000x32xf32, #tpu.memory_space<hbm>> -> memref<500x32xf32, #tpu.memory_space<hbm>>
      %dma_start3A_344 = arith.constant 0 : i32
      %dma_start3A_345 = arith.constant 0 : i32
      %dma_start3A_346 = tpu.memref_slice %arg18[%dma_start3A_344, %dma_start3A_345] : memref<512x32xf32, #tpu.memory_space<vmem>> -> memref<500x32xf32, #tpu.memory_space<vmem>>
      tpu.enqueue_dma source(%dma_start3A_346 : memref<500x32xf32, #tpu.memory_space<vmem>>) target(%dma_start3A_343 : memref<500x32xf32, #tpu.memory_space<hbm>>) target_semaphore(%arg23 : memref<!tpu.dma_semaphore, #tpu.memory_space<semaphore_mem>>)
      %mul3A_347 = arith.constant 8 : i32
      %mul3A_348 = arith.muli %add3A_53, %mul3A_347 : i32
      %dma_start3A_349 = arith.constant 0 : i32
      %dma_start3A_350 = tpu.memref_slice %arg19[%dma_start3A_349] : memref<4000xf32, #tpu.memory_space<vmem>> -> memref<4000xf32, #tpu.memory_space<vmem>>
      %dma_start3A_351 = tpu.memref_slice %arg6[%mul3A_348] : memref<6400000xf32, #tpu.memory_space<hbm>> -> memref<4000xf32, #tpu.memory_space<hbm>>
      %dma_start3A_352 = tpu.memref_slice %arg6[%mul3A_348] : memref<6400000xf32, #tpu.memory_space<hbm>> -> memref<4000xf32, #tpu.memory_space<hbm>>
      %dma_start3A_353 = arith.constant 0 : i32
      %dma_start3A_354 = tpu.memref_slice %arg19[%dma_start3A_353] : memref<4000xf32, #tpu.memory_space<vmem>> -> memref<4000xf32, #tpu.memory_space<vmem>>
      tpu.enqueue_dma source(%dma_start3A_354 : memref<4000xf32, #tpu.memory_space<vmem>>) target(%dma_start3A_352 : memref<4000xf32, #tpu.memory_space<hbm>>) target_semaphore(%arg23 : memref<!tpu.dma_semaphore, #tpu.memory_space<semaphore_mem>>)
      %dma_wait3A_355 = arith.constant 0 : i32
      %dma_wait3A_356 = arith.constant 0 : i32
      %dma_wait3A_357 = tpu.memref_slice %arg17[%dma_wait3A_355, %dma_wait3A_356] : memref<512x32xf32, #tpu.memory_space<vmem>> -> memref<500x32xf32, #tpu.memory_space<vmem>>
      %dma_wait3A_358 = arith.constant 0 : i32
      %dma_wait3A_359 = tpu.memref_slice %arg5[%add3A_51, %dma_wait3A_358] : memref<800000x32xf32, #tpu.memory_space<hbm>> -> memref<500x32xf32, #tpu.memory_space<hbm>>
      %dma_wait3A_360 = arith.constant 0 : i32
      %dma_wait3A_361 = tpu.memref_slice %arg5[%add3A_51, %dma_wait3A_360] : memref<800000x32xf32, #tpu.memory_space<hbm>> -> memref<500x32xf32, #tpu.memory_space<hbm>>
      %dma_wait3A_362 = arith.constant 0 : i32
      %dma_wait3A_363 = arith.constant 0 : i32
      %dma_wait3A_364 = tpu.memref_slice %arg17[%dma_wait3A_362, %dma_wait3A_363] : memref<512x32xf32, #tpu.memory_space<vmem>> -> memref<500x32xf32, #tpu.memory_space<vmem>>
      tpu.wait_dma2 semaphore(%arg23 : memref<!tpu.dma_semaphore, #tpu.memory_space<semaphore_mem>>) src(%dma_wait3A_364 : memref<500x32xf32, #tpu.memory_space<vmem>>) dst(%dma_wait3A_361 : memref<500x32xf32, #tpu.memory_space<hbm>>)
      %dma_wait3A_365 = arith.constant 0 : i32
      %dma_wait3A_366 = tpu.memref_slice %arg19[%dma_wait3A_365] : memref<4000xf32, #tpu.memory_space<vmem>> -> memref<4000xf32, #tpu.memory_space<vmem>>
      %dma_wait3A_367 = tpu.memref_slice %arg6[%mul3A_263] : memref<6400000xf32, #tpu.memory_space<hbm>> -> memref<4000xf32, #tpu.memory_space<hbm>>
      %dma_wait3A_368 = tpu.memref_slice %arg6[%mul3A_263] : memref<6400000xf32, #tpu.memory_space<hbm>> -> memref<4000xf32, #tpu.memory_space<hbm>>
      %dma_wait3A_369 = arith.constant 0 : i32
      %dma_wait3A_370 = tpu.memref_slice %arg19[%dma_wait3A_369] : memref<4000xf32, #tpu.memory_space<vmem>> -> memref<4000xf32, #tpu.memory_space<vmem>>
      tpu.wait_dma2 semaphore(%arg23 : memref<!tpu.dma_semaphore, #tpu.memory_space<semaphore_mem>>) src(%dma_wait3A_370 : memref<4000xf32, #tpu.memory_space<vmem>>) dst(%dma_wait3A_368 : memref<4000xf32, #tpu.memory_space<hbm>>)
      %dma_wait3A_371 = arith.constant 0 : i32
      %dma_wait3A_372 = arith.constant 0 : i32
      %dma_wait3A_373 = tpu.memref_slice %arg18[%dma_wait3A_371, %dma_wait3A_372] : memref<512x32xf32, #tpu.memory_space<vmem>> -> memref<500x32xf32, #tpu.memory_space<vmem>>
      %dma_wait3A_374 = arith.constant 0 : i32
      %dma_wait3A_375 = tpu.memref_slice %arg5[%add3A_53, %dma_wait3A_374] : memref<800000x32xf32, #tpu.memory_space<hbm>> -> memref<500x32xf32, #tpu.memory_space<hbm>>
      %dma_wait3A_376 = arith.constant 0 : i32
      %dma_wait3A_377 = tpu.memref_slice %arg5[%add3A_53, %dma_wait3A_376] : memref<800000x32xf32, #tpu.memory_space<hbm>> -> memref<500x32xf32, #tpu.memory_space<hbm>>
      %dma_wait3A_378 = arith.constant 0 : i32
      %dma_wait3A_379 = arith.constant 0 : i32
      %dma_wait3A_380 = tpu.memref_slice %arg18[%dma_wait3A_378, %dma_wait3A_379] : memref<512x32xf32, #tpu.memory_space<vmem>> -> memref<500x32xf32, #tpu.memory_space<vmem>>
      tpu.wait_dma2 semaphore(%arg23 : memref<!tpu.dma_semaphore, #tpu.memory_space<semaphore_mem>>) src(%dma_wait3A_380 : memref<500x32xf32, #tpu.memory_space<vmem>>) dst(%dma_wait3A_377 : memref<500x32xf32, #tpu.memory_space<hbm>>)
      %dma_wait3A_381 = arith.constant 0 : i32
      %dma_wait3A_382 = tpu.memref_slice %arg19[%dma_wait3A_381] : memref<4000xf32, #tpu.memory_space<vmem>> -> memref<4000xf32, #tpu.memory_space<vmem>>
      %dma_wait3A_383 = tpu.memref_slice %arg6[%mul3A_348] : memref<6400000xf32, #tpu.memory_space<hbm>> -> memref<4000xf32, #tpu.memory_space<hbm>>
      %dma_wait3A_384 = tpu.memref_slice %arg6[%mul3A_348] : memref<6400000xf32, #tpu.memory_space<hbm>> -> memref<4000xf32, #tpu.memory_space<hbm>>
      %dma_wait3A_385 = arith.constant 0 : i32
      %dma_wait3A_386 = tpu.memref_slice %arg19[%dma_wait3A_385] : memref<4000xf32, #tpu.memory_space<vmem>> -> memref<4000xf32, #tpu.memory_space<vmem>>
      tpu.wait_dma2 semaphore(%arg23 : memref<!tpu.dma_semaphore, #tpu.memory_space<semaphore_mem>>) src(%dma_wait3A_386 : memref<4000xf32, #tpu.memory_space<vmem>>) dst(%dma_wait3A_384 : memref<4000xf32, #tpu.memory_space<hbm>>)
    }
    %while3A_45 = arith.constant 1 : i32
    scf.for %while3A_46 = %while3A_43 to %while3A_39 step %while3A_45  : i32 {
      %mul3A_47 = arith.constant 25000 : i32
      %mul3A_48 = arith.muli %add3A, %mul3A_47 : i32
      %mul3A_49 = arith.constant 1000 : i32
      %mul3A_50 = arith.muli %while3A_46, %mul3A_49 : i32
      %add3A_51 = arith.addi %mul3A_48, %mul3A_50 : i32
      %add3A_52 = arith.constant 500 : i32
      %add3A_53 = arith.addi %add3A_51, %add3A_52 : i32
      "tpu.region"() ({
        %run_scoped3A = tpu.sem_alloc : memref<!tpu.dma_semaphore, #tpu.memory_space<semaphore_mem>>
        %dma_start3A_387 = arith.constant 0 : i32
        %dma_start3A_388 = arith.constant 0 : i32
        %dma_start3A_389 = tpu.memref_slice %arg7[%dma_start3A_387, %dma_start3A_388] : memref<512x2xi32, #tpu.memory_space<vmem>> -> memref<500x2xi32, #tpu.memory_space<vmem>>
        %dma_start3A_390 = arith.constant 0 : i32
        %dma_start3A_391 = tpu.memref_slice %arg3[%add3A_51, %dma_start3A_390] : memref<800000x2xi32, #tpu.memory_space<hbm>> -> memref<500x2xi32, #tpu.memory_space<hbm>>
        %dma_start3A_392 = arith.constant 0 : i32
        %dma_start3A_393 = arith.constant 0 : i32
        %dma_start3A_394 = tpu.memref_slice %arg7[%dma_start3A_392, %dma_start3A_393] : memref<512x2xi32, #tpu.memory_space<vmem>> -> memref<500x2xi32, #tpu.memory_space<vmem>>
        %dma_start3A_395 = arith.constant 0 : i32
        %dma_start3A_396 = tpu.memref_slice %arg3[%add3A_51, %dma_start3A_395] : memref<800000x2xi32, #tpu.memory_space<hbm>> -> memref<500x2xi32, #tpu.memory_space<hbm>>
        tpu.enqueue_dma source(%dma_start3A_396 : memref<500x2xi32, #tpu.memory_space<hbm>>) target(%dma_start3A_394 : memref<500x2xi32, #tpu.memory_space<vmem>>) target_semaphore(%run_scoped3A : memref<!tpu.dma_semaphore, #tpu.memory_space<semaphore_mem>>)
        %dma_wait3A_397 = arith.constant 0 : i32
        %dma_wait3A_398 = arith.constant 0 : i32
        %dma_wait3A_399 = tpu.memref_slice %arg7[%dma_wait3A_397, %dma_wait3A_398] : memref<512x2xi32, #tpu.memory_space<vmem>> -> memref<500x2xi32, #tpu.memory_space<vmem>>
        %dma_wait3A_400 = arith.constant 0 : i32
        %dma_wait3A_401 = tpu.memref_slice %arg3[%add3A_51, %dma_wait3A_400] : memref<800000x2xi32, #tpu.memory_space<hbm>> -> memref<500x2xi32, #tpu.memory_space<hbm>>
        %dma_wait3A_402 = arith.constant 0 : i32
        %dma_wait3A_403 = arith.constant 0 : i32
        %dma_wait3A_404 = tpu.memref_slice %arg7[%dma_wait3A_402, %dma_wait3A_403] : memref<512x2xi32, #tpu.memory_space<vmem>> -> memref<500x2xi32, #tpu.memory_space<vmem>>
        %dma_wait3A_405 = arith.constant 0 : i32
        %dma_wait3A_406 = tpu.memref_slice %arg3[%add3A_51, %dma_wait3A_405] : memref<800000x2xi32, #tpu.memory_space<hbm>> -> memref<500x2xi32, #tpu.memory_space<hbm>>
        tpu.wait_dma2 semaphore(%run_scoped3A : memref<!tpu.dma_semaphore, #tpu.memory_space<semaphore_mem>>) src(%dma_wait3A_406 : memref<500x2xi32, #tpu.memory_space<hbm>>) dst(%dma_wait3A_404 : memref<500x2xi32, #tpu.memory_space<vmem>>)
        tpu.yield
      }) : () -> ()
      "tpu.region"() ({
        %run_scoped3A = tpu.sem_alloc : memref<!tpu.dma_semaphore, #tpu.memory_space<semaphore_mem>>
        %dma_start3A_387 = arith.constant 0 : i32
        %dma_start3A_388 = arith.constant 0 : i32
        %dma_start3A_389 = tpu.memref_slice %arg8[%dma_start3A_387, %dma_start3A_388] : memref<512x2xi32, #tpu.memory_space<vmem>> -> memref<500x2xi32, #tpu.memory_space<vmem>>
        %dma_start3A_390 = arith.constant 0 : i32
        %dma_start3A_391 = tpu.memref_slice %arg3[%add3A_53, %dma_start3A_390] : memref<800000x2xi32, #tpu.memory_space<hbm>> -> memref<500x2xi32, #tpu.memory_space<hbm>>
        %dma_start3A_392 = arith.constant 0 : i32
        %dma_start3A_393 = arith.constant 0 : i32
        %dma_start3A_394 = tpu.memref_slice %arg8[%dma_start3A_392, %dma_start3A_393] : memref<512x2xi32, #tpu.memory_space<vmem>> -> memref<500x2xi32, #tpu.memory_space<vmem>>
        %dma_start3A_395 = arith.constant 0 : i32
        %dma_start3A_396 = tpu.memref_slice %arg3[%add3A_53, %dma_start3A_395] : memref<800000x2xi32, #tpu.memory_space<hbm>> -> memref<500x2xi32, #tpu.memory_space<hbm>>
        tpu.enqueue_dma source(%dma_start3A_396 : memref<500x2xi32, #tpu.memory_space<hbm>>) target(%dma_start3A_394 : memref<500x2xi32, #tpu.memory_space<vmem>>) target_semaphore(%run_scoped3A : memref<!tpu.dma_semaphore, #tpu.memory_space<semaphore_mem>>)
        %dma_wait3A_397 = arith.constant 0 : i32
        %dma_wait3A_398 = arith.constant 0 : i32
        %dma_wait3A_399 = tpu.memref_slice %arg8[%dma_wait3A_397, %dma_wait3A_398] : memref<512x2xi32, #tpu.memory_space<vmem>> -> memref<500x2xi32, #tpu.memory_space<vmem>>
        %dma_wait3A_400 = arith.constant 0 : i32
        %dma_wait3A_401 = tpu.memref_slice %arg3[%add3A_53, %dma_wait3A_400] : memref<800000x2xi32, #tpu.memory_space<hbm>> -> memref<500x2xi32, #tpu.memory_space<hbm>>
        %dma_wait3A_402 = arith.constant 0 : i32
        %dma_wait3A_403 = arith.constant 0 : i32
        %dma_wait3A_404 = tpu.memref_slice %arg8[%dma_wait3A_402, %dma_wait3A_403] : memref<512x2xi32, #tpu.memory_space<vmem>> -> memref<500x2xi32, #tpu.memory_space<vmem>>
        %dma_wait3A_405 = arith.constant 0 : i32
        %dma_wait3A_406 = tpu.memref_slice %arg3[%add3A_53, %dma_wait3A_405] : memref<800000x2xi32, #tpu.memory_space<hbm>> -> memref<500x2xi32, #tpu.memory_space<hbm>>
        tpu.wait_dma2 semaphore(%run_scoped3A : memref<!tpu.dma_semaphore, #tpu.memory_space<semaphore_mem>>) src(%dma_wait3A_406 : memref<500x2xi32, #tpu.memory_space<hbm>>) dst(%dma_wait3A_404 : memref<500x2xi32, #tpu.memory_space<vmem>>)
        tpu.yield
      }) : () -> ()
      %parallel_loop3A = arith.constant 0 : i32
      %parallel_loop3A_54 = arith.constant 32 : i32
      %parallel_loop3A_55 = arith.constant 1 : i32
      scf.for %parallel_loop3A_387 = %parallel_loop3A to %parallel_loop3A_54 step %parallel_loop3A_55  : i32 {
        %parallel_loop3A_388 = arith.constant 16 : i32
        %parallel_loop3A_389 = arith.muli %parallel_loop3A_387, %parallel_loop3A_388 : i32
        %parallel_loop3A_390 = vector.broadcast %parallel_loop3A_389 : i32 to vector<16xi32>
        %parallel_loop3A_391 = arith.addi %parallel_loop3A_390, %iota3A : vector<16xi32>
        %parallel_loop3A_392 = tpu.vector_load_idx %arg7[%parallel_loop3A_391, %broadcast_in_dim3A_3] : memref<512x2xi32, #tpu.memory_space<vmem>>[vector<16xi32>, vector<16xi32>], vector<16xi32>,
        %parallel_loop3A_393 = arith.index_cast %parallel_loop3A_389 : i32 to index
        %parallel_loop3A_394 = tpu.vector_load %arg9[%parallel_loop3A_393] {strides = array<i32>} : memref<512xi32, #tpu.memory_space<vmem>>, vector<16xi32>,
        tpu.vector_store %arg9[%parallel_loop3A_393], %parallel_loop3A_392 {strides = array<i32>} : memref<512xi32, #tpu.memory_space<vmem>>, vector<16xi32>,
        %parallel_loop3A_395 = tpu.vector_load_idx %arg7[%parallel_loop3A_391, %broadcast_in_dim3A_5] : memref<512x2xi32, #tpu.memory_space<vmem>>[vector<16xi32>, vector<16xi32>], vector<16xi32>,
        %parallel_loop3A_396 = arith.index_cast %parallel_loop3A_389 : i32 to index
        %parallel_loop3A_397 = tpu.vector_load %arg11[%parallel_loop3A_396] {strides = array<i32>} : memref<512xi32, #tpu.memory_space<vmem>>, vector<16xi32>,
        tpu.vector_store %arg11[%parallel_loop3A_396], %parallel_loop3A_395 {strides = array<i32>} : memref<512xi32, #tpu.memory_space<vmem>>, vector<16xi32>,
      } {sc.loop_unroll_factor = 1 : i64, sc.parallel_access}
      %parallel_loop3A_56 = arith.constant 0 : i32
      %parallel_loop3A_57 = arith.constant 32 : i32
      %parallel_loop3A_58 = arith.constant 1 : i32
      scf.for %parallel_loop3A_387 = %parallel_loop3A_56 to %parallel_loop3A_57 step %parallel_loop3A_58  : i32 {
        %parallel_loop3A_388 = arith.constant 16 : i32
        %parallel_loop3A_389 = arith.muli %parallel_loop3A_387, %parallel_loop3A_388 : i32
        %parallel_loop3A_390 = vector.broadcast %parallel_loop3A_389 : i32 to vector<16xi32>
        %parallel_loop3A_391 = arith.addi %parallel_loop3A_390, %iota3A : vector<16xi32>
        %parallel_loop3A_392 = tpu.vector_load_idx %arg8[%parallel_loop3A_391, %broadcast_in_dim3A_3] : memref<512x2xi32, #tpu.memory_space<vmem>>[vector<16xi32>, vector<16xi32>], vector<16xi32>,
        %parallel_loop3A_393 = arith.index_cast %parallel_loop3A_389 : i32 to index
        %parallel_loop3A_394 = tpu.vector_load %arg10[%parallel_loop3A_393] {strides = array<i32>} : memref<512xi32, #tpu.memory_space<vmem>>, vector<16xi32>,
        tpu.vector_store %arg10[%parallel_loop3A_393], %parallel_loop3A_392 {strides = array<i32>} : memref<512xi32, #tpu.memory_space<vmem>>, vector<16xi32>,
        %parallel_loop3A_395 = tpu.vector_load_idx %arg8[%parallel_loop3A_391, %broadcast_in_dim3A_5] : memref<512x2xi32, #tpu.memory_space<vmem>>[vector<16xi32>, vector<16xi32>], vector<16xi32>,
        %parallel_loop3A_396 = arith.index_cast %parallel_loop3A_389 : i32 to index
        %parallel_loop3A_397 = tpu.vector_load %arg12[%parallel_loop3A_396] {strides = array<i32>} : memref<512xi32, #tpu.memory_space<vmem>>, vector<16xi32>,
        tpu.vector_store %arg12[%parallel_loop3A_396], %parallel_loop3A_395 {strides = array<i32>} : memref<512xi32, #tpu.memory_space<vmem>>, vector<16xi32>,
      } {sc.loop_unroll_factor = 1 : i64, sc.parallel_access}
      %dma_start3A = arith.constant 0 : i32
      %dma_start3A_59 = arith.constant 0 : i32
      %dma_start3A_60 = tpu.memref_slice %arg13[%dma_start3A, %dma_start3A_59] : memref<512x32xf32, #tpu.memory_space<vmem>> -> memref<128x32xf32, #tpu.memory_space<vmem>>
      %dma_start3A_61 = arith.constant 0 : i32
      %dma_start3A_62 = tpu.memref_slice %arg9[%dma_start3A_61] : memref<512xi32, #tpu.memory_space<vmem>> -> memref<128xi32, #tpu.memory_space<vmem>>
      %dma_start3A_63 = arith.constant 0 : i32
      %dma_start3A_64 = arith.constant 0 : i32
      %dma_start3A_65 = tpu.memref_slice %arg2[%dma_start3A_63, %dma_start3A_64] : memref<50000x32xf32, #tpu.memory_space<hbm>> -> memref<50000x32xf32, #tpu.memory_space<hbm>>
      tpu.enqueue_indirect_dma source(%dma_start3A_65 : memref<50000x32xf32, #tpu.memory_space<hbm>>) target(%dma_start3A_60 : memref<128x32xf32, #tpu.memory_space<vmem>>) offsets(%dma_start3A_62 : memref<128xi32, #tpu.memory_space<vmem>>) semaphore(%arg21 : memref<!tpu.dma_semaphore, #tpu.memory_space<semaphore_mem>>)
      %dma_start3A_66 = arith.constant 0 : i32
      %dma_start3A_67 = arith.constant 0 : i32
      %dma_start3A_68 = tpu.memref_slice %arg15[%dma_start3A_66, %dma_start3A_67] : memref<512x32xf32, #tpu.memory_space<vmem>> -> memref<128x32xf32, #tpu.memory_space<vmem>>
      %dma_start3A_69 = arith.constant 0 : i32
      %dma_start3A_70 = tpu.memref_slice %arg11[%dma_start3A_69] : memref<512xi32, #tpu.memory_space<vmem>> -> memref<128xi32, #tpu.memory_space<vmem>>
      %dma_start3A_71 = arith.constant 0 : i32
      %dma_start3A_72 = arith.constant 0 : i32
      %dma_start3A_73 = tpu.memref_slice %arg2[%dma_start3A_71, %dma_start3A_72] : memref<50000x32xf32, #tpu.memory_space<hbm>> -> memref<50000x32xf32, #tpu.memory_space<hbm>>
      tpu.enqueue_indirect_dma source(%dma_start3A_73 : memref<50000x32xf32, #tpu.memory_space<hbm>>) target(%dma_start3A_68 : memref<128x32xf32, #tpu.memory_space<vmem>>) offsets(%dma_start3A_70 : memref<128xi32, #tpu.memory_space<vmem>>) semaphore(%arg21 : memref<!tpu.dma_semaphore, #tpu.memory_space<semaphore_mem>>)
      %dma_start3A_74 = arith.constant 128 : i32
      %dma_start3A_75 = arith.constant 0 : i32
      %dma_start3A_76 = tpu.memref_slice %arg13[%dma_start3A_74, %dma_start3A_75] : memref<512x32xf32, #tpu.memory_space<vmem>> -> memref<128x32xf32, #tpu.memory_space<vmem>>
      %dma_start3A_77 = arith.constant 128 : i32
      %dma_start3A_78 = tpu.memref_slice %arg9[%dma_start3A_77] : memref<512xi32, #tpu.memory_space<vmem>> -> memref<128xi32, #tpu.memory_space<vmem>>
      %dma_start3A_79 = arith.constant 0 : i32
      %dma_start3A_80 = arith.constant 0 : i32
      %dma_start3A_81 = tpu.memref_slice %arg2[%dma_start3A_79, %dma_start3A_80] : memref<50000x32xf32, #tpu.memory_space<hbm>> -> memref<50000x32xf32, #tpu.memory_space<hbm>>
      tpu.enqueue_indirect_dma source(%dma_start3A_81 : memref<50000x32xf32, #tpu.memory_space<hbm>>) target(%dma_start3A_76 : memref<128x32xf32, #tpu.memory_space<vmem>>) offsets(%dma_start3A_78 : memref<128xi32, #tpu.memory_space<vmem>>) semaphore(%arg21 : memref<!tpu.dma_semaphore, #tpu.memory_space<semaphore_mem>>)
      %dma_start3A_82 = arith.constant 128 : i32
      %dma_start3A_83 = arith.constant 0 : i32
      %dma_start3A_84 = tpu.memref_slice %arg15[%dma_start3A_82, %dma_start3A_83] : memref<512x32xf32, #tpu.memory_space<vmem>> -> memref<128x32xf32, #tpu.memory_space<vmem>>
      %dma_start3A_85 = arith.constant 128 : i32
      %dma_start3A_86 = tpu.memref_slice %arg11[%dma_start3A_85] : memref<512xi32, #tpu.memory_space<vmem>> -> memref<128xi32, #tpu.memory_space<vmem>>
      %dma_start3A_87 = arith.constant 0 : i32
      %dma_start3A_88 = arith.constant 0 : i32
      %dma_start3A_89 = tpu.memref_slice %arg2[%dma_start3A_87, %dma_start3A_88] : memref<50000x32xf32, #tpu.memory_space<hbm>> -> memref<50000x32xf32, #tpu.memory_space<hbm>>
      tpu.enqueue_indirect_dma source(%dma_start3A_89 : memref<50000x32xf32, #tpu.memory_space<hbm>>) target(%dma_start3A_84 : memref<128x32xf32, #tpu.memory_space<vmem>>) offsets(%dma_start3A_86 : memref<128xi32, #tpu.memory_space<vmem>>) semaphore(%arg21 : memref<!tpu.dma_semaphore, #tpu.memory_space<semaphore_mem>>)
      %dma_start3A_90 = arith.constant 256 : i32
      %dma_start3A_91 = arith.constant 0 : i32
      %dma_start3A_92 = tpu.memref_slice %arg13[%dma_start3A_90, %dma_start3A_91] : memref<512x32xf32, #tpu.memory_space<vmem>> -> memref<128x32xf32, #tpu.memory_space<vmem>>
      %dma_start3A_93 = arith.constant 256 : i32
      %dma_start3A_94 = tpu.memref_slice %arg9[%dma_start3A_93] : memref<512xi32, #tpu.memory_space<vmem>> -> memref<128xi32, #tpu.memory_space<vmem>>
      %dma_start3A_95 = arith.constant 0 : i32
      %dma_start3A_96 = arith.constant 0 : i32
      %dma_start3A_97 = tpu.memref_slice %arg2[%dma_start3A_95, %dma_start3A_96] : memref<50000x32xf32, #tpu.memory_space<hbm>> -> memref<50000x32xf32, #tpu.memory_space<hbm>>
      tpu.enqueue_indirect_dma source(%dma_start3A_97 : memref<50000x32xf32, #tpu.memory_space<hbm>>) target(%dma_start3A_92 : memref<128x32xf32, #tpu.memory_space<vmem>>) offsets(%dma_start3A_94 : memref<128xi32, #tpu.memory_space<vmem>>) semaphore(%arg21 : memref<!tpu.dma_semaphore, #tpu.memory_space<semaphore_mem>>)
      %dma_start3A_98 = arith.constant 256 : i32
      %dma_start3A_99 = arith.constant 0 : i32
      %dma_start3A_100 = tpu.memref_slice %arg15[%dma_start3A_98, %dma_start3A_99] : memref<512x32xf32, #tpu.memory_space<vmem>> -> memref<128x32xf32, #tpu.memory_space<vmem>>
      %dma_start3A_101 = arith.constant 256 : i32
      %dma_start3A_102 = tpu.memref_slice %arg11[%dma_start3A_101] : memref<512xi32, #tpu.memory_space<vmem>> -> memref<128xi32, #tpu.memory_space<vmem>>
      %dma_start3A_103 = arith.constant 0 : i32
      %dma_start3A_104 = arith.constant 0 : i32
      %dma_start3A_105 = tpu.memref_slice %arg2[%dma_start3A_103, %dma_start3A_104] : memref<50000x32xf32, #tpu.memory_space<hbm>> -> memref<50000x32xf32, #tpu.memory_space<hbm>>
      tpu.enqueue_indirect_dma source(%dma_start3A_105 : memref<50000x32xf32, #tpu.memory_space<hbm>>) target(%dma_start3A_100 : memref<128x32xf32, #tpu.memory_space<vmem>>) offsets(%dma_start3A_102 : memref<128xi32, #tpu.memory_space<vmem>>) semaphore(%arg21 : memref<!tpu.dma_semaphore, #tpu.memory_space<semaphore_mem>>)
      %dma_start3A_106 = arith.constant 384 : i32
      %dma_start3A_107 = arith.constant 0 : i32
      %dma_start3A_108 = tpu.memref_slice %arg13[%dma_start3A_106, %dma_start3A_107] : memref<512x32xf32, #tpu.memory_space<vmem>> -> memref<128x32xf32, #tpu.memory_space<vmem>>
      %dma_start3A_109 = arith.constant 384 : i32
      %dma_start3A_110 = tpu.memref_slice %arg9[%dma_start3A_109] : memref<512xi32, #tpu.memory_space<vmem>> -> memref<128xi32, #tpu.memory_space<vmem>>
      %dma_start3A_111 = arith.constant 0 : i32
      %dma_start3A_112 = arith.constant 0 : i32
      %dma_start3A_113 = tpu.memref_slice %arg2[%dma_start3A_111, %dma_start3A_112] : memref<50000x32xf32, #tpu.memory_space<hbm>> -> memref<50000x32xf32, #tpu.memory_space<hbm>>
      tpu.enqueue_indirect_dma source(%dma_start3A_113 : memref<50000x32xf32, #tpu.memory_space<hbm>>) target(%dma_start3A_108 : memref<128x32xf32, #tpu.memory_space<vmem>>) offsets(%dma_start3A_110 : memref<128xi32, #tpu.memory_space<vmem>>) semaphore(%arg21 : memref<!tpu.dma_semaphore, #tpu.memory_space<semaphore_mem>>)
      %dma_start3A_114 = arith.constant 384 : i32
      %dma_start3A_115 = arith.constant 0 : i32
      %dma_start3A_116 = tpu.memref_slice %arg15[%dma_start3A_114, %dma_start3A_115] : memref<512x32xf32, #tpu.memory_space<vmem>> -> memref<128x32xf32, #tpu.memory_space<vmem>>
      %dma_start3A_117 = arith.constant 384 : i32
      %dma_start3A_118 = tpu.memref_slice %arg11[%dma_start3A_117] : memref<512xi32, #tpu.memory_space<vmem>> -> memref<128xi32, #tpu.memory_space<vmem>>
      %dma_start3A_119 = arith.constant 0 : i32
      %dma_start3A_120 = arith.constant 0 : i32
      %dma_start3A_121 = tpu.memref_slice %arg2[%dma_start3A_119, %dma_start3A_120] : memref<50000x32xf32, #tpu.memory_space<hbm>> -> memref<50000x32xf32, #tpu.memory_space<hbm>>
      tpu.enqueue_indirect_dma source(%dma_start3A_121 : memref<50000x32xf32, #tpu.memory_space<hbm>>) target(%dma_start3A_116 : memref<128x32xf32, #tpu.memory_space<vmem>>) offsets(%dma_start3A_118 : memref<128xi32, #tpu.memory_space<vmem>>) semaphore(%arg21 : memref<!tpu.dma_semaphore, #tpu.memory_space<semaphore_mem>>)
      %dma_start3A_122 = arith.constant 0 : i32
      %dma_start3A_123 = arith.constant 0 : i32
      %dma_start3A_124 = tpu.memref_slice %arg14[%dma_start3A_122, %dma_start3A_123] : memref<512x32xf32, #tpu.memory_space<vmem>> -> memref<128x32xf32, #tpu.memory_space<vmem>>
      %dma_start3A_125 = arith.constant 0 : i32
      %dma_start3A_126 = tpu.memref_slice %arg10[%dma_start3A_125] : memref<512xi32, #tpu.memory_space<vmem>> -> memref<128xi32, #tpu.memory_space<vmem>>
      %dma_start3A_127 = arith.constant 0 : i32
      %dma_start3A_128 = arith.constant 0 : i32
      %dma_start3A_129 = tpu.memref_slice %arg2[%dma_start3A_127, %dma_start3A_128] : memref<50000x32xf32, #tpu.memory_space<hbm>> -> memref<50000x32xf32, #tpu.memory_space<hbm>>
      tpu.enqueue_indirect_dma source(%dma_start3A_129 : memref<50000x32xf32, #tpu.memory_space<hbm>>) target(%dma_start3A_124 : memref<128x32xf32, #tpu.memory_space<vmem>>) offsets(%dma_start3A_126 : memref<128xi32, #tpu.memory_space<vmem>>) semaphore(%arg22 : memref<!tpu.dma_semaphore, #tpu.memory_space<semaphore_mem>>)
      %dma_start3A_130 = arith.constant 0 : i32
      %dma_start3A_131 = arith.constant 0 : i32
      %dma_start3A_132 = tpu.memref_slice %arg16[%dma_start3A_130, %dma_start3A_131] : memref<512x32xf32, #tpu.memory_space<vmem>> -> memref<128x32xf32, #tpu.memory_space<vmem>>
      %dma_start3A_133 = arith.constant 0 : i32
      %dma_start3A_134 = tpu.memref_slice %arg12[%dma_start3A_133] : memref<512xi32, #tpu.memory_space<vmem>> -> memref<128xi32, #tpu.memory_space<vmem>>
      %dma_start3A_135 = arith.constant 0 : i32
      %dma_start3A_136 = arith.constant 0 : i32
      %dma_start3A_137 = tpu.memref_slice %arg2[%dma_start3A_135, %dma_start3A_136] : memref<50000x32xf32, #tpu.memory_space<hbm>> -> memref<50000x32xf32, #tpu.memory_space<hbm>>
      tpu.enqueue_indirect_dma source(%dma_start3A_137 : memref<50000x32xf32, #tpu.memory_space<hbm>>) target(%dma_start3A_132 : memref<128x32xf32, #tpu.memory_space<vmem>>) offsets(%dma_start3A_134 : memref<128xi32, #tpu.memory_space<vmem>>) semaphore(%arg22 : memref<!tpu.dma_semaphore, #tpu.memory_space<semaphore_mem>>)
      %dma_start3A_138 = arith.constant 128 : i32
      %dma_start3A_139 = arith.constant 0 : i32
      %dma_start3A_140 = tpu.memref_slice %arg14[%dma_start3A_138, %dma_start3A_139] : memref<512x32xf32, #tpu.memory_space<vmem>> -> memref<128x32xf32, #tpu.memory_space<vmem>>
      %dma_start3A_141 = arith.constant 128 : i32
      %dma_start3A_142 = tpu.memref_slice %arg10[%dma_start3A_141] : memref<512xi32, #tpu.memory_space<vmem>> -> memref<128xi32, #tpu.memory_space<vmem>>
      %dma_start3A_143 = arith.constant 0 : i32
      %dma_start3A_144 = arith.constant 0 : i32
      %dma_start3A_145 = tpu.memref_slice %arg2[%dma_start3A_143, %dma_start3A_144] : memref<50000x32xf32, #tpu.memory_space<hbm>> -> memref<50000x32xf32, #tpu.memory_space<hbm>>
      tpu.enqueue_indirect_dma source(%dma_start3A_145 : memref<50000x32xf32, #tpu.memory_space<hbm>>) target(%dma_start3A_140 : memref<128x32xf32, #tpu.memory_space<vmem>>) offsets(%dma_start3A_142 : memref<128xi32, #tpu.memory_space<vmem>>) semaphore(%arg22 : memref<!tpu.dma_semaphore, #tpu.memory_space<semaphore_mem>>)
      %dma_start3A_146 = arith.constant 128 : i32
      %dma_start3A_147 = arith.constant 0 : i32
      %dma_start3A_148 = tpu.memref_slice %arg16[%dma_start3A_146, %dma_start3A_147] : memref<512x32xf32, #tpu.memory_space<vmem>> -> memref<128x32xf32, #tpu.memory_space<vmem>>
      %dma_start3A_149 = arith.constant 128 : i32
      %dma_start3A_150 = tpu.memref_slice %arg12[%dma_start3A_149] : memref<512xi32, #tpu.memory_space<vmem>> -> memref<128xi32, #tpu.memory_space<vmem>>
      %dma_start3A_151 = arith.constant 0 : i32
      %dma_start3A_152 = arith.constant 0 : i32
      %dma_start3A_153 = tpu.memref_slice %arg2[%dma_start3A_151, %dma_start3A_152] : memref<50000x32xf32, #tpu.memory_space<hbm>> -> memref<50000x32xf32, #tpu.memory_space<hbm>>
      tpu.enqueue_indirect_dma source(%dma_start3A_153 : memref<50000x32xf32, #tpu.memory_space<hbm>>) target(%dma_start3A_148 : memref<128x32xf32, #tpu.memory_space<vmem>>) offsets(%dma_start3A_150 : memref<128xi32, #tpu.memory_space<vmem>>) semaphore(%arg22 : memref<!tpu.dma_semaphore, #tpu.memory_space<semaphore_mem>>)
      %dma_start3A_154 = arith.constant 256 : i32
      %dma_start3A_155 = arith.constant 0 : i32
      %dma_start3A_156 = tpu.memref_slice %arg14[%dma_start3A_154, %dma_start3A_155] : memref<512x32xf32, #tpu.memory_space<vmem>> -> memref<128x32xf32, #tpu.memory_space<vmem>>
      %dma_start3A_157 = arith.constant 256 : i32
      %dma_start3A_158 = tpu.memref_slice %arg10[%dma_start3A_157] : memref<512xi32, #tpu.memory_space<vmem>> -> memref<128xi32, #tpu.memory_space<vmem>>
      %dma_start3A_159 = arith.constant 0 : i32
      %dma_start3A_160 = arith.constant 0 : i32
      %dma_start3A_161 = tpu.memref_slice %arg2[%dma_start3A_159, %dma_start3A_160] : memref<50000x32xf32, #tpu.memory_space<hbm>> -> memref<50000x32xf32, #tpu.memory_space<hbm>>
      tpu.enqueue_indirect_dma source(%dma_start3A_161 : memref<50000x32xf32, #tpu.memory_space<hbm>>) target(%dma_start3A_156 : memref<128x32xf32, #tpu.memory_space<vmem>>) offsets(%dma_start3A_158 : memref<128xi32, #tpu.memory_space<vmem>>) semaphore(%arg22 : memref<!tpu.dma_semaphore, #tpu.memory_space<semaphore_mem>>)
      %dma_start3A_162 = arith.constant 256 : i32
      %dma_start3A_163 = arith.constant 0 : i32
      %dma_start3A_164 = tpu.memref_slice %arg16[%dma_start3A_162, %dma_start3A_163] : memref<512x32xf32, #tpu.memory_space<vmem>> -> memref<128x32xf32, #tpu.memory_space<vmem>>
      %dma_start3A_165 = arith.constant 256 : i32
      %dma_start3A_166 = tpu.memref_slice %arg12[%dma_start3A_165] : memref<512xi32, #tpu.memory_space<vmem>> -> memref<128xi32, #tpu.memory_space<vmem>>
      %dma_start3A_167 = arith.constant 0 : i32
      %dma_start3A_168 = arith.constant 0 : i32
      %dma_start3A_169 = tpu.memref_slice %arg2[%dma_start3A_167, %dma_start3A_168] : memref<50000x32xf32, #tpu.memory_space<hbm>> -> memref<50000x32xf32, #tpu.memory_space<hbm>>
      tpu.enqueue_indirect_dma source(%dma_start3A_169 : memref<50000x32xf32, #tpu.memory_space<hbm>>) target(%dma_start3A_164 : memref<128x32xf32, #tpu.memory_space<vmem>>) offsets(%dma_start3A_166 : memref<128xi32, #tpu.memory_space<vmem>>) semaphore(%arg22 : memref<!tpu.dma_semaphore, #tpu.memory_space<semaphore_mem>>)
      %dma_start3A_170 = arith.constant 384 : i32
      %dma_start3A_171 = arith.constant 0 : i32
      %dma_start3A_172 = tpu.memref_slice %arg14[%dma_start3A_170, %dma_start3A_171] : memref<512x32xf32, #tpu.memory_space<vmem>> -> memref<128x32xf32, #tpu.memory_space<vmem>>
      %dma_start3A_173 = arith.constant 384 : i32
      %dma_start3A_174 = tpu.memref_slice %arg10[%dma_start3A_173] : memref<512xi32, #tpu.memory_space<vmem>> -> memref<128xi32, #tpu.memory_space<vmem>>
      %dma_start3A_175 = arith.constant 0 : i32
      %dma_start3A_176 = arith.constant 0 : i32
      %dma_start3A_177 = tpu.memref_slice %arg2[%dma_start3A_175, %dma_start3A_176] : memref<50000x32xf32, #tpu.memory_space<hbm>> -> memref<50000x32xf32, #tpu.memory_space<hbm>>
      tpu.enqueue_indirect_dma source(%dma_start3A_177 : memref<50000x32xf32, #tpu.memory_space<hbm>>) target(%dma_start3A_172 : memref<128x32xf32, #tpu.memory_space<vmem>>) offsets(%dma_start3A_174 : memref<128xi32, #tpu.memory_space<vmem>>) semaphore(%arg22 : memref<!tpu.dma_semaphore, #tpu.memory_space<semaphore_mem>>)
      %dma_start3A_178 = arith.constant 384 : i32
      %dma_start3A_179 = arith.constant 0 : i32
      %dma_start3A_180 = tpu.memref_slice %arg16[%dma_start3A_178, %dma_start3A_179] : memref<512x32xf32, #tpu.memory_space<vmem>> -> memref<128x32xf32, #tpu.memory_space<vmem>>
      %dma_start3A_181 = arith.constant 384 : i32
      %dma_start3A_182 = tpu.memref_slice %arg12[%dma_start3A_181] : memref<512xi32, #tpu.memory_space<vmem>> -> memref<128xi32, #tpu.memory_space<vmem>>
      %dma_start3A_183 = arith.constant 0 : i32
      %dma_start3A_184 = arith.constant 0 : i32
      %dma_start3A_185 = tpu.memref_slice %arg2[%dma_start3A_183, %dma_start3A_184] : memref<50000x32xf32, #tpu.memory_space<hbm>> -> memref<50000x32xf32, #tpu.memory_space<hbm>>
      tpu.enqueue_indirect_dma source(%dma_start3A_185 : memref<50000x32xf32, #tpu.memory_space<hbm>>) target(%dma_start3A_180 : memref<128x32xf32, #tpu.memory_space<vmem>>) offsets(%dma_start3A_182 : memref<128xi32, #tpu.memory_space<vmem>>) semaphore(%arg22 : memref<!tpu.dma_semaphore, #tpu.memory_space<semaphore_mem>>)
      %dma_wait3A = arith.constant 0 : i32
      %dma_wait3A_186 = arith.constant 0 : i32
      %dma_wait3A_187 = tpu.memref_slice %arg13[%dma_wait3A, %dma_wait3A_186] : memref<512x32xf32, #tpu.memory_space<vmem>> -> memref<128x32xf32, #tpu.memory_space<vmem>>
      %dma_wait3A_188 = arith.constant 0 : i32
      %dma_wait3A_189 = tpu.memref_slice %arg9[%dma_wait3A_188] : memref<512xi32, #tpu.memory_space<vmem>> -> memref<128xi32, #tpu.memory_space<vmem>>
      %dma_wait3A_190 = arith.constant 0 : i32
      %dma_wait3A_191 = arith.constant 0 : i32
      %dma_wait3A_192 = tpu.memref_slice %arg2[%dma_wait3A_190, %dma_wait3A_191] : memref<50000x32xf32, #tpu.memory_space<hbm>> -> memref<50000x32xf32, #tpu.memory_space<hbm>>
      tpu.wait_indirect_dma semaphore(%arg21 : memref<!tpu.dma_semaphore, #tpu.memory_space<semaphore_mem>>) src(%dma_wait3A_192 : memref<50000x32xf32, #tpu.memory_space<hbm>>) dst(%dma_wait3A_187 : memref<128x32xf32, #tpu.memory_space<vmem>>)
      %dma_wait3A_193 = arith.constant 0 : i32
      %dma_wait3A_194 = arith.constant 0 : i32
      %dma_wait3A_195 = tpu.memref_slice %arg15[%dma_wait3A_193, %dma_wait3A_194] : memref<512x32xf32, #tpu.memory_space<vmem>> -> memref<128x32xf32, #tpu.memory_space<vmem>>
      %dma_wait3A_196 = arith.constant 0 : i32
      %dma_wait3A_197 = tpu.memref_slice %arg11[%dma_wait3A_196] : memref<512xi32, #tpu.memory_space<vmem>> -> memref<128xi32, #tpu.memory_space<vmem>>
      %dma_wait3A_198 = arith.constant 0 : i32
      %dma_wait3A_199 = arith.constant 0 : i32
      %dma_wait3A_200 = tpu.memref_slice %arg2[%dma_wait3A_198, %dma_wait3A_199] : memref<50000x32xf32, #tpu.memory_space<hbm>> -> memref<50000x32xf32, #tpu.memory_space<hbm>>
      tpu.wait_indirect_dma semaphore(%arg21 : memref<!tpu.dma_semaphore, #tpu.memory_space<semaphore_mem>>) src(%dma_wait3A_200 : memref<50000x32xf32, #tpu.memory_space<hbm>>) dst(%dma_wait3A_195 : memref<128x32xf32, #tpu.memory_space<vmem>>)
      %dma_wait3A_201 = arith.constant 128 : i32
      %dma_wait3A_202 = arith.constant 0 : i32
      %dma_wait3A_203 = tpu.memref_slice %arg13[%dma_wait3A_201, %dma_wait3A_202] : memref<512x32xf32, #tpu.memory_space<vmem>> -> memref<128x32xf32, #tpu.memory_space<vmem>>
      %dma_wait3A_204 = arith.constant 128 : i32
      %dma_wait3A_205 = tpu.memref_slice %arg9[%dma_wait3A_204] : memref<512xi32, #tpu.memory_space<vmem>> -> memref<128xi32, #tpu.memory_space<vmem>>
      %dma_wait3A_206 = arith.constant 0 : i32
      %dma_wait3A_207 = arith.constant 0 : i32
      %dma_wait3A_208 = tpu.memref_slice %arg2[%dma_wait3A_206, %dma_wait3A_207] : memref<50000x32xf32, #tpu.memory_space<hbm>> -> memref<50000x32xf32, #tpu.memory_space<hbm>>
      tpu.wait_indirect_dma semaphore(%arg21 : memref<!tpu.dma_semaphore, #tpu.memory_space<semaphore_mem>>) src(%dma_wait3A_208 : memref<50000x32xf32, #tpu.memory_space<hbm>>) dst(%dma_wait3A_203 : memref<128x32xf32, #tpu.memory_space<vmem>>)
      %dma_wait3A_209 = arith.constant 128 : i32
      %dma_wait3A_210 = arith.constant 0 : i32
      %dma_wait3A_211 = tpu.memref_slice %arg15[%dma_wait3A_209, %dma_wait3A_210] : memref<512x32xf32, #tpu.memory_space<vmem>> -> memref<128x32xf32, #tpu.memory_space<vmem>>
      %dma_wait3A_212 = arith.constant 128 : i32
      %dma_wait3A_213 = tpu.memref_slice %arg11[%dma_wait3A_212] : memref<512xi32, #tpu.memory_space<vmem>> -> memref<128xi32, #tpu.memory_space<vmem>>
      %dma_wait3A_214 = arith.constant 0 : i32
      %dma_wait3A_215 = arith.constant 0 : i32
      %dma_wait3A_216 = tpu.memref_slice %arg2[%dma_wait3A_214, %dma_wait3A_215] : memref<50000x32xf32, #tpu.memory_space<hbm>> -> memref<50000x32xf32, #tpu.memory_space<hbm>>
      tpu.wait_indirect_dma semaphore(%arg21 : memref<!tpu.dma_semaphore, #tpu.memory_space<semaphore_mem>>) src(%dma_wait3A_216 : memref<50000x32xf32, #tpu.memory_space<hbm>>) dst(%dma_wait3A_211 : memref<128x32xf32, #tpu.memory_space<vmem>>)
      %dma_wait3A_217 = arith.constant 256 : i32
      %dma_wait3A_218 = arith.constant 0 : i32
      %dma_wait3A_219 = tpu.memref_slice %arg13[%dma_wait3A_217, %dma_wait3A_218] : memref<512x32xf32, #tpu.memory_space<vmem>> -> memref<128x32xf32, #tpu.memory_space<vmem>>
      %dma_wait3A_220 = arith.constant 256 : i32
      %dma_wait3A_221 = tpu.memref_slice %arg9[%dma_wait3A_220] : memref<512xi32, #tpu.memory_space<vmem>> -> memref<128xi32, #tpu.memory_space<vmem>>
      %dma_wait3A_222 = arith.constant 0 : i32
      %dma_wait3A_223 = arith.constant 0 : i32
      %dma_wait3A_224 = tpu.memref_slice %arg2[%dma_wait3A_222, %dma_wait3A_223] : memref<50000x32xf32, #tpu.memory_space<hbm>> -> memref<50000x32xf32, #tpu.memory_space<hbm>>
      tpu.wait_indirect_dma semaphore(%arg21 : memref<!tpu.dma_semaphore, #tpu.memory_space<semaphore_mem>>) src(%dma_wait3A_224 : memref<50000x32xf32, #tpu.memory_space<hbm>>) dst(%dma_wait3A_219 : memref<128x32xf32, #tpu.memory_space<vmem>>)
      %dma_wait3A_225 = arith.constant 256 : i32
      %dma_wait3A_226 = arith.constant 0 : i32
      %dma_wait3A_227 = tpu.memref_slice %arg15[%dma_wait3A_225, %dma_wait3A_226] : memref<512x32xf32, #tpu.memory_space<vmem>> -> memref<128x32xf32, #tpu.memory_space<vmem>>
      %dma_wait3A_228 = arith.constant 256 : i32
      %dma_wait3A_229 = tpu.memref_slice %arg11[%dma_wait3A_228] : memref<512xi32, #tpu.memory_space<vmem>> -> memref<128xi32, #tpu.memory_space<vmem>>
      %dma_wait3A_230 = arith.constant 0 : i32
      %dma_wait3A_231 = arith.constant 0 : i32
      %dma_wait3A_232 = tpu.memref_slice %arg2[%dma_wait3A_230, %dma_wait3A_231] : memref<50000x32xf32, #tpu.memory_space<hbm>> -> memref<50000x32xf32, #tpu.memory_space<hbm>>
      tpu.wait_indirect_dma semaphore(%arg21 : memref<!tpu.dma_semaphore, #tpu.memory_space<semaphore_mem>>) src(%dma_wait3A_232 : memref<50000x32xf32, #tpu.memory_space<hbm>>) dst(%dma_wait3A_227 : memref<128x32xf32, #tpu.memory_space<vmem>>)
      %dma_wait3A_233 = arith.constant 384 : i32
      %dma_wait3A_234 = arith.constant 0 : i32
      %dma_wait3A_235 = tpu.memref_slice %arg13[%dma_wait3A_233, %dma_wait3A_234] : memref<512x32xf32, #tpu.memory_space<vmem>> -> memref<128x32xf32, #tpu.memory_space<vmem>>
      %dma_wait3A_236 = arith.constant 384 : i32
      %dma_wait3A_237 = tpu.memref_slice %arg9[%dma_wait3A_236] : memref<512xi32, #tpu.memory_space<vmem>> -> memref<128xi32, #tpu.memory_space<vmem>>
      %dma_wait3A_238 = arith.constant 0 : i32
      %dma_wait3A_239 = arith.constant 0 : i32
      %dma_wait3A_240 = tpu.memref_slice %arg2[%dma_wait3A_238, %dma_wait3A_239] : memref<50000x32xf32, #tpu.memory_space<hbm>> -> memref<50000x32xf32, #tpu.memory_space<hbm>>
      tpu.wait_indirect_dma semaphore(%arg21 : memref<!tpu.dma_semaphore, #tpu.memory_space<semaphore_mem>>) src(%dma_wait3A_240 : memref<50000x32xf32, #tpu.memory_space<hbm>>) dst(%dma_wait3A_235 : memref<128x32xf32, #tpu.memory_space<vmem>>)
      %dma_wait3A_241 = arith.constant 384 : i32
      %dma_wait3A_242 = arith.constant 0 : i32
      %dma_wait3A_243 = tpu.memref_slice %arg15[%dma_wait3A_241, %dma_wait3A_242] : memref<512x32xf32, #tpu.memory_space<vmem>> -> memref<128x32xf32, #tpu.memory_space<vmem>>
      %dma_wait3A_244 = arith.constant 384 : i32
      %dma_wait3A_245 = tpu.memref_slice %arg11[%dma_wait3A_244] : memref<512xi32, #tpu.memory_space<vmem>> -> memref<128xi32, #tpu.memory_space<vmem>>
      %dma_wait3A_246 = arith.constant 0 : i32
      %dma_wait3A_247 = arith.constant 0 : i32
      %dma_wait3A_248 = tpu.memref_slice %arg2[%dma_wait3A_246, %dma_wait3A_247] : memref<50000x32xf32, #tpu.memory_space<hbm>> -> memref<50000x32xf32, #tpu.memory_space<hbm>>
      tpu.wait_indirect_dma semaphore(%arg21 : memref<!tpu.dma_semaphore, #tpu.memory_space<semaphore_mem>>) src(%dma_wait3A_248 : memref<50000x32xf32, #tpu.memory_space<hbm>>) dst(%dma_wait3A_243 : memref<128x32xf32, #tpu.memory_space<vmem>>)
      %parallel_loop3A_249 = arith.constant 0 : i32
      %parallel_loop3A_250 = arith.constant 32 : i32
      %parallel_loop3A_251 = arith.constant 1 : i32
      scf.for %parallel_loop3A_387 = %parallel_loop3A_249 to %parallel_loop3A_250 step %parallel_loop3A_251  : i32 {
        %parallel_loop3A_388 = arith.constant 16 : i32
        %parallel_loop3A_389 = arith.muli %parallel_loop3A_387, %parallel_loop3A_388 : i32
        %parallel_loop3A_390 = vector.broadcast %parallel_loop3A_389 : i32 to vector<16xi32>
        %parallel_loop3A_391 = arith.addi %parallel_loop3A_390, %iota3A : vector<16xi32>
        %parallel_loop3A_392 = arith.constant 0 : i32
        %parallel_loop3A_393 = vector.broadcast %parallel_loop3A_392 : i32 to vector<16xi32>
        %parallel_loop3A_394 = tpu.vector_load_idx %arg13[%parallel_loop3A_391, %parallel_loop3A_393] : memref<512x32xf32, #tpu.memory_space<vmem>>[vector<16xi32>, vector<16xi32>], vector<16xf32>,
        %parallel_loop3A_395 = arith.constant 1 : i32
        %parallel_loop3A_396 = vector.broadcast %parallel_loop3A_395 : i32 to vector<16xi32>
        %parallel_loop3A_397 = tpu.vector_load_idx %arg13[%parallel_loop3A_391, %parallel_loop3A_396] : memref<512x32xf32, #tpu.memory_space<vmem>>[vector<16xi32>, vector<16xi32>], vector<16xf32>,
        %parallel_loop3A_398 = arith.constant 2 : i32
        %parallel_loop3A_399 = vector.broadcast %parallel_loop3A_398 : i32 to vector<16xi32>
        %parallel_loop3A_400 = tpu.vector_load_idx %arg13[%parallel_loop3A_391, %parallel_loop3A_399] : memref<512x32xf32, #tpu.memory_space<vmem>>[vector<16xi32>, vector<16xi32>], vector<16xf32>,
        %parallel_loop3A_401 = arith.constant 3 : i32
        %parallel_loop3A_402 = vector.broadcast %parallel_loop3A_401 : i32 to vector<16xi32>
        %parallel_loop3A_403 = tpu.vector_load_idx %arg13[%parallel_loop3A_391, %parallel_loop3A_402] : memref<512x32xf32, #tpu.memory_space<vmem>>[vector<16xi32>, vector<16xi32>], vector<16xf32>,
        %parallel_loop3A_404 = arith.constant 0 : i32
        %parallel_loop3A_405 = vector.broadcast %parallel_loop3A_404 : i32 to vector<16xi32>
        %parallel_loop3A_406 = tpu.vector_load_idx %arg15[%parallel_loop3A_391, %parallel_loop3A_405] : memref<512x32xf32, #tpu.memory_space<vmem>>[vector<16xi32>, vector<16xi32>], vector<16xf32>,
        %parallel_loop3A_407 = arith.constant 1 : i32
        %parallel_loop3A_408 = vector.broadcast %parallel_loop3A_407 : i32 to vector<16xi32>
        %parallel_loop3A_409 = tpu.vector_load_idx %arg15[%parallel_loop3A_391, %parallel_loop3A_408] : memref<512x32xf32, #tpu.memory_space<vmem>>[vector<16xi32>, vector<16xi32>], vector<16xf32>,
        %parallel_loop3A_410 = arith.constant 2 : i32
        %parallel_loop3A_411 = vector.broadcast %parallel_loop3A_410 : i32 to vector<16xi32>
        %parallel_loop3A_412 = tpu.vector_load_idx %arg15[%parallel_loop3A_391, %parallel_loop3A_411] : memref<512x32xf32, #tpu.memory_space<vmem>>[vector<16xi32>, vector<16xi32>], vector<16xf32>,
        %parallel_loop3A_413 = arith.constant 3 : i32
        %parallel_loop3A_414 = vector.broadcast %parallel_loop3A_413 : i32 to vector<16xi32>
        %parallel_loop3A_415 = tpu.vector_load_idx %arg15[%parallel_loop3A_391, %parallel_loop3A_414] : memref<512x32xf32, #tpu.memory_space<vmem>>[vector<16xi32>, vector<16xi32>], vector<16xf32>,
        %parallel_loop3A_416 = arith.mulf %parallel_loop3A_394, %parallel_loop3A_406 : vector<16xf32>
        %parallel_loop3A_417 = arith.mulf %parallel_loop3A_397, %parallel_loop3A_409 : vector<16xf32>
        %parallel_loop3A_418 = arith.addf %parallel_loop3A_416, %parallel_loop3A_417 : vector<16xf32>
        %parallel_loop3A_419 = arith.mulf %parallel_loop3A_400, %parallel_loop3A_412 : vector<16xf32>
        %parallel_loop3A_420 = arith.mulf %parallel_loop3A_403, %parallel_loop3A_415 : vector<16xf32>
        %parallel_loop3A_421 = arith.addf %parallel_loop3A_419, %parallel_loop3A_420 : vector<16xf32>
        %parallel_loop3A_422 = arith.addf %parallel_loop3A_418, %parallel_loop3A_421 : vector<16xf32>
        %parallel_loop3A_423 = arith.mulf %parallel_loop3A_397, %parallel_loop3A_406 : vector<16xf32>
        %parallel_loop3A_424 = arith.mulf %parallel_loop3A_394, %parallel_loop3A_409 : vector<16xf32>
        %parallel_loop3A_425 = arith.subf %parallel_loop3A_423, %parallel_loop3A_424 : vector<16xf32>
        %parallel_loop3A_426 = arith.mulf %parallel_loop3A_403, %parallel_loop3A_412 : vector<16xf32>
        %parallel_loop3A_427 = arith.mulf %parallel_loop3A_400, %parallel_loop3A_415 : vector<16xf32>
        %parallel_loop3A_428 = arith.subf %parallel_loop3A_426, %parallel_loop3A_427 : vector<16xf32>
        %parallel_loop3A_429 = arith.addf %parallel_loop3A_425, %parallel_loop3A_428 : vector<16xf32>
        %parallel_loop3A_430 = arith.mulf %parallel_loop3A_400, %parallel_loop3A_406 : vector<16xf32>
        %parallel_loop3A_431 = arith.mulf %parallel_loop3A_394, %parallel_loop3A_412 : vector<16xf32>
        %parallel_loop3A_432 = arith.subf %parallel_loop3A_430, %parallel_loop3A_431 : vector<16xf32>
        %parallel_loop3A_433 = arith.mulf %parallel_loop3A_397, %parallel_loop3A_415 : vector<16xf32>
        %parallel_loop3A_434 = arith.mulf %parallel_loop3A_403, %parallel_loop3A_409 : vector<16xf32>
        %parallel_loop3A_435 = arith.subf %parallel_loop3A_433, %parallel_loop3A_434 : vector<16xf32>
        %parallel_loop3A_436 = arith.addf %parallel_loop3A_432, %parallel_loop3A_435 : vector<16xf32>
        %parallel_loop3A_437 = arith.mulf %parallel_loop3A_403, %parallel_loop3A_406 : vector<16xf32>
        %parallel_loop3A_438 = arith.mulf %parallel_loop3A_394, %parallel_loop3A_415 : vector<16xf32>
        %parallel_loop3A_439 = arith.subf %parallel_loop3A_437, %parallel_loop3A_438 : vector<16xf32>
        %parallel_loop3A_440 = arith.mulf %parallel_loop3A_400, %parallel_loop3A_409 : vector<16xf32>
        %parallel_loop3A_441 = arith.mulf %parallel_loop3A_397, %parallel_loop3A_412 : vector<16xf32>
        %parallel_loop3A_442 = arith.subf %parallel_loop3A_440, %parallel_loop3A_441 : vector<16xf32>
        %parallel_loop3A_443 = arith.addf %parallel_loop3A_439, %parallel_loop3A_442 : vector<16xf32>
        %parallel_loop3A_444 = arith.constant 0 : i32
        %parallel_loop3A_445 = vector.broadcast %parallel_loop3A_444 : i32 to vector<16xi32>
        tpu.vector_store_idx %arg17[%parallel_loop3A_391, %parallel_loop3A_445], %parallel_loop3A_422 : memref<512x32xf32, #tpu.memory_space<vmem>>[vector<16xi32>, vector<16xi32>], vector<16xf32>,
        %parallel_loop3A_446 = arith.constant 1 : i32
        %parallel_loop3A_447 = vector.broadcast %parallel_loop3A_446 : i32 to vector<16xi32>
        tpu.vector_store_idx %arg17[%parallel_loop3A_391, %parallel_loop3A_447], %parallel_loop3A_429 : memref<512x32xf32, #tpu.memory_space<vmem>>[vector<16xi32>, vector<16xi32>], vector<16xf32>,
        %parallel_loop3A_448 = arith.constant 2 : i32
        %parallel_loop3A_449 = vector.broadcast %parallel_loop3A_448 : i32 to vector<16xi32>
        tpu.vector_store_idx %arg17[%parallel_loop3A_391, %parallel_loop3A_449], %parallel_loop3A_436 : memref<512x32xf32, #tpu.memory_space<vmem>>[vector<16xi32>, vector<16xi32>], vector<16xf32>,
        %parallel_loop3A_450 = arith.constant 3 : i32
        %parallel_loop3A_451 = vector.broadcast %parallel_loop3A_450 : i32 to vector<16xi32>
        tpu.vector_store_idx %arg17[%parallel_loop3A_391, %parallel_loop3A_451], %parallel_loop3A_443 : memref<512x32xf32, #tpu.memory_space<vmem>>[vector<16xi32>, vector<16xi32>], vector<16xf32>,
        %parallel_loop3A_452 = arith.constant 4 : i32
        %parallel_loop3A_453 = vector.broadcast %parallel_loop3A_452 : i32 to vector<16xi32>
        %parallel_loop3A_454 = tpu.vector_load_idx %arg13[%parallel_loop3A_391, %parallel_loop3A_453] : memref<512x32xf32, #tpu.memory_space<vmem>>[vector<16xi32>, vector<16xi32>], vector<16xf32>,
        %parallel_loop3A_455 = arith.constant 5 : i32
        %parallel_loop3A_456 = vector.broadcast %parallel_loop3A_455 : i32 to vector<16xi32>
        %parallel_loop3A_457 = tpu.vector_load_idx %arg13[%parallel_loop3A_391, %parallel_loop3A_456] : memref<512x32xf32, #tpu.memory_space<vmem>>[vector<16xi32>, vector<16xi32>], vector<16xf32>,
        %parallel_loop3A_458 = arith.constant 6 : i32
        %parallel_loop3A_459 = vector.broadcast %parallel_loop3A_458 : i32 to vector<16xi32>
        %parallel_loop3A_460 = tpu.vector_load_idx %arg13[%parallel_loop3A_391, %parallel_loop3A_459] : memref<512x32xf32, #tpu.memory_space<vmem>>[vector<16xi32>, vector<16xi32>], vector<16xf32>,
        %parallel_loop3A_461 = arith.constant 7 : i32
        %parallel_loop3A_462 = vector.broadcast %parallel_loop3A_461 : i32 to vector<16xi32>
        %parallel_loop3A_463 = tpu.vector_load_idx %arg13[%parallel_loop3A_391, %parallel_loop3A_462] : memref<512x32xf32, #tpu.memory_space<vmem>>[vector<16xi32>, vector<16xi32>], vector<16xf32>,
        %parallel_loop3A_464 = arith.constant 4 : i32
        %parallel_loop3A_465 = vector.broadcast %parallel_loop3A_464 : i32 to vector<16xi32>
        %parallel_loop3A_466 = tpu.vector_load_idx %arg15[%parallel_loop3A_391, %parallel_loop3A_465] : memref<512x32xf32, #tpu.memory_space<vmem>>[vector<16xi32>, vector<16xi32>], vector<16xf32>,
        %parallel_loop3A_467 = arith.constant 5 : i32
        %parallel_loop3A_468 = vector.broadcast %parallel_loop3A_467 : i32 to vector<16xi32>
        %parallel_loop3A_469 = tpu.vector_load_idx %arg15[%parallel_loop3A_391, %parallel_loop3A_468] : memref<512x32xf32, #tpu.memory_space<vmem>>[vector<16xi32>, vector<16xi32>], vector<16xf32>,
        %parallel_loop3A_470 = arith.constant 6 : i32
        %parallel_loop3A_471 = vector.broadcast %parallel_loop3A_470 : i32 to vector<16xi32>
        %parallel_loop3A_472 = tpu.vector_load_idx %arg15[%parallel_loop3A_391, %parallel_loop3A_471] : memref<512x32xf32, #tpu.memory_space<vmem>>[vector<16xi32>, vector<16xi32>], vector<16xf32>,
        %parallel_loop3A_473 = arith.constant 7 : i32
        %parallel_loop3A_474 = vector.broadcast %parallel_loop3A_473 : i32 to vector<16xi32>
        %parallel_loop3A_475 = tpu.vector_load_idx %arg15[%parallel_loop3A_391, %parallel_loop3A_474] : memref<512x32xf32, #tpu.memory_space<vmem>>[vector<16xi32>, vector<16xi32>], vector<16xf32>,
        %parallel_loop3A_476 = arith.mulf %parallel_loop3A_454, %parallel_loop3A_466 : vector<16xf32>
        %parallel_loop3A_477 = arith.mulf %parallel_loop3A_457, %parallel_loop3A_469 : vector<16xf32>
        %parallel_loop3A_478 = arith.addf %parallel_loop3A_476, %parallel_loop3A_477 : vector<16xf32>
        %parallel_loop3A_479 = arith.mulf %parallel_loop3A_460, %parallel_loop3A_472 : vector<16xf32>
        %parallel_loop3A_480 = arith.mulf %parallel_loop3A_463, %parallel_loop3A_475 : vector<16xf32>
        %parallel_loop3A_481 = arith.addf %parallel_loop3A_479, %parallel_loop3A_480 : vector<16xf32>
        %parallel_loop3A_482 = arith.addf %parallel_loop3A_478, %parallel_loop3A_481 : vector<16xf32>
        %parallel_loop3A_483 = arith.mulf %parallel_loop3A_457, %parallel_loop3A_466 : vector<16xf32>
        %parallel_loop3A_484 = arith.mulf %parallel_loop3A_454, %parallel_loop3A_469 : vector<16xf32>
        %parallel_loop3A_485 = arith.subf %parallel_loop3A_483, %parallel_loop3A_484 : vector<16xf32>
        %parallel_loop3A_486 = arith.mulf %parallel_loop3A_463, %parallel_loop3A_472 : vector<16xf32>
        %parallel_loop3A_487 = arith.mulf %parallel_loop3A_460, %parallel_loop3A_475 : vector<16xf32>
        %parallel_loop3A_488 = arith.subf %parallel_loop3A_486, %parallel_loop3A_487 : vector<16xf32>
        %parallel_loop3A_489 = arith.addf %parallel_loop3A_485, %parallel_loop3A_488 : vector<16xf32>
        %parallel_loop3A_490 = arith.mulf %parallel_loop3A_460, %parallel_loop3A_466 : vector<16xf32>
        %parallel_loop3A_491 = arith.mulf %parallel_loop3A_454, %parallel_loop3A_472 : vector<16xf32>
        %parallel_loop3A_492 = arith.subf %parallel_loop3A_490, %parallel_loop3A_491 : vector<16xf32>
        %parallel_loop3A_493 = arith.mulf %parallel_loop3A_457, %parallel_loop3A_475 : vector<16xf32>
        %parallel_loop3A_494 = arith.mulf %parallel_loop3A_463, %parallel_loop3A_469 : vector<16xf32>
        %parallel_loop3A_495 = arith.subf %parallel_loop3A_493, %parallel_loop3A_494 : vector<16xf32>
        %parallel_loop3A_496 = arith.addf %parallel_loop3A_492, %parallel_loop3A_495 : vector<16xf32>
        %parallel_loop3A_497 = arith.mulf %parallel_loop3A_463, %parallel_loop3A_466 : vector<16xf32>
        %parallel_loop3A_498 = arith.mulf %parallel_loop3A_454, %parallel_loop3A_475 : vector<16xf32>
        %parallel_loop3A_499 = arith.subf %parallel_loop3A_497, %parallel_loop3A_498 : vector<16xf32>
        %parallel_loop3A_500 = arith.mulf %parallel_loop3A_460, %parallel_loop3A_469 : vector<16xf32>
        %parallel_loop3A_501 = arith.mulf %parallel_loop3A_457, %parallel_loop3A_472 : vector<16xf32>
        %parallel_loop3A_502 = arith.subf %parallel_loop3A_500, %parallel_loop3A_501 : vector<16xf32>
        %parallel_loop3A_503 = arith.addf %parallel_loop3A_499, %parallel_loop3A_502 : vector<16xf32>
        %parallel_loop3A_504 = arith.constant 4 : i32
        %parallel_loop3A_505 = vector.broadcast %parallel_loop3A_504 : i32 to vector<16xi32>
        tpu.vector_store_idx %arg17[%parallel_loop3A_391, %parallel_loop3A_505], %parallel_loop3A_482 : memref<512x32xf32, #tpu.memory_space<vmem>>[vector<16xi32>, vector<16xi32>], vector<16xf32>,
        %parallel_loop3A_506 = arith.constant 5 : i32
        %parallel_loop3A_507 = vector.broadcast %parallel_loop3A_506 : i32 to vector<16xi32>
        tpu.vector_store_idx %arg17[%parallel_loop3A_391, %parallel_loop3A_507], %parallel_loop3A_489 : memref<512x32xf32, #tpu.memory_space<vmem>>[vector<16xi32>, vector<16xi32>], vector<16xf32>,
        %parallel_loop3A_508 = arith.constant 6 : i32
        %parallel_loop3A_509 = vector.broadcast %parallel_loop3A_508 : i32 to vector<16xi32>
        tpu.vector_store_idx %arg17[%parallel_loop3A_391, %parallel_loop3A_509], %parallel_loop3A_496 : memref<512x32xf32, #tpu.memory_space<vmem>>[vector<16xi32>, vector<16xi32>], vector<16xf32>,
        %parallel_loop3A_510 = arith.constant 7 : i32
        %parallel_loop3A_511 = vector.broadcast %parallel_loop3A_510 : i32 to vector<16xi32>
        tpu.vector_store_idx %arg17[%parallel_loop3A_391, %parallel_loop3A_511], %parallel_loop3A_503 : memref<512x32xf32, #tpu.memory_space<vmem>>[vector<16xi32>, vector<16xi32>], vector<16xf32>,
        %parallel_loop3A_512 = arith.constant 8 : i32
        %parallel_loop3A_513 = vector.broadcast %parallel_loop3A_512 : i32 to vector<16xi32>
        %parallel_loop3A_514 = tpu.vector_load_idx %arg13[%parallel_loop3A_391, %parallel_loop3A_513] : memref<512x32xf32, #tpu.memory_space<vmem>>[vector<16xi32>, vector<16xi32>], vector<16xf32>,
        %parallel_loop3A_515 = arith.constant 9 : i32
        %parallel_loop3A_516 = vector.broadcast %parallel_loop3A_515 : i32 to vector<16xi32>
        %parallel_loop3A_517 = tpu.vector_load_idx %arg13[%parallel_loop3A_391, %parallel_loop3A_516] : memref<512x32xf32, #tpu.memory_space<vmem>>[vector<16xi32>, vector<16xi32>], vector<16xf32>,
        %parallel_loop3A_518 = arith.constant 10 : i32
        %parallel_loop3A_519 = vector.broadcast %parallel_loop3A_518 : i32 to vector<16xi32>
        %parallel_loop3A_520 = tpu.vector_load_idx %arg13[%parallel_loop3A_391, %parallel_loop3A_519] : memref<512x32xf32, #tpu.memory_space<vmem>>[vector<16xi32>, vector<16xi32>], vector<16xf32>,
        %parallel_loop3A_521 = arith.constant 11 : i32
        %parallel_loop3A_522 = vector.broadcast %parallel_loop3A_521 : i32 to vector<16xi32>
        %parallel_loop3A_523 = tpu.vector_load_idx %arg13[%parallel_loop3A_391, %parallel_loop3A_522] : memref<512x32xf32, #tpu.memory_space<vmem>>[vector<16xi32>, vector<16xi32>], vector<16xf32>,
        %parallel_loop3A_524 = arith.constant 8 : i32
        %parallel_loop3A_525 = vector.broadcast %parallel_loop3A_524 : i32 to vector<16xi32>
        %parallel_loop3A_526 = tpu.vector_load_idx %arg15[%parallel_loop3A_391, %parallel_loop3A_525] : memref<512x32xf32, #tpu.memory_space<vmem>>[vector<16xi32>, vector<16xi32>], vector<16xf32>,
        %parallel_loop3A_527 = arith.constant 9 : i32
        %parallel_loop3A_528 = vector.broadcast %parallel_loop3A_527 : i32 to vector<16xi32>
        %parallel_loop3A_529 = tpu.vector_load_idx %arg15[%parallel_loop3A_391, %parallel_loop3A_528] : memref<512x32xf32, #tpu.memory_space<vmem>>[vector<16xi32>, vector<16xi32>], vector<16xf32>,
        %parallel_loop3A_530 = arith.constant 10 : i32
        %parallel_loop3A_531 = vector.broadcast %parallel_loop3A_530 : i32 to vector<16xi32>
        %parallel_loop3A_532 = tpu.vector_load_idx %arg15[%parallel_loop3A_391, %parallel_loop3A_531] : memref<512x32xf32, #tpu.memory_space<vmem>>[vector<16xi32>, vector<16xi32>], vector<16xf32>,
        %parallel_loop3A_533 = arith.constant 11 : i32
        %parallel_loop3A_534 = vector.broadcast %parallel_loop3A_533 : i32 to vector<16xi32>
        %parallel_loop3A_535 = tpu.vector_load_idx %arg15[%parallel_loop3A_391, %parallel_loop3A_534] : memref<512x32xf32, #tpu.memory_space<vmem>>[vector<16xi32>, vector<16xi32>], vector<16xf32>,
        %parallel_loop3A_536 = arith.mulf %parallel_loop3A_514, %parallel_loop3A_526 : vector<16xf32>
        %parallel_loop3A_537 = arith.mulf %parallel_loop3A_517, %parallel_loop3A_529 : vector<16xf32>
        %parallel_loop3A_538 = arith.addf %parallel_loop3A_536, %parallel_loop3A_537 : vector<16xf32>
        %parallel_loop3A_539 = arith.mulf %parallel_loop3A_520, %parallel_loop3A_532 : vector<16xf32>
        %parallel_loop3A_540 = arith.mulf %parallel_loop3A_523, %parallel_loop3A_535 : vector<16xf32>
        %parallel_loop3A_541 = arith.addf %parallel_loop3A_539, %parallel_loop3A_540 : vector<16xf32>
        %parallel_loop3A_542 = arith.addf %parallel_loop3A_538, %parallel_loop3A_541 : vector<16xf32>
        %parallel_loop3A_543 = arith.mulf %parallel_loop3A_517, %parallel_loop3A_526 : vector<16xf32>
        %parallel_loop3A_544 = arith.mulf %parallel_loop3A_514, %parallel_loop3A_529 : vector<16xf32>
        %parallel_loop3A_545 = arith.subf %parallel_loop3A_543, %parallel_loop3A_544 : vector<16xf32>
        %parallel_loop3A_546 = arith.mulf %parallel_loop3A_523, %parallel_loop3A_532 : vector<16xf32>
        %parallel_loop3A_547 = arith.mulf %parallel_loop3A_520, %parallel_loop3A_535 : vector<16xf32>
        %parallel_loop3A_548 = arith.subf %parallel_loop3A_546, %parallel_loop3A_547 : vector<16xf32>
        %parallel_loop3A_549 = arith.addf %parallel_loop3A_545, %parallel_loop3A_548 : vector<16xf32>
        %parallel_loop3A_550 = arith.mulf %parallel_loop3A_520, %parallel_loop3A_526 : vector<16xf32>
        %parallel_loop3A_551 = arith.mulf %parallel_loop3A_514, %parallel_loop3A_532 : vector<16xf32>
        %parallel_loop3A_552 = arith.subf %parallel_loop3A_550, %parallel_loop3A_551 : vector<16xf32>
        %parallel_loop3A_553 = arith.mulf %parallel_loop3A_517, %parallel_loop3A_535 : vector<16xf32>
        %parallel_loop3A_554 = arith.mulf %parallel_loop3A_523, %parallel_loop3A_529 : vector<16xf32>
        %parallel_loop3A_555 = arith.subf %parallel_loop3A_553, %parallel_loop3A_554 : vector<16xf32>
        %parallel_loop3A_556 = arith.addf %parallel_loop3A_552, %parallel_loop3A_555 : vector<16xf32>
        %parallel_loop3A_557 = arith.mulf %parallel_loop3A_523, %parallel_loop3A_526 : vector<16xf32>
        %parallel_loop3A_558 = arith.mulf %parallel_loop3A_514, %parallel_loop3A_535 : vector<16xf32>
        %parallel_loop3A_559 = arith.subf %parallel_loop3A_557, %parallel_loop3A_558 : vector<16xf32>
        %parallel_loop3A_560 = arith.mulf %parallel_loop3A_520, %parallel_loop3A_529 : vector<16xf32>
        %parallel_loop3A_561 = arith.mulf %parallel_loop3A_517, %parallel_loop3A_532 : vector<16xf32>
        %parallel_loop3A_562 = arith.subf %parallel_loop3A_560, %parallel_loop3A_561 : vector<16xf32>
        %parallel_loop3A_563 = arith.addf %parallel_loop3A_559, %parallel_loop3A_562 : vector<16xf32>
        %parallel_loop3A_564 = arith.constant 8 : i32
        %parallel_loop3A_565 = vector.broadcast %parallel_loop3A_564 : i32 to vector<16xi32>
        tpu.vector_store_idx %arg17[%parallel_loop3A_391, %parallel_loop3A_565], %parallel_loop3A_542 : memref<512x32xf32, #tpu.memory_space<vmem>>[vector<16xi32>, vector<16xi32>], vector<16xf32>,
        %parallel_loop3A_566 = arith.constant 9 : i32
        %parallel_loop3A_567 = vector.broadcast %parallel_loop3A_566 : i32 to vector<16xi32>
        tpu.vector_store_idx %arg17[%parallel_loop3A_391, %parallel_loop3A_567], %parallel_loop3A_549 : memref<512x32xf32, #tpu.memory_space<vmem>>[vector<16xi32>, vector<16xi32>], vector<16xf32>,
        %parallel_loop3A_568 = arith.constant 10 : i32
        %parallel_loop3A_569 = vector.broadcast %parallel_loop3A_568 : i32 to vector<16xi32>
        tpu.vector_store_idx %arg17[%parallel_loop3A_391, %parallel_loop3A_569], %parallel_loop3A_556 : memref<512x32xf32, #tpu.memory_space<vmem>>[vector<16xi32>, vector<16xi32>], vector<16xf32>,
        %parallel_loop3A_570 = arith.constant 11 : i32
        %parallel_loop3A_571 = vector.broadcast %parallel_loop3A_570 : i32 to vector<16xi32>
        tpu.vector_store_idx %arg17[%parallel_loop3A_391, %parallel_loop3A_571], %parallel_loop3A_563 : memref<512x32xf32, #tpu.memory_space<vmem>>[vector<16xi32>, vector<16xi32>], vector<16xf32>,
        %parallel_loop3A_572 = arith.constant 12 : i32
        %parallel_loop3A_573 = vector.broadcast %parallel_loop3A_572 : i32 to vector<16xi32>
        %parallel_loop3A_574 = tpu.vector_load_idx %arg13[%parallel_loop3A_391, %parallel_loop3A_573] : memref<512x32xf32, #tpu.memory_space<vmem>>[vector<16xi32>, vector<16xi32>], vector<16xf32>,
        %parallel_loop3A_575 = arith.constant 13 : i32
        %parallel_loop3A_576 = vector.broadcast %parallel_loop3A_575 : i32 to vector<16xi32>
        %parallel_loop3A_577 = tpu.vector_load_idx %arg13[%parallel_loop3A_391, %parallel_loop3A_576] : memref<512x32xf32, #tpu.memory_space<vmem>>[vector<16xi32>, vector<16xi32>], vector<16xf32>,
        %parallel_loop3A_578 = arith.constant 14 : i32
        %parallel_loop3A_579 = vector.broadcast %parallel_loop3A_578 : i32 to vector<16xi32>
        %parallel_loop3A_580 = tpu.vector_load_idx %arg13[%parallel_loop3A_391, %parallel_loop3A_579] : memref<512x32xf32, #tpu.memory_space<vmem>>[vector<16xi32>, vector<16xi32>], vector<16xf32>,
        %parallel_loop3A_581 = arith.constant 15 : i32
        %parallel_loop3A_582 = vector.broadcast %parallel_loop3A_581 : i32 to vector<16xi32>
        %parallel_loop3A_583 = tpu.vector_load_idx %arg13[%parallel_loop3A_391, %parallel_loop3A_582] : memref<512x32xf32, #tpu.memory_space<vmem>>[vector<16xi32>, vector<16xi32>], vector<16xf32>,
        %parallel_loop3A_584 = arith.constant 12 : i32
        %parallel_loop3A_585 = vector.broadcast %parallel_loop3A_584 : i32 to vector<16xi32>
        %parallel_loop3A_586 = tpu.vector_load_idx %arg15[%parallel_loop3A_391, %parallel_loop3A_585] : memref<512x32xf32, #tpu.memory_space<vmem>>[vector<16xi32>, vector<16xi32>], vector<16xf32>,
        %parallel_loop3A_587 = arith.constant 13 : i32
        %parallel_loop3A_588 = vector.broadcast %parallel_loop3A_587 : i32 to vector<16xi32>
        %parallel_loop3A_589 = tpu.vector_load_idx %arg15[%parallel_loop3A_391, %parallel_loop3A_588] : memref<512x32xf32, #tpu.memory_space<vmem>>[vector<16xi32>, vector<16xi32>], vector<16xf32>,
        %parallel_loop3A_590 = arith.constant 14 : i32
        %parallel_loop3A_591 = vector.broadcast %parallel_loop3A_590 : i32 to vector<16xi32>
        %parallel_loop3A_592 = tpu.vector_load_idx %arg15[%parallel_loop3A_391, %parallel_loop3A_591] : memref<512x32xf32, #tpu.memory_space<vmem>>[vector<16xi32>, vector<16xi32>], vector<16xf32>,
        %parallel_loop3A_593 = arith.constant 15 : i32
        %parallel_loop3A_594 = vector.broadcast %parallel_loop3A_593 : i32 to vector<16xi32>
        %parallel_loop3A_595 = tpu.vector_load_idx %arg15[%parallel_loop3A_391, %parallel_loop3A_594] : memref<512x32xf32, #tpu.memory_space<vmem>>[vector<16xi32>, vector<16xi32>], vector<16xf32>,
        %parallel_loop3A_596 = arith.mulf %parallel_loop3A_574, %parallel_loop3A_586 : vector<16xf32>
        %parallel_loop3A_597 = arith.mulf %parallel_loop3A_577, %parallel_loop3A_589 : vector<16xf32>
        %parallel_loop3A_598 = arith.addf %parallel_loop3A_596, %parallel_loop3A_597 : vector<16xf32>
        %parallel_loop3A_599 = arith.mulf %parallel_loop3A_580, %parallel_loop3A_592 : vector<16xf32>
        %parallel_loop3A_600 = arith.mulf %parallel_loop3A_583, %parallel_loop3A_595 : vector<16xf32>
        %parallel_loop3A_601 = arith.addf %parallel_loop3A_599, %parallel_loop3A_600 : vector<16xf32>
        %parallel_loop3A_602 = arith.addf %parallel_loop3A_598, %parallel_loop3A_601 : vector<16xf32>
        %parallel_loop3A_603 = arith.mulf %parallel_loop3A_577, %parallel_loop3A_586 : vector<16xf32>
        %parallel_loop3A_604 = arith.mulf %parallel_loop3A_574, %parallel_loop3A_589 : vector<16xf32>
        %parallel_loop3A_605 = arith.subf %parallel_loop3A_603, %parallel_loop3A_604 : vector<16xf32>
        %parallel_loop3A_606 = arith.mulf %parallel_loop3A_583, %parallel_loop3A_592 : vector<16xf32>
        %parallel_loop3A_607 = arith.mulf %parallel_loop3A_580, %parallel_loop3A_595 : vector<16xf32>
        %parallel_loop3A_608 = arith.subf %parallel_loop3A_606, %parallel_loop3A_607 : vector<16xf32>
        %parallel_loop3A_609 = arith.addf %parallel_loop3A_605, %parallel_loop3A_608 : vector<16xf32>
        %parallel_loop3A_610 = arith.mulf %parallel_loop3A_580, %parallel_loop3A_586 : vector<16xf32>
        %parallel_loop3A_611 = arith.mulf %parallel_loop3A_574, %parallel_loop3A_592 : vector<16xf32>
        %parallel_loop3A_612 = arith.subf %parallel_loop3A_610, %parallel_loop3A_611 : vector<16xf32>
        %parallel_loop3A_613 = arith.mulf %parallel_loop3A_577, %parallel_loop3A_595 : vector<16xf32>
        %parallel_loop3A_614 = arith.mulf %parallel_loop3A_583, %parallel_loop3A_589 : vector<16xf32>
        %parallel_loop3A_615 = arith.subf %parallel_loop3A_613, %parallel_loop3A_614 : vector<16xf32>
        %parallel_loop3A_616 = arith.addf %parallel_loop3A_612, %parallel_loop3A_615 : vector<16xf32>
        %parallel_loop3A_617 = arith.mulf %parallel_loop3A_583, %parallel_loop3A_586 : vector<16xf32>
        %parallel_loop3A_618 = arith.mulf %parallel_loop3A_574, %parallel_loop3A_595 : vector<16xf32>
        %parallel_loop3A_619 = arith.subf %parallel_loop3A_617, %parallel_loop3A_618 : vector<16xf32>
        %parallel_loop3A_620 = arith.mulf %parallel_loop3A_580, %parallel_loop3A_589 : vector<16xf32>
        %parallel_loop3A_621 = arith.mulf %parallel_loop3A_577, %parallel_loop3A_592 : vector<16xf32>
        %parallel_loop3A_622 = arith.subf %parallel_loop3A_620, %parallel_loop3A_621 : vector<16xf32>
        %parallel_loop3A_623 = arith.addf %parallel_loop3A_619, %parallel_loop3A_622 : vector<16xf32>
        %parallel_loop3A_624 = arith.constant 12 : i32
        %parallel_loop3A_625 = vector.broadcast %parallel_loop3A_624 : i32 to vector<16xi32>
        tpu.vector_store_idx %arg17[%parallel_loop3A_391, %parallel_loop3A_625], %parallel_loop3A_602 : memref<512x32xf32, #tpu.memory_space<vmem>>[vector<16xi32>, vector<16xi32>], vector<16xf32>,
        %parallel_loop3A_626 = arith.constant 13 : i32
        %parallel_loop3A_627 = vector.broadcast %parallel_loop3A_626 : i32 to vector<16xi32>
        tpu.vector_store_idx %arg17[%parallel_loop3A_391, %parallel_loop3A_627], %parallel_loop3A_609 : memref<512x32xf32, #tpu.memory_space<vmem>>[vector<16xi32>, vector<16xi32>], vector<16xf32>,
        %parallel_loop3A_628 = arith.constant 14 : i32
        %parallel_loop3A_629 = vector.broadcast %parallel_loop3A_628 : i32 to vector<16xi32>
        tpu.vector_store_idx %arg17[%parallel_loop3A_391, %parallel_loop3A_629], %parallel_loop3A_616 : memref<512x32xf32, #tpu.memory_space<vmem>>[vector<16xi32>, vector<16xi32>], vector<16xf32>,
        %parallel_loop3A_630 = arith.constant 15 : i32
        %parallel_loop3A_631 = vector.broadcast %parallel_loop3A_630 : i32 to vector<16xi32>
        tpu.vector_store_idx %arg17[%parallel_loop3A_391, %parallel_loop3A_631], %parallel_loop3A_623 : memref<512x32xf32, #tpu.memory_space<vmem>>[vector<16xi32>, vector<16xi32>], vector<16xf32>,
        %parallel_loop3A_632 = arith.constant 16 : i32
        %parallel_loop3A_633 = vector.broadcast %parallel_loop3A_632 : i32 to vector<16xi32>
        %parallel_loop3A_634 = tpu.vector_load_idx %arg13[%parallel_loop3A_391, %parallel_loop3A_633] : memref<512x32xf32, #tpu.memory_space<vmem>>[vector<16xi32>, vector<16xi32>], vector<16xf32>,
        %parallel_loop3A_635 = arith.constant 17 : i32
        %parallel_loop3A_636 = vector.broadcast %parallel_loop3A_635 : i32 to vector<16xi32>
        %parallel_loop3A_637 = tpu.vector_load_idx %arg13[%parallel_loop3A_391, %parallel_loop3A_636] : memref<512x32xf32, #tpu.memory_space<vmem>>[vector<16xi32>, vector<16xi32>], vector<16xf32>,
        %parallel_loop3A_638 = arith.constant 18 : i32
        %parallel_loop3A_639 = vector.broadcast %parallel_loop3A_638 : i32 to vector<16xi32>
        %parallel_loop3A_640 = tpu.vector_load_idx %arg13[%parallel_loop3A_391, %parallel_loop3A_639] : memref<512x32xf32, #tpu.memory_space<vmem>>[vector<16xi32>, vector<16xi32>], vector<16xf32>,
        %parallel_loop3A_641 = arith.constant 19 : i32
        %parallel_loop3A_642 = vector.broadcast %parallel_loop3A_641 : i32 to vector<16xi32>
        %parallel_loop3A_643 = tpu.vector_load_idx %arg13[%parallel_loop3A_391, %parallel_loop3A_642] : memref<512x32xf32, #tpu.memory_space<vmem>>[vector<16xi32>, vector<16xi32>], vector<16xf32>,
        %parallel_loop3A_644 = arith.constant 16 : i32
        %parallel_loop3A_645 = vector.broadcast %parallel_loop3A_644 : i32 to vector<16xi32>
        %parallel_loop3A_646 = tpu.vector_load_idx %arg15[%parallel_loop3A_391, %parallel_loop3A_645] : memref<512x32xf32, #tpu.memory_space<vmem>>[vector<16xi32>, vector<16xi32>], vector<16xf32>,
        %parallel_loop3A_647 = arith.constant 17 : i32
        %parallel_loop3A_648 = vector.broadcast %parallel_loop3A_647 : i32 to vector<16xi32>
        %parallel_loop3A_649 = tpu.vector_load_idx %arg15[%parallel_loop3A_391, %parallel_loop3A_648] : memref<512x32xf32, #tpu.memory_space<vmem>>[vector<16xi32>, vector<16xi32>], vector<16xf32>,
        %parallel_loop3A_650 = arith.constant 18 : i32
        %parallel_loop3A_651 = vector.broadcast %parallel_loop3A_650 : i32 to vector<16xi32>
        %parallel_loop3A_652 = tpu.vector_load_idx %arg15[%parallel_loop3A_391, %parallel_loop3A_651] : memref<512x32xf32, #tpu.memory_space<vmem>>[vector<16xi32>, vector<16xi32>], vector<16xf32>,
        %parallel_loop3A_653 = arith.constant 19 : i32
        %parallel_loop3A_654 = vector.broadcast %parallel_loop3A_653 : i32 to vector<16xi32>
        %parallel_loop3A_655 = tpu.vector_load_idx %arg15[%parallel_loop3A_391, %parallel_loop3A_654] : memref<512x32xf32, #tpu.memory_space<vmem>>[vector<16xi32>, vector<16xi32>], vector<16xf32>,
        %parallel_loop3A_656 = arith.mulf %parallel_loop3A_634, %parallel_loop3A_646 : vector<16xf32>
        %parallel_loop3A_657 = arith.mulf %parallel_loop3A_637, %parallel_loop3A_649 : vector<16xf32>
        %parallel_loop3A_658 = arith.addf %parallel_loop3A_656, %parallel_loop3A_657 : vector<16xf32>
        %parallel_loop3A_659 = arith.mulf %parallel_loop3A_640, %parallel_loop3A_652 : vector<16xf32>
        %parallel_loop3A_660 = arith.mulf %parallel_loop3A_643, %parallel_loop3A_655 : vector<16xf32>
        %parallel_loop3A_661 = arith.addf %parallel_loop3A_659, %parallel_loop3A_660 : vector<16xf32>
        %parallel_loop3A_662 = arith.addf %parallel_loop3A_658, %parallel_loop3A_661 : vector<16xf32>
        %parallel_loop3A_663 = arith.mulf %parallel_loop3A_637, %parallel_loop3A_646 : vector<16xf32>
        %parallel_loop3A_664 = arith.mulf %parallel_loop3A_634, %parallel_loop3A_649 : vector<16xf32>
        %parallel_loop3A_665 = arith.subf %parallel_loop3A_663, %parallel_loop3A_664 : vector<16xf32>
        %parallel_loop3A_666 = arith.mulf %parallel_loop3A_643, %parallel_loop3A_652 : vector<16xf32>
        %parallel_loop3A_667 = arith.mulf %parallel_loop3A_640, %parallel_loop3A_655 : vector<16xf32>
        %parallel_loop3A_668 = arith.subf %parallel_loop3A_666, %parallel_loop3A_667 : vector<16xf32>
        %parallel_loop3A_669 = arith.addf %parallel_loop3A_665, %parallel_loop3A_668 : vector<16xf32>
        %parallel_loop3A_670 = arith.mulf %parallel_loop3A_640, %parallel_loop3A_646 : vector<16xf32>
        %parallel_loop3A_671 = arith.mulf %parallel_loop3A_634, %parallel_loop3A_652 : vector<16xf32>
        %parallel_loop3A_672 = arith.subf %parallel_loop3A_670, %parallel_loop3A_671 : vector<16xf32>
        %parallel_loop3A_673 = arith.mulf %parallel_loop3A_637, %parallel_loop3A_655 : vector<16xf32>
        %parallel_loop3A_674 = arith.mulf %parallel_loop3A_643, %parallel_loop3A_649 : vector<16xf32>
        %parallel_loop3A_675 = arith.subf %parallel_loop3A_673, %parallel_loop3A_674 : vector<16xf32>
        %parallel_loop3A_676 = arith.addf %parallel_loop3A_672, %parallel_loop3A_675 : vector<16xf32>
        %parallel_loop3A_677 = arith.mulf %parallel_loop3A_643, %parallel_loop3A_646 : vector<16xf32>
        %parallel_loop3A_678 = arith.mulf %parallel_loop3A_634, %parallel_loop3A_655 : vector<16xf32>
        %parallel_loop3A_679 = arith.subf %parallel_loop3A_677, %parallel_loop3A_678 : vector<16xf32>
        %parallel_loop3A_680 = arith.mulf %parallel_loop3A_640, %parallel_loop3A_649 : vector<16xf32>
        %parallel_loop3A_681 = arith.mulf %parallel_loop3A_637, %parallel_loop3A_652 : vector<16xf32>
        %parallel_loop3A_682 = arith.subf %parallel_loop3A_680, %parallel_loop3A_681 : vector<16xf32>
        %parallel_loop3A_683 = arith.addf %parallel_loop3A_679, %parallel_loop3A_682 : vector<16xf32>
        %parallel_loop3A_684 = arith.constant 16 : i32
        %parallel_loop3A_685 = vector.broadcast %parallel_loop3A_684 : i32 to vector<16xi32>
        tpu.vector_store_idx %arg17[%parallel_loop3A_391, %parallel_loop3A_685], %parallel_loop3A_662 : memref<512x32xf32, #tpu.memory_space<vmem>>[vector<16xi32>, vector<16xi32>], vector<16xf32>,
        %parallel_loop3A_686 = arith.constant 17 : i32
        %parallel_loop3A_687 = vector.broadcast %parallel_loop3A_686 : i32 to vector<16xi32>
        tpu.vector_store_idx %arg17[%parallel_loop3A_391, %parallel_loop3A_687], %parallel_loop3A_669 : memref<512x32xf32, #tpu.memory_space<vmem>>[vector<16xi32>, vector<16xi32>], vector<16xf32>,
        %parallel_loop3A_688 = arith.constant 18 : i32
        %parallel_loop3A_689 = vector.broadcast %parallel_loop3A_688 : i32 to vector<16xi32>
        tpu.vector_store_idx %arg17[%parallel_loop3A_391, %parallel_loop3A_689], %parallel_loop3A_676 : memref<512x32xf32, #tpu.memory_space<vmem>>[vector<16xi32>, vector<16xi32>], vector<16xf32>,
        %parallel_loop3A_690 = arith.constant 19 : i32
        %parallel_loop3A_691 = vector.broadcast %parallel_loop3A_690 : i32 to vector<16xi32>
        tpu.vector_store_idx %arg17[%parallel_loop3A_391, %parallel_loop3A_691], %parallel_loop3A_683 : memref<512x32xf32, #tpu.memory_space<vmem>>[vector<16xi32>, vector<16xi32>], vector<16xf32>,
        %parallel_loop3A_692 = arith.constant 20 : i32
        %parallel_loop3A_693 = vector.broadcast %parallel_loop3A_692 : i32 to vector<16xi32>
        %parallel_loop3A_694 = tpu.vector_load_idx %arg13[%parallel_loop3A_391, %parallel_loop3A_693] : memref<512x32xf32, #tpu.memory_space<vmem>>[vector<16xi32>, vector<16xi32>], vector<16xf32>,
        %parallel_loop3A_695 = arith.constant 21 : i32
        %parallel_loop3A_696 = vector.broadcast %parallel_loop3A_695 : i32 to vector<16xi32>
        %parallel_loop3A_697 = tpu.vector_load_idx %arg13[%parallel_loop3A_391, %parallel_loop3A_696] : memref<512x32xf32, #tpu.memory_space<vmem>>[vector<16xi32>, vector<16xi32>], vector<16xf32>,
        %parallel_loop3A_698 = arith.constant 22 : i32
        %parallel_loop3A_699 = vector.broadcast %parallel_loop3A_698 : i32 to vector<16xi32>
        %parallel_loop3A_700 = tpu.vector_load_idx %arg13[%parallel_loop3A_391, %parallel_loop3A_699] : memref<512x32xf32, #tpu.memory_space<vmem>>[vector<16xi32>, vector<16xi32>], vector<16xf32>,
        %parallel_loop3A_701 = arith.constant 23 : i32
        %parallel_loop3A_702 = vector.broadcast %parallel_loop3A_701 : i32 to vector<16xi32>
        %parallel_loop3A_703 = tpu.vector_load_idx %arg13[%parallel_loop3A_391, %parallel_loop3A_702] : memref<512x32xf32, #tpu.memory_space<vmem>>[vector<16xi32>, vector<16xi32>], vector<16xf32>,
        %parallel_loop3A_704 = arith.constant 20 : i32
        %parallel_loop3A_705 = vector.broadcast %parallel_loop3A_704 : i32 to vector<16xi32>
        %parallel_loop3A_706 = tpu.vector_load_idx %arg15[%parallel_loop3A_391, %parallel_loop3A_705] : memref<512x32xf32, #tpu.memory_space<vmem>>[vector<16xi32>, vector<16xi32>], vector<16xf32>,
        %parallel_loop3A_707 = arith.constant 21 : i32
        %parallel_loop3A_708 = vector.broadcast %parallel_loop3A_707 : i32 to vector<16xi32>
        %parallel_loop3A_709 = tpu.vector_load_idx %arg15[%parallel_loop3A_391, %parallel_loop3A_708] : memref<512x32xf32, #tpu.memory_space<vmem>>[vector<16xi32>, vector<16xi32>], vector<16xf32>,
        %parallel_loop3A_710 = arith.constant 22 : i32
        %parallel_loop3A_711 = vector.broadcast %parallel_loop3A_710 : i32 to vector<16xi32>
        %parallel_loop3A_712 = tpu.vector_load_idx %arg15[%parallel_loop3A_391, %parallel_loop3A_711] : memref<512x32xf32, #tpu.memory_space<vmem>>[vector<16xi32>, vector<16xi32>], vector<16xf32>,
        %parallel_loop3A_713 = arith.constant 23 : i32
        %parallel_loop3A_714 = vector.broadcast %parallel_loop3A_713 : i32 to vector<16xi32>
        %parallel_loop3A_715 = tpu.vector_load_idx %arg15[%parallel_loop3A_391, %parallel_loop3A_714] : memref<512x32xf32, #tpu.memory_space<vmem>>[vector<16xi32>, vector<16xi32>], vector<16xf32>,
        %parallel_loop3A_716 = arith.mulf %parallel_loop3A_694, %parallel_loop3A_706 : vector<16xf32>
        %parallel_loop3A_717 = arith.mulf %parallel_loop3A_697, %parallel_loop3A_709 : vector<16xf32>
        %parallel_loop3A_718 = arith.addf %parallel_loop3A_716, %parallel_loop3A_717 : vector<16xf32>
        %parallel_loop3A_719 = arith.mulf %parallel_loop3A_700, %parallel_loop3A_712 : vector<16xf32>
        %parallel_loop3A_720 = arith.mulf %parallel_loop3A_703, %parallel_loop3A_715 : vector<16xf32>
        %parallel_loop3A_721 = arith.addf %parallel_loop3A_719, %parallel_loop3A_720 : vector<16xf32>
        %parallel_loop3A_722 = arith.addf %parallel_loop3A_718, %parallel_loop3A_721 : vector<16xf32>
        %parallel_loop3A_723 = arith.mulf %parallel_loop3A_697, %parallel_loop3A_706 : vector<16xf32>
        %parallel_loop3A_724 = arith.mulf %parallel_loop3A_694, %parallel_loop3A_709 : vector<16xf32>
        %parallel_loop3A_725 = arith.subf %parallel_loop3A_723, %parallel_loop3A_724 : vector<16xf32>
        %parallel_loop3A_726 = arith.mulf %parallel_loop3A_703, %parallel_loop3A_712 : vector<16xf32>
        %parallel_loop3A_727 = arith.mulf %parallel_loop3A_700, %parallel_loop3A_715 : vector<16xf32>
        %parallel_loop3A_728 = arith.subf %parallel_loop3A_726, %parallel_loop3A_727 : vector<16xf32>
        %parallel_loop3A_729 = arith.addf %parallel_loop3A_725, %parallel_loop3A_728 : vector<16xf32>
        %parallel_loop3A_730 = arith.mulf %parallel_loop3A_700, %parallel_loop3A_706 : vector<16xf32>
        %parallel_loop3A_731 = arith.mulf %parallel_loop3A_694, %parallel_loop3A_712 : vector<16xf32>
        %parallel_loop3A_732 = arith.subf %parallel_loop3A_730, %parallel_loop3A_731 : vector<16xf32>
        %parallel_loop3A_733 = arith.mulf %parallel_loop3A_697, %parallel_loop3A_715 : vector<16xf32>
        %parallel_loop3A_734 = arith.mulf %parallel_loop3A_703, %parallel_loop3A_709 : vector<16xf32>
        %parallel_loop3A_735 = arith.subf %parallel_loop3A_733, %parallel_loop3A_734 : vector<16xf32>
        %parallel_loop3A_736 = arith.addf %parallel_loop3A_732, %parallel_loop3A_735 : vector<16xf32>
        %parallel_loop3A_737 = arith.mulf %parallel_loop3A_703, %parallel_loop3A_706 : vector<16xf32>
        %parallel_loop3A_738 = arith.mulf %parallel_loop3A_694, %parallel_loop3A_715 : vector<16xf32>
        %parallel_loop3A_739 = arith.subf %parallel_loop3A_737, %parallel_loop3A_738 : vector<16xf32>
        %parallel_loop3A_740 = arith.mulf %parallel_loop3A_700, %parallel_loop3A_709 : vector<16xf32>
        %parallel_loop3A_741 = arith.mulf %parallel_loop3A_697, %parallel_loop3A_712 : vector<16xf32>
        %parallel_loop3A_742 = arith.subf %parallel_loop3A_740, %parallel_loop3A_741 : vector<16xf32>
        %parallel_loop3A_743 = arith.addf %parallel_loop3A_739, %parallel_loop3A_742 : vector<16xf32>
        %parallel_loop3A_744 = arith.constant 20 : i32
        %parallel_loop3A_745 = vector.broadcast %parallel_loop3A_744 : i32 to vector<16xi32>
        tpu.vector_store_idx %arg17[%parallel_loop3A_391, %parallel_loop3A_745], %parallel_loop3A_722 : memref<512x32xf32, #tpu.memory_space<vmem>>[vector<16xi32>, vector<16xi32>], vector<16xf32>,
        %parallel_loop3A_746 = arith.constant 21 : i32
        %parallel_loop3A_747 = vector.broadcast %parallel_loop3A_746 : i32 to vector<16xi32>
        tpu.vector_store_idx %arg17[%parallel_loop3A_391, %parallel_loop3A_747], %parallel_loop3A_729 : memref<512x32xf32, #tpu.memory_space<vmem>>[vector<16xi32>, vector<16xi32>], vector<16xf32>,
        %parallel_loop3A_748 = arith.constant 22 : i32
        %parallel_loop3A_749 = vector.broadcast %parallel_loop3A_748 : i32 to vector<16xi32>
        tpu.vector_store_idx %arg17[%parallel_loop3A_391, %parallel_loop3A_749], %parallel_loop3A_736 : memref<512x32xf32, #tpu.memory_space<vmem>>[vector<16xi32>, vector<16xi32>], vector<16xf32>,
        %parallel_loop3A_750 = arith.constant 23 : i32
        %parallel_loop3A_751 = vector.broadcast %parallel_loop3A_750 : i32 to vector<16xi32>
        tpu.vector_store_idx %arg17[%parallel_loop3A_391, %parallel_loop3A_751], %parallel_loop3A_743 : memref<512x32xf32, #tpu.memory_space<vmem>>[vector<16xi32>, vector<16xi32>], vector<16xf32>,
        %parallel_loop3A_752 = arith.constant 24 : i32
        %parallel_loop3A_753 = vector.broadcast %parallel_loop3A_752 : i32 to vector<16xi32>
        %parallel_loop3A_754 = tpu.vector_load_idx %arg13[%parallel_loop3A_391, %parallel_loop3A_753] : memref<512x32xf32, #tpu.memory_space<vmem>>[vector<16xi32>, vector<16xi32>], vector<16xf32>,
        %parallel_loop3A_755 = arith.constant 25 : i32
        %parallel_loop3A_756 = vector.broadcast %parallel_loop3A_755 : i32 to vector<16xi32>
        %parallel_loop3A_757 = tpu.vector_load_idx %arg13[%parallel_loop3A_391, %parallel_loop3A_756] : memref<512x32xf32, #tpu.memory_space<vmem>>[vector<16xi32>, vector<16xi32>], vector<16xf32>,
        %parallel_loop3A_758 = arith.constant 26 : i32
        %parallel_loop3A_759 = vector.broadcast %parallel_loop3A_758 : i32 to vector<16xi32>
        %parallel_loop3A_760 = tpu.vector_load_idx %arg13[%parallel_loop3A_391, %parallel_loop3A_759] : memref<512x32xf32, #tpu.memory_space<vmem>>[vector<16xi32>, vector<16xi32>], vector<16xf32>,
        %parallel_loop3A_761 = arith.constant 27 : i32
        %parallel_loop3A_762 = vector.broadcast %parallel_loop3A_761 : i32 to vector<16xi32>
        %parallel_loop3A_763 = tpu.vector_load_idx %arg13[%parallel_loop3A_391, %parallel_loop3A_762] : memref<512x32xf32, #tpu.memory_space<vmem>>[vector<16xi32>, vector<16xi32>], vector<16xf32>,
        %parallel_loop3A_764 = arith.constant 24 : i32
        %parallel_loop3A_765 = vector.broadcast %parallel_loop3A_764 : i32 to vector<16xi32>
        %parallel_loop3A_766 = tpu.vector_load_idx %arg15[%parallel_loop3A_391, %parallel_loop3A_765] : memref<512x32xf32, #tpu.memory_space<vmem>>[vector<16xi32>, vector<16xi32>], vector<16xf32>,
        %parallel_loop3A_767 = arith.constant 25 : i32
        %parallel_loop3A_768 = vector.broadcast %parallel_loop3A_767 : i32 to vector<16xi32>
        %parallel_loop3A_769 = tpu.vector_load_idx %arg15[%parallel_loop3A_391, %parallel_loop3A_768] : memref<512x32xf32, #tpu.memory_space<vmem>>[vector<16xi32>, vector<16xi32>], vector<16xf32>,
        %parallel_loop3A_770 = arith.constant 26 : i32
        %parallel_loop3A_771 = vector.broadcast %parallel_loop3A_770 : i32 to vector<16xi32>
        %parallel_loop3A_772 = tpu.vector_load_idx %arg15[%parallel_loop3A_391, %parallel_loop3A_771] : memref<512x32xf32, #tpu.memory_space<vmem>>[vector<16xi32>, vector<16xi32>], vector<16xf32>,
        %parallel_loop3A_773 = arith.constant 27 : i32
        %parallel_loop3A_774 = vector.broadcast %parallel_loop3A_773 : i32 to vector<16xi32>
        %parallel_loop3A_775 = tpu.vector_load_idx %arg15[%parallel_loop3A_391, %parallel_loop3A_774] : memref<512x32xf32, #tpu.memory_space<vmem>>[vector<16xi32>, vector<16xi32>], vector<16xf32>,
        %parallel_loop3A_776 = arith.mulf %parallel_loop3A_754, %parallel_loop3A_766 : vector<16xf32>
        %parallel_loop3A_777 = arith.mulf %parallel_loop3A_757, %parallel_loop3A_769 : vector<16xf32>
        %parallel_loop3A_778 = arith.addf %parallel_loop3A_776, %parallel_loop3A_777 : vector<16xf32>
        %parallel_loop3A_779 = arith.mulf %parallel_loop3A_760, %parallel_loop3A_772 : vector<16xf32>
        %parallel_loop3A_780 = arith.mulf %parallel_loop3A_763, %parallel_loop3A_775 : vector<16xf32>
        %parallel_loop3A_781 = arith.addf %parallel_loop3A_779, %parallel_loop3A_780 : vector<16xf32>
        %parallel_loop3A_782 = arith.addf %parallel_loop3A_778, %parallel_loop3A_781 : vector<16xf32>
        %parallel_loop3A_783 = arith.mulf %parallel_loop3A_757, %parallel_loop3A_766 : vector<16xf32>
        %parallel_loop3A_784 = arith.mulf %parallel_loop3A_754, %parallel_loop3A_769 : vector<16xf32>
        %parallel_loop3A_785 = arith.subf %parallel_loop3A_783, %parallel_loop3A_784 : vector<16xf32>
        %parallel_loop3A_786 = arith.mulf %parallel_loop3A_763, %parallel_loop3A_772 : vector<16xf32>
        %parallel_loop3A_787 = arith.mulf %parallel_loop3A_760, %parallel_loop3A_775 : vector<16xf32>
        %parallel_loop3A_788 = arith.subf %parallel_loop3A_786, %parallel_loop3A_787 : vector<16xf32>
        %parallel_loop3A_789 = arith.addf %parallel_loop3A_785, %parallel_loop3A_788 : vector<16xf32>
        %parallel_loop3A_790 = arith.mulf %parallel_loop3A_760, %parallel_loop3A_766 : vector<16xf32>
        %parallel_loop3A_791 = arith.mulf %parallel_loop3A_754, %parallel_loop3A_772 : vector<16xf32>
        %parallel_loop3A_792 = arith.subf %parallel_loop3A_790, %parallel_loop3A_791 : vector<16xf32>
        %parallel_loop3A_793 = arith.mulf %parallel_loop3A_757, %parallel_loop3A_775 : vector<16xf32>
        %parallel_loop3A_794 = arith.mulf %parallel_loop3A_763, %parallel_loop3A_769 : vector<16xf32>
        %parallel_loop3A_795 = arith.subf %parallel_loop3A_793, %parallel_loop3A_794 : vector<16xf32>
        %parallel_loop3A_796 = arith.addf %parallel_loop3A_792, %parallel_loop3A_795 : vector<16xf32>
        %parallel_loop3A_797 = arith.mulf %parallel_loop3A_763, %parallel_loop3A_766 : vector<16xf32>
        %parallel_loop3A_798 = arith.mulf %parallel_loop3A_754, %parallel_loop3A_775 : vector<16xf32>
        %parallel_loop3A_799 = arith.subf %parallel_loop3A_797, %parallel_loop3A_798 : vector<16xf32>
        %parallel_loop3A_800 = arith.mulf %parallel_loop3A_760, %parallel_loop3A_769 : vector<16xf32>
        %parallel_loop3A_801 = arith.mulf %parallel_loop3A_757, %parallel_loop3A_772 : vector<16xf32>
        %parallel_loop3A_802 = arith.subf %parallel_loop3A_800, %parallel_loop3A_801 : vector<16xf32>
        %parallel_loop3A_803 = arith.addf %parallel_loop3A_799, %parallel_loop3A_802 : vector<16xf32>
        %parallel_loop3A_804 = arith.constant 24 : i32
        %parallel_loop3A_805 = vector.broadcast %parallel_loop3A_804 : i32 to vector<16xi32>
        tpu.vector_store_idx %arg17[%parallel_loop3A_391, %parallel_loop3A_805], %parallel_loop3A_782 : memref<512x32xf32, #tpu.memory_space<vmem>>[vector<16xi32>, vector<16xi32>], vector<16xf32>,
        %parallel_loop3A_806 = arith.constant 25 : i32
        %parallel_loop3A_807 = vector.broadcast %parallel_loop3A_806 : i32 to vector<16xi32>
        tpu.vector_store_idx %arg17[%parallel_loop3A_391, %parallel_loop3A_807], %parallel_loop3A_789 : memref<512x32xf32, #tpu.memory_space<vmem>>[vector<16xi32>, vector<16xi32>], vector<16xf32>,
        %parallel_loop3A_808 = arith.constant 26 : i32
        %parallel_loop3A_809 = vector.broadcast %parallel_loop3A_808 : i32 to vector<16xi32>
        tpu.vector_store_idx %arg17[%parallel_loop3A_391, %parallel_loop3A_809], %parallel_loop3A_796 : memref<512x32xf32, #tpu.memory_space<vmem>>[vector<16xi32>, vector<16xi32>], vector<16xf32>,
        %parallel_loop3A_810 = arith.constant 27 : i32
        %parallel_loop3A_811 = vector.broadcast %parallel_loop3A_810 : i32 to vector<16xi32>
        tpu.vector_store_idx %arg17[%parallel_loop3A_391, %parallel_loop3A_811], %parallel_loop3A_803 : memref<512x32xf32, #tpu.memory_space<vmem>>[vector<16xi32>, vector<16xi32>], vector<16xf32>,
        %parallel_loop3A_812 = arith.constant 28 : i32
        %parallel_loop3A_813 = vector.broadcast %parallel_loop3A_812 : i32 to vector<16xi32>
        %parallel_loop3A_814 = tpu.vector_load_idx %arg13[%parallel_loop3A_391, %parallel_loop3A_813] : memref<512x32xf32, #tpu.memory_space<vmem>>[vector<16xi32>, vector<16xi32>], vector<16xf32>,
        %parallel_loop3A_815 = arith.constant 29 : i32
        %parallel_loop3A_816 = vector.broadcast %parallel_loop3A_815 : i32 to vector<16xi32>
        %parallel_loop3A_817 = tpu.vector_load_idx %arg13[%parallel_loop3A_391, %parallel_loop3A_816] : memref<512x32xf32, #tpu.memory_space<vmem>>[vector<16xi32>, vector<16xi32>], vector<16xf32>,
        %parallel_loop3A_818 = arith.constant 30 : i32
        %parallel_loop3A_819 = vector.broadcast %parallel_loop3A_818 : i32 to vector<16xi32>
        %parallel_loop3A_820 = tpu.vector_load_idx %arg13[%parallel_loop3A_391, %parallel_loop3A_819] : memref<512x32xf32, #tpu.memory_space<vmem>>[vector<16xi32>, vector<16xi32>], vector<16xf32>,
        %parallel_loop3A_821 = arith.constant 31 : i32
        %parallel_loop3A_822 = vector.broadcast %parallel_loop3A_821 : i32 to vector<16xi32>
        %parallel_loop3A_823 = tpu.vector_load_idx %arg13[%parallel_loop3A_391, %parallel_loop3A_822] : memref<512x32xf32, #tpu.memory_space<vmem>>[vector<16xi32>, vector<16xi32>], vector<16xf32>,
        %parallel_loop3A_824 = arith.constant 28 : i32
        %parallel_loop3A_825 = vector.broadcast %parallel_loop3A_824 : i32 to vector<16xi32>
        %parallel_loop3A_826 = tpu.vector_load_idx %arg15[%parallel_loop3A_391, %parallel_loop3A_825] : memref<512x32xf32, #tpu.memory_space<vmem>>[vector<16xi32>, vector<16xi32>], vector<16xf32>,
        %parallel_loop3A_827 = arith.constant 29 : i32
        %parallel_loop3A_828 = vector.broadcast %parallel_loop3A_827 : i32 to vector<16xi32>
        %parallel_loop3A_829 = tpu.vector_load_idx %arg15[%parallel_loop3A_391, %parallel_loop3A_828] : memref<512x32xf32, #tpu.memory_space<vmem>>[vector<16xi32>, vector<16xi32>], vector<16xf32>,
        %parallel_loop3A_830 = arith.constant 30 : i32
        %parallel_loop3A_831 = vector.broadcast %parallel_loop3A_830 : i32 to vector<16xi32>
        %parallel_loop3A_832 = tpu.vector_load_idx %arg15[%parallel_loop3A_391, %parallel_loop3A_831] : memref<512x32xf32, #tpu.memory_space<vmem>>[vector<16xi32>, vector<16xi32>], vector<16xf32>,
        %parallel_loop3A_833 = arith.constant 31 : i32
        %parallel_loop3A_834 = vector.broadcast %parallel_loop3A_833 : i32 to vector<16xi32>
        %parallel_loop3A_835 = tpu.vector_load_idx %arg15[%parallel_loop3A_391, %parallel_loop3A_834] : memref<512x32xf32, #tpu.memory_space<vmem>>[vector<16xi32>, vector<16xi32>], vector<16xf32>,
        %parallel_loop3A_836 = arith.mulf %parallel_loop3A_814, %parallel_loop3A_826 : vector<16xf32>
        %parallel_loop3A_837 = arith.mulf %parallel_loop3A_817, %parallel_loop3A_829 : vector<16xf32>
        %parallel_loop3A_838 = arith.addf %parallel_loop3A_836, %parallel_loop3A_837 : vector<16xf32>
        %parallel_loop3A_839 = arith.mulf %parallel_loop3A_820, %parallel_loop3A_832 : vector<16xf32>
        %parallel_loop3A_840 = arith.mulf %parallel_loop3A_823, %parallel_loop3A_835 : vector<16xf32>
        %parallel_loop3A_841 = arith.addf %parallel_loop3A_839, %parallel_loop3A_840 : vector<16xf32>
        %parallel_loop3A_842 = arith.addf %parallel_loop3A_838, %parallel_loop3A_841 : vector<16xf32>
        %parallel_loop3A_843 = arith.mulf %parallel_loop3A_817, %parallel_loop3A_826 : vector<16xf32>
        %parallel_loop3A_844 = arith.mulf %parallel_loop3A_814, %parallel_loop3A_829 : vector<16xf32>
        %parallel_loop3A_845 = arith.subf %parallel_loop3A_843, %parallel_loop3A_844 : vector<16xf32>
        %parallel_loop3A_846 = arith.mulf %parallel_loop3A_823, %parallel_loop3A_832 : vector<16xf32>
        %parallel_loop3A_847 = arith.mulf %parallel_loop3A_820, %parallel_loop3A_835 : vector<16xf32>
        %parallel_loop3A_848 = arith.subf %parallel_loop3A_846, %parallel_loop3A_847 : vector<16xf32>
        %parallel_loop3A_849 = arith.addf %parallel_loop3A_845, %parallel_loop3A_848 : vector<16xf32>
        %parallel_loop3A_850 = arith.mulf %parallel_loop3A_820, %parallel_loop3A_826 : vector<16xf32>
        %parallel_loop3A_851 = arith.mulf %parallel_loop3A_814, %parallel_loop3A_832 : vector<16xf32>
        %parallel_loop3A_852 = arith.subf %parallel_loop3A_850, %parallel_loop3A_851 : vector<16xf32>
        %parallel_loop3A_853 = arith.mulf %parallel_loop3A_817, %parallel_loop3A_835 : vector<16xf32>
        %parallel_loop3A_854 = arith.mulf %parallel_loop3A_823, %parallel_loop3A_829 : vector<16xf32>
        %parallel_loop3A_855 = arith.subf %parallel_loop3A_853, %parallel_loop3A_854 : vector<16xf32>
        %parallel_loop3A_856 = arith.addf %parallel_loop3A_852, %parallel_loop3A_855 : vector<16xf32>
        %parallel_loop3A_857 = arith.mulf %parallel_loop3A_823, %parallel_loop3A_826 : vector<16xf32>
        %parallel_loop3A_858 = arith.mulf %parallel_loop3A_814, %parallel_loop3A_835 : vector<16xf32>
        %parallel_loop3A_859 = arith.subf %parallel_loop3A_857, %parallel_loop3A_858 : vector<16xf32>
        %parallel_loop3A_860 = arith.mulf %parallel_loop3A_820, %parallel_loop3A_829 : vector<16xf32>
        %parallel_loop3A_861 = arith.mulf %parallel_loop3A_817, %parallel_loop3A_832 : vector<16xf32>
        %parallel_loop3A_862 = arith.subf %parallel_loop3A_860, %parallel_loop3A_861 : vector<16xf32>
        %parallel_loop3A_863 = arith.addf %parallel_loop3A_859, %parallel_loop3A_862 : vector<16xf32>
        %parallel_loop3A_864 = arith.constant 28 : i32
        %parallel_loop3A_865 = vector.broadcast %parallel_loop3A_864 : i32 to vector<16xi32>
        tpu.vector_store_idx %arg17[%parallel_loop3A_391, %parallel_loop3A_865], %parallel_loop3A_842 : memref<512x32xf32, #tpu.memory_space<vmem>>[vector<16xi32>, vector<16xi32>], vector<16xf32>,
        %parallel_loop3A_866 = arith.constant 29 : i32
        %parallel_loop3A_867 = vector.broadcast %parallel_loop3A_866 : i32 to vector<16xi32>
        tpu.vector_store_idx %arg17[%parallel_loop3A_391, %parallel_loop3A_867], %parallel_loop3A_849 : memref<512x32xf32, #tpu.memory_space<vmem>>[vector<16xi32>, vector<16xi32>], vector<16xf32>,
        %parallel_loop3A_868 = arith.constant 30 : i32
        %parallel_loop3A_869 = vector.broadcast %parallel_loop3A_868 : i32 to vector<16xi32>
        tpu.vector_store_idx %arg17[%parallel_loop3A_391, %parallel_loop3A_869], %parallel_loop3A_856 : memref<512x32xf32, #tpu.memory_space<vmem>>[vector<16xi32>, vector<16xi32>], vector<16xf32>,
        %parallel_loop3A_870 = arith.constant 31 : i32
        %parallel_loop3A_871 = vector.broadcast %parallel_loop3A_870 : i32 to vector<16xi32>
        tpu.vector_store_idx %arg17[%parallel_loop3A_391, %parallel_loop3A_871], %parallel_loop3A_863 : memref<512x32xf32, #tpu.memory_space<vmem>>[vector<16xi32>, vector<16xi32>], vector<16xf32>,
      } {sc.loop_unroll_factor = 1 : i64, sc.parallel_access}
      %dma_start3A_252 = arith.constant 0 : i32
      %dma_start3A_253 = arith.constant 0 : i32
      %dma_start3A_254 = tpu.memref_slice %arg17[%dma_start3A_252, %dma_start3A_253] : memref<512x32xf32, #tpu.memory_space<vmem>> -> memref<500x32xf32, #tpu.memory_space<vmem>>
      %dma_start3A_255 = arith.constant 0 : i32
      %dma_start3A_256 = tpu.memref_slice %arg5[%add3A_51, %dma_start3A_255] : memref<800000x32xf32, #tpu.memory_space<hbm>> -> memref<500x32xf32, #tpu.memory_space<hbm>>
      %dma_start3A_257 = arith.constant 0 : i32
      %dma_start3A_258 = tpu.memref_slice %arg5[%add3A_51, %dma_start3A_257] : memref<800000x32xf32, #tpu.memory_space<hbm>> -> memref<500x32xf32, #tpu.memory_space<hbm>>
      %dma_start3A_259 = arith.constant 0 : i32
      %dma_start3A_260 = arith.constant 0 : i32
      %dma_start3A_261 = tpu.memref_slice %arg17[%dma_start3A_259, %dma_start3A_260] : memref<512x32xf32, #tpu.memory_space<vmem>> -> memref<500x32xf32, #tpu.memory_space<vmem>>
      tpu.enqueue_dma source(%dma_start3A_261 : memref<500x32xf32, #tpu.memory_space<vmem>>) target(%dma_start3A_258 : memref<500x32xf32, #tpu.memory_space<hbm>>) target_semaphore(%arg23 : memref<!tpu.dma_semaphore, #tpu.memory_space<semaphore_mem>>)
      %mul3A_262 = arith.constant 8 : i32
      %mul3A_263 = arith.muli %add3A_51, %mul3A_262 : i32
      %dma_start3A_264 = arith.constant 0 : i32
      %dma_start3A_265 = tpu.memref_slice %arg19[%dma_start3A_264] : memref<4000xf32, #tpu.memory_space<vmem>> -> memref<4000xf32, #tpu.memory_space<vmem>>
      %dma_start3A_266 = tpu.memref_slice %arg6[%mul3A_263] : memref<6400000xf32, #tpu.memory_space<hbm>> -> memref<4000xf32, #tpu.memory_space<hbm>>
      %dma_start3A_267 = tpu.memref_slice %arg6[%mul3A_263] : memref<6400000xf32, #tpu.memory_space<hbm>> -> memref<4000xf32, #tpu.memory_space<hbm>>
      %dma_start3A_268 = arith.constant 0 : i32
      %dma_start3A_269 = tpu.memref_slice %arg19[%dma_start3A_268] : memref<4000xf32, #tpu.memory_space<vmem>> -> memref<4000xf32, #tpu.memory_space<vmem>>
      tpu.enqueue_dma source(%dma_start3A_269 : memref<4000xf32, #tpu.memory_space<vmem>>) target(%dma_start3A_267 : memref<4000xf32, #tpu.memory_space<hbm>>) target_semaphore(%arg23 : memref<!tpu.dma_semaphore, #tpu.memory_space<semaphore_mem>>)
      %dma_wait3A_270 = arith.constant 0 : i32
      %dma_wait3A_271 = arith.constant 0 : i32
      %dma_wait3A_272 = tpu.memref_slice %arg14[%dma_wait3A_270, %dma_wait3A_271] : memref<512x32xf32, #tpu.memory_space<vmem>> -> memref<128x32xf32, #tpu.memory_space<vmem>>
      %dma_wait3A_273 = arith.constant 0 : i32
      %dma_wait3A_274 = tpu.memref_slice %arg10[%dma_wait3A_273] : memref<512xi32, #tpu.memory_space<vmem>> -> memref<128xi32, #tpu.memory_space<vmem>>
      %dma_wait3A_275 = arith.constant 0 : i32
      %dma_wait3A_276 = arith.constant 0 : i32
      %dma_wait3A_277 = tpu.memref_slice %arg2[%dma_wait3A_275, %dma_wait3A_276] : memref<50000x32xf32, #tpu.memory_space<hbm>> -> memref<50000x32xf32, #tpu.memory_space<hbm>>
      tpu.wait_indirect_dma semaphore(%arg22 : memref<!tpu.dma_semaphore, #tpu.memory_space<semaphore_mem>>) src(%dma_wait3A_277 : memref<50000x32xf32, #tpu.memory_space<hbm>>) dst(%dma_wait3A_272 : memref<128x32xf32, #tpu.memory_space<vmem>>)
      %dma_wait3A_278 = arith.constant 0 : i32
      %dma_wait3A_279 = arith.constant 0 : i32
      %dma_wait3A_280 = tpu.memref_slice %arg16[%dma_wait3A_278, %dma_wait3A_279] : memref<512x32xf32, #tpu.memory_space<vmem>> -> memref<128x32xf32, #tpu.memory_space<vmem>>
      %dma_wait3A_281 = arith.constant 0 : i32
      %dma_wait3A_282 = tpu.memref_slice %arg12[%dma_wait3A_281] : memref<512xi32, #tpu.memory_space<vmem>> -> memref<128xi32, #tpu.memory_space<vmem>>
      %dma_wait3A_283 = arith.constant 0 : i32
      %dma_wait3A_284 = arith.constant 0 : i32
      %dma_wait3A_285 = tpu.memref_slice %arg2[%dma_wait3A_283, %dma_wait3A_284] : memref<50000x32xf32, #tpu.memory_space<hbm>> -> memref<50000x32xf32, #tpu.memory_space<hbm>>
      tpu.wait_indirect_dma semaphore(%arg22 : memref<!tpu.dma_semaphore, #tpu.memory_space<semaphore_mem>>) src(%dma_wait3A_285 : memref<50000x32xf32, #tpu.memory_space<hbm>>) dst(%dma_wait3A_280 : memref<128x32xf32, #tpu.memory_space<vmem>>)
      %dma_wait3A_286 = arith.constant 128 : i32
      %dma_wait3A_287 = arith.constant 0 : i32
      %dma_wait3A_288 = tpu.memref_slice %arg14[%dma_wait3A_286, %dma_wait3A_287] : memref<512x32xf32, #tpu.memory_space<vmem>> -> memref<128x32xf32, #tpu.memory_space<vmem>>
      %dma_wait3A_289 = arith.constant 128 : i32
      %dma_wait3A_290 = tpu.memref_slice %arg10[%dma_wait3A_289] : memref<512xi32, #tpu.memory_space<vmem>> -> memref<128xi32, #tpu.memory_space<vmem>>
      %dma_wait3A_291 = arith.constant 0 : i32
      %dma_wait3A_292 = arith.constant 0 : i32
      %dma_wait3A_293 = tpu.memref_slice %arg2[%dma_wait3A_291, %dma_wait3A_292] : memref<50000x32xf32, #tpu.memory_space<hbm>> -> memref<50000x32xf32, #tpu.memory_space<hbm>>
      tpu.wait_indirect_dma semaphore(%arg22 : memref<!tpu.dma_semaphore, #tpu.memory_space<semaphore_mem>>) src(%dma_wait3A_293 : memref<50000x32xf32, #tpu.memory_space<hbm>>) dst(%dma_wait3A_288 : memref<128x32xf32, #tpu.memory_space<vmem>>)
      %dma_wait3A_294 = arith.constant 128 : i32
      %dma_wait3A_295 = arith.constant 0 : i32
      %dma_wait3A_296 = tpu.memref_slice %arg16[%dma_wait3A_294, %dma_wait3A_295] : memref<512x32xf32, #tpu.memory_space<vmem>> -> memref<128x32xf32, #tpu.memory_space<vmem>>
      %dma_wait3A_297 = arith.constant 128 : i32
      %dma_wait3A_298 = tpu.memref_slice %arg12[%dma_wait3A_297] : memref<512xi32, #tpu.memory_space<vmem>> -> memref<128xi32, #tpu.memory_space<vmem>>
      %dma_wait3A_299 = arith.constant 0 : i32
      %dma_wait3A_300 = arith.constant 0 : i32
      %dma_wait3A_301 = tpu.memref_slice %arg2[%dma_wait3A_299, %dma_wait3A_300] : memref<50000x32xf32, #tpu.memory_space<hbm>> -> memref<50000x32xf32, #tpu.memory_space<hbm>>
      tpu.wait_indirect_dma semaphore(%arg22 : memref<!tpu.dma_semaphore, #tpu.memory_space<semaphore_mem>>) src(%dma_wait3A_301 : memref<50000x32xf32, #tpu.memory_space<hbm>>) dst(%dma_wait3A_296 : memref<128x32xf32, #tpu.memory_space<vmem>>)
      %dma_wait3A_302 = arith.constant 256 : i32
      %dma_wait3A_303 = arith.constant 0 : i32
      %dma_wait3A_304 = tpu.memref_slice %arg14[%dma_wait3A_302, %dma_wait3A_303] : memref<512x32xf32, #tpu.memory_space<vmem>> -> memref<128x32xf32, #tpu.memory_space<vmem>>
      %dma_wait3A_305 = arith.constant 256 : i32
      %dma_wait3A_306 = tpu.memref_slice %arg10[%dma_wait3A_305] : memref<512xi32, #tpu.memory_space<vmem>> -> memref<128xi32, #tpu.memory_space<vmem>>
      %dma_wait3A_307 = arith.constant 0 : i32
      %dma_wait3A_308 = arith.constant 0 : i32
      %dma_wait3A_309 = tpu.memref_slice %arg2[%dma_wait3A_307, %dma_wait3A_308] : memref<50000x32xf32, #tpu.memory_space<hbm>> -> memref<50000x32xf32, #tpu.memory_space<hbm>>
      tpu.wait_indirect_dma semaphore(%arg22 : memref<!tpu.dma_semaphore, #tpu.memory_space<semaphore_mem>>) src(%dma_wait3A_309 : memref<50000x32xf32, #tpu.memory_space<hbm>>) dst(%dma_wait3A_304 : memref<128x32xf32, #tpu.memory_space<vmem>>)
      %dma_wait3A_310 = arith.constant 256 : i32
      %dma_wait3A_311 = arith.constant 0 : i32
      %dma_wait3A_312 = tpu.memref_slice %arg16[%dma_wait3A_310, %dma_wait3A_311] : memref<512x32xf32, #tpu.memory_space<vmem>> -> memref<128x32xf32, #tpu.memory_space<vmem>>
      %dma_wait3A_313 = arith.constant 256 : i32
      %dma_wait3A_314 = tpu.memref_slice %arg12[%dma_wait3A_313] : memref<512xi32, #tpu.memory_space<vmem>> -> memref<128xi32, #tpu.memory_space<vmem>>
      %dma_wait3A_315 = arith.constant 0 : i32
      %dma_wait3A_316 = arith.constant 0 : i32
      %dma_wait3A_317 = tpu.memref_slice %arg2[%dma_wait3A_315, %dma_wait3A_316] : memref<50000x32xf32, #tpu.memory_space<hbm>> -> memref<50000x32xf32, #tpu.memory_space<hbm>>
      tpu.wait_indirect_dma semaphore(%arg22 : memref<!tpu.dma_semaphore, #tpu.memory_space<semaphore_mem>>) src(%dma_wait3A_317 : memref<50000x32xf32, #tpu.memory_space<hbm>>) dst(%dma_wait3A_312 : memref<128x32xf32, #tpu.memory_space<vmem>>)
      %dma_wait3A_318 = arith.constant 384 : i32
      %dma_wait3A_319 = arith.constant 0 : i32
      %dma_wait3A_320 = tpu.memref_slice %arg14[%dma_wait3A_318, %dma_wait3A_319] : memref<512x32xf32, #tpu.memory_space<vmem>> -> memref<128x32xf32, #tpu.memory_space<vmem>>
      %dma_wait3A_321 = arith.constant 384 : i32
      %dma_wait3A_322 = tpu.memref_slice %arg10[%dma_wait3A_321] : memref<512xi32, #tpu.memory_space<vmem>> -> memref<128xi32, #tpu.memory_space<vmem>>
      %dma_wait3A_323 = arith.constant 0 : i32
      %dma_wait3A_324 = arith.constant 0 : i32
      %dma_wait3A_325 = tpu.memref_slice %arg2[%dma_wait3A_323, %dma_wait3A_324] : memref<50000x32xf32, #tpu.memory_space<hbm>> -> memref<50000x32xf32, #tpu.memory_space<hbm>>
      tpu.wait_indirect_dma semaphore(%arg22 : memref<!tpu.dma_semaphore, #tpu.memory_space<semaphore_mem>>) src(%dma_wait3A_325 : memref<50000x32xf32, #tpu.memory_space<hbm>>) dst(%dma_wait3A_320 : memref<128x32xf32, #tpu.memory_space<vmem>>)
      %dma_wait3A_326 = arith.constant 384 : i32
      %dma_wait3A_327 = arith.constant 0 : i32
      %dma_wait3A_328 = tpu.memref_slice %arg16[%dma_wait3A_326, %dma_wait3A_327] : memref<512x32xf32, #tpu.memory_space<vmem>> -> memref<128x32xf32, #tpu.memory_space<vmem>>
      %dma_wait3A_329 = arith.constant 384 : i32
      %dma_wait3A_330 = tpu.memref_slice %arg12[%dma_wait3A_329] : memref<512xi32, #tpu.memory_space<vmem>> -> memref<128xi32, #tpu.memory_space<vmem>>
      %dma_wait3A_331 = arith.constant 0 : i32
      %dma_wait3A_332 = arith.constant 0 : i32
      %dma_wait3A_333 = tpu.memref_slice %arg2[%dma_wait3A_331, %dma_wait3A_332] : memref<50000x32xf32, #tpu.memory_space<hbm>> -> memref<50000x32xf32, #tpu.memory_space<hbm>>
      tpu.wait_indirect_dma semaphore(%arg22 : memref<!tpu.dma_semaphore, #tpu.memory_space<semaphore_mem>>) src(%dma_wait3A_333 : memref<50000x32xf32, #tpu.memory_space<hbm>>) dst(%dma_wait3A_328 : memref<128x32xf32, #tpu.memory_space<vmem>>)
      %parallel_loop3A_334 = arith.constant 0 : i32
      %parallel_loop3A_335 = arith.constant 32 : i32
      %parallel_loop3A_336 = arith.constant 1 : i32
      scf.for %parallel_loop3A_387 = %parallel_loop3A_334 to %parallel_loop3A_335 step %parallel_loop3A_336  : i32 {
        %parallel_loop3A_388 = arith.constant 16 : i32
        %parallel_loop3A_389 = arith.muli %parallel_loop3A_387, %parallel_loop3A_388 : i32
        %parallel_loop3A_390 = vector.broadcast %parallel_loop3A_389 : i32 to vector<16xi32>
        %parallel_loop3A_391 = arith.addi %parallel_loop3A_390, %iota3A : vector<16xi32>
        %parallel_loop3A_392 = arith.constant 0 : i32
        %parallel_loop3A_393 = vector.broadcast %parallel_loop3A_392 : i32 to vector<16xi32>
        %parallel_loop3A_394 = tpu.vector_load_idx %arg14[%parallel_loop3A_391, %parallel_loop3A_393] : memref<512x32xf32, #tpu.memory_space<vmem>>[vector<16xi32>, vector<16xi32>], vector<16xf32>,
        %parallel_loop3A_395 = arith.constant 1 : i32
        %parallel_loop3A_396 = vector.broadcast %parallel_loop3A_395 : i32 to vector<16xi32>
        %parallel_loop3A_397 = tpu.vector_load_idx %arg14[%parallel_loop3A_391, %parallel_loop3A_396] : memref<512x32xf32, #tpu.memory_space<vmem>>[vector<16xi32>, vector<16xi32>], vector<16xf32>,
        %parallel_loop3A_398 = arith.constant 2 : i32
        %parallel_loop3A_399 = vector.broadcast %parallel_loop3A_398 : i32 to vector<16xi32>
        %parallel_loop3A_400 = tpu.vector_load_idx %arg14[%parallel_loop3A_391, %parallel_loop3A_399] : memref<512x32xf32, #tpu.memory_space<vmem>>[vector<16xi32>, vector<16xi32>], vector<16xf32>,
        %parallel_loop3A_401 = arith.constant 3 : i32
        %parallel_loop3A_402 = vector.broadcast %parallel_loop3A_401 : i32 to vector<16xi32>
        %parallel_loop3A_403 = tpu.vector_load_idx %arg14[%parallel_loop3A_391, %parallel_loop3A_402] : memref<512x32xf32, #tpu.memory_space<vmem>>[vector<16xi32>, vector<16xi32>], vector<16xf32>,
        %parallel_loop3A_404 = arith.constant 0 : i32
        %parallel_loop3A_405 = vector.broadcast %parallel_loop3A_404 : i32 to vector<16xi32>
        %parallel_loop3A_406 = tpu.vector_load_idx %arg16[%parallel_loop3A_391, %parallel_loop3A_405] : memref<512x32xf32, #tpu.memory_space<vmem>>[vector<16xi32>, vector<16xi32>], vector<16xf32>,
        %parallel_loop3A_407 = arith.constant 1 : i32
        %parallel_loop3A_408 = vector.broadcast %parallel_loop3A_407 : i32 to vector<16xi32>
        %parallel_loop3A_409 = tpu.vector_load_idx %arg16[%parallel_loop3A_391, %parallel_loop3A_408] : memref<512x32xf32, #tpu.memory_space<vmem>>[vector<16xi32>, vector<16xi32>], vector<16xf32>,
        %parallel_loop3A_410 = arith.constant 2 : i32
        %parallel_loop3A_411 = vector.broadcast %parallel_loop3A_410 : i32 to vector<16xi32>
        %parallel_loop3A_412 = tpu.vector_load_idx %arg16[%parallel_loop3A_391, %parallel_loop3A_411] : memref<512x32xf32, #tpu.memory_space<vmem>>[vector<16xi32>, vector<16xi32>], vector<16xf32>,
        %parallel_loop3A_413 = arith.constant 3 : i32
        %parallel_loop3A_414 = vector.broadcast %parallel_loop3A_413 : i32 to vector<16xi32>
        %parallel_loop3A_415 = tpu.vector_load_idx %arg16[%parallel_loop3A_391, %parallel_loop3A_414] : memref<512x32xf32, #tpu.memory_space<vmem>>[vector<16xi32>, vector<16xi32>], vector<16xf32>,
        %parallel_loop3A_416 = arith.mulf %parallel_loop3A_394, %parallel_loop3A_406 : vector<16xf32>
        %parallel_loop3A_417 = arith.mulf %parallel_loop3A_397, %parallel_loop3A_409 : vector<16xf32>
        %parallel_loop3A_418 = arith.addf %parallel_loop3A_416, %parallel_loop3A_417 : vector<16xf32>
        %parallel_loop3A_419 = arith.mulf %parallel_loop3A_400, %parallel_loop3A_412 : vector<16xf32>
        %parallel_loop3A_420 = arith.mulf %parallel_loop3A_403, %parallel_loop3A_415 : vector<16xf32>
        %parallel_loop3A_421 = arith.addf %parallel_loop3A_419, %parallel_loop3A_420 : vector<16xf32>
        %parallel_loop3A_422 = arith.addf %parallel_loop3A_418, %parallel_loop3A_421 : vector<16xf32>
        %parallel_loop3A_423 = arith.mulf %parallel_loop3A_397, %parallel_loop3A_406 : vector<16xf32>
        %parallel_loop3A_424 = arith.mulf %parallel_loop3A_394, %parallel_loop3A_409 : vector<16xf32>
        %parallel_loop3A_425 = arith.subf %parallel_loop3A_423, %parallel_loop3A_424 : vector<16xf32>
        %parallel_loop3A_426 = arith.mulf %parallel_loop3A_403, %parallel_loop3A_412 : vector<16xf32>
        %parallel_loop3A_427 = arith.mulf %parallel_loop3A_400, %parallel_loop3A_415 : vector<16xf32>
        %parallel_loop3A_428 = arith.subf %parallel_loop3A_426, %parallel_loop3A_427 : vector<16xf32>
        %parallel_loop3A_429 = arith.addf %parallel_loop3A_425, %parallel_loop3A_428 : vector<16xf32>
        %parallel_loop3A_430 = arith.mulf %parallel_loop3A_400, %parallel_loop3A_406 : vector<16xf32>
        %parallel_loop3A_431 = arith.mulf %parallel_loop3A_394, %parallel_loop3A_412 : vector<16xf32>
        %parallel_loop3A_432 = arith.subf %parallel_loop3A_430, %parallel_loop3A_431 : vector<16xf32>
        %parallel_loop3A_433 = arith.mulf %parallel_loop3A_397, %parallel_loop3A_415 : vector<16xf32>
        %parallel_loop3A_434 = arith.mulf %parallel_loop3A_403, %parallel_loop3A_409 : vector<16xf32>
        %parallel_loop3A_435 = arith.subf %parallel_loop3A_433, %parallel_loop3A_434 : vector<16xf32>
        %parallel_loop3A_436 = arith.addf %parallel_loop3A_432, %parallel_loop3A_435 : vector<16xf32>
        %parallel_loop3A_437 = arith.mulf %parallel_loop3A_403, %parallel_loop3A_406 : vector<16xf32>
        %parallel_loop3A_438 = arith.mulf %parallel_loop3A_394, %parallel_loop3A_415 : vector<16xf32>
        %parallel_loop3A_439 = arith.subf %parallel_loop3A_437, %parallel_loop3A_438 : vector<16xf32>
        %parallel_loop3A_440 = arith.mulf %parallel_loop3A_400, %parallel_loop3A_409 : vector<16xf32>
        %parallel_loop3A_441 = arith.mulf %parallel_loop3A_397, %parallel_loop3A_412 : vector<16xf32>
        %parallel_loop3A_442 = arith.subf %parallel_loop3A_440, %parallel_loop3A_441 : vector<16xf32>
        %parallel_loop3A_443 = arith.addf %parallel_loop3A_439, %parallel_loop3A_442 : vector<16xf32>
        %parallel_loop3A_444 = arith.constant 0 : i32
        %parallel_loop3A_445 = vector.broadcast %parallel_loop3A_444 : i32 to vector<16xi32>
        tpu.vector_store_idx %arg18[%parallel_loop3A_391, %parallel_loop3A_445], %parallel_loop3A_422 : memref<512x32xf32, #tpu.memory_space<vmem>>[vector<16xi32>, vector<16xi32>], vector<16xf32>,
        %parallel_loop3A_446 = arith.constant 1 : i32
        %parallel_loop3A_447 = vector.broadcast %parallel_loop3A_446 : i32 to vector<16xi32>
        tpu.vector_store_idx %arg18[%parallel_loop3A_391, %parallel_loop3A_447], %parallel_loop3A_429 : memref<512x32xf32, #tpu.memory_space<vmem>>[vector<16xi32>, vector<16xi32>], vector<16xf32>,
        %parallel_loop3A_448 = arith.constant 2 : i32
        %parallel_loop3A_449 = vector.broadcast %parallel_loop3A_448 : i32 to vector<16xi32>
        tpu.vector_store_idx %arg18[%parallel_loop3A_391, %parallel_loop3A_449], %parallel_loop3A_436 : memref<512x32xf32, #tpu.memory_space<vmem>>[vector<16xi32>, vector<16xi32>], vector<16xf32>,
        %parallel_loop3A_450 = arith.constant 3 : i32
        %parallel_loop3A_451 = vector.broadcast %parallel_loop3A_450 : i32 to vector<16xi32>
        tpu.vector_store_idx %arg18[%parallel_loop3A_391, %parallel_loop3A_451], %parallel_loop3A_443 : memref<512x32xf32, #tpu.memory_space<vmem>>[vector<16xi32>, vector<16xi32>], vector<16xf32>,
        %parallel_loop3A_452 = arith.constant 4 : i32
        %parallel_loop3A_453 = vector.broadcast %parallel_loop3A_452 : i32 to vector<16xi32>
        %parallel_loop3A_454 = tpu.vector_load_idx %arg14[%parallel_loop3A_391, %parallel_loop3A_453] : memref<512x32xf32, #tpu.memory_space<vmem>>[vector<16xi32>, vector<16xi32>], vector<16xf32>,
        %parallel_loop3A_455 = arith.constant 5 : i32
        %parallel_loop3A_456 = vector.broadcast %parallel_loop3A_455 : i32 to vector<16xi32>
        %parallel_loop3A_457 = tpu.vector_load_idx %arg14[%parallel_loop3A_391, %parallel_loop3A_456] : memref<512x32xf32, #tpu.memory_space<vmem>>[vector<16xi32>, vector<16xi32>], vector<16xf32>,
        %parallel_loop3A_458 = arith.constant 6 : i32
        %parallel_loop3A_459 = vector.broadcast %parallel_loop3A_458 : i32 to vector<16xi32>
        %parallel_loop3A_460 = tpu.vector_load_idx %arg14[%parallel_loop3A_391, %parallel_loop3A_459] : memref<512x32xf32, #tpu.memory_space<vmem>>[vector<16xi32>, vector<16xi32>], vector<16xf32>,
        %parallel_loop3A_461 = arith.constant 7 : i32
        %parallel_loop3A_462 = vector.broadcast %parallel_loop3A_461 : i32 to vector<16xi32>
        %parallel_loop3A_463 = tpu.vector_load_idx %arg14[%parallel_loop3A_391, %parallel_loop3A_462] : memref<512x32xf32, #tpu.memory_space<vmem>>[vector<16xi32>, vector<16xi32>], vector<16xf32>,
        %parallel_loop3A_464 = arith.constant 4 : i32
        %parallel_loop3A_465 = vector.broadcast %parallel_loop3A_464 : i32 to vector<16xi32>
        %parallel_loop3A_466 = tpu.vector_load_idx %arg16[%parallel_loop3A_391, %parallel_loop3A_465] : memref<512x32xf32, #tpu.memory_space<vmem>>[vector<16xi32>, vector<16xi32>], vector<16xf32>,
        %parallel_loop3A_467 = arith.constant 5 : i32
        %parallel_loop3A_468 = vector.broadcast %parallel_loop3A_467 : i32 to vector<16xi32>
        %parallel_loop3A_469 = tpu.vector_load_idx %arg16[%parallel_loop3A_391, %parallel_loop3A_468] : memref<512x32xf32, #tpu.memory_space<vmem>>[vector<16xi32>, vector<16xi32>], vector<16xf32>,
        %parallel_loop3A_470 = arith.constant 6 : i32
        %parallel_loop3A_471 = vector.broadcast %parallel_loop3A_470 : i32 to vector<16xi32>
        %parallel_loop3A_472 = tpu.vector_load_idx %arg16[%parallel_loop3A_391, %parallel_loop3A_471] : memref<512x32xf32, #tpu.memory_space<vmem>>[vector<16xi32>, vector<16xi32>], vector<16xf32>,
        %parallel_loop3A_473 = arith.constant 7 : i32
        %parallel_loop3A_474 = vector.broadcast %parallel_loop3A_473 : i32 to vector<16xi32>
        %parallel_loop3A_475 = tpu.vector_load_idx %arg16[%parallel_loop3A_391, %parallel_loop3A_474] : memref<512x32xf32, #tpu.memory_space<vmem>>[vector<16xi32>, vector<16xi32>], vector<16xf32>,
        %parallel_loop3A_476 = arith.mulf %parallel_loop3A_454, %parallel_loop3A_466 : vector<16xf32>
        %parallel_loop3A_477 = arith.mulf %parallel_loop3A_457, %parallel_loop3A_469 : vector<16xf32>
        %parallel_loop3A_478 = arith.addf %parallel_loop3A_476, %parallel_loop3A_477 : vector<16xf32>
        %parallel_loop3A_479 = arith.mulf %parallel_loop3A_460, %parallel_loop3A_472 : vector<16xf32>
        %parallel_loop3A_480 = arith.mulf %parallel_loop3A_463, %parallel_loop3A_475 : vector<16xf32>
        %parallel_loop3A_481 = arith.addf %parallel_loop3A_479, %parallel_loop3A_480 : vector<16xf32>
        %parallel_loop3A_482 = arith.addf %parallel_loop3A_478, %parallel_loop3A_481 : vector<16xf32>
        %parallel_loop3A_483 = arith.mulf %parallel_loop3A_457, %parallel_loop3A_466 : vector<16xf32>
        %parallel_loop3A_484 = arith.mulf %parallel_loop3A_454, %parallel_loop3A_469 : vector<16xf32>
        %parallel_loop3A_485 = arith.subf %parallel_loop3A_483, %parallel_loop3A_484 : vector<16xf32>
        %parallel_loop3A_486 = arith.mulf %parallel_loop3A_463, %parallel_loop3A_472 : vector<16xf32>
        %parallel_loop3A_487 = arith.mulf %parallel_loop3A_460, %parallel_loop3A_475 : vector<16xf32>
        %parallel_loop3A_488 = arith.subf %parallel_loop3A_486, %parallel_loop3A_487 : vector<16xf32>
        %parallel_loop3A_489 = arith.addf %parallel_loop3A_485, %parallel_loop3A_488 : vector<16xf32>
        %parallel_loop3A_490 = arith.mulf %parallel_loop3A_460, %parallel_loop3A_466 : vector<16xf32>
        %parallel_loop3A_491 = arith.mulf %parallel_loop3A_454, %parallel_loop3A_472 : vector<16xf32>
        %parallel_loop3A_492 = arith.subf %parallel_loop3A_490, %parallel_loop3A_491 : vector<16xf32>
        %parallel_loop3A_493 = arith.mulf %parallel_loop3A_457, %parallel_loop3A_475 : vector<16xf32>
        %parallel_loop3A_494 = arith.mulf %parallel_loop3A_463, %parallel_loop3A_469 : vector<16xf32>
        %parallel_loop3A_495 = arith.subf %parallel_loop3A_493, %parallel_loop3A_494 : vector<16xf32>
        %parallel_loop3A_496 = arith.addf %parallel_loop3A_492, %parallel_loop3A_495 : vector<16xf32>
        %parallel_loop3A_497 = arith.mulf %parallel_loop3A_463, %parallel_loop3A_466 : vector<16xf32>
        %parallel_loop3A_498 = arith.mulf %parallel_loop3A_454, %parallel_loop3A_475 : vector<16xf32>
        %parallel_loop3A_499 = arith.subf %parallel_loop3A_497, %parallel_loop3A_498 : vector<16xf32>
        %parallel_loop3A_500 = arith.mulf %parallel_loop3A_460, %parallel_loop3A_469 : vector<16xf32>
        %parallel_loop3A_501 = arith.mulf %parallel_loop3A_457, %parallel_loop3A_472 : vector<16xf32>
        %parallel_loop3A_502 = arith.subf %parallel_loop3A_500, %parallel_loop3A_501 : vector<16xf32>
        %parallel_loop3A_503 = arith.addf %parallel_loop3A_499, %parallel_loop3A_502 : vector<16xf32>
        %parallel_loop3A_504 = arith.constant 4 : i32
        %parallel_loop3A_505 = vector.broadcast %parallel_loop3A_504 : i32 to vector<16xi32>
        tpu.vector_store_idx %arg18[%parallel_loop3A_391, %parallel_loop3A_505], %parallel_loop3A_482 : memref<512x32xf32, #tpu.memory_space<vmem>>[vector<16xi32>, vector<16xi32>], vector<16xf32>,
        %parallel_loop3A_506 = arith.constant 5 : i32
        %parallel_loop3A_507 = vector.broadcast %parallel_loop3A_506 : i32 to vector<16xi32>
        tpu.vector_store_idx %arg18[%parallel_loop3A_391, %parallel_loop3A_507], %parallel_loop3A_489 : memref<512x32xf32, #tpu.memory_space<vmem>>[vector<16xi32>, vector<16xi32>], vector<16xf32>,
        %parallel_loop3A_508 = arith.constant 6 : i32
        %parallel_loop3A_509 = vector.broadcast %parallel_loop3A_508 : i32 to vector<16xi32>
        tpu.vector_store_idx %arg18[%parallel_loop3A_391, %parallel_loop3A_509], %parallel_loop3A_496 : memref<512x32xf32, #tpu.memory_space<vmem>>[vector<16xi32>, vector<16xi32>], vector<16xf32>,
        %parallel_loop3A_510 = arith.constant 7 : i32
        %parallel_loop3A_511 = vector.broadcast %parallel_loop3A_510 : i32 to vector<16xi32>
        tpu.vector_store_idx %arg18[%parallel_loop3A_391, %parallel_loop3A_511], %parallel_loop3A_503 : memref<512x32xf32, #tpu.memory_space<vmem>>[vector<16xi32>, vector<16xi32>], vector<16xf32>,
        %parallel_loop3A_512 = arith.constant 8 : i32
        %parallel_loop3A_513 = vector.broadcast %parallel_loop3A_512 : i32 to vector<16xi32>
        %parallel_loop3A_514 = tpu.vector_load_idx %arg14[%parallel_loop3A_391, %parallel_loop3A_513] : memref<512x32xf32, #tpu.memory_space<vmem>>[vector<16xi32>, vector<16xi32>], vector<16xf32>,
        %parallel_loop3A_515 = arith.constant 9 : i32
        %parallel_loop3A_516 = vector.broadcast %parallel_loop3A_515 : i32 to vector<16xi32>
        %parallel_loop3A_517 = tpu.vector_load_idx %arg14[%parallel_loop3A_391, %parallel_loop3A_516] : memref<512x32xf32, #tpu.memory_space<vmem>>[vector<16xi32>, vector<16xi32>], vector<16xf32>,
        %parallel_loop3A_518 = arith.constant 10 : i32
        %parallel_loop3A_519 = vector.broadcast %parallel_loop3A_518 : i32 to vector<16xi32>
        %parallel_loop3A_520 = tpu.vector_load_idx %arg14[%parallel_loop3A_391, %parallel_loop3A_519] : memref<512x32xf32, #tpu.memory_space<vmem>>[vector<16xi32>, vector<16xi32>], vector<16xf32>,
        %parallel_loop3A_521 = arith.constant 11 : i32
        %parallel_loop3A_522 = vector.broadcast %parallel_loop3A_521 : i32 to vector<16xi32>
        %parallel_loop3A_523 = tpu.vector_load_idx %arg14[%parallel_loop3A_391, %parallel_loop3A_522] : memref<512x32xf32, #tpu.memory_space<vmem>>[vector<16xi32>, vector<16xi32>], vector<16xf32>,
        %parallel_loop3A_524 = arith.constant 8 : i32
        %parallel_loop3A_525 = vector.broadcast %parallel_loop3A_524 : i32 to vector<16xi32>
        %parallel_loop3A_526 = tpu.vector_load_idx %arg16[%parallel_loop3A_391, %parallel_loop3A_525] : memref<512x32xf32, #tpu.memory_space<vmem>>[vector<16xi32>, vector<16xi32>], vector<16xf32>,
        %parallel_loop3A_527 = arith.constant 9 : i32
        %parallel_loop3A_528 = vector.broadcast %parallel_loop3A_527 : i32 to vector<16xi32>
        %parallel_loop3A_529 = tpu.vector_load_idx %arg16[%parallel_loop3A_391, %parallel_loop3A_528] : memref<512x32xf32, #tpu.memory_space<vmem>>[vector<16xi32>, vector<16xi32>], vector<16xf32>,
        %parallel_loop3A_530 = arith.constant 10 : i32
        %parallel_loop3A_531 = vector.broadcast %parallel_loop3A_530 : i32 to vector<16xi32>
        %parallel_loop3A_532 = tpu.vector_load_idx %arg16[%parallel_loop3A_391, %parallel_loop3A_531] : memref<512x32xf32, #tpu.memory_space<vmem>>[vector<16xi32>, vector<16xi32>], vector<16xf32>,
        %parallel_loop3A_533 = arith.constant 11 : i32
        %parallel_loop3A_534 = vector.broadcast %parallel_loop3A_533 : i32 to vector<16xi32>
        %parallel_loop3A_535 = tpu.vector_load_idx %arg16[%parallel_loop3A_391, %parallel_loop3A_534] : memref<512x32xf32, #tpu.memory_space<vmem>>[vector<16xi32>, vector<16xi32>], vector<16xf32>,
        %parallel_loop3A_536 = arith.mulf %parallel_loop3A_514, %parallel_loop3A_526 : vector<16xf32>
        %parallel_loop3A_537 = arith.mulf %parallel_loop3A_517, %parallel_loop3A_529 : vector<16xf32>
        %parallel_loop3A_538 = arith.addf %parallel_loop3A_536, %parallel_loop3A_537 : vector<16xf32>
        %parallel_loop3A_539 = arith.mulf %parallel_loop3A_520, %parallel_loop3A_532 : vector<16xf32>
        %parallel_loop3A_540 = arith.mulf %parallel_loop3A_523, %parallel_loop3A_535 : vector<16xf32>
        %parallel_loop3A_541 = arith.addf %parallel_loop3A_539, %parallel_loop3A_540 : vector<16xf32>
        %parallel_loop3A_542 = arith.addf %parallel_loop3A_538, %parallel_loop3A_541 : vector<16xf32>
        %parallel_loop3A_543 = arith.mulf %parallel_loop3A_517, %parallel_loop3A_526 : vector<16xf32>
        %parallel_loop3A_544 = arith.mulf %parallel_loop3A_514, %parallel_loop3A_529 : vector<16xf32>
        %parallel_loop3A_545 = arith.subf %parallel_loop3A_543, %parallel_loop3A_544 : vector<16xf32>
        %parallel_loop3A_546 = arith.mulf %parallel_loop3A_523, %parallel_loop3A_532 : vector<16xf32>
        %parallel_loop3A_547 = arith.mulf %parallel_loop3A_520, %parallel_loop3A_535 : vector<16xf32>
        %parallel_loop3A_548 = arith.subf %parallel_loop3A_546, %parallel_loop3A_547 : vector<16xf32>
        %parallel_loop3A_549 = arith.addf %parallel_loop3A_545, %parallel_loop3A_548 : vector<16xf32>
        %parallel_loop3A_550 = arith.mulf %parallel_loop3A_520, %parallel_loop3A_526 : vector<16xf32>
        %parallel_loop3A_551 = arith.mulf %parallel_loop3A_514, %parallel_loop3A_532 : vector<16xf32>
        %parallel_loop3A_552 = arith.subf %parallel_loop3A_550, %parallel_loop3A_551 : vector<16xf32>
        %parallel_loop3A_553 = arith.mulf %parallel_loop3A_517, %parallel_loop3A_535 : vector<16xf32>
        %parallel_loop3A_554 = arith.mulf %parallel_loop3A_523, %parallel_loop3A_529 : vector<16xf32>
        %parallel_loop3A_555 = arith.subf %parallel_loop3A_553, %parallel_loop3A_554 : vector<16xf32>
        %parallel_loop3A_556 = arith.addf %parallel_loop3A_552, %parallel_loop3A_555 : vector<16xf32>
        %parallel_loop3A_557 = arith.mulf %parallel_loop3A_523, %parallel_loop3A_526 : vector<16xf32>
        %parallel_loop3A_558 = arith.mulf %parallel_loop3A_514, %parallel_loop3A_535 : vector<16xf32>
        %parallel_loop3A_559 = arith.subf %parallel_loop3A_557, %parallel_loop3A_558 : vector<16xf32>
        %parallel_loop3A_560 = arith.mulf %parallel_loop3A_520, %parallel_loop3A_529 : vector<16xf32>
        %parallel_loop3A_561 = arith.mulf %parallel_loop3A_517, %parallel_loop3A_532 : vector<16xf32>
        %parallel_loop3A_562 = arith.subf %parallel_loop3A_560, %parallel_loop3A_561 : vector<16xf32>
        %parallel_loop3A_563 = arith.addf %parallel_loop3A_559, %parallel_loop3A_562 : vector<16xf32>
        %parallel_loop3A_564 = arith.constant 8 : i32
        %parallel_loop3A_565 = vector.broadcast %parallel_loop3A_564 : i32 to vector<16xi32>
        tpu.vector_store_idx %arg18[%parallel_loop3A_391, %parallel_loop3A_565], %parallel_loop3A_542 : memref<512x32xf32, #tpu.memory_space<vmem>>[vector<16xi32>, vector<16xi32>], vector<16xf32>,
        %parallel_loop3A_566 = arith.constant 9 : i32
        %parallel_loop3A_567 = vector.broadcast %parallel_loop3A_566 : i32 to vector<16xi32>
        tpu.vector_store_idx %arg18[%parallel_loop3A_391, %parallel_loop3A_567], %parallel_loop3A_549 : memref<512x32xf32, #tpu.memory_space<vmem>>[vector<16xi32>, vector<16xi32>], vector<16xf32>,
        %parallel_loop3A_568 = arith.constant 10 : i32
        %parallel_loop3A_569 = vector.broadcast %parallel_loop3A_568 : i32 to vector<16xi32>
        tpu.vector_store_idx %arg18[%parallel_loop3A_391, %parallel_loop3A_569], %parallel_loop3A_556 : memref<512x32xf32, #tpu.memory_space<vmem>>[vector<16xi32>, vector<16xi32>], vector<16xf32>,
        %parallel_loop3A_570 = arith.constant 11 : i32
        %parallel_loop3A_571 = vector.broadcast %parallel_loop3A_570 : i32 to vector<16xi32>
        tpu.vector_store_idx %arg18[%parallel_loop3A_391, %parallel_loop3A_571], %parallel_loop3A_563 : memref<512x32xf32, #tpu.memory_space<vmem>>[vector<16xi32>, vector<16xi32>], vector<16xf32>,
        %parallel_loop3A_572 = arith.constant 12 : i32
        %parallel_loop3A_573 = vector.broadcast %parallel_loop3A_572 : i32 to vector<16xi32>
        %parallel_loop3A_574 = tpu.vector_load_idx %arg14[%parallel_loop3A_391, %parallel_loop3A_573] : memref<512x32xf32, #tpu.memory_space<vmem>>[vector<16xi32>, vector<16xi32>], vector<16xf32>,
        %parallel_loop3A_575 = arith.constant 13 : i32
        %parallel_loop3A_576 = vector.broadcast %parallel_loop3A_575 : i32 to vector<16xi32>
        %parallel_loop3A_577 = tpu.vector_load_idx %arg14[%parallel_loop3A_391, %parallel_loop3A_576] : memref<512x32xf32, #tpu.memory_space<vmem>>[vector<16xi32>, vector<16xi32>], vector<16xf32>,
        %parallel_loop3A_578 = arith.constant 14 : i32
        %parallel_loop3A_579 = vector.broadcast %parallel_loop3A_578 : i32 to vector<16xi32>
        %parallel_loop3A_580 = tpu.vector_load_idx %arg14[%parallel_loop3A_391, %parallel_loop3A_579] : memref<512x32xf32, #tpu.memory_space<vmem>>[vector<16xi32>, vector<16xi32>], vector<16xf32>,
        %parallel_loop3A_581 = arith.constant 15 : i32
        %parallel_loop3A_582 = vector.broadcast %parallel_loop3A_581 : i32 to vector<16xi32>
        %parallel_loop3A_583 = tpu.vector_load_idx %arg14[%parallel_loop3A_391, %parallel_loop3A_582] : memref<512x32xf32, #tpu.memory_space<vmem>>[vector<16xi32>, vector<16xi32>], vector<16xf32>,
        %parallel_loop3A_584 = arith.constant 12 : i32
        %parallel_loop3A_585 = vector.broadcast %parallel_loop3A_584 : i32 to vector<16xi32>
        %parallel_loop3A_586 = tpu.vector_load_idx %arg16[%parallel_loop3A_391, %parallel_loop3A_585] : memref<512x32xf32, #tpu.memory_space<vmem>>[vector<16xi32>, vector<16xi32>], vector<16xf32>,
        %parallel_loop3A_587 = arith.constant 13 : i32
        %parallel_loop3A_588 = vector.broadcast %parallel_loop3A_587 : i32 to vector<16xi32>
        %parallel_loop3A_589 = tpu.vector_load_idx %arg16[%parallel_loop3A_391, %parallel_loop3A_588] : memref<512x32xf32, #tpu.memory_space<vmem>>[vector<16xi32>, vector<16xi32>], vector<16xf32>,
        %parallel_loop3A_590 = arith.constant 14 : i32
        %parallel_loop3A_591 = vector.broadcast %parallel_loop3A_590 : i32 to vector<16xi32>
        %parallel_loop3A_592 = tpu.vector_load_idx %arg16[%parallel_loop3A_391, %parallel_loop3A_591] : memref<512x32xf32, #tpu.memory_space<vmem>>[vector<16xi32>, vector<16xi32>], vector<16xf32>,
        %parallel_loop3A_593 = arith.constant 15 : i32
        %parallel_loop3A_594 = vector.broadcast %parallel_loop3A_593 : i32 to vector<16xi32>
        %parallel_loop3A_595 = tpu.vector_load_idx %arg16[%parallel_loop3A_391, %parallel_loop3A_594] : memref<512x32xf32, #tpu.memory_space<vmem>>[vector<16xi32>, vector<16xi32>], vector<16xf32>,
        %parallel_loop3A_596 = arith.mulf %parallel_loop3A_574, %parallel_loop3A_586 : vector<16xf32>
        %parallel_loop3A_597 = arith.mulf %parallel_loop3A_577, %parallel_loop3A_589 : vector<16xf32>
        %parallel_loop3A_598 = arith.addf %parallel_loop3A_596, %parallel_loop3A_597 : vector<16xf32>
        %parallel_loop3A_599 = arith.mulf %parallel_loop3A_580, %parallel_loop3A_592 : vector<16xf32>
        %parallel_loop3A_600 = arith.mulf %parallel_loop3A_583, %parallel_loop3A_595 : vector<16xf32>
        %parallel_loop3A_601 = arith.addf %parallel_loop3A_599, %parallel_loop3A_600 : vector<16xf32>
        %parallel_loop3A_602 = arith.addf %parallel_loop3A_598, %parallel_loop3A_601 : vector<16xf32>
        %parallel_loop3A_603 = arith.mulf %parallel_loop3A_577, %parallel_loop3A_586 : vector<16xf32>
        %parallel_loop3A_604 = arith.mulf %parallel_loop3A_574, %parallel_loop3A_589 : vector<16xf32>
        %parallel_loop3A_605 = arith.subf %parallel_loop3A_603, %parallel_loop3A_604 : vector<16xf32>
        %parallel_loop3A_606 = arith.mulf %parallel_loop3A_583, %parallel_loop3A_592 : vector<16xf32>
        %parallel_loop3A_607 = arith.mulf %parallel_loop3A_580, %parallel_loop3A_595 : vector<16xf32>
        %parallel_loop3A_608 = arith.subf %parallel_loop3A_606, %parallel_loop3A_607 : vector<16xf32>
        %parallel_loop3A_609 = arith.addf %parallel_loop3A_605, %parallel_loop3A_608 : vector<16xf32>
        %parallel_loop3A_610 = arith.mulf %parallel_loop3A_580, %parallel_loop3A_586 : vector<16xf32>
        %parallel_loop3A_611 = arith.mulf %parallel_loop3A_574, %parallel_loop3A_592 : vector<16xf32>
        %parallel_loop3A_612 = arith.subf %parallel_loop3A_610, %parallel_loop3A_611 : vector<16xf32>
        %parallel_loop3A_613 = arith.mulf %parallel_loop3A_577, %parallel_loop3A_595 : vector<16xf32>
        %parallel_loop3A_614 = arith.mulf %parallel_loop3A_583, %parallel_loop3A_589 : vector<16xf32>
        %parallel_loop3A_615 = arith.subf %parallel_loop3A_613, %parallel_loop3A_614 : vector<16xf32>
        %parallel_loop3A_616 = arith.addf %parallel_loop3A_612, %parallel_loop3A_615 : vector<16xf32>
        %parallel_loop3A_617 = arith.mulf %parallel_loop3A_583, %parallel_loop3A_586 : vector<16xf32>
        %parallel_loop3A_618 = arith.mulf %parallel_loop3A_574, %parallel_loop3A_595 : vector<16xf32>
        %parallel_loop3A_619 = arith.subf %parallel_loop3A_617, %parallel_loop3A_618 : vector<16xf32>
        %parallel_loop3A_620 = arith.mulf %parallel_loop3A_580, %parallel_loop3A_589 : vector<16xf32>
        %parallel_loop3A_621 = arith.mulf %parallel_loop3A_577, %parallel_loop3A_592 : vector<16xf32>
        %parallel_loop3A_622 = arith.subf %parallel_loop3A_620, %parallel_loop3A_621 : vector<16xf32>
        %parallel_loop3A_623 = arith.addf %parallel_loop3A_619, %parallel_loop3A_622 : vector<16xf32>
        %parallel_loop3A_624 = arith.constant 12 : i32
        %parallel_loop3A_625 = vector.broadcast %parallel_loop3A_624 : i32 to vector<16xi32>
        tpu.vector_store_idx %arg18[%parallel_loop3A_391, %parallel_loop3A_625], %parallel_loop3A_602 : memref<512x32xf32, #tpu.memory_space<vmem>>[vector<16xi32>, vector<16xi32>], vector<16xf32>,
        %parallel_loop3A_626 = arith.constant 13 : i32
        %parallel_loop3A_627 = vector.broadcast %parallel_loop3A_626 : i32 to vector<16xi32>
        tpu.vector_store_idx %arg18[%parallel_loop3A_391, %parallel_loop3A_627], %parallel_loop3A_609 : memref<512x32xf32, #tpu.memory_space<vmem>>[vector<16xi32>, vector<16xi32>], vector<16xf32>,
        %parallel_loop3A_628 = arith.constant 14 : i32
        %parallel_loop3A_629 = vector.broadcast %parallel_loop3A_628 : i32 to vector<16xi32>
        tpu.vector_store_idx %arg18[%parallel_loop3A_391, %parallel_loop3A_629], %parallel_loop3A_616 : memref<512x32xf32, #tpu.memory_space<vmem>>[vector<16xi32>, vector<16xi32>], vector<16xf32>,
        %parallel_loop3A_630 = arith.constant 15 : i32
        %parallel_loop3A_631 = vector.broadcast %parallel_loop3A_630 : i32 to vector<16xi32>
        tpu.vector_store_idx %arg18[%parallel_loop3A_391, %parallel_loop3A_631], %parallel_loop3A_623 : memref<512x32xf32, #tpu.memory_space<vmem>>[vector<16xi32>, vector<16xi32>], vector<16xf32>,
        %parallel_loop3A_632 = arith.constant 16 : i32
        %parallel_loop3A_633 = vector.broadcast %parallel_loop3A_632 : i32 to vector<16xi32>
        %parallel_loop3A_634 = tpu.vector_load_idx %arg14[%parallel_loop3A_391, %parallel_loop3A_633] : memref<512x32xf32, #tpu.memory_space<vmem>>[vector<16xi32>, vector<16xi32>], vector<16xf32>,
        %parallel_loop3A_635 = arith.constant 17 : i32
        %parallel_loop3A_636 = vector.broadcast %parallel_loop3A_635 : i32 to vector<16xi32>
        %parallel_loop3A_637 = tpu.vector_load_idx %arg14[%parallel_loop3A_391, %parallel_loop3A_636] : memref<512x32xf32, #tpu.memory_space<vmem>>[vector<16xi32>, vector<16xi32>], vector<16xf32>,
        %parallel_loop3A_638 = arith.constant 18 : i32
        %parallel_loop3A_639 = vector.broadcast %parallel_loop3A_638 : i32 to vector<16xi32>
        %parallel_loop3A_640 = tpu.vector_load_idx %arg14[%parallel_loop3A_391, %parallel_loop3A_639] : memref<512x32xf32, #tpu.memory_space<vmem>>[vector<16xi32>, vector<16xi32>], vector<16xf32>,
        %parallel_loop3A_641 = arith.constant 19 : i32
        %parallel_loop3A_642 = vector.broadcast %parallel_loop3A_641 : i32 to vector<16xi32>
        %parallel_loop3A_643 = tpu.vector_load_idx %arg14[%parallel_loop3A_391, %parallel_loop3A_642] : memref<512x32xf32, #tpu.memory_space<vmem>>[vector<16xi32>, vector<16xi32>], vector<16xf32>,
        %parallel_loop3A_644 = arith.constant 16 : i32
        %parallel_loop3A_645 = vector.broadcast %parallel_loop3A_644 : i32 to vector<16xi32>
        %parallel_loop3A_646 = tpu.vector_load_idx %arg16[%parallel_loop3A_391, %parallel_loop3A_645] : memref<512x32xf32, #tpu.memory_space<vmem>>[vector<16xi32>, vector<16xi32>], vector<16xf32>,
        %parallel_loop3A_647 = arith.constant 17 : i32
        %parallel_loop3A_648 = vector.broadcast %parallel_loop3A_647 : i32 to vector<16xi32>
        %parallel_loop3A_649 = tpu.vector_load_idx %arg16[%parallel_loop3A_391, %parallel_loop3A_648] : memref<512x32xf32, #tpu.memory_space<vmem>>[vector<16xi32>, vector<16xi32>], vector<16xf32>,
        %parallel_loop3A_650 = arith.constant 18 : i32
        %parallel_loop3A_651 = vector.broadcast %parallel_loop3A_650 : i32 to vector<16xi32>
        %parallel_loop3A_652 = tpu.vector_load_idx %arg16[%parallel_loop3A_391, %parallel_loop3A_651] : memref<512x32xf32, #tpu.memory_space<vmem>>[vector<16xi32>, vector<16xi32>], vector<16xf32>,
        %parallel_loop3A_653 = arith.constant 19 : i32
        %parallel_loop3A_654 = vector.broadcast %parallel_loop3A_653 : i32 to vector<16xi32>
        %parallel_loop3A_655 = tpu.vector_load_idx %arg16[%parallel_loop3A_391, %parallel_loop3A_654] : memref<512x32xf32, #tpu.memory_space<vmem>>[vector<16xi32>, vector<16xi32>], vector<16xf32>,
        %parallel_loop3A_656 = arith.mulf %parallel_loop3A_634, %parallel_loop3A_646 : vector<16xf32>
        %parallel_loop3A_657 = arith.mulf %parallel_loop3A_637, %parallel_loop3A_649 : vector<16xf32>
        %parallel_loop3A_658 = arith.addf %parallel_loop3A_656, %parallel_loop3A_657 : vector<16xf32>
        %parallel_loop3A_659 = arith.mulf %parallel_loop3A_640, %parallel_loop3A_652 : vector<16xf32>
        %parallel_loop3A_660 = arith.mulf %parallel_loop3A_643, %parallel_loop3A_655 : vector<16xf32>
        %parallel_loop3A_661 = arith.addf %parallel_loop3A_659, %parallel_loop3A_660 : vector<16xf32>
        %parallel_loop3A_662 = arith.addf %parallel_loop3A_658, %parallel_loop3A_661 : vector<16xf32>
        %parallel_loop3A_663 = arith.mulf %parallel_loop3A_637, %parallel_loop3A_646 : vector<16xf32>
        %parallel_loop3A_664 = arith.mulf %parallel_loop3A_634, %parallel_loop3A_649 : vector<16xf32>
        %parallel_loop3A_665 = arith.subf %parallel_loop3A_663, %parallel_loop3A_664 : vector<16xf32>
        %parallel_loop3A_666 = arith.mulf %parallel_loop3A_643, %parallel_loop3A_652 : vector<16xf32>
        %parallel_loop3A_667 = arith.mulf %parallel_loop3A_640, %parallel_loop3A_655 : vector<16xf32>
        %parallel_loop3A_668 = arith.subf %parallel_loop3A_666, %parallel_loop3A_667 : vector<16xf32>
        %parallel_loop3A_669 = arith.addf %parallel_loop3A_665, %parallel_loop3A_668 : vector<16xf32>
        %parallel_loop3A_670 = arith.mulf %parallel_loop3A_640, %parallel_loop3A_646 : vector<16xf32>
        %parallel_loop3A_671 = arith.mulf %parallel_loop3A_634, %parallel_loop3A_652 : vector<16xf32>
        %parallel_loop3A_672 = arith.subf %parallel_loop3A_670, %parallel_loop3A_671 : vector<16xf32>
        %parallel_loop3A_673 = arith.mulf %parallel_loop3A_637, %parallel_loop3A_655 : vector<16xf32>
        %parallel_loop3A_674 = arith.mulf %parallel_loop3A_643, %parallel_loop3A_649 : vector<16xf32>
        %parallel_loop3A_675 = arith.subf %parallel_loop3A_673, %parallel_loop3A_674 : vector<16xf32>
        %parallel_loop3A_676 = arith.addf %parallel_loop3A_672, %parallel_loop3A_675 : vector<16xf32>
        %parallel_loop3A_677 = arith.mulf %parallel_loop3A_643, %parallel_loop3A_646 : vector<16xf32>
        %parallel_loop3A_678 = arith.mulf %parallel_loop3A_634, %parallel_loop3A_655 : vector<16xf32>
        %parallel_loop3A_679 = arith.subf %parallel_loop3A_677, %parallel_loop3A_678 : vector<16xf32>
        %parallel_loop3A_680 = arith.mulf %parallel_loop3A_640, %parallel_loop3A_649 : vector<16xf32>
        %parallel_loop3A_681 = arith.mulf %parallel_loop3A_637, %parallel_loop3A_652 : vector<16xf32>
        %parallel_loop3A_682 = arith.subf %parallel_loop3A_680, %parallel_loop3A_681 : vector<16xf32>
        %parallel_loop3A_683 = arith.addf %parallel_loop3A_679, %parallel_loop3A_682 : vector<16xf32>
        %parallel_loop3A_684 = arith.constant 16 : i32
        %parallel_loop3A_685 = vector.broadcast %parallel_loop3A_684 : i32 to vector<16xi32>
        tpu.vector_store_idx %arg18[%parallel_loop3A_391, %parallel_loop3A_685], %parallel_loop3A_662 : memref<512x32xf32, #tpu.memory_space<vmem>>[vector<16xi32>, vector<16xi32>], vector<16xf32>,
        %parallel_loop3A_686 = arith.constant 17 : i32
        %parallel_loop3A_687 = vector.broadcast %parallel_loop3A_686 : i32 to vector<16xi32>
        tpu.vector_store_idx %arg18[%parallel_loop3A_391, %parallel_loop3A_687], %parallel_loop3A_669 : memref<512x32xf32, #tpu.memory_space<vmem>>[vector<16xi32>, vector<16xi32>], vector<16xf32>,
        %parallel_loop3A_688 = arith.constant 18 : i32
        %parallel_loop3A_689 = vector.broadcast %parallel_loop3A_688 : i32 to vector<16xi32>
        tpu.vector_store_idx %arg18[%parallel_loop3A_391, %parallel_loop3A_689], %parallel_loop3A_676 : memref<512x32xf32, #tpu.memory_space<vmem>>[vector<16xi32>, vector<16xi32>], vector<16xf32>,
        %parallel_loop3A_690 = arith.constant 19 : i32
        %parallel_loop3A_691 = vector.broadcast %parallel_loop3A_690 : i32 to vector<16xi32>
        tpu.vector_store_idx %arg18[%parallel_loop3A_391, %parallel_loop3A_691], %parallel_loop3A_683 : memref<512x32xf32, #tpu.memory_space<vmem>>[vector<16xi32>, vector<16xi32>], vector<16xf32>,
        %parallel_loop3A_692 = arith.constant 20 : i32
        %parallel_loop3A_693 = vector.broadcast %parallel_loop3A_692 : i32 to vector<16xi32>
        %parallel_loop3A_694 = tpu.vector_load_idx %arg14[%parallel_loop3A_391, %parallel_loop3A_693] : memref<512x32xf32, #tpu.memory_space<vmem>>[vector<16xi32>, vector<16xi32>], vector<16xf32>,
        %parallel_loop3A_695 = arith.constant 21 : i32
        %parallel_loop3A_696 = vector.broadcast %parallel_loop3A_695 : i32 to vector<16xi32>
        %parallel_loop3A_697 = tpu.vector_load_idx %arg14[%parallel_loop3A_391, %parallel_loop3A_696] : memref<512x32xf32, #tpu.memory_space<vmem>>[vector<16xi32>, vector<16xi32>], vector<16xf32>,
        %parallel_loop3A_698 = arith.constant 22 : i32
        %parallel_loop3A_699 = vector.broadcast %parallel_loop3A_698 : i32 to vector<16xi32>
        %parallel_loop3A_700 = tpu.vector_load_idx %arg14[%parallel_loop3A_391, %parallel_loop3A_699] : memref<512x32xf32, #tpu.memory_space<vmem>>[vector<16xi32>, vector<16xi32>], vector<16xf32>,
        %parallel_loop3A_701 = arith.constant 23 : i32
        %parallel_loop3A_702 = vector.broadcast %parallel_loop3A_701 : i32 to vector<16xi32>
        %parallel_loop3A_703 = tpu.vector_load_idx %arg14[%parallel_loop3A_391, %parallel_loop3A_702] : memref<512x32xf32, #tpu.memory_space<vmem>>[vector<16xi32>, vector<16xi32>], vector<16xf32>,
        %parallel_loop3A_704 = arith.constant 20 : i32
        %parallel_loop3A_705 = vector.broadcast %parallel_loop3A_704 : i32 to vector<16xi32>
        %parallel_loop3A_706 = tpu.vector_load_idx %arg16[%parallel_loop3A_391, %parallel_loop3A_705] : memref<512x32xf32, #tpu.memory_space<vmem>>[vector<16xi32>, vector<16xi32>], vector<16xf32>,
        %parallel_loop3A_707 = arith.constant 21 : i32
        %parallel_loop3A_708 = vector.broadcast %parallel_loop3A_707 : i32 to vector<16xi32>
        %parallel_loop3A_709 = tpu.vector_load_idx %arg16[%parallel_loop3A_391, %parallel_loop3A_708] : memref<512x32xf32, #tpu.memory_space<vmem>>[vector<16xi32>, vector<16xi32>], vector<16xf32>,
        %parallel_loop3A_710 = arith.constant 22 : i32
        %parallel_loop3A_711 = vector.broadcast %parallel_loop3A_710 : i32 to vector<16xi32>
        %parallel_loop3A_712 = tpu.vector_load_idx %arg16[%parallel_loop3A_391, %parallel_loop3A_711] : memref<512x32xf32, #tpu.memory_space<vmem>>[vector<16xi32>, vector<16xi32>], vector<16xf32>,
        %parallel_loop3A_713 = arith.constant 23 : i32
        %parallel_loop3A_714 = vector.broadcast %parallel_loop3A_713 : i32 to vector<16xi32>
        %parallel_loop3A_715 = tpu.vector_load_idx %arg16[%parallel_loop3A_391, %parallel_loop3A_714] : memref<512x32xf32, #tpu.memory_space<vmem>>[vector<16xi32>, vector<16xi32>], vector<16xf32>,
        %parallel_loop3A_716 = arith.mulf %parallel_loop3A_694, %parallel_loop3A_706 : vector<16xf32>
        %parallel_loop3A_717 = arith.mulf %parallel_loop3A_697, %parallel_loop3A_709 : vector<16xf32>
        %parallel_loop3A_718 = arith.addf %parallel_loop3A_716, %parallel_loop3A_717 : vector<16xf32>
        %parallel_loop3A_719 = arith.mulf %parallel_loop3A_700, %parallel_loop3A_712 : vector<16xf32>
        %parallel_loop3A_720 = arith.mulf %parallel_loop3A_703, %parallel_loop3A_715 : vector<16xf32>
        %parallel_loop3A_721 = arith.addf %parallel_loop3A_719, %parallel_loop3A_720 : vector<16xf32>
        %parallel_loop3A_722 = arith.addf %parallel_loop3A_718, %parallel_loop3A_721 : vector<16xf32>
        %parallel_loop3A_723 = arith.mulf %parallel_loop3A_697, %parallel_loop3A_706 : vector<16xf32>
        %parallel_loop3A_724 = arith.mulf %parallel_loop3A_694, %parallel_loop3A_709 : vector<16xf32>
        %parallel_loop3A_725 = arith.subf %parallel_loop3A_723, %parallel_loop3A_724 : vector<16xf32>
        %parallel_loop3A_726 = arith.mulf %parallel_loop3A_703, %parallel_loop3A_712 : vector<16xf32>
        %parallel_loop3A_727 = arith.mulf %parallel_loop3A_700, %parallel_loop3A_715 : vector<16xf32>
        %parallel_loop3A_728 = arith.subf %parallel_loop3A_726, %parallel_loop3A_727 : vector<16xf32>
        %parallel_loop3A_729 = arith.addf %parallel_loop3A_725, %parallel_loop3A_728 : vector<16xf32>
        %parallel_loop3A_730 = arith.mulf %parallel_loop3A_700, %parallel_loop3A_706 : vector<16xf32>
        %parallel_loop3A_731 = arith.mulf %parallel_loop3A_694, %parallel_loop3A_712 : vector<16xf32>
        %parallel_loop3A_732 = arith.subf %parallel_loop3A_730, %parallel_loop3A_731 : vector<16xf32>
        %parallel_loop3A_733 = arith.mulf %parallel_loop3A_697, %parallel_loop3A_715 : vector<16xf32>
        %parallel_loop3A_734 = arith.mulf %parallel_loop3A_703, %parallel_loop3A_709 : vector<16xf32>
        %parallel_loop3A_735 = arith.subf %parallel_loop3A_733, %parallel_loop3A_734 : vector<16xf32>
        %parallel_loop3A_736 = arith.addf %parallel_loop3A_732, %parallel_loop3A_735 : vector<16xf32>
        %parallel_loop3A_737 = arith.mulf %parallel_loop3A_703, %parallel_loop3A_706 : vector<16xf32>
        %parallel_loop3A_738 = arith.mulf %parallel_loop3A_694, %parallel_loop3A_715 : vector<16xf32>
        %parallel_loop3A_739 = arith.subf %parallel_loop3A_737, %parallel_loop3A_738 : vector<16xf32>
        %parallel_loop3A_740 = arith.mulf %parallel_loop3A_700, %parallel_loop3A_709 : vector<16xf32>
        %parallel_loop3A_741 = arith.mulf %parallel_loop3A_697, %parallel_loop3A_712 : vector<16xf32>
        %parallel_loop3A_742 = arith.subf %parallel_loop3A_740, %parallel_loop3A_741 : vector<16xf32>
        %parallel_loop3A_743 = arith.addf %parallel_loop3A_739, %parallel_loop3A_742 : vector<16xf32>
        %parallel_loop3A_744 = arith.constant 20 : i32
        %parallel_loop3A_745 = vector.broadcast %parallel_loop3A_744 : i32 to vector<16xi32>
        tpu.vector_store_idx %arg18[%parallel_loop3A_391, %parallel_loop3A_745], %parallel_loop3A_722 : memref<512x32xf32, #tpu.memory_space<vmem>>[vector<16xi32>, vector<16xi32>], vector<16xf32>,
        %parallel_loop3A_746 = arith.constant 21 : i32
        %parallel_loop3A_747 = vector.broadcast %parallel_loop3A_746 : i32 to vector<16xi32>
        tpu.vector_store_idx %arg18[%parallel_loop3A_391, %parallel_loop3A_747], %parallel_loop3A_729 : memref<512x32xf32, #tpu.memory_space<vmem>>[vector<16xi32>, vector<16xi32>], vector<16xf32>,
        %parallel_loop3A_748 = arith.constant 22 : i32
        %parallel_loop3A_749 = vector.broadcast %parallel_loop3A_748 : i32 to vector<16xi32>
        tpu.vector_store_idx %arg18[%parallel_loop3A_391, %parallel_loop3A_749], %parallel_loop3A_736 : memref<512x32xf32, #tpu.memory_space<vmem>>[vector<16xi32>, vector<16xi32>], vector<16xf32>,
        %parallel_loop3A_750 = arith.constant 23 : i32
        %parallel_loop3A_751 = vector.broadcast %parallel_loop3A_750 : i32 to vector<16xi32>
        tpu.vector_store_idx %arg18[%parallel_loop3A_391, %parallel_loop3A_751], %parallel_loop3A_743 : memref<512x32xf32, #tpu.memory_space<vmem>>[vector<16xi32>, vector<16xi32>], vector<16xf32>,
        %parallel_loop3A_752 = arith.constant 24 : i32
        %parallel_loop3A_753 = vector.broadcast %parallel_loop3A_752 : i32 to vector<16xi32>
        %parallel_loop3A_754 = tpu.vector_load_idx %arg14[%parallel_loop3A_391, %parallel_loop3A_753] : memref<512x32xf32, #tpu.memory_space<vmem>>[vector<16xi32>, vector<16xi32>], vector<16xf32>,
        %parallel_loop3A_755 = arith.constant 25 : i32
        %parallel_loop3A_756 = vector.broadcast %parallel_loop3A_755 : i32 to vector<16xi32>
        %parallel_loop3A_757 = tpu.vector_load_idx %arg14[%parallel_loop3A_391, %parallel_loop3A_756] : memref<512x32xf32, #tpu.memory_space<vmem>>[vector<16xi32>, vector<16xi32>], vector<16xf32>,
        %parallel_loop3A_758 = arith.constant 26 : i32
        %parallel_loop3A_759 = vector.broadcast %parallel_loop3A_758 : i32 to vector<16xi32>
        %parallel_loop3A_760 = tpu.vector_load_idx %arg14[%parallel_loop3A_391, %parallel_loop3A_759] : memref<512x32xf32, #tpu.memory_space<vmem>>[vector<16xi32>, vector<16xi32>], vector<16xf32>,
        %parallel_loop3A_761 = arith.constant 27 : i32
        %parallel_loop3A_762 = vector.broadcast %parallel_loop3A_761 : i32 to vector<16xi32>
        %parallel_loop3A_763 = tpu.vector_load_idx %arg14[%parallel_loop3A_391, %parallel_loop3A_762] : memref<512x32xf32, #tpu.memory_space<vmem>>[vector<16xi32>, vector<16xi32>], vector<16xf32>,
        %parallel_loop3A_764 = arith.constant 24 : i32
        %parallel_loop3A_765 = vector.broadcast %parallel_loop3A_764 : i32 to vector<16xi32>
        %parallel_loop3A_766 = tpu.vector_load_idx %arg16[%parallel_loop3A_391, %parallel_loop3A_765] : memref<512x32xf32, #tpu.memory_space<vmem>>[vector<16xi32>, vector<16xi32>], vector<16xf32>,
        %parallel_loop3A_767 = arith.constant 25 : i32
        %parallel_loop3A_768 = vector.broadcast %parallel_loop3A_767 : i32 to vector<16xi32>
        %parallel_loop3A_769 = tpu.vector_load_idx %arg16[%parallel_loop3A_391, %parallel_loop3A_768] : memref<512x32xf32, #tpu.memory_space<vmem>>[vector<16xi32>, vector<16xi32>], vector<16xf32>,
        %parallel_loop3A_770 = arith.constant 26 : i32
        %parallel_loop3A_771 = vector.broadcast %parallel_loop3A_770 : i32 to vector<16xi32>
        %parallel_loop3A_772 = tpu.vector_load_idx %arg16[%parallel_loop3A_391, %parallel_loop3A_771] : memref<512x32xf32, #tpu.memory_space<vmem>>[vector<16xi32>, vector<16xi32>], vector<16xf32>,
        %parallel_loop3A_773 = arith.constant 27 : i32
        %parallel_loop3A_774 = vector.broadcast %parallel_loop3A_773 : i32 to vector<16xi32>
        %parallel_loop3A_775 = tpu.vector_load_idx %arg16[%parallel_loop3A_391, %parallel_loop3A_774] : memref<512x32xf32, #tpu.memory_space<vmem>>[vector<16xi32>, vector<16xi32>], vector<16xf32>,
        %parallel_loop3A_776 = arith.mulf %parallel_loop3A_754, %parallel_loop3A_766 : vector<16xf32>
        %parallel_loop3A_777 = arith.mulf %parallel_loop3A_757, %parallel_loop3A_769 : vector<16xf32>
        %parallel_loop3A_778 = arith.addf %parallel_loop3A_776, %parallel_loop3A_777 : vector<16xf32>
        %parallel_loop3A_779 = arith.mulf %parallel_loop3A_760, %parallel_loop3A_772 : vector<16xf32>
        %parallel_loop3A_780 = arith.mulf %parallel_loop3A_763, %parallel_loop3A_775 : vector<16xf32>
        %parallel_loop3A_781 = arith.addf %parallel_loop3A_779, %parallel_loop3A_780 : vector<16xf32>
        %parallel_loop3A_782 = arith.addf %parallel_loop3A_778, %parallel_loop3A_781 : vector<16xf32>
        %parallel_loop3A_783 = arith.mulf %parallel_loop3A_757, %parallel_loop3A_766 : vector<16xf32>
        %parallel_loop3A_784 = arith.mulf %parallel_loop3A_754, %parallel_loop3A_769 : vector<16xf32>
        %parallel_loop3A_785 = arith.subf %parallel_loop3A_783, %parallel_loop3A_784 : vector<16xf32>
        %parallel_loop3A_786 = arith.mulf %parallel_loop3A_763, %parallel_loop3A_772 : vector<16xf32>
        %parallel_loop3A_787 = arith.mulf %parallel_loop3A_760, %parallel_loop3A_775 : vector<16xf32>
        %parallel_loop3A_788 = arith.subf %parallel_loop3A_786, %parallel_loop3A_787 : vector<16xf32>
        %parallel_loop3A_789 = arith.addf %parallel_loop3A_785, %parallel_loop3A_788 : vector<16xf32>
        %parallel_loop3A_790 = arith.mulf %parallel_loop3A_760, %parallel_loop3A_766 : vector<16xf32>
        %parallel_loop3A_791 = arith.mulf %parallel_loop3A_754, %parallel_loop3A_772 : vector<16xf32>
        %parallel_loop3A_792 = arith.subf %parallel_loop3A_790, %parallel_loop3A_791 : vector<16xf32>
        %parallel_loop3A_793 = arith.mulf %parallel_loop3A_757, %parallel_loop3A_775 : vector<16xf32>
        %parallel_loop3A_794 = arith.mulf %parallel_loop3A_763, %parallel_loop3A_769 : vector<16xf32>
        %parallel_loop3A_795 = arith.subf %parallel_loop3A_793, %parallel_loop3A_794 : vector<16xf32>
        %parallel_loop3A_796 = arith.addf %parallel_loop3A_792, %parallel_loop3A_795 : vector<16xf32>
        %parallel_loop3A_797 = arith.mulf %parallel_loop3A_763, %parallel_loop3A_766 : vector<16xf32>
        %parallel_loop3A_798 = arith.mulf %parallel_loop3A_754, %parallel_loop3A_775 : vector<16xf32>
        %parallel_loop3A_799 = arith.subf %parallel_loop3A_797, %parallel_loop3A_798 : vector<16xf32>
        %parallel_loop3A_800 = arith.mulf %parallel_loop3A_760, %parallel_loop3A_769 : vector<16xf32>
        %parallel_loop3A_801 = arith.mulf %parallel_loop3A_757, %parallel_loop3A_772 : vector<16xf32>
        %parallel_loop3A_802 = arith.subf %parallel_loop3A_800, %parallel_loop3A_801 : vector<16xf32>
        %parallel_loop3A_803 = arith.addf %parallel_loop3A_799, %parallel_loop3A_802 : vector<16xf32>
        %parallel_loop3A_804 = arith.constant 24 : i32
        %parallel_loop3A_805 = vector.broadcast %parallel_loop3A_804 : i32 to vector<16xi32>
        tpu.vector_store_idx %arg18[%parallel_loop3A_391, %parallel_loop3A_805], %parallel_loop3A_782 : memref<512x32xf32, #tpu.memory_space<vmem>>[vector<16xi32>, vector<16xi32>], vector<16xf32>,
        %parallel_loop3A_806 = arith.constant 25 : i32
        %parallel_loop3A_807 = vector.broadcast %parallel_loop3A_806 : i32 to vector<16xi32>
        tpu.vector_store_idx %arg18[%parallel_loop3A_391, %parallel_loop3A_807], %parallel_loop3A_789 : memref<512x32xf32, #tpu.memory_space<vmem>>[vector<16xi32>, vector<16xi32>], vector<16xf32>,
        %parallel_loop3A_808 = arith.constant 26 : i32
        %parallel_loop3A_809 = vector.broadcast %parallel_loop3A_808 : i32 to vector<16xi32>
        tpu.vector_store_idx %arg18[%parallel_loop3A_391, %parallel_loop3A_809], %parallel_loop3A_796 : memref<512x32xf32, #tpu.memory_space<vmem>>[vector<16xi32>, vector<16xi32>], vector<16xf32>,
        %parallel_loop3A_810 = arith.constant 27 : i32
        %parallel_loop3A_811 = vector.broadcast %parallel_loop3A_810 : i32 to vector<16xi32>
        tpu.vector_store_idx %arg18[%parallel_loop3A_391, %parallel_loop3A_811], %parallel_loop3A_803 : memref<512x32xf32, #tpu.memory_space<vmem>>[vector<16xi32>, vector<16xi32>], vector<16xf32>,
        %parallel_loop3A_812 = arith.constant 28 : i32
        %parallel_loop3A_813 = vector.broadcast %parallel_loop3A_812 : i32 to vector<16xi32>
        %parallel_loop3A_814 = tpu.vector_load_idx %arg14[%parallel_loop3A_391, %parallel_loop3A_813] : memref<512x32xf32, #tpu.memory_space<vmem>>[vector<16xi32>, vector<16xi32>], vector<16xf32>,
        %parallel_loop3A_815 = arith.constant 29 : i32
        %parallel_loop3A_816 = vector.broadcast %parallel_loop3A_815 : i32 to vector<16xi32>
        %parallel_loop3A_817 = tpu.vector_load_idx %arg14[%parallel_loop3A_391, %parallel_loop3A_816] : memref<512x32xf32, #tpu.memory_space<vmem>>[vector<16xi32>, vector<16xi32>], vector<16xf32>,
        %parallel_loop3A_818 = arith.constant 30 : i32
        %parallel_loop3A_819 = vector.broadcast %parallel_loop3A_818 : i32 to vector<16xi32>
        %parallel_loop3A_820 = tpu.vector_load_idx %arg14[%parallel_loop3A_391, %parallel_loop3A_819] : memref<512x32xf32, #tpu.memory_space<vmem>>[vector<16xi32>, vector<16xi32>], vector<16xf32>,
        %parallel_loop3A_821 = arith.constant 31 : i32
        %parallel_loop3A_822 = vector.broadcast %parallel_loop3A_821 : i32 to vector<16xi32>
        %parallel_loop3A_823 = tpu.vector_load_idx %arg14[%parallel_loop3A_391, %parallel_loop3A_822] : memref<512x32xf32, #tpu.memory_space<vmem>>[vector<16xi32>, vector<16xi32>], vector<16xf32>,
        %parallel_loop3A_824 = arith.constant 28 : i32
        %parallel_loop3A_825 = vector.broadcast %parallel_loop3A_824 : i32 to vector<16xi32>
        %parallel_loop3A_826 = tpu.vector_load_idx %arg16[%parallel_loop3A_391, %parallel_loop3A_825] : memref<512x32xf32, #tpu.memory_space<vmem>>[vector<16xi32>, vector<16xi32>], vector<16xf32>,
        %parallel_loop3A_827 = arith.constant 29 : i32
        %parallel_loop3A_828 = vector.broadcast %parallel_loop3A_827 : i32 to vector<16xi32>
        %parallel_loop3A_829 = tpu.vector_load_idx %arg16[%parallel_loop3A_391, %parallel_loop3A_828] : memref<512x32xf32, #tpu.memory_space<vmem>>[vector<16xi32>, vector<16xi32>], vector<16xf32>,
        %parallel_loop3A_830 = arith.constant 30 : i32
        %parallel_loop3A_831 = vector.broadcast %parallel_loop3A_830 : i32 to vector<16xi32>
        %parallel_loop3A_832 = tpu.vector_load_idx %arg16[%parallel_loop3A_391, %parallel_loop3A_831] : memref<512x32xf32, #tpu.memory_space<vmem>>[vector<16xi32>, vector<16xi32>], vector<16xf32>,
        %parallel_loop3A_833 = arith.constant 31 : i32
        %parallel_loop3A_834 = vector.broadcast %parallel_loop3A_833 : i32 to vector<16xi32>
        %parallel_loop3A_835 = tpu.vector_load_idx %arg16[%parallel_loop3A_391, %parallel_loop3A_834] : memref<512x32xf32, #tpu.memory_space<vmem>>[vector<16xi32>, vector<16xi32>], vector<16xf32>,
        %parallel_loop3A_836 = arith.mulf %parallel_loop3A_814, %parallel_loop3A_826 : vector<16xf32>
        %parallel_loop3A_837 = arith.mulf %parallel_loop3A_817, %parallel_loop3A_829 : vector<16xf32>
        %parallel_loop3A_838 = arith.addf %parallel_loop3A_836, %parallel_loop3A_837 : vector<16xf32>
        %parallel_loop3A_839 = arith.mulf %parallel_loop3A_820, %parallel_loop3A_832 : vector<16xf32>
        %parallel_loop3A_840 = arith.mulf %parallel_loop3A_823, %parallel_loop3A_835 : vector<16xf32>
        %parallel_loop3A_841 = arith.addf %parallel_loop3A_839, %parallel_loop3A_840 : vector<16xf32>
        %parallel_loop3A_842 = arith.addf %parallel_loop3A_838, %parallel_loop3A_841 : vector<16xf32>
        %parallel_loop3A_843 = arith.mulf %parallel_loop3A_817, %parallel_loop3A_826 : vector<16xf32>
        %parallel_loop3A_844 = arith.mulf %parallel_loop3A_814, %parallel_loop3A_829 : vector<16xf32>
        %parallel_loop3A_845 = arith.subf %parallel_loop3A_843, %parallel_loop3A_844 : vector<16xf32>
        %parallel_loop3A_846 = arith.mulf %parallel_loop3A_823, %parallel_loop3A_832 : vector<16xf32>
        %parallel_loop3A_847 = arith.mulf %parallel_loop3A_820, %parallel_loop3A_835 : vector<16xf32>
        %parallel_loop3A_848 = arith.subf %parallel_loop3A_846, %parallel_loop3A_847 : vector<16xf32>
        %parallel_loop3A_849 = arith.addf %parallel_loop3A_845, %parallel_loop3A_848 : vector<16xf32>
        %parallel_loop3A_850 = arith.mulf %parallel_loop3A_820, %parallel_loop3A_826 : vector<16xf32>
        %parallel_loop3A_851 = arith.mulf %parallel_loop3A_814, %parallel_loop3A_832 : vector<16xf32>
        %parallel_loop3A_852 = arith.subf %parallel_loop3A_850, %parallel_loop3A_851 : vector<16xf32>
        %parallel_loop3A_853 = arith.mulf %parallel_loop3A_817, %parallel_loop3A_835 : vector<16xf32>
        %parallel_loop3A_854 = arith.mulf %parallel_loop3A_823, %parallel_loop3A_829 : vector<16xf32>
        %parallel_loop3A_855 = arith.subf %parallel_loop3A_853, %parallel_loop3A_854 : vector<16xf32>
        %parallel_loop3A_856 = arith.addf %parallel_loop3A_852, %parallel_loop3A_855 : vector<16xf32>
        %parallel_loop3A_857 = arith.mulf %parallel_loop3A_823, %parallel_loop3A_826 : vector<16xf32>
        %parallel_loop3A_858 = arith.mulf %parallel_loop3A_814, %parallel_loop3A_835 : vector<16xf32>
        %parallel_loop3A_859 = arith.subf %parallel_loop3A_857, %parallel_loop3A_858 : vector<16xf32>
        %parallel_loop3A_860 = arith.mulf %parallel_loop3A_820, %parallel_loop3A_829 : vector<16xf32>
        %parallel_loop3A_861 = arith.mulf %parallel_loop3A_817, %parallel_loop3A_832 : vector<16xf32>
        %parallel_loop3A_862 = arith.subf %parallel_loop3A_860, %parallel_loop3A_861 : vector<16xf32>
        %parallel_loop3A_863 = arith.addf %parallel_loop3A_859, %parallel_loop3A_862 : vector<16xf32>
        %parallel_loop3A_864 = arith.constant 28 : i32
        %parallel_loop3A_865 = vector.broadcast %parallel_loop3A_864 : i32 to vector<16xi32>
        tpu.vector_store_idx %arg18[%parallel_loop3A_391, %parallel_loop3A_865], %parallel_loop3A_842 : memref<512x32xf32, #tpu.memory_space<vmem>>[vector<16xi32>, vector<16xi32>], vector<16xf32>,
        %parallel_loop3A_866 = arith.constant 29 : i32
        %parallel_loop3A_867 = vector.broadcast %parallel_loop3A_866 : i32 to vector<16xi32>
        tpu.vector_store_idx %arg18[%parallel_loop3A_391, %parallel_loop3A_867], %parallel_loop3A_849 : memref<512x32xf32, #tpu.memory_space<vmem>>[vector<16xi32>, vector<16xi32>], vector<16xf32>,
        %parallel_loop3A_868 = arith.constant 30 : i32
        %parallel_loop3A_869 = vector.broadcast %parallel_loop3A_868 : i32 to vector<16xi32>
        tpu.vector_store_idx %arg18[%parallel_loop3A_391, %parallel_loop3A_869], %parallel_loop3A_856 : memref<512x32xf32, #tpu.memory_space<vmem>>[vector<16xi32>, vector<16xi32>], vector<16xf32>,
        %parallel_loop3A_870 = arith.constant 31 : i32
        %parallel_loop3A_871 = vector.broadcast %parallel_loop3A_870 : i32 to vector<16xi32>
        tpu.vector_store_idx %arg18[%parallel_loop3A_391, %parallel_loop3A_871], %parallel_loop3A_863 : memref<512x32xf32, #tpu.memory_space<vmem>>[vector<16xi32>, vector<16xi32>], vector<16xf32>,
      } {sc.loop_unroll_factor = 1 : i64, sc.parallel_access}
      %dma_start3A_337 = arith.constant 0 : i32
      %dma_start3A_338 = arith.constant 0 : i32
      %dma_start3A_339 = tpu.memref_slice %arg18[%dma_start3A_337, %dma_start3A_338] : memref<512x32xf32, #tpu.memory_space<vmem>> -> memref<500x32xf32, #tpu.memory_space<vmem>>
      %dma_start3A_340 = arith.constant 0 : i32
      %dma_start3A_341 = tpu.memref_slice %arg5[%add3A_53, %dma_start3A_340] : memref<800000x32xf32, #tpu.memory_space<hbm>> -> memref<500x32xf32, #tpu.memory_space<hbm>>
      %dma_start3A_342 = arith.constant 0 : i32
      %dma_start3A_343 = tpu.memref_slice %arg5[%add3A_53, %dma_start3A_342] : memref<800000x32xf32, #tpu.memory_space<hbm>> -> memref<500x32xf32, #tpu.memory_space<hbm>>
      %dma_start3A_344 = arith.constant 0 : i32
      %dma_start3A_345 = arith.constant 0 : i32
      %dma_start3A_346 = tpu.memref_slice %arg18[%dma_start3A_344, %dma_start3A_345] : memref<512x32xf32, #tpu.memory_space<vmem>> -> memref<500x32xf32, #tpu.memory_space<vmem>>
      tpu.enqueue_dma source(%dma_start3A_346 : memref<500x32xf32, #tpu.memory_space<vmem>>) target(%dma_start3A_343 : memref<500x32xf32, #tpu.memory_space<hbm>>) target_semaphore(%arg23 : memref<!tpu.dma_semaphore, #tpu.memory_space<semaphore_mem>>)
      %mul3A_347 = arith.constant 8 : i32
      %mul3A_348 = arith.muli %add3A_53, %mul3A_347 : i32
      %dma_start3A_349 = arith.constant 0 : i32
      %dma_start3A_350 = tpu.memref_slice %arg19[%dma_start3A_349] : memref<4000xf32, #tpu.memory_space<vmem>> -> memref<4000xf32, #tpu.memory_space<vmem>>
      %dma_start3A_351 = tpu.memref_slice %arg6[%mul3A_348] : memref<6400000xf32, #tpu.memory_space<hbm>> -> memref<4000xf32, #tpu.memory_space<hbm>>
      %dma_start3A_352 = tpu.memref_slice %arg6[%mul3A_348] : memref<6400000xf32, #tpu.memory_space<hbm>> -> memref<4000xf32, #tpu.memory_space<hbm>>
      %dma_start3A_353 = arith.constant 0 : i32
      %dma_start3A_354 = tpu.memref_slice %arg19[%dma_start3A_353] : memref<4000xf32, #tpu.memory_space<vmem>> -> memref<4000xf32, #tpu.memory_space<vmem>>
      tpu.enqueue_dma source(%dma_start3A_354 : memref<4000xf32, #tpu.memory_space<vmem>>) target(%dma_start3A_352 : memref<4000xf32, #tpu.memory_space<hbm>>) target_semaphore(%arg23 : memref<!tpu.dma_semaphore, #tpu.memory_space<semaphore_mem>>)
      %dma_wait3A_355 = arith.constant 0 : i32
      %dma_wait3A_356 = arith.constant 0 : i32
      %dma_wait3A_357 = tpu.memref_slice %arg17[%dma_wait3A_355, %dma_wait3A_356] : memref<512x32xf32, #tpu.memory_space<vmem>> -> memref<500x32xf32, #tpu.memory_space<vmem>>
      %dma_wait3A_358 = arith.constant 0 : i32
      %dma_wait3A_359 = tpu.memref_slice %arg5[%add3A_51, %dma_wait3A_358] : memref<800000x32xf32, #tpu.memory_space<hbm>> -> memref<500x32xf32, #tpu.memory_space<hbm>>
      %dma_wait3A_360 = arith.constant 0 : i32
      %dma_wait3A_361 = tpu.memref_slice %arg5[%add3A_51, %dma_wait3A_360] : memref<800000x32xf32, #tpu.memory_space<hbm>> -> memref<500x32xf32, #tpu.memory_space<hbm>>
      %dma_wait3A_362 = arith.constant 0 : i32
      %dma_wait3A_363 = arith.constant 0 : i32
      %dma_wait3A_364 = tpu.memref_slice %arg17[%dma_wait3A_362, %dma_wait3A_363] : memref<512x32xf32, #tpu.memory_space<vmem>> -> memref<500x32xf32, #tpu.memory_space<vmem>>
      tpu.wait_dma2 semaphore(%arg23 : memref<!tpu.dma_semaphore, #tpu.memory_space<semaphore_mem>>) src(%dma_wait3A_364 : memref<500x32xf32, #tpu.memory_space<vmem>>) dst(%dma_wait3A_361 : memref<500x32xf32, #tpu.memory_space<hbm>>)
      %dma_wait3A_365 = arith.constant 0 : i32
      %dma_wait3A_366 = tpu.memref_slice %arg19[%dma_wait3A_365] : memref<4000xf32, #tpu.memory_space<vmem>> -> memref<4000xf32, #tpu.memory_space<vmem>>
      %dma_wait3A_367 = tpu.memref_slice %arg6[%mul3A_263] : memref<6400000xf32, #tpu.memory_space<hbm>> -> memref<4000xf32, #tpu.memory_space<hbm>>
      %dma_wait3A_368 = tpu.memref_slice %arg6[%mul3A_263] : memref<6400000xf32, #tpu.memory_space<hbm>> -> memref<4000xf32, #tpu.memory_space<hbm>>
      %dma_wait3A_369 = arith.constant 0 : i32
      %dma_wait3A_370 = tpu.memref_slice %arg19[%dma_wait3A_369] : memref<4000xf32, #tpu.memory_space<vmem>> -> memref<4000xf32, #tpu.memory_space<vmem>>
      tpu.wait_dma2 semaphore(%arg23 : memref<!tpu.dma_semaphore, #tpu.memory_space<semaphore_mem>>) src(%dma_wait3A_370 : memref<4000xf32, #tpu.memory_space<vmem>>) dst(%dma_wait3A_368 : memref<4000xf32, #tpu.memory_space<hbm>>)
      %dma_wait3A_371 = arith.constant 0 : i32
      %dma_wait3A_372 = arith.constant 0 : i32
      %dma_wait3A_373 = tpu.memref_slice %arg18[%dma_wait3A_371, %dma_wait3A_372] : memref<512x32xf32, #tpu.memory_space<vmem>> -> memref<500x32xf32, #tpu.memory_space<vmem>>
      %dma_wait3A_374 = arith.constant 0 : i32
      %dma_wait3A_375 = tpu.memref_slice %arg5[%add3A_53, %dma_wait3A_374] : memref<800000x32xf32, #tpu.memory_space<hbm>> -> memref<500x32xf32, #tpu.memory_space<hbm>>
      %dma_wait3A_376 = arith.constant 0 : i32
      %dma_wait3A_377 = tpu.memref_slice %arg5[%add3A_53, %dma_wait3A_376] : memref<800000x32xf32, #tpu.memory_space<hbm>> -> memref<500x32xf32, #tpu.memory_space<hbm>>
      %dma_wait3A_378 = arith.constant 0 : i32
      %dma_wait3A_379 = arith.constant 0 : i32
      %dma_wait3A_380 = tpu.memref_slice %arg18[%dma_wait3A_378, %dma_wait3A_379] : memref<512x32xf32, #tpu.memory_space<vmem>> -> memref<500x32xf32, #tpu.memory_space<vmem>>
      tpu.wait_dma2 semaphore(%arg23 : memref<!tpu.dma_semaphore, #tpu.memory_space<semaphore_mem>>) src(%dma_wait3A_380 : memref<500x32xf32, #tpu.memory_space<vmem>>) dst(%dma_wait3A_377 : memref<500x32xf32, #tpu.memory_space<hbm>>)
      %dma_wait3A_381 = arith.constant 0 : i32
      %dma_wait3A_382 = tpu.memref_slice %arg19[%dma_wait3A_381] : memref<4000xf32, #tpu.memory_space<vmem>> -> memref<4000xf32, #tpu.memory_space<vmem>>
      %dma_wait3A_383 = tpu.memref_slice %arg6[%mul3A_348] : memref<6400000xf32, #tpu.memory_space<hbm>> -> memref<4000xf32, #tpu.memory_space<hbm>>
      %dma_wait3A_384 = tpu.memref_slice %arg6[%mul3A_348] : memref<6400000xf32, #tpu.memory_space<hbm>> -> memref<4000xf32, #tpu.memory_space<hbm>>
      %dma_wait3A_385 = arith.constant 0 : i32
      %dma_wait3A_386 = tpu.memref_slice %arg19[%dma_wait3A_385] : memref<4000xf32, #tpu.memory_space<vmem>> -> memref<4000xf32, #tpu.memory_space<vmem>>
      tpu.wait_dma2 semaphore(%arg23 : memref<!tpu.dma_semaphore, #tpu.memory_space<semaphore_mem>>) src(%dma_wait3A_386 : memref<4000xf32, #tpu.memory_space<vmem>>) dst(%dma_wait3A_384 : memref<4000xf32, #tpu.memory_space<hbm>>)
    }
    return
  }
}

</mosaic_0001>

<sc_bundles>
// kernel: kernel.3.cloned.1.call-start
scs
__scs_entry_jumppad:
0x0: {  	(pc) =	sbr.rel $0x88, $3  }
0x1: {  	(tag) =	ssettag $0x0;
	lr =	simm.s32 $0x1  }
0x2: {  	[smem:$0x3F9E] =	sst lr;
	_ =	strace $0xD0000000  }
0x3: {  	_ = 	snop  }
0x4: {  	_ = 	snop  }
0x5: {  	_ = 	snop  }
0x6: {  	_ = 	snop  }
0x7: {  	_ = 	snop  }
__scs_overlays_trampoline_lowered:
0x8: {  	[smem:$0x3FAD] =	sst s0  }
0x9: {  	[smem:$0x3FAE] =	sst s1  }
0xa: {  	[smem:$0x3FAF] =	sst s2  }
0xb: {  	[smem:$0x3FB0] =	sst s3  }
0xc: {  	[smem:$0x3FB1] =	sst s4  }
0xd: {  	[smem:$0x3FB2] =	sst s5  }
0xe: {  	[smem:$0x3FB3] =	sst s6  }
0xf: {  	[smem:$0x3FB4] =	sst s7  }
0x10: {  	[smem:$0x3FB5] =	sst s8  }
0x11: {  	[smem:$0x3FB6] =	sst s9;
	s0 =	simm.s32 @!p0 $0x0  }
0x12: {  	s1 =	sld [smem:$0x3F9C];
	s0 =	simm.s32 @p0 $0x1  }
0x13: {  	[smem:$0x3FB7] =	sst s0;
	s0 =	simm.s32 @!p1 $0x0  }
0x14: {  	s2 =	sld [smem:$0x3F9B];
	s0 =	simm.s32 @p1 $0x1  }
0x15: {  	[smem:$0x3FB8] =	sst s0;
	s0 =	simm.s32 @!p2 $0x0  }
0x16: {  	s3 =	sld [smem:$0x3FDB];
	s0 =	simm.s32 @p2 $0x1  }
0x17: {  	s4 =	simm.s32 $0x1BF5;
	[smem:$0x3FBA] =	sst s0  }
0x18: {  	s0 =	sld [smem:$0x3F9D];
	_ =	swait.ge [sflag:s4], $0x0  }
0x19: {  	s7 =	sld [smem:$0x3F9E]  }
0x1a: {  	s8 =	sadd.s32 $0xFFFFE003, lr  }
0x1b: {  	s9 =	sadd.s32 $0xFFFFFEF7, lr;
	s5 =	simm.s32 $0xFFFFFFFF;
	p2 =	slt.u32 s8, $0xFFFFF086  }
0x1c: {  	p1 =	slt.u32 s9, $0xF7A;
	s5 =	simm.s32 @!p2 $0x0  }
0x1d: {  	s5 =	simm.s32 @p1 $0x1;
	p0 =	seq.s32 s7, s2  }
0x1e: {  	s7 =	smul.u32 @!p0 $0xF7A, s2;
	p2 =	seq.s32 @!p0 s5, $0x0  }
0x1f: {  	s9 =	smul.u32 $0xF7A, s1;
	s8 =	simm.s32 @!p0 $0x1BF5;
	p2 =	por !p2, p0  }
0x20: {  	[sflag:s8] =	ssyncset.s32 @!p0 $0xFFFFF086;
	s6 =	sadd.s32 @!p0 s3, s7;
	s7 =	simm.s32 @!p0 $0x108  }
0x21: {  	s3 =	sadd.s32 s3, s9;
	s6 =	sadd.s32 @!p0 $0x88, s6;
	s7 =	simm.s32 @p2 $0x1082  }
0x22: {  	[simem:s7], [sflag:s8] =	dma.local @!p0 [hbm:s6], $0xF7A  }
0x23: {  	s9 =	sor.u32 $0xD0000000, s2;
	s6 =	simm.s32 $0x108;
	_ =	swait.ge @!p0 [sflag:s8], $0x0  }
0x24: {  	s3 =	sadd.s32 $0x88, s3;
	s6 =	simm.s32 @!p1 $0x1082;
	[sflag:s4] =	ssyncset.s32 $0xFFFFF086  }
0x25: {  	[simem:s6], [sflag:s4] =	dma.local [hbm:s3], $0xF7A  }
0x26: {  	[smem:$0x3F9E] =	sst s1;
	(tag) =	ssettag s2;
	_ =	strace s9  }
0x27: {  	s1 =	sld [smem:$0x3FAE]  }
0x28: {  	s2 =	sld [smem:$0x3FAF]  }
0x29: {  	s4 =	sld [smem:$0x3FB1]  }
0x2a: {  	p0 =	seq.s32 s5, $0x0;
	s5 =	sld [smem:$0x3FB2]  }
0x2b: {  	s6 =	sld [smem:$0x3FB3]  }
0x2c: {  	s7 =	sld [smem:$0x3FB4]  }
0x2d: {  	s3 =	simm.s32 $0x108;
	s8 =	sld [smem:$0x3FB5]  }
0x2e: {  	s3 =	simm.s32 @!p0 $0x1082;
	s9 =	sld [smem:$0x3FB6]  }
0x2f: {  	lr =	sadd.s32 s0, s3;
	s0 =	sld [smem:$0x3FAD]  }
0x30: {  	s3 =	sld [smem:$0x3FB0]  }
0x31: {  	[smem:$0x3FB9] =	sst s10  }
0x32: {  	s10 =	sld [smem:$0x3FB7];
	_ =	sdelay $0x3  }
0x33: {  	p0 =	seq.s32 s10, $0x1;
	s10 =	sld [smem:$0x3FB9];
	_ =	sdelay $0x3  }
0x34: {  	[smem:$0x3FB9] =	sst s10  }
0x35: {  	s10 =	sld [smem:$0x3FB8];
	_ =	sdelay $0x3  }
0x36: {  	p1 =	seq.s32 s10, $0x1;
	s10 =	sld [smem:$0x3FB9];
	_ =	sdelay $0x3  }
0x37: {  	[smem:$0x3FB9] =	sst s10  }
0x38: {  	s10 =	sld [smem:$0x3FBA]  }
0x39: {  	_ = 	snop;
	(pc) =	sbr.ind lr, $3  }
0x3a: {  	_ = 	snop  }
0x3b: {  	_ = 	snop  }
0x3c: {  	p2 =	seq.s32 s10, $0x1;
	s10 =	sld [smem:$0x3FB9]  }
0x3d: {  	_ =	shalt  }
0x3e: {  	_ =	shalt  }
0x3f: {  	_ =	shalt  }
0x40: {  	_ =	shalt  }
0x41: {  	_ =	shalt  }
0x42: {  	_ =	shalt  }
0x43: {  	_ =	shalt  }
0x44: {  	_ =	shalt  }
0x45: {  	_ =	shalt  }
0x46: {  	_ =	shalt  }
0x47: {  	_ =	shalt  }
0x48: {  	_ =	shalt  }
0x49: {  	_ =	shalt  }
0x4a: {  	_ =	shalt  }
0x4b: {  	_ =	shalt  }
0x4c: {  	_ =	shalt  }
0x4d: {  	_ =	shalt  }
0x4e: {  	_ =	shalt  }
0x4f: {  	_ =	shalt  }
0x50: {  	_ =	shalt  }
0x51: {  	_ =	shalt  }
0x52: {  	_ =	shalt  }
0x53: {  	_ =	shalt  }
0x54: {  	_ =	shalt  }
0x55: {  	_ =	shalt  }
0x56: {  	_ =	shalt  }
0x57: {  	_ =	shalt  }
0x58: {  	_ =	shalt  }
0x59: {  	_ =	shalt  }
0x5a: {  	_ =	shalt  }
0x5b: {  	_ =	shalt  }
0x5c: {  	_ =	shalt  }
0x5d: {  	_ =	shalt  }
0x5e: {  	_ =	shalt  }
0x5f: {  	_ =	shalt  }
0x60: {  	_ =	shalt  }
0x61: {  	_ =	shalt  }
0x62: {  	_ =	shalt  }
0x63: {  	_ =	shalt  }
0x64: {  	_ =	shalt  }
0x65: {  	_ =	shalt  }
0x66: {  	_ =	shalt  }
0x67: {  	_ =	shalt  }
0x68: {  	_ =	shalt  }
0x69: {  	_ =	shalt  }
0x6a: {  	_ =	shalt  }
0x6b: {  	_ =	shalt  }
0x6c: {  	_ =	shalt  }
0x6d: {  	_ =	shalt  }
0x6e: {  	_ =	shalt  }
0x6f: {  	_ =	shalt  }
0x70: {  	_ =	shalt  }
0x71: {  	_ =	shalt  }
0x72: {  	_ =	shalt  }
0x73: {  	_ =	shalt  }
0x74: {  	_ =	shalt  }
0x75: {  	_ =	shalt  }
0x76: {  	_ =	shalt  }
0x77: {  	_ =	shalt  }
0x78: {  	_ =	shalt  }
0x79: {  	_ =	shalt  }
0x7a: {  	_ =	shalt  }
0x7b: {  	_ =	shalt  }
0x7c: {  	_ =	shalt  }
0x7d: {  	_ =	shalt  }
0x7e: {  	_ =	shalt  }
0x7f: {  	_ =	shalt  }
0x80: {  	_ =	shalt  }
0x81: {  	_ =	shalt  }
0x82: {  	_ =	shalt  }
0x83: {  	_ =	shalt  }
0x84: {  	_ =	shalt  }
0x85: {  	_ =	shalt  }
0x86: {  	_ =	shalt  }
0x87: {  	_ =	shalt  }
.Lfunc_end0:
.L_simem_size_0:
called_computation.1_lowered:
.L_overlay_start_0:
0x88: {  	s2 =	sld [smem:$0x3FD9]  }
0x89: {  	s3 =	sld [smem:$0x3FFE];
	_ =	sdelay $0x1  }
0x8a: {  	s1 =	srdreg.scid  }
0x8b: {  	s0 =	sand.u32 $0x1, s1  }
0x8c: {  	s14 =	sshll.u32 s0, $0xA;
	s2 =	sadd.s32 s3, s2  }
0x8d: {  	s2 =	sadd.s32 s2, s14  }
0x8e: {  	[smem:$0x3FC5] =	sst s2  }
0x8f: {  	_ = 	snop  }
0x90: {  	s2 =	sld [smem:$0x3FD0];
	_ =	sdelay $0x2  }
0x91: {  	s4 =	simm.s32 $0xA;
	s5 =	simm.s32 $0x10;
	s15 =	sld [smem:$0x3FC8]  }
0x92: {  	[smem:s5], [sflag:s4] =	dma.local [hbm:s2], $0x1  }
0x93: {  	_ =	swait.eq [sflag:s4], $0x1  }
0x94: {  	[sflag:s4] =	ssyncset.done $0x0  }
0x95: {  	s16 =	sld [smem:$0x10];
	[sflag:s4] =	ssyncadd.s32 $0xFFFFFFFF  }
0x96: {  	s17 =	sld [smem:$0x11];
	(tm) =	ssettm $0x1  }
0x97: {  	s18 =	sld [smem:$0x3FFB];
	_ =	sdelay $0x3  }
0x98: {  	_ =	strace s18  }
0x99: {  	s5 =	sld [smem:$0x3FFC];
	_ =	sdelay $0x3  }
0x9a: {  	_ =	strace s5  }
0x9b: {  	s5 =	sld [smem:$0x3FFD];
	_ =	sdelay $0x3  }
0x9c: {  	_ =	strace s5  }
0x9d: {  	_ =	strace $0x8FFFFFFF  }
0x9e: {  	s19 =	sld [smem:$0x3FDB];
	_ =	sdelay $0x1  }
0x9f: {  	s6 =	simm.s32 $_scs_section_size  }
0xa0: {  	s7 =	simm.s32 $_size__tile_overlayer_lowered;
	s8 =	simm.s32 $_tile_overlayer_lowered  }
0xa1: {  	s22 =	simm.s32 $0x1BFF;
	s21 =	sshll.u32 s8, $0x1;
	s5 =	sadd.s32 s6, s19  }
0xa2: {  	s9 =	simm.s32 $0x0;
	s20 =	sshll.u32 s7, $0x1;
	s7 =	sadd.s32 s21, s5  }
0xa3: {  	[timem:s9], [sflag:s22] =	dma.local [hbm:s7], s20  }
0xa4: {  	_ =	swait.ge [sflag:s22], s20  }
0xa5: {  	s6 =	ssub.s32 $0x0, s20;
	[sflag:s22] =	ssyncset.done $0x0  }
0xa6: {  	[sflag:s22] =	ssyncadd.s32 s6;
	_ =	sdelay $0x1  }
0xa7: {  	s23 =	simm.s32 $0x1B8B  }
0xa8: {  	_ =	swait.ge [sflag:s23], $0x1  }
0xa9: {  	[sflag:s23] =	ssyncset.done $0x0  }
0xaa: {  	s25 =	simm.s32 $0x1B8E;
	s24 =	sld [smem:$0x3FFE];
	[sflag:s23] =	ssyncadd.s32 $0xFFFFFFFF  }
0xab: {  	s26 =	simm.s32 $execute0_lowered;
	[smem:$0x3FD2] =	sst s25  }
0xac: {  	s7 =	sshll.u32 s26, $0x1;
	_ =	strace $0x80000046;
	[dreg:$0x1] =	wrdreg $0xFFFFFFFF  }
0xad: {  	s28 =	simm.s32 $_size_execute0_lowered;
	s5 =	sadd.s32 s5, s7;
	[dreg:$0x0] =	wrdreg $0x0  }
0xae: {  	s7 =	sshll.u32 s28, $0x1;
	[dreg:$0x2] =	wrdreg s5  }
0xaf: {  	[dreg:$0x3] =	wrdreg s7  }
0xb0: {  	[dreg:$0x4] =	wrdreg $0xC0  }
0xb1: {  	_ =	task [dreg:s9], $0x5FFFF  }
0xb2: {  	[dreg:$0x1] =	wrdreg $0xFFFFFFFF  }
0xb3: {  	[dreg:$0x0] =	wrdreg $0x60  }
0xb4: {  	[dreg:$0x2] =	wrdreg s24  }
0xb5: {  	[dreg:$0x3] =	wrdreg s17  }
0xb6: {  	[dreg:$0x4] =	wrdreg s15  }
0xb7: {  	[dreg:$0x5] =	wrdreg s16  }
0xb8: {  	[dreg:$0x6] =	wrdreg $0x9  }
0xb9: {  	_ =	task.clear_ibuf [dreg:s9], $0x7FFFF;
	_ =	strace $0x90000046  }
0xba: {  	s29 =	simm.s32 $0x9;
	_ =	strace $0x80000048  }
0xbb: {  	_ =	swait.ge [sflag:s29], $0x1  }
0xbc: {  	[sflag:s29] =	ssyncadd.s32 $0xFFFFFFFF  }
0xbd: {  	_ =	strace $0x90000048  }
0xbe: {  	_ =	sfence  }
0xbf: {  	s30 =	sld [smem:$0x0];
	_ =	sdelay $0x2  }
0xc0: {  	s31 =	sshll.u32 s1, $0xD;
	s1 =	sshrl.u32 s1, $0x2  }
0xc1: {  	s3 =	sand.u32 $0x4000, s31;
	s1 =	sadd.s32 s1, s30  }
0xc2: {  	s0 =	sor.u32 s3, s0;
	s1 =	sshll.u32 s1, $0x11  }
0xc3: {  	s0 =	sor.u32 s1, s0  }
0xc4: {  	s0 =	sadd.s32 $0x8F2B, s0  }
0xc5: {  	[sflag:s0] =	ssyncadd.remote.s32 $0x1  }
0xc6: {  	_ =	sfence.sel $0xFFFF  }
0xc7: {  	[dreg:$0x0] =	wrdreg $0xFFFFFFFF;
	(pc) =	sbr.abs _section_cstart, $3  }
0xc8: {  	[dreg:$0x1] =	wrdreg $0xFFFFFFFF  }
0xc9: {  	_ =	task.clear_ibuf [dreg:s9], $0x2FFFF;
	_ =	strace $0x9FFFFFFF  }
0xca: {  	(tm) =	ssettm $0x7FFFFFFF  }
0xcb: {  	_ =	shalt  }
tec
execute0_lowered:
.L_overlay_start_1:
0x0: {  	(tag) =	ssettag $0x1  }
0x1: {  	vm0 =	vcmask $0x300  }
0x2: {  	v0 =	vimm.s32 $0xFD9;
	vm1 =	vcmask $0x704;
	v1 =	vimm.s32 $0xFF9  }
0x3: {  	vm2 =	vcmask $0xB08;
	vm4 =	vcmask $0xF0C;
	vm5 =	vcmask $0x1310  }
0x4: {  	vm6 =	vcmask $0x1714;
	v0 =	vsel vm0, $0xFA0, v0;
	v1 =	vsel vm0, $0xFC0, v1  }
0x5: {  	s0 =	rddreg [dreg:$0x0];
	vm7 =	vcmask $0x1B18;
	v0 =	vsel vm1, $0xFA1, v0;
	v1 =	vsel vm1, $0xFC1, v1  }
0x6: {  	s1 =	rddreg [dreg:$0x1];
	vm8 =	vcmask $0x1F1C;
	v0 =	vsel vm2, $0xFA8, v0;
	v1 =	vsel vm2, $0xFC8, v1  }
0x7: {  	s3 =	rddreg [dreg:$0x3];
	s4 =	simm.s32 $0x0;
	vm9 =	vcmask $0x2320;
	v0 =	vsel vm4, $0xFA9, v0;
	v1 =	vsel vm4, $0xFC9, v1  }
0x8: {  	s2 =	srdreg.scid;
	s7 =	stileid.u32;
	s10 =	simm.s32 $0x1000;
	vm10 =	vcmask $0x2724;
	v0 =	vsel vm5, $0xFB0, v0;
	v1 =	vsel vm5, $0xFD0, v1  }
0x9: {  	s12 =	simm.s32 $0x4;
	s13 =	simm.s32 $0x80;
	s15 =	simm.s32 $0x2800;
	vm11 =	vcmask $0x2B28;
	v0 =	vsel vm6, $0xFB1, v0;
	v1 =	vsel vm6, $0xFD1, v1  }
0xa: {  	s17 =	simm.s32 $0xA800;
	vm12 =	vcmask $0x2F2C;
	s23 =	simm.s32 $0x9800;
	s24 =	simm.s32 $0x2780;
	v0 =	vsel vm7, $0xFB8, v0;
	v1 =	vsel vm7, $0xFD8, v1  }
0xb: {  	vm13 =	vcmask $0x3330;
	s25 =	simm.s32 $0x11800;
	s28 =	simm.s32 $0x12800;
	s29 =	simm.s32 $0x1A800;
	v0 =	vsel vm8, $0xFB9, v0;
	v1 =	vsel vm8, $0xFD9, v1  }
0xc: {  	vm14 =	vcmask $0x3734;
	s30 =	simm.s32 $0x2;
	s31 =	simm.s32 $0x16800;
	s11 =	simm.s32 $0x0;
	v0 =	vsel vm9, $0xFC0, v0;
	v1 =	vsel vm9, $0xFE0, v1  }
0xd: {  	vm15 =	vcmask $0x3B38;
	[smem:$0x7FF] =	sst s4;
	s2 =	sand.u32 $0x1, s2;
	s6 =	sadd.s32 $0x1000, s0;
	v0 =	vsel vm10, $0xFC1, v0;
	v1 =	vsel vm10, $0xFE1, v1  }
.Ltmp0:
0xe: {  	v5 =	vlaneseq.u32;
	s9 =	sshll.u32 s7, $0x1;
	s5 =	ssub.s32 $0x2, s2;
	v0 =	vsel vm11, $0xFC8, v0;
	v1 =	vsel vm11, $0xFE8, v1;
	(pc) =	sbr.rel .LBB2_1-.Ltmp0, $4  }
0xf: {  	s7 =	sadd.s32 $0x31E00, s0;
	v3 =	vand.u32 $0x7, v5;
	s2 =	sor.u32 s2, s9;
	s8 =	sshrl.u32 s5, $0x1;
	v0 =	vsel vm12, $0xFC9, v0;
	v1 =	vsel vm12, $0xFE9, v1  }
0x10: {  	v4 =	vmul.u32 $0x8, v5;
	_ =	strace $0x80000047;
	s26 =	ssub.s32 s5, s8;
	s8 =	smul.u32 $0x61A8, s2;
	v0 =	vsel vm13, $0xFD0, v0;
	v1 =	vsel vm13, $0xFF0, v1  }
0x11: {  	v5 =	vmul.u32 $0x20, v5;
	s2 =	simm.s32 $0xE800;
	s5 =	simm.s32 $0x3;
	s0 =	smax.u32 s26, $0x1;
	v0 =	vsel vm14, $0xFD1, v0;
	v2 =	vsel vm14, $0xFF1, v1  }
0x12: {  	s26 =	simm.s32 $0x1;
	[dreg:$0x5] =	wrdreg s0;
	s0 =	simm.s32 $0x6800;
	v1 =	vimm.s32 $0x0;
	v0 =	vsel vm15, $0xFD8, v0;
	v2 =	vsel vm15, $0xFF8, v2  }
.LBB2_21:
0x13: {  	s11 =	rddreg [dreg:$0x6]  }
0x14: {  	s9 =	rddreg [dreg:$0x5];
	s11 =	sadd.s32 $0x1, s11  }
0x15: {  	p0 =	sne.s32 s11, s9  }
.Ltmp1:
0x16: {  	_ = 	snop;
	(pc) =	sbr.rel @!p0 .LBB2_22-.Ltmp1, $1  }
0x17: {  	_ =	sdelay $0x3  }
.LBB2_1:
0x18: {  	_ =	sdelay $0x3  }
0x19: {  	[tilespmem:v0+s4+$0x0] =	vst.idx.msk $0xffff, v1  }
0x1a: {  	[tilespmem:v0+s10+$0x0] =	vst.idx.msk $0xffff, v1  }
0x1b: {  	[dreg:$0x6] =	wrdreg s11;
	[tilespmem:v2+s4+$0x0] =	vst.idx.msk $0xffff, v1  }
0x1c: {  	s9 =	rddreg [dreg:$0x2];
	s22 =	simm.s32 $0x1B7A0;
	[tilespmem:v2+s10+$0x0] =	vst.idx.msk $0xffff, v1  }
0x1d: {  	[tilespmem:s22], [sflag:$0x4] =	stream.linear.gather [hbm4b:s9+s4], $0x8, $0x38;
	[tilespmem:$0x1B7A8] =	vst v63  }
0x1e: {  	_ =	swait.ge [sflag:s12], $0x8  }
0x1f: {  	[sflag:s12] =	ssyncset.done $0x0  }
0x20: {  	[sflag:s12] =	ssyncadd.s32 $0xFFFFFFF8  }
0x21: {  	v6 =	vld.idx.msk [tilespmem:v3+s22+$0x0], $0xffff;
	_ =	sdelay $0x3  }
0x22: {  	s11 =	simm.s32 $0x0;
	s9 =	simm.s32 $0x40  }
.LBB2_2:
0x23: {  	p0 =	sne.s32 s9, $0x3E40;
	[tilespmem:s11+$0x1A800] =	vst v6;
	s11 =	smov.u32 s9;
	s9 =	sadd.s32 $0x40, s9  }
.Ltmp2:
0x24: {  	(pc) =	sbr.rel @p0 .LBB2_2-.Ltmp2, $2  }
0x25: {  	_ =	sdelay $0x2  }
0x26: {  	s11 =	sshra.s32 s11, $0x2  }
0x27: {  	[tilespmem:s11+$0x1A800] =	vst v6;
	s11 =	simm.s32 $0x0;
	s9 =	simm.s32 $0x0  }
.LBB2_4:
0x28: {  	s14 =	smul.u32 $0x3E8, s9;
	_ =	sdelay $0x1  }
0x29: {  	s16 =	sadd.s32 s8, s14  }
0x2a: {  	s14 =	sadd.s32 s1, s16  }
0x2b: {  	[tilespmem:s11], [sflag:$0x4] =	stream.linear.gather [hbm4b:s14+s11], $0xFA0, $0x38;
	[tilespmem:$0x1B7A8] =	vst v63  }
0x2c: {  	v6 =	vmov s11;
	_ =	swait.ge [sflag:s12], $0xFA0  }
0x2d: {  	v6 =	vshll.u32 v6, $0x3;
	s14 =	sadd.s32 $0x1F4, s16;
	[sflag:s12] =	ssyncset.done $0x0  }
0x2e: {  	v6 =	vor.u32 v4, v6;
	s18 =	sadd.s32 s1, s14;
	[sflag:s12] =	ssyncadd.s32 $0xFFFFF060  }
0x2f: {  	[tilespmem:s10], [sflag:$0x4] =	stream.linear.gather [hbm4b:s18+s11], $0xFA0, $0x38;
	[tilespmem:$0x1B7A8] =	vst v63  }
0x30: {  	s19 =	simm.s32 $0x10;
	_ =	swait.ge [sflag:s12], $0xFA0  }
0x31: {  	v7 =	vmov s19;
	[sflag:s12] =	ssyncset.done $0x0  }
0x32: {  	v7 =	vshll.u32 v7, $0x3;
	[sflag:s12] =	ssyncadd.s32 $0xFFFFF060  }
0x33: {  	v7 =	vor.u32 v4, v7;
	v8 =	vld.idx.msk [tilespmem:v6+s11+$0x0], $0xffff  }
0x34: {  	v6 =	vor.u32 $0x1, v6  }
0x35: {  	s20 =	simm.s32 $0x20  }
0x36: {  	v9 =	vmov s20  }
0x37: {  	s21 =	simm.s32 $0x2000;
	v9 =	vshll.u32 v9, $0x3  }
0x38: {  	v9 =	vor.u32 v4, v9;
	v10 =	vld.idx.msk [tilespmem:v7+s11+$0x0], $0xffff;
	[tilespmem:s21+$0x0] =	vst v8  }
0x39: {  	v11 =	vld.idx.msk [tilespmem:v6+s11+$0x0], $0xffff;
	v6 =	vor.u32 $0x1, v7  }
0x3a: {  	s22 =	simm.s32 $0x30  }
0x3b: {  	v7 =	vmov s22  }
0x3c: {  	s19 =	simm.s32 $0x2010;
	v8 =	vshll.u32 v7, $0x3  }
0x3d: {  	[tilespmem:s19+$0x0] =	vst v10;
	v7 =	vld.idx.msk [tilespmem:v9+s11+$0x0], $0xffff;
	v8 =	vor.u32 v4, v8  }
0x3e: {  	v9 =	vor.u32 $0x1, v9;
	v6 =	vld.idx.msk [tilespmem:v6+s11+$0x0], $0xffff  }
0x3f: {  	s18 =	simm.s32 $0x2400  }
0x40: {  	s21 =	simm.s32 $0x40;
	s19 =	simm.s32 $0x2020;
	s22 =	simm.s32 $0x0;
	v10 =	vmov v8;
	[tilespmem:s18+$0x0] =	vst v11  }
.LBB2_5:
0x41: {  	v11 =	vmov s21;
	p0 =	sne.s32 s21, $0x1F0;
	s21 =	sadd.s32 $0x10, s21;
	s20 =	simm.s32 $0x0  }
.Ltmp3:
0x42: {  	s18 =	sadd.s32 $0x10, s18;
	v11 =	vshll.u32 v11, $0x3;
	[tilespmem:s19+$0x0] =	vst v7;
	v7 =	vld.idx.msk [tilespmem:v8+s20+$0x0], $0xffff;
	(pc) =	sbr.rel @p0 .LBB2_5-.Ltmp3, $3  }
0x43: {  	v8 =	vor.u32 v4, v11;
	[tilespmem:s18+$0x0] =	vst v6;
	v6 =	vld.idx.msk [tilespmem:v9+s22+$0x0], $0xffff;
	s22 =	smov.u32 s20  }
0x44: {  	v9 =	vor.u32 $0x1, v10;
	v10 =	vmov v8;
	_ =	sdelay $0x1  }
0x45: {  	s19 =	sadd.s32 $0x10, s19  }
0x46: {  	_ =	sdelay $0x3  }
0x47: {  	v8 =	vld.idx.msk [tilespmem:v8+s20+$0x0], $0xffff  }
0x48: {  	v10 =	vor.u32 $0x1, v10;
	_ =	sdelay $0x2  }
0x49: {  	[tilespmem:s19+$0x0] =	vst v7;
	s21 =	sadd.s32 $0x10, s19  }
0x4a: {  	v7 =	vld.idx.msk [tilespmem:v9+s22+$0x0], $0xffff;
	[tilespmem:s21+$0x0] =	vst v8  }
0x4b: {  	p3 =	por $0x1, $0x1;
	v8 =	vld.idx.msk [tilespmem:v10+s20+$0x0], $0xffff  }
.Ltmp4:
0x4c: {  	_ = 	snop;
	(pc) =	sbr.rel @!p3 .LBB2_7-.Ltmp4, $4  }
0x4d: {  	s18 =	sadd.s32 $0x10, s18  }
0x4e: {  	s19 =	simm.s32 $0x2200;
	[tilespmem:s18+$0x0] =	vst v6;
	v6 =	vmov s20;
	s21 =	sadd.s32 $0x10, s18  }
0x4f: {  	p0 =	por $0x0, $0x0;
	p1 =	por $0x0, $0x0;
	v6 =	vshll.u32 v6, $0x3;
	s22 =	sadd.s32 $0x10, s21;
	[tilespmem:s21+$0x0] =	vst v7  }
0x50: {  	p2 =	por $0x0, $0x0;
	s18 =	simm.s32 $0x2600;
	s20 =	simm.s32 $0x10;
	v10 =	vor.u32 v4, v6;
	[tilespmem:s22+$0x0] =	vst v8  }
0x51: {  	p3 =	por $0x1, $0x1  }
.Ltmp5:
0x52: {  	_ = 	snop;
	(pc) =	sbr.rel @!p3 .LBB2_9-.Ltmp5, $4  }
0x53: {  	_ = 	snop  }
0x54: {  	v6 =	vmov s20  }
0x55: {  	v6 =	vshll.u32 v6, $0x3  }
0x56: {  	s20 =	simm.s32 $0x20;
	v8 =	vld.idx.msk [tilespmem:v10+s10+$0x0], $0xffff;
	v7 =	vor.u32 $0x1, v10;
	p0 =	por $0x1, $0x1;
	v11 =	vor.u32 v4, v6  }
0x57: {  	p3 =	por $0x1, $0x1  }
.Ltmp6:
0x58: {  	_ = 	snop;
	(pc) =	sbr.rel @!p3 .LBB2_11-.Ltmp6, $4  }
0x59: {  	_ = 	snop  }
0x5a: {  	v6 =	vmov s20  }
0x5b: {  	v9 =	vshll.u32 v6, $0x3;
	[tilespmem:s19+$0x0] =	vst v8;
	v8 =	vld.idx.msk [tilespmem:v11+s10+$0x0], $0xffff  }
0x5c: {  	s20 =	simm.s32 $0x30;
	p1 =	por $0x1, $0x1;
	v10 =	vor.u32 v4, v9;
	v6 =	vld.idx.msk [tilespmem:v7+s10+$0x0], $0xffff;
	v7 =	vor.u32 $0x1, v11  }
0x5d: {  	p3 =	por $0x1, $0x1  }
.Ltmp7:
0x5e: {  	_ = 	snop;
	(pc) =	sbr.rel @!p3 .LBB2_13-.Ltmp7, $4  }
0x5f: {  	v9 =	vmov s20  }
0x60: {  	s20 =	simm.s32 $0x2210;
	v9 =	vshll.u32 v9, $0x3  }
0x61: {  	v12 =	vor.u32 v4, v9;
	[tilespmem:s20+$0x0] =	vst v8;
	v8 =	vld.idx.msk [tilespmem:v10+s10+$0x0], $0xffff  }
0x62: {  	s22 =	simm.s32 $0x40;
	p2 =	por $0x1, $0x1;
	s21 =	simm.s32 $0x2600;
	v11 =	vmov v12;
	v9 =	vld.idx.msk [tilespmem:v7+s10+$0x0], $0xffff;
	[tilespmem:s18+$0x0] =	vst v6;
	v7 =	vor.u32 $0x1, v10  }
.LBB2_14:
0x63: {  	p3 =	sne.s32 s22, $0x1F0  }
.Ltmp8:
0x64: {  	_ = 	snop;
	(pc) =	sbr.rel @p3 .LBB2_14-.Ltmp8, $4  }
0x65: {  	v10 =	vmov s22;
	s20 =	sadd.s32 $0x10, s20  }
0x66: {  	s21 =	sadd.s32 $0x10, s21;
	v10 =	vshll.u32 v10, $0x3;
	[tilespmem:s20+$0x0] =	vst v8  }
0x67: {  	v8 =	vld.idx.msk [tilespmem:v12+s10+$0x0], $0xffff;
	v12 =	vor.u32 v4, v10;
	[tilespmem:s21+$0x0] =	vst v9  }
0x68: {  	s22 =	sadd.s32 $0x10, s22;
	v9 =	vld.idx.msk [tilespmem:v7+s10+$0x0], $0xffff;
	v7 =	vor.u32 $0x1, v11;
	v11 =	vmov v12  }
0x69: {  	v10 =	vmov v12  }
.LBB2_16:
0x6a: {  	_ =	sdelay $0x3  }
0x6b: {  	v10 =	vld.idx.msk [tilespmem:v10+s10+$0x0], $0xffff  }
0x6c: {  	s20 =	sadd.s32 @p1 $0x10, s20;
	s22 =	simm.s32 $0x2200;
	v11 =	vor.u32 $0x1, v11  }
0x6d: {  	s22 =	smov.u32 @p1 s20  }
0x6e: {  	[tilespmem:s22+$0x0] =	vst @p0 v8;
	s20 =	sadd.s32 @p0 $0x10, s22  }
0x6f: {  	v7 =	vld.idx.msk @p0 [tilespmem:v7+s10+$0x0], $0xffff;
	s19 =	smov.u32 @p0 s20  }
0x70: {  	s20 =	sadd.s32 @p2 $0x10, s21;
	s21 =	simm.s32 $0x2600;
	[tilespmem:s19+$0x0] =	vst v10  }
0x71: {  	s21 =	smov.u32 @p2 s20;
	v8 =	vld.idx.msk [tilespmem:v11+s10+$0x0], $0xffff  }
0x72: {  	s20 =	simm.s32 $0x2600;
	s19 =	sadd.s32 @p1 $0x10, s21  }
0x73: {  	s20 =	smov.u32 @p1 s19  }
0x74: {  	[tilespmem:s21+$0x0] =	vst @p1 v9;
	s19 =	sadd.s32 @p0 $0x10, s20;
	v6 =	vpsel p0, v7, v6  }
0x75: {  	s18 =	smov.u32 @p0 s19;
	[tilespmem:s20+$0x0] =	vst @p0 v6  }
0x76: {  	s21 =	simm.s32 $0x2000;
	[tilespmem:s18+$0x0] =	vst v8  }
0x77: {  	[tilespmem:s15], [sflag:$0x1] =	stream.indirect.gather [hbm4b:s6+s13], $0x20, s21, s13, $0xb8;
	[tilespmem:$0x1B7A8] =	vst v63  }
0x78: {  	s22 =	simm.s32 $0x2400  }
0x79: {  	[tilespmem:s17], [sflag:$0x1] =	stream.indirect.gather [hbm4b:s6+s13], $0x20, s22, s13, $0xb8;
	[tilespmem:$0x1B7A8] =	vst v63  }
0x7a: {  	s19 =	simm.s32 $0x2080;
	s20 =	simm.s32 $0x3800  }
0x7b: {  	[tilespmem:s20], [sflag:$0x1] =	stream.indirect.gather [hbm4b:s6+s13], $0x20, s19, s13, $0xb8;
	[tilespmem:$0x1B7A8] =	vst v63  }
0x7c: {  	s21 =	simm.s32 $0x2480;
	s22 =	simm.s32 $0xB800  }
0x7d: {  	[tilespmem:s22], [sflag:$0x1] =	stream.indirect.gather [hbm4b:s6+s13], $0x20, s21, s13, $0xb8;
	[tilespmem:$0x1B7A8] =	vst v63  }
0x7e: {  	s19 =	simm.s32 $0x2100;
	s20 =	simm.s32 $0x4800  }
0x7f: {  	[tilespmem:s20], [sflag:$0x1] =	stream.indirect.gather [hbm4b:s6+s13], $0x20, s19, s13, $0xb8;
	[tilespmem:$0x1B7A8] =	vst v63  }
0x80: {  	s21 =	simm.s32 $0x2500;
	s22 =	simm.s32 $0xC800  }
0x81: {  	[tilespmem:s22], [sflag:$0x1] =	stream.indirect.gather [hbm4b:s6+s13], $0x20, s21, s13, $0xb8;
	[tilespmem:$0x1B7A8] =	vst v63  }
0x82: {  	s19 =	simm.s32 $0x2180;
	s20 =	simm.s32 $0x5800  }
0x83: {  	[tilespmem:s20], [sflag:$0x1] =	stream.indirect.gather [hbm4b:s6+s13], $0x20, s19, s13, $0xb8;
	[tilespmem:$0x1B7A8] =	vst v63  }
0x84: {  	s21 =	simm.s32 $0x2580;
	s22 =	simm.s32 $0xD800  }
0x85: {  	[tilespmem:s22], [sflag:$0x1] =	stream.indirect.gather [hbm4b:s6+s13], $0x20, s21, s13, $0xb8;
	[tilespmem:$0x1B7A8] =	vst v63  }
0x86: {  	s19 =	simm.s32 $0x2200  }
0x87: {  	[tilespmem:s0], [sflag:$0x2] =	stream.indirect.gather [hbm4b:s6+s13], $0x20, s19, s13, $0xb8;
	[tilespmem:$0x1B7A8] =	vst v63  }
0x88: {  	s20 =	simm.s32 $0x2600  }
0x89: {  	[tilespmem:s2], [sflag:$0x2] =	stream.indirect.gather [hbm4b:s6+s13], $0x20, s20, s13, $0xb8;
	[tilespmem:$0x1B7A8] =	vst v63  }
0x8a: {  	s21 =	simm.s32 $0x2280;
	s22 =	simm.s32 $0x7800  }
0x8b: {  	[tilespmem:s22], [sflag:$0x2] =	stream.indirect.gather [hbm4b:s6+s13], $0x20, s21, s13, $0xb8;
	[tilespmem:$0x1B7A8] =	vst v63  }
0x8c: {  	s19 =	simm.s32 $0x2680;
	s20 =	simm.s32 $0xF800  }
0x8d: {  	[tilespmem:s20], [sflag:$0x2] =	stream.indirect.gather [hbm4b:s6+s13], $0x20, s19, s13, $0xb8;
	[tilespmem:$0x1B7A8] =	vst v63  }
0x8e: {  	s21 =	simm.s32 $0x2300;
	s22 =	simm.s32 $0x8800  }
0x8f: {  	[tilespmem:s22], [sflag:$0x2] =	stream.indirect.gather [hbm4b:s6+s13], $0x20, s21, s13, $0xb8;
	[tilespmem:$0x1B7A8] =	vst v63  }
0x90: {  	s19 =	simm.s32 $0x2700;
	s20 =	simm.s32 $0x10800  }
0x91: {  	[tilespmem:s20], [sflag:$0x2] =	stream.indirect.gather [hbm4b:s6+s13], $0x20, s19, s13, $0xb8;
	[tilespmem:$0x1B7A8] =	vst v63  }
0x92: {  	s21 =	simm.s32 $0x2380  }
0x93: {  	[tilespmem:s23], [sflag:$0x2] =	stream.indirect.gather [hbm4b:s6+s13], $0x20, s21, s13, $0xb8;
	[tilespmem:$0x1B7A8] =	vst v63  }
0x94: {  	_ = 	snop  }
0x95: {  	[tilespmem:s25], [sflag:$0x2] =	stream.indirect.gather [hbm4b:s6+s13], $0x20, s24, s13, $0xb8;
	[tilespmem:$0x1B7A8] =	vst v63  }
0x96: {  	_ =	swait.ge [sflag:s26], $0x1000  }
0x97: {  	[sflag:s26] =	ssyncset.done $0x0  }
0x98: {  	[sflag:s26] =	ssyncadd.s32 $0xFFFFF000  }
0x99: {  	_ =	swait.ge [sflag:s26], $0x1000  }
0x9a: {  	[sflag:s26] =	ssyncset.done $0x0  }
0x9b: {  	[sflag:s26] =	ssyncadd.s32 $0xFFFFF000  }
0x9c: {  	_ =	swait.ge [sflag:s26], $0x1000  }
0x9d: {  	[sflag:s26] =	ssyncset.done $0x0  }
0x9e: {  	[sflag:s26] =	ssyncadd.s32 $0xFFFFF000  }
0x9f: {  	_ =	swait.ge [sflag:s26], $0x1000  }
0xa0: {  	[sflag:s26] =	ssyncset.done $0x0  }
0xa1: {  	[sflag:s26] =	ssyncadd.s32 $0xFFFFF000  }
0xa2: {  	_ =	swait.ge [sflag:s26], $0x1000  }
0xa3: {  	[sflag:s26] =	ssyncset.done $0x0  }
0xa4: {  	[sflag:s26] =	ssyncadd.s32 $0xFFFFF000  }
0xa5: {  	_ =	swait.ge [sflag:s26], $0x1000  }
0xa6: {  	s22 =	simm.s32 $0x0;
	[sflag:s26] =	ssyncset.done $0x0  }
0xa7: {  	v6 =	vmov s22;
	[sflag:s26] =	ssyncadd.s32 $0xFFFFF000  }
0xa8: {  	v6 =	vshll.u32 v6, $0x5;
	_ =	swait.ge [sflag:s26], $0x1000  }
0xa9: {  	v6 =	vor.u32 v5, v6;
	[sflag:s26] =	ssyncset.done $0x0  }
0xaa: {  	[sflag:s26] =	ssyncadd.s32 $0xFFFFF000  }
0xab: {  	v7 =	vor.u32 $0x1, v6;
	_ =	swait.ge [sflag:s26], $0x1000  }
0xac: {  	v8 =	vor.u32 $0x2, v6;
	[sflag:s26] =	ssyncset.done $0x0  }
0xad: {  	v9 =	vor.u32 $0x3, v6;
	[sflag:s26] =	ssyncadd.s32 $0xFFFFF000  }
0xae: {  	v10 =	vld.idx.msk [tilespmem:v6+s15+$0x0], $0xffff  }
0xaf: {  	v11 =	vld.idx.msk [tilespmem:v6+s17+$0x0], $0xffff  }
0xb0: {  	v12 =	vld.idx.msk [tilespmem:v7+s15+$0x0], $0xffff  }
0xb1: {  	v13 =	vld.idx.msk [tilespmem:v8+s15+$0x0], $0xffff  }
0xb2: {  	v14 =	vld.idx.msk [tilespmem:v9+s15+$0x0], $0xffff  }
0xb3: {  	v15 =	vld.idx.msk [tilespmem:v7+s17+$0x0], $0xffff  }
0xb4: {  	v16 =	vld.idx.msk [tilespmem:v8+s17+$0x0], $0xffff  }
0xb5: {  	v17 =	vld.idx.msk [tilespmem:v9+s17+$0x0], $0xffff;
	_ =	sdelay $0x2  }
0xb6: {  	v18 =	vmul.f32 v11, v10  }
0xb7: {  	v19 =	vmul.f32 v15, v12;
	v20 =	vmul.f32 v16, v13  }
0xb8: {  	v21 =	vmul.f32 v17, v14;
	v22 =	vmul.f32 v11, v12  }
0xb9: {  	v23 =	vmul.f32 v15, v10;
	v24 =	vmul.f32 v16, v14  }
0xba: {  	v25 =	vmul.f32 v17, v13;
	v26 =	vmul.f32 v11, v13  }
0xbb: {  	v27 =	vmul.f32 v16, v10;
	v28 =	vmul.f32 v17, v12  }
0xbc: {  	v29 =	vmul.f32 v15, v14;
	v11 =	vmul.f32 v11, v14  }
0xbd: {  	v10 =	vmul.f32 v17, v10;
	v14 =	vadd.f32 v19, v18;
	v42 =	vadd.f32 v21, v20  }
0xbe: {  	v13 =	vmul.f32 v15, v13;
	v17 =	vsub.f32 v22, v23;
	v43 =	vsub.f32 v24, v25  }
0xbf: {  	v12 =	vmul.f32 v16, v12;
	v15 =	vsub.f32 v26, v27;
	v44 =	vsub.f32 v28, v29  }
0xc0: {  	v10 =	vsub.f32 v11, v10;
	v14 =	vadd.f32 v42, v14  }
0xc1: {  	v12 =	vsub.f32 v13, v12;
	v13 =	vor.u32 $0x4, v6;
	v11 =	vadd.f32 v43, v17  }
0xc2: {  	v15 =	vadd.f32 v44, v15;
	[tilespmem:v6+s28+$0x0] =	vst.idx.msk $0xffff, v14  }
0xc3: {  	v10 =	vadd.f32 v10, v12;
	v14 =	vor.u32 $0x5, v6;
	[tilespmem:v7+s28+$0x0] =	vst.idx.msk $0xffff, v11  }
0xc4: {  	[tilespmem:v8+s28+$0x0] =	vst.idx.msk $0xffff, v15  }
0xc5: {  	v7 =	vor.u32 $0x6, v6;
	[tilespmem:v9+s28+$0x0] =	vst.idx.msk $0xffff, v10  }
0xc6: {  	v9 =	vld.idx.msk [tilespmem:v13+s15+$0x0], $0xffff  }
0xc7: {  	v8 =	vor.u32 $0x7, v6;
	v15 =	vld.idx.msk [tilespmem:v13+s17+$0x0], $0xffff  }
0xc8: {  	v10 =	vld.idx.msk [tilespmem:v14+s15+$0x0], $0xffff  }
0xc9: {  	v16 =	vld.idx.msk [tilespmem:v14+s17+$0x0], $0xffff  }
0xca: {  	v11 =	vld.idx.msk [tilespmem:v7+s15+$0x0], $0xffff  }
0xcb: {  	v17 =	vld.idx.msk [tilespmem:v7+s17+$0x0], $0xffff  }
0xcc: {  	v12 =	vld.idx.msk [tilespmem:v8+s15+$0x0], $0xffff  }
0xcd: {  	v45 =	vld.idx.msk [tilespmem:v8+s17+$0x0], $0xffff;
	_ =	sdelay $0x1  }
0xce: {  	v46 =	vmul.f32 v15, v9;
	v47 =	vmul.f32 v16, v10  }
0xcf: {  	v50 =	vmul.f32 v15, v10;
	v51 =	vmul.f32 v16, v9  }
0xd0: {  	v48 =	vmul.f32 v17, v11;
	v54 =	vmul.f32 v15, v11  }
0xd1: {  	v55 =	vmul.f32 v17, v9;
	v49 =	vmul.f32 v45, v12  }
0xd2: {  	v52 =	vmul.f32 v17, v12;
	v53 =	vmul.f32 v45, v11  }
0xd3: {  	v56 =	vmul.f32 v45, v10;
	v30 =	vmul.f32 v16, v12  }
0xd4: {  	v12 =	vmul.f32 v15, v12;
	v15 =	vadd.f32 v47, v46;
	v9 =	vmul.f32 v45, v9  }
0xd5: {  	v58 =	vsub.f32 v50, v51;
	v11 =	vmul.f32 v16, v11;
	v16 =	vsub.f32 v54, v55  }
0xd6: {  	v10 =	vmul.f32 v17, v10;
	v57 =	vadd.f32 v49, v48;
	v59 =	vsub.f32 v52, v53  }
0xd7: {  	v60 =	vsub.f32 v56, v30;
	v9 =	vsub.f32 v12, v9  }
0xd8: {  	v10 =	vsub.f32 v11, v10;
	v15 =	vadd.f32 v57, v15  }
0xd9: {  	v11 =	vor.u32 $0x8, v6;
	v12 =	vadd.f32 v59, v58  }
0xda: {  	v16 =	vadd.f32 v60, v16;
	v9 =	vadd.f32 v9, v10;
	v10 =	vor.u32 $0xA, v6;
	[tilespmem:v13+s28+$0x0] =	vst.idx.msk $0xffff, v15  }
0xdb: {  	[tilespmem:v14+s28+$0x0] =	vst.idx.msk $0xffff, v12  }
0xdc: {  	[tilespmem:v7+s28+$0x0] =	vst.idx.msk $0xffff, v16  }
0xdd: {  	v13 =	vor.u32 $0x9, v6;
	[tilespmem:v8+s28+$0x0] =	vst.idx.msk $0xffff, v9  }
0xde: {  	v7 =	vld.idx.msk [tilespmem:v11+s15+$0x0], $0xffff  }
0xdf: {  	v12 =	vor.u32 $0xB, v6;
	v9 =	vld.idx.msk [tilespmem:v10+s15+$0x0], $0xffff  }
0xe0: {  	v15 =	vld.idx.msk [tilespmem:v11+s17+$0x0], $0xffff  }
0xe1: {  	v17 =	vld.idx.msk [tilespmem:v10+s17+$0x0], $0xffff  }
0xe2: {  	v8 =	vld.idx.msk [tilespmem:v13+s15+$0x0], $0xffff  }
0xe3: {  	v16 =	vld.idx.msk [tilespmem:v13+s17+$0x0], $0xffff  }
0xe4: {  	v14 =	vld.idx.msk [tilespmem:v12+s15+$0x0], $0xffff  }
0xe5: {  	v61 =	vld.idx.msk [tilespmem:v12+s17+$0x0], $0xffff  }
0xe6: {  	v62 =	vmul.f32 v15, v7  }
0xe7: {  	v33 =	vmul.f32 v17, v9;
	v39 =	vmul.f32 v15, v9  }
0xe8: {  	v40 =	vmul.f32 v17, v7;
	v63 =	vmul.f32 v16, v8  }
0xe9: {  	v35 =	vmul.f32 v15, v8;
	v36 =	vmul.f32 v16, v7  }
0xea: {  	v34 =	vmul.f32 v61, v14;
	v37 =	vmul.f32 v17, v14  }
0xeb: {  	v38 =	vmul.f32 v61, v9;
	v41 =	vmul.f32 v61, v8  }
0xec: {  	v42 =	vmul.f32 v16, v14;
	v14 =	vmul.f32 v15, v14  }
0xed: {  	v9 =	vmul.f32 v16, v9;
	v16 =	vsub.f32 v39, v40;
	v15 =	vadd.f32 v63, v62  }
0xee: {  	v7 =	vmul.f32 v61, v7;
	v44 =	vsub.f32 v35, v36;
	v43 =	vadd.f32 v34, v33  }
0xef: {  	v8 =	vmul.f32 v17, v8;
	v45 =	vsub.f32 v37, v38;
	v46 =	vsub.f32 v41, v42  }
0xf0: {  	v14 =	vsub.f32 v14, v7;
	v15 =	vadd.f32 v43, v15  }
0xf1: {  	v47 =	vor.u32 $0xC, v6;
	v8 =	vsub.f32 v9, v8;
	v17 =	vadd.f32 v45, v44  }
0xf2: {  	v7 =	vor.u32 $0xD, v6;
	v9 =	vadd.f32 v46, v16;
	[tilespmem:v11+s28+$0x0] =	vst.idx.msk $0xffff, v15  }
0xf3: {  	v11 =	vadd.f32 v14, v8;
	[tilespmem:v13+s28+$0x0] =	vst.idx.msk $0xffff, v17  }
0xf4: {  	[tilespmem:v10+s28+$0x0] =	vst.idx.msk $0xffff, v9  }
0xf5: {  	v8 =	vor.u32 $0xE, v6;
	[tilespmem:v12+s28+$0x0] =	vst.idx.msk $0xffff, v11  }
0xf6: {  	v10 =	vld.idx.msk [tilespmem:v47+s15+$0x0], $0xffff  }
0xf7: {  	v9 =	vor.u32 $0xF, v6;
	v11 =	vld.idx.msk [tilespmem:v7+s15+$0x0], $0xffff  }
0xf8: {  	v14 =	vld.idx.msk [tilespmem:v47+s17+$0x0], $0xffff  }
0xf9: {  	v15 =	vld.idx.msk [tilespmem:v7+s17+$0x0], $0xffff  }
0xfa: {  	v12 =	vld.idx.msk [tilespmem:v8+s15+$0x0], $0xffff  }
0xfb: {  	v16 =	vld.idx.msk [tilespmem:v8+s17+$0x0], $0xffff  }
0xfc: {  	v13 =	vld.idx.msk [tilespmem:v9+s15+$0x0], $0xffff  }
0xfd: {  	v17 =	vld.idx.msk [tilespmem:v9+s17+$0x0], $0xffff  }
0xfe: {  	v48 =	vmul.f32 v14, v10  }
0xff: {  	v49 =	vmul.f32 v15, v11;
	v52 =	vmul.f32 v14, v11  }
0x100: {  	v53 =	vmul.f32 v15, v10;
	v50 =	vmul.f32 v16, v12  }
0x101: {  	v56 =	vmul.f32 v14, v12;
	v57 =	vmul.f32 v16, v10  }
0x102: {  	v51 =	vmul.f32 v17, v13;
	v54 =	vmul.f32 v16, v13  }
0x103: {  	v55 =	vmul.f32 v17, v12;
	v58 =	vmul.f32 v17, v11  }
0x104: {  	v59 =	vmul.f32 v15, v13;
	v13 =	vmul.f32 v14, v13  }
0x105: {  	v14 =	vadd.f32 v49, v48;
	v10 =	vmul.f32 v17, v10;
	v17 =	vsub.f32 v52, v53  }
0x106: {  	v15 =	vmul.f32 v15, v12;
	v62 =	vsub.f32 v56, v57;
	v60 =	vadd.f32 v51, v50  }
0x107: {  	v11 =	vmul.f32 v16, v11;
	v61 =	vsub.f32 v54, v55;
	v63 =	vsub.f32 v58, v59  }
0x108: {  	v12 =	vsub.f32 v13, v10;
	v16 =	vadd.f32 v60, v14  }
0x109: {  	v15 =	vsub.f32 v15, v11;
	v11 =	vor.u32 $0x10, v6;
	v13 =	vadd.f32 v61, v17  }
0x10a: {  	s18 =	simm.s32 $0x10;
	v10 =	vor.u32 $0x11, v6;
	v14 =	vadd.f32 v63, v62;
	[tilespmem:v47+s28+$0x0] =	vst.idx.msk $0xffff, v16  }
.LBB2_17:
0x10b: {  	p0 =	sne.s32 s18, $0x1F0;
	v12 =	vadd.f32 v12, v15;
	[tilespmem:v7+s28+$0x0] =	vst.idx.msk $0xffff, v13;
	v13 =	vor.u32 $0x12, v6  }
0x10c: {  	[tilespmem:v8+s28+$0x0] =	vst.idx.msk $0xffff, v14;
	v8 =	vor.u32 $0x13, v6  }
0x10d: {  	[tilespmem:v9+s28+$0x0] =	vst.idx.msk $0xffff, v12  }
0x10e: {  	v9 =	vld.idx.msk [tilespmem:v11+s15+$0x0], $0xffff  }
0x10f: {  	v12 =	vld.idx.msk [tilespmem:v10+s15+$0x0], $0xffff  }
0x110: {  	v14 =	vld.idx.msk [tilespmem:v13+s15+$0x0], $0xffff  }
0x111: {  	v15 =	vld.idx.msk [tilespmem:v8+s15+$0x0], $0xffff  }
0x112: {  	v16 =	vld.idx.msk [tilespmem:v11+s17+$0x0], $0xffff  }
0x113: {  	v7 =	vmov s18;
	v17 =	vld.idx.msk [tilespmem:v10+s17+$0x0], $0xffff  }
0x114: {  	v7 =	vshll.u32 v7, $0x5;
	v18 =	vld.idx.msk [tilespmem:v13+s17+$0x0], $0xffff  }
0x115: {  	v7 =	vor.u32 v5, v7;
	v19 =	vld.idx.msk [tilespmem:v8+s17+$0x0], $0xffff;
	_ =	sdelay $0x1  }
0x116: {  	v20 =	vor.u32 $0x1, v7  }
0x117: {  	v21 =	vor.u32 $0x2, v7  }
0x118: {  	v22 =	vor.u32 $0x3, v7;
	v23 =	vmul.f32 v16, v9  }
0x119: {  	v25 =	vmul.f32 v17, v12;
	v26 =	vmul.f32 v18, v14;
	v24 =	vld.idx.msk [tilespmem:v7+s15+$0x0], $0xffff  }
0x11a: {  	v29 =	vmul.f32 v16, v12;
	v28 =	vmul.f32 v19, v15;
	v27 =	vld.idx.msk [tilespmem:v7+s17+$0x0], $0xffff  }
0x11b: {  	v31 =	vmul.f32 v17, v9;
	v32 =	vmul.f32 v18, v15;
	v30 =	vld.idx.msk [tilespmem:v20+s15+$0x0], $0xffff  }
0x11c: {  	v35 =	vmul.f32 v16, v14;
	v34 =	vmul.f32 v19, v14;
	v33 =	vld.idx.msk [tilespmem:v21+s15+$0x0], $0xffff  }
0x11d: {  	v37 =	vmul.f32 v18, v9;
	v38 =	vmul.f32 v19, v12;
	v36 =	vld.idx.msk [tilespmem:v22+s15+$0x0], $0xffff  }
0x11e: {  	v40 =	vmul.f32 v17, v15;
	v15 =	vmul.f32 v16, v15;
	v39 =	vld.idx.msk [tilespmem:v20+s17+$0x0], $0xffff  }
0x11f: {  	v23 =	vadd.f32 v25, v23;
	v9 =	vmul.f32 v19, v9;
	v25 =	vadd.f32 v28, v26;
	v16 =	vld.idx.msk [tilespmem:v21+s17+$0x0], $0xffff  }
0x120: {  	v14 =	vmul.f32 v17, v14;
	v26 =	vsub.f32 v29, v31;
	v28 =	vsub.f32 v32, v34;
	v19 =	vld.idx.msk [tilespmem:v22+s17+$0x0], $0xffff  }
0x121: {  	v12 =	vmul.f32 v18, v12;
	v17 =	vsub.f32 v35, v37;
	v29 =	vsub.f32 v38, v40  }
0x122: {  	v9 =	vsub.f32 v15, v9;
	v15 =	vor.u32 $0x14, v6;
	v18 =	vadd.f32 v25, v23  }
0x123: {  	v12 =	vsub.f32 v14, v12;
	v25 =	vadd.f32 v28, v26;
	v23 =	vmul.f32 v27, v24  }
0x124: {  	v17 =	vadd.f32 v29, v17;
	v14 =	vmul.f32 v39, v30;
	[tilespmem:v11+s28+$0x0] =	vst.idx.msk $0xffff, v18;
	v11 =	vor.u32 $0x15, v6  }
0x125: {  	v9 =	vadd.f32 v9, v12;
	v18 =	vmul.f32 v16, v33;
	[tilespmem:v10+s28+$0x0] =	vst.idx.msk $0xffff, v25;
	v10 =	vor.u32 $0x16, v6  }
0x126: {  	v12 =	vmul.f32 v19, v36;
	v25 =	vmul.f32 v27, v30;
	[tilespmem:v13+s28+$0x0] =	vst.idx.msk $0xffff, v17;
	v13 =	vor.u32 $0x17, v6  }
0x127: {  	v26 =	vmul.f32 v16, v36;
	v17 =	vmul.f32 v39, v24;
	[tilespmem:v8+s28+$0x0] =	vst.idx.msk $0xffff, v9  }
0x128: {  	v8 =	vmul.f32 v19, v33;
	v9 =	vmul.f32 v27, v33;
	v28 =	vld.idx.msk [tilespmem:v15+s15+$0x0], $0xffff  }
0x129: {  	v29 =	vmul.f32 v16, v24;
	v31 =	vmul.f32 v19, v30;
	v32 =	vld.idx.msk [tilespmem:v11+s15+$0x0], $0xffff  }
0x12a: {  	v34 =	vmul.f32 v39, v36;
	v27 =	vmul.f32 v27, v36;
	v35 =	vld.idx.msk [tilespmem:v10+s15+$0x0], $0xffff  }
0x12b: {  	v14 =	vadd.f32 v14, v23;
	v12 =	vadd.f32 v12, v18;
	v18 =	vmul.f32 v19, v24;
	v19 =	vld.idx.msk [tilespmem:v13+s15+$0x0], $0xffff  }
0x12c: {  	v23 =	vmul.f32 v39, v33;
	v17 =	vsub.f32 v25, v17;
	v8 =	vsub.f32 v26, v8;
	v24 =	vld.idx.msk [tilespmem:v15+s17+$0x0], $0xffff  }
0x12d: {  	v16 =	vmul.f32 v16, v30;
	v25 =	vsub.f32 v31, v34;
	v9 =	vsub.f32 v9, v29;
	v26 =	vld.idx.msk [tilespmem:v11+s17+$0x0], $0xffff  }
0x12e: {  	v12 =	vadd.f32 v12, v14;
	v14 =	vsub.f32 v27, v18;
	v18 =	vld.idx.msk [tilespmem:v10+s17+$0x0], $0xffff  }
0x12f: {  	v16 =	vsub.f32 v23, v16;
	v8 =	vadd.f32 v8, v17;
	v17 =	vor.u32 $0x4, v7;
	v23 =	vld.idx.msk [tilespmem:v13+s17+$0x0], $0xffff  }
0x130: {  	v9 =	vadd.f32 v25, v9;
	[tilespmem:v7+s28+$0x0] =	vst.idx.msk $0xffff, v12;
	v12 =	vor.u32 $0x5, v7  }
0x131: {  	v14 =	vadd.f32 v14, v16;
	[tilespmem:v20+s28+$0x0] =	vst.idx.msk $0xffff, v8;
	v8 =	vor.u32 $0x6, v7  }
0x132: {  	[tilespmem:v21+s28+$0x0] =	vst.idx.msk $0xffff, v9;
	v9 =	vor.u32 $0x7, v7  }
0x133: {  	[tilespmem:v22+s28+$0x0] =	vst.idx.msk $0xffff, v14;
	v14 =	vmul.f32 v24, v28  }
0x134: {  	v20 =	vmul.f32 v26, v32;
	v21 =	vmul.f32 v18, v35;
	v16 =	vld.idx.msk [tilespmem:v17+s15+$0x0], $0xffff  }
0x135: {  	v27 =	vmul.f32 v24, v32;
	v25 =	vmul.f32 v23, v19;
	v22 =	vld.idx.msk [tilespmem:v12+s15+$0x0], $0xffff  }
0x136: {  	v30 =	vmul.f32 v26, v28;
	v31 =	vmul.f32 v18, v19;
	v29 =	vld.idx.msk [tilespmem:v8+s15+$0x0], $0xffff  }
0x137: {  	v36 =	vmul.f32 v24, v35;
	v34 =	vmul.f32 v23, v35;
	v33 =	vld.idx.msk [tilespmem:v9+s15+$0x0], $0xffff  }
0x138: {  	v38 =	vmul.f32 v18, v28;
	v39 =	vmul.f32 v23, v32;
	v37 =	vld.idx.msk [tilespmem:v17+s17+$0x0], $0xffff  }
0x139: {  	v41 =	vmul.f32 v26, v19;
	v19 =	vmul.f32 v24, v19;
	v40 =	vld.idx.msk [tilespmem:v12+s17+$0x0], $0xffff  }
0x13a: {  	v14 =	vadd.f32 v20, v14;
	v20 =	vadd.f32 v25, v21;
	v21 =	vmul.f32 v23, v28;
	v24 =	vld.idx.msk [tilespmem:v8+s17+$0x0], $0xffff  }
0x13b: {  	v26 =	vmul.f32 v26, v35;
	v25 =	vsub.f32 v27, v30;
	v27 =	vsub.f32 v31, v34;
	v23 =	vld.idx.msk [tilespmem:v9+s17+$0x0], $0xffff  }
0x13c: {  	v18 =	vmul.f32 v18, v32;
	v28 =	vsub.f32 v36, v38;
	v30 =	vsub.f32 v39, v41  }
0x13d: {  	v14 =	vadd.f32 v20, v14;
	v19 =	vsub.f32 v19, v21;
	v20 =	vor.u32 $0x18, v6  }
0x13e: {  	v18 =	vsub.f32 v26, v18;
	v25 =	vadd.f32 v27, v25;
	v21 =	vmul.f32 v37, v16  }
0x13f: {  	v27 =	vadd.f32 v30, v28;
	v26 =	vmul.f32 v40, v22;
	[tilespmem:v15+s28+$0x0] =	vst.idx.msk $0xffff, v14;
	v14 =	vor.u32 $0x19, v6  }
0x140: {  	v18 =	vadd.f32 v19, v18;
	v15 =	vmul.f32 v24, v29;
	[tilespmem:v11+s28+$0x0] =	vst.idx.msk $0xffff, v25;
	v11 =	vor.u32 $0x1A, v6  }
0x141: {  	v19 =	vmul.f32 v23, v33;
	v25 =	vmul.f32 v37, v22;
	[tilespmem:v10+s28+$0x0] =	vst.idx.msk $0xffff, v27;
	v10 =	vor.u32 $0x1B, v6  }
0x142: {  	v28 =	vmul.f32 v24, v33;
	v27 =	vmul.f32 v40, v16;
	[tilespmem:v13+s28+$0x0] =	vst.idx.msk $0xffff, v18  }
0x143: {  	v13 =	vmul.f32 v23, v29;
	v18 =	vmul.f32 v37, v29;
	v30 =	vld.idx.msk [tilespmem:v20+s15+$0x0], $0xffff  }
0x144: {  	v31 =	vmul.f32 v24, v16;
	v32 =	vmul.f32 v23, v22;
	v34 =	vld.idx.msk [tilespmem:v14+s15+$0x0], $0xffff  }
0x145: {  	v35 =	vmul.f32 v40, v33;
	v33 =	vmul.f32 v37, v33;
	v36 =	vld.idx.msk [tilespmem:v11+s15+$0x0], $0xffff  }
0x146: {  	v21 =	vadd.f32 v26, v21;
	v16 =	vmul.f32 v23, v16;
	v15 =	vadd.f32 v19, v15;
	v19 =	vld.idx.msk [tilespmem:v10+s15+$0x0], $0xffff  }
0x147: {  	v23 =	vsub.f32 v25, v27;
	v25 =	vmul.f32 v40, v29;
	v13 =	vsub.f32 v28, v13;
	v26 =	vld.idx.msk [tilespmem:v20+s17+$0x0], $0xffff  }
0x148: {  	v22 =	vmul.f32 v24, v22;
	v27 =	vsub.f32 v32, v35;
	v18 =	vsub.f32 v18, v31;
	v24 =	vld.idx.msk [tilespmem:v14+s17+$0x0], $0xffff  }
0x149: {  	v16 =	vsub.f32 v33, v16;
	v15 =	vadd.f32 v15, v21;
	v21 =	vld.idx.msk [tilespmem:v11+s17+$0x0], $0xffff  }
0x14a: {  	v22 =	vsub.f32 v25, v22;
	v13 =	vadd.f32 v13, v23;
	v23 =	vor.u32 $0x8, v7;
	v25 =	vld.idx.msk [tilespmem:v10+s17+$0x0], $0xffff  }
0x14b: {  	v18 =	vadd.f32 v27, v18;
	[tilespmem:v17+s28+$0x0] =	vst.idx.msk $0xffff, v15;
	v15 =	vor.u32 $0x9, v7  }
0x14c: {  	v16 =	vadd.f32 v16, v22;
	[tilespmem:v12+s28+$0x0] =	vst.idx.msk $0xffff, v13;
	v12 =	vor.u32 $0xA, v7  }
0x14d: {  	v13 =	vor.u32 $0xB, v7;
	[tilespmem:v8+s28+$0x0] =	vst.idx.msk $0xffff, v18  }
0x14e: {  	v8 =	vmul.f32 v26, v30;
	[tilespmem:v9+s28+$0x0] =	vst.idx.msk $0xffff, v16  }
0x14f: {  	v16 =	vmul.f32 v24, v34;
	v17 =	vmul.f32 v21, v36;
	v9 =	vld.idx.msk [tilespmem:v23+s15+$0x0], $0xffff  }
0x150: {  	v27 =	vmul.f32 v26, v34;
	v22 =	vmul.f32 v25, v19;
	v18 =	vld.idx.msk [tilespmem:v15+s15+$0x0], $0xffff  }
0x151: {  	v29 =	vmul.f32 v24, v30;
	v31 =	vmul.f32 v21, v19;
	v28 =	vld.idx.msk [tilespmem:v12+s15+$0x0], $0xffff  }
0x152: {  	v35 =	vmul.f32 v26, v36;
	v33 =	vmul.f32 v25, v36;
	v32 =	vld.idx.msk [tilespmem:v13+s15+$0x0], $0xffff  }
0x153: {  	v38 =	vmul.f32 v21, v30;
	v39 =	vmul.f32 v25, v34;
	v37 =	vld.idx.msk [tilespmem:v23+s17+$0x0], $0xffff  }
0x154: {  	v41 =	vmul.f32 v24, v19;
	v19 =	vmul.f32 v26, v19;
	v40 =	vld.idx.msk [tilespmem:v15+s17+$0x0], $0xffff  }
0x155: {  	v8 =	vadd.f32 v16, v8;
	v16 =	vadd.f32 v22, v17;
	v17 =	vmul.f32 v25, v30;
	v26 =	vld.idx.msk [tilespmem:v12+s17+$0x0], $0xffff  }
0x156: {  	v24 =	vmul.f32 v24, v36;
	v25 =	vsub.f32 v27, v29;
	v27 =	vsub.f32 v31, v33;
	v22 =	vld.idx.msk [tilespmem:v13+s17+$0x0], $0xffff  }
0x157: {  	v21 =	vmul.f32 v21, v34;
	v29 =	vsub.f32 v35, v38;
	v30 =	vsub.f32 v39, v41  }
0x158: {  	v8 =	vadd.f32 v16, v8;
	v16 =	vsub.f32 v19, v17;
	v17 =	vor.u32 $0x1C, v6  }
0x159: {  	v21 =	vsub.f32 v24, v21;
	v25 =	vadd.f32 v27, v25;
	v19 =	vmul.f32 v37, v9  }
0x15a: {  	v27 =	vadd.f32 v30, v29;
	v24 =	vmul.f32 v40, v18;
	[tilespmem:v20+s28+$0x0] =	vst.idx.msk $0xffff, v8;
	v20 =	vor.u32 $0x1D, v6  }
0x15b: {  	v16 =	vadd.f32 v16, v21;
	v8 =	vmul.f32 v26, v28;
	[tilespmem:v14+s28+$0x0] =	vst.idx.msk $0xffff, v25;
	v14 =	vor.u32 $0x1E, v6  }
0x15c: {  	v21 =	vmul.f32 v22, v32;
	v25 =	vmul.f32 v37, v18;
	[tilespmem:v11+s28+$0x0] =	vst.idx.msk $0xffff, v27;
	v11 =	vor.u32 $0x1F, v6  }
0x15d: {  	v29 =	vmul.f32 v26, v32;
	v27 =	vmul.f32 v40, v9;
	v6 =	vmov v7;
	[tilespmem:v10+s28+$0x0] =	vst.idx.msk $0xffff, v16  }
0x15e: {  	v7 =	vmul.f32 v22, v28;
	v10 =	vmul.f32 v37, v28;
	v16 =	vld.idx.msk [tilespmem:v17+s15+$0x0], $0xffff  }
0x15f: {  	v30 =	vmul.f32 v26, v9;
	v31 =	vmul.f32 v22, v18;
	v33 =	vld.idx.msk [tilespmem:v20+s15+$0x0], $0xffff  }
0x160: {  	v34 =	vmul.f32 v40, v32;
	v32 =	vmul.f32 v37, v32;
	v35 =	vld.idx.msk [tilespmem:v14+s15+$0x0], $0xffff  }
0x161: {  	v19 =	vadd.f32 v24, v19;
	v9 =	vmul.f32 v22, v9;
	v8 =	vadd.f32 v21, v8;
	v21 =	vld.idx.msk [tilespmem:v11+s15+$0x0], $0xffff  }
0x162: {  	v24 =	vmul.f32 v40, v28;
	v22 =	vsub.f32 v25, v27;
	v7 =	vsub.f32 v29, v7;
	v25 =	vld.idx.msk [tilespmem:v17+s17+$0x0], $0xffff  }
0x163: {  	v18 =	vmul.f32 v26, v18;
	v27 =	vsub.f32 v31, v34;
	v10 =	vsub.f32 v10, v30;
	v26 =	vld.idx.msk [tilespmem:v20+s17+$0x0], $0xffff  }
0x164: {  	v9 =	vsub.f32 v32, v9;
	v8 =	vadd.f32 v8, v19;
	v19 =	vld.idx.msk [tilespmem:v14+s17+$0x0], $0xffff  }
0x165: {  	v18 =	vsub.f32 v24, v18;
	v24 =	vor.u32 $0xC, v6;
	v22 =	vadd.f32 v7, v22;
	v28 =	vld.idx.msk [tilespmem:v11+s17+$0x0], $0xffff  }
0x166: {  	v7 =	vor.u32 $0xD, v6;
	v10 =	vadd.f32 v27, v10;
	[tilespmem:v23+s28+$0x0] =	vst.idx.msk $0xffff, v8  }
0x167: {  	v18 =	vadd.f32 v9, v18;
	v8 =	vor.u32 $0xE, v6;
	[tilespmem:v15+s28+$0x0] =	vst.idx.msk $0xffff, v22  }
0x168: {  	v9 =	vor.u32 $0xF, v6;
	[tilespmem:v12+s28+$0x0] =	vst.idx.msk $0xffff, v10  }
0x169: {  	v10 =	vmul.f32 v25, v16;
	[tilespmem:v13+s28+$0x0] =	vst.idx.msk $0xffff, v18  }
0x16a: {  	v13 =	vmul.f32 v26, v33;
	v15 =	vmul.f32 v19, v35;
	v12 =	vld.idx.msk [tilespmem:v24+s15+$0x0], $0xffff  }
0x16b: {  	v23 =	vmul.f32 v25, v33;
	v22 =	vmul.f32 v28, v21;
	v18 =	vld.idx.msk [tilespmem:v7+s15+$0x0], $0xffff  }
0x16c: {  	v29 =	vmul.f32 v26, v16;
	v30 =	vmul.f32 v19, v21;
	v27 =	vld.idx.msk [tilespmem:v8+s15+$0x0], $0xffff  }
0x16d: {  	v34 =	vmul.f32 v25, v35;
	v32 =	vmul.f32 v28, v35;
	v31 =	vld.idx.msk [tilespmem:v9+s15+$0x0], $0xffff  }
0x16e: {  	v37 =	vmul.f32 v19, v16;
	v38 =	vmul.f32 v28, v33;
	v36 =	vld.idx.msk [tilespmem:v24+s17+$0x0], $0xffff  }
0x16f: {  	v40 =	vmul.f32 v26, v21;
	v21 =	vmul.f32 v25, v21;
	v39 =	vld.idx.msk [tilespmem:v7+s17+$0x0], $0xffff  }
0x170: {  	v10 =	vadd.f32 v13, v10;
	v13 =	vadd.f32 v22, v15;
	v15 =	vmul.f32 v28, v16;
	v25 =	vld.idx.msk [tilespmem:v8+s17+$0x0], $0xffff  }
0x171: {  	v26 =	vmul.f32 v26, v35;
	v22 =	vsub.f32 v23, v29;
	v23 =	vsub.f32 v30, v32;
	v16 =	vld.idx.msk [tilespmem:v9+s17+$0x0], $0xffff  }
0x172: {  	v19 =	vmul.f32 v19, v33;
	v28 =	vsub.f32 v34, v37;
	v29 =	vsub.f32 v38, v40  }
0x173: {  	v10 =	vadd.f32 v13, v10;
	v13 =	vsub.f32 v21, v15  }
0x174: {  	v19 =	vsub.f32 v26, v19;
	v21 =	vadd.f32 v23, v22;
	v15 =	vmul.f32 v36, v12  }
0x175: {  	v23 =	vadd.f32 v29, v28;
	v22 =	vmul.f32 v39, v18;
	[tilespmem:v17+s28+$0x0] =	vst.idx.msk $0xffff, v10  }
0x176: {  	v13 =	vadd.f32 v13, v19;
	v10 =	vmul.f32 v25, v27;
	[tilespmem:v20+s28+$0x0] =	vst.idx.msk $0xffff, v21  }
0x177: {  	v19 =	vmul.f32 v36, v18;
	v17 =	vmul.f32 v16, v31;
	[tilespmem:v14+s28+$0x0] =	vst.idx.msk $0xffff, v23  }
0x178: {  	v20 =	vmul.f32 v25, v31;
	v14 =	vmul.f32 v39, v12;
	[tilespmem:v11+s28+$0x0] =	vst.idx.msk $0xffff, v13  }
0x179: {  	v11 =	vmul.f32 v16, v27;
	v13 =	vmul.f32 v36, v27  }
0x17a: {  	v21 =	vmul.f32 v25, v12;
	v23 =	vmul.f32 v16, v18  }
0x17b: {  	v28 =	vmul.f32 v36, v31;
	v26 =	vmul.f32 v39, v31  }
0x17c: {  	v15 =	vadd.f32 v22, v15;
	v12 =	vmul.f32 v16, v12;
	v10 =	vadd.f32 v17, v10  }
.Ltmp9:
0x17d: {  	v16 =	vmul.f32 v39, v27;
	v14 =	vsub.f32 v19, v14;
	v11 =	vsub.f32 v20, v11;
	(pc) =	sbr.rel @p0 .LBB2_17-.Ltmp9, $4  }
0x17e: {  	v18 =	vmul.f32 v25, v18;
	v19 =	vsub.f32 v23, v26;
	v17 =	vsub.f32 v13, v21  }
0x17f: {  	v12 =	vsub.f32 v28, v12;
	v10 =	vadd.f32 v10, v15  }
0x180: {  	v15 =	vsub.f32 v16, v18;
	v13 =	vadd.f32 v11, v14;
	v11 =	vor.u32 $0x10, v6  }
0x181: {  	s18 =	sadd.s32 $0x10, s18;
	v14 =	vadd.f32 v19, v17;
	[tilespmem:v24+s28+$0x0] =	vst.idx.msk $0xffff, v10;
	v10 =	vor.u32 $0x11, v6  }
0x182: {  	_ =	sdelay $0x3  }
0x183: {  	v12 =	vadd.f32 v12, v15;
	[tilespmem:v7+s28+$0x0] =	vst.idx.msk $0xffff, v13  }
0x184: {  	[tilespmem:v8+s28+$0x0] =	vst.idx.msk $0xffff, v14  }
0x185: {  	v7 =	vor.u32 $0x12, v6;
	[tilespmem:v9+s28+$0x0] =	vst.idx.msk $0xffff, v12  }
0x186: {  	v9 =	vld.idx.msk [tilespmem:v11+s15+$0x0], $0xffff  }
0x187: {  	v8 =	vor.u32 $0x13, v6;
	v12 =	vld.idx.msk [tilespmem:v10+s15+$0x0], $0xffff  }
0x188: {  	v15 =	vld.idx.msk [tilespmem:v11+s17+$0x0], $0xffff  }
0x189: {  	v16 =	vld.idx.msk [tilespmem:v10+s17+$0x0], $0xffff  }
0x18a: {  	v13 =	vld.idx.msk [tilespmem:v7+s15+$0x0], $0xffff  }
0x18b: {  	v17 =	vld.idx.msk [tilespmem:v7+s17+$0x0], $0xffff  }
0x18c: {  	v14 =	vld.idx.msk [tilespmem:v8+s15+$0x0], $0xffff  }
0x18d: {  	v18 =	vld.idx.msk [tilespmem:v8+s17+$0x0], $0xffff;
	_ =	sdelay $0x1  }
0x18e: {  	v19 =	vmul.f32 v15, v9;
	v20 =	vmul.f32 v16, v12  }
0x18f: {  	v23 =	vmul.f32 v15, v12;
	v24 =	vmul.f32 v16, v9  }
0x190: {  	v21 =	vmul.f32 v17, v13;
	v27 =	vmul.f32 v15, v13  }
0x191: {  	v28 =	vmul.f32 v17, v9;
	v22 =	vmul.f32 v18, v14  }
0x192: {  	v25 =	vmul.f32 v17, v14;
	v26 =	vmul.f32 v18, v13  }
0x193: {  	v40 =	vsub.f32 v23, v24;
	v29 =	vmul.f32 v18, v12;
	v30 =	vmul.f32 v16, v14  }
0x194: {  	v14 =	vmul.f32 v15, v14;
	v15 =	vadd.f32 v20, v19;
	v9 =	vmul.f32 v18, v9  }
0x195: {  	v13 =	vmul.f32 v16, v13;
	v16 =	vsub.f32 v27, v28;
	v39 =	vadd.f32 v22, v21  }
0x196: {  	v12 =	vmul.f32 v17, v12;
	v41 =	vsub.f32 v25, v26;
	v42 =	vsub.f32 v29, v30  }
0x197: {  	v9 =	vsub.f32 v14, v9;
	v15 =	vadd.f32 v39, v15  }
0x198: {  	v14 =	vor.u32 $0x14, v6;
	v12 =	vsub.f32 v13, v12;
	v17 =	vadd.f32 v41, v40  }
0x199: {  	v13 =	vadd.f32 v42, v16;
	[tilespmem:v11+s28+$0x0] =	vst.idx.msk $0xffff, v15  }
0x19a: {  	v9 =	vadd.f32 v9, v12;
	v11 =	vor.u32 $0x15, v6;
	[tilespmem:v10+s28+$0x0] =	vst.idx.msk $0xffff, v17  }
0x19b: {  	[tilespmem:v7+s28+$0x0] =	vst.idx.msk $0xffff, v13  }
0x19c: {  	v10 =	vor.u32 $0x16, v6;
	[tilespmem:v8+s28+$0x0] =	vst.idx.msk $0xffff, v9  }
0x19d: {  	v8 =	vld.idx.msk [tilespmem:v14+s15+$0x0], $0xffff  }
0x19e: {  	v7 =	vor.u32 $0x17, v6;
	v15 =	vld.idx.msk [tilespmem:v14+s17+$0x0], $0xffff  }
0x19f: {  	v9 =	vld.idx.msk [tilespmem:v11+s15+$0x0], $0xffff  }
0x1a0: {  	v16 =	vld.idx.msk [tilespmem:v11+s17+$0x0], $0xffff  }
0x1a1: {  	v12 =	vld.idx.msk [tilespmem:v10+s15+$0x0], $0xffff  }
0x1a2: {  	v17 =	vld.idx.msk [tilespmem:v10+s17+$0x0], $0xffff  }
0x1a3: {  	v13 =	vld.idx.msk [tilespmem:v7+s15+$0x0], $0xffff  }
0x1a4: {  	v43 =	vld.idx.msk [tilespmem:v7+s17+$0x0], $0xffff;
	_ =	sdelay $0x1  }
0x1a5: {  	v44 =	vmul.f32 v15, v8;
	v45 =	vmul.f32 v16, v9  }
0x1a6: {  	v48 =	vmul.f32 v15, v9;
	v49 =	vmul.f32 v16, v8  }
0x1a7: {  	v46 =	vmul.f32 v17, v12;
	v52 =	vmul.f32 v15, v12  }
0x1a8: {  	v53 =	vmul.f32 v17, v8;
	v47 =	vmul.f32 v43, v13  }
0x1a9: {  	v50 =	vmul.f32 v17, v13;
	v51 =	vmul.f32 v43, v12  }
0x1aa: {  	v54 =	vmul.f32 v43, v9;
	v55 =	vmul.f32 v16, v13  }
0x1ab: {  	v13 =	vmul.f32 v15, v13;
	v15 =	vadd.f32 v45, v44;
	v8 =	vmul.f32 v43, v8  }
0x1ac: {  	v57 =	vsub.f32 v48, v49;
	v12 =	vmul.f32 v16, v12;
	v16 =	vsub.f32 v52, v53  }
0x1ad: {  	v9 =	vmul.f32 v17, v9;
	v56 =	vadd.f32 v47, v46;
	v58 =	vsub.f32 v50, v51  }
0x1ae: {  	v59 =	vsub.f32 v54, v55;
	v8 =	vsub.f32 v13, v8  }
0x1af: {  	v9 =	vsub.f32 v12, v9;
	v15 =	vadd.f32 v56, v15  }
0x1b0: {  	v13 =	vor.u32 $0x18, v6;
	v17 =	vadd.f32 v58, v57  }
0x1b1: {  	v12 =	vadd.f32 v59, v16;
	v8 =	vadd.f32 v8, v9;
	v9 =	vor.u32 $0x1A, v6;
	[tilespmem:v14+s28+$0x0] =	vst.idx.msk $0xffff, v15  }
0x1b2: {  	[tilespmem:v11+s28+$0x0] =	vst.idx.msk $0xffff, v17  }
0x1b3: {  	[tilespmem:v10+s28+$0x0] =	vst.idx.msk $0xffff, v12  }
0x1b4: {  	v14 =	vor.u32 $0x19, v6;
	[tilespmem:v7+s28+$0x0] =	vst.idx.msk $0xffff, v8  }
0x1b5: {  	v7 =	vld.idx.msk [tilespmem:v13+s15+$0x0], $0xffff  }
0x1b6: {  	v10 =	vor.u32 $0x1B, v6;
	v11 =	vld.idx.msk [tilespmem:v9+s15+$0x0], $0xffff  }
0x1b7: {  	v15 =	vld.idx.msk [tilespmem:v13+s17+$0x0], $0xffff  }
0x1b8: {  	v17 =	vld.idx.msk [tilespmem:v9+s17+$0x0], $0xffff  }
0x1b9: {  	v8 =	vld.idx.msk [tilespmem:v14+s15+$0x0], $0xffff  }
0x1ba: {  	v16 =	vld.idx.msk [tilespmem:v14+s17+$0x0], $0xffff  }
0x1bb: {  	v12 =	vld.idx.msk [tilespmem:v10+s15+$0x0], $0xffff  }
0x1bc: {  	v60 =	vld.idx.msk [tilespmem:v10+s17+$0x0], $0xffff;
	_ =	sdelay $0x1  }
0x1bd: {  	v61 =	vmul.f32 v15, v7;
	v63 =	vmul.f32 v17, v11  }
0x1be: {  	v38 =	vmul.f32 v15, v11;
	v39 =	vmul.f32 v17, v7  }
0x1bf: {  	v62 =	vmul.f32 v16, v8;
	v34 =	vmul.f32 v15, v8  }
0x1c0: {  	v35 =	vmul.f32 v16, v7;
	v33 =	vmul.f32 v60, v12  }
0x1c1: {  	v36 =	vmul.f32 v17, v12;
	v37 =	vmul.f32 v60, v11  }
0x1c2: {  	v40 =	vmul.f32 v60, v8;
	v41 =	vmul.f32 v16, v12  }
0x1c3: {  	v12 =	vmul.f32 v15, v12;
	v15 =	vadd.f32 v62, v61;
	v7 =	vmul.f32 v60, v7  }
0x1c4: {  	v43 =	vsub.f32 v34, v35;
	v11 =	vmul.f32 v16, v11;
	v16 =	vsub.f32 v38, v39  }
0x1c5: {  	v8 =	vmul.f32 v17, v8;
	v42 =	vadd.f32 v33, v63;
	v44 =	vsub.f32 v36, v37  }
0x1c6: {  	v45 =	vsub.f32 v40, v41;
	v7 =	vsub.f32 v12, v7  }
0x1c7: {  	v8 =	vsub.f32 v11, v8;
	v15 =	vadd.f32 v42, v15  }
0x1c8: {  	v12 =	vor.u32 $0x1C, v6;
	v17 =	vadd.f32 v44, v43  }
0x1c9: {  	v11 =	vadd.f32 v45, v16;
	v7 =	vadd.f32 v7, v8;
	v8 =	vor.u32 $0x1E, v6;
	[tilespmem:v13+s28+$0x0] =	vst.idx.msk $0xffff, v15  }
0x1ca: {  	[tilespmem:v14+s28+$0x0] =	vst.idx.msk $0xffff, v17  }
0x1cb: {  	[tilespmem:v9+s28+$0x0] =	vst.idx.msk $0xffff, v11  }
0x1cc: {  	v13 =	vor.u32 $0x1D, v6;
	[tilespmem:v10+s28+$0x0] =	vst.idx.msk $0xffff, v7  }
0x1cd: {  	v6 =	vor.u32 $0x1F, v6;
	v7 =	vld.idx.msk [tilespmem:v12+s15+$0x0], $0xffff  }
0x1ce: {  	v10 =	vld.idx.msk [tilespmem:v8+s15+$0x0], $0xffff  }
0x1cf: {  	v14 =	vld.idx.msk [tilespmem:v12+s17+$0x0], $0xffff  }
0x1d0: {  	v16 =	vld.idx.msk [tilespmem:v8+s17+$0x0], $0xffff  }
0x1d1: {  	v9 =	vld.idx.msk [tilespmem:v13+s15+$0x0], $0xffff  }
0x1d2: {  	v11 =	vld.idx.msk [tilespmem:v6+s15+$0x0], $0xffff  }
0x1d3: {  	v15 =	vld.idx.msk [tilespmem:v13+s17+$0x0], $0xffff  }
0x1d4: {  	v17 =	vld.idx.msk [tilespmem:v6+s17+$0x0], $0xffff;
	_ =	sdelay $0x1  }
0x1d5: {  	v46 =	vmul.f32 v14, v7  }
0x1d6: {  	v48 =	vmul.f32 v16, v10;
	v54 =	vmul.f32 v14, v10  }
0x1d7: {  	v55 =	vmul.f32 v16, v7;
	v47 =	vmul.f32 v15, v9  }
0x1d8: {  	v49 =	vmul.f32 v17, v11;
	v50 =	vmul.f32 v14, v9  }
0x1d9: {  	v51 =	vmul.f32 v15, v7;
	v52 =	vmul.f32 v16, v11  }
0x1da: {  	v53 =	vmul.f32 v17, v10;
	v56 =	vmul.f32 v17, v9  }
0x1db: {  	v57 =	vmul.f32 v15, v11;
	v11 =	vmul.f32 v14, v11  }
0x1dc: {  	v10 =	vmul.f32 v15, v10;
	v15 =	vsub.f32 v54, v55;
	v14 =	vadd.f32 v47, v46  }
0x1dd: {  	v7 =	vmul.f32 v17, v7;
	v58 =	vadd.f32 v49, v48;
	v17 =	vsub.f32 v50, v51  }
0x1de: {  	v9 =	vmul.f32 v16, v9;
	v59 =	vsub.f32 v52, v53;
	v60 =	vsub.f32 v56, v57  }
0x1df: {  	v7 =	vsub.f32 v11, v7;
	v14 =	vadd.f32 v58, v14  }
0x1e0: {  	v9 =	vsub.f32 v10, v9;
	v11 =	vadd.f32 v59, v17  }
0x1e1: {  	v10 =	vadd.f32 v60, v15;
	[tilespmem:v12+s28+$0x0] =	vst.idx.msk $0xffff, v14  }
0x1e2: {  	v7 =	vadd.f32 v7, v9;
	[tilespmem:v13+s28+$0x0] =	vst.idx.msk $0xffff, v11  }
0x1e3: {  	s18 =	sshll.u32 s16, $0x2;
	[tilespmem:v8+s28+$0x0] =	vst.idx.msk $0xffff, v10  }
0x1e4: {  	s19 =	simm.s32 $0x0;
	s18 =	sadd.s32 s3, s18;
	[tilespmem:v6+s28+$0x0] =	vst.idx.msk $0xffff, v7  }
0x1e5: {  	[hbm4b:s18+s19] =	stream.linear.scatter [tilespmem:s28], [sflag:$0x3], $0x3E80, $0x38;
	[tilespmem:$0x1B7A8] =	vst v63  }
0x1e6: {  	s22 =	sadd.s32 s7, s16  }
0x1e7: {  	[hbm4b:s22+s19] =	stream.linear.scatter [tilespmem:s29], [sflag:$0x3], $0xFA0, $0x38;
	[tilespmem:$0x1B7A8] =	vst v63  }
0x1e8: {  	_ =	swait.ge [sflag:s30], $0x1000  }
0x1e9: {  	[sflag:s30] =	ssyncset.done $0x0  }
0x1ea: {  	[sflag:s30] =	ssyncadd.s32 $0xFFFFF000  }
0x1eb: {  	_ =	swait.ge [sflag:s30], $0x1000  }
0x1ec: {  	[sflag:s30] =	ssyncset.done $0x0  }
0x1ed: {  	[sflag:s30] =	ssyncadd.s32 $0xFFFFF000  }
0x1ee: {  	_ =	swait.ge [sflag:s30], $0x1000  }
0x1ef: {  	[sflag:s30] =	ssyncset.done $0x0  }
0x1f0: {  	[sflag:s30] =	ssyncadd.s32 $0xFFFFF000  }
0x1f1: {  	_ =	swait.ge [sflag:s30], $0x1000  }
0x1f2: {  	[sflag:s30] =	ssyncset.done $0x0  }
0x1f3: {  	[sflag:s30] =	ssyncadd.s32 $0xFFFFF000  }
0x1f4: {  	_ =	swait.ge [sflag:s30], $0x1000  }
0x1f5: {  	[sflag:s30] =	ssyncset.done $0x0  }
0x1f6: {  	[sflag:s30] =	ssyncadd.s32 $0xFFFFF000  }
0x1f7: {  	_ =	swait.ge [sflag:s30], $0x1000  }
0x1f8: {  	[sflag:s30] =	ssyncset.done $0x0  }
0x1f9: {  	v6 =	vmov s19;
	[sflag:s30] =	ssyncadd.s32 $0xFFFFF000  }
0x1fa: {  	v6 =	vshll.u32 v6, $0x5;
	_ =	swait.ge [sflag:s30], $0x1000  }
0x1fb: {  	v6 =	vor.u32 v5, v6;
	[sflag:s30] =	ssyncset.done $0x0  }
0x1fc: {  	[sflag:s30] =	ssyncadd.s32 $0xFFFFF000  }
0x1fd: {  	v7 =	vor.u32 $0x1, v6;
	_ =	swait.ge [sflag:s30], $0x1000  }
0x1fe: {  	v8 =	vor.u32 $0x2, v6;
	[sflag:s30] =	ssyncset.done $0x0  }
0x1ff: {  	v9 =	vor.u32 $0x3, v6;
	[sflag:s30] =	ssyncadd.s32 $0xFFFFF000  }
0x200: {  	v10 =	vld.idx.msk [tilespmem:v6+s0+$0x0], $0xffff  }
0x201: {  	v11 =	vld.idx.msk [tilespmem:v6+s2+$0x0], $0xffff  }
0x202: {  	v12 =	vld.idx.msk [tilespmem:v7+s0+$0x0], $0xffff  }
0x203: {  	v13 =	vld.idx.msk [tilespmem:v8+s0+$0x0], $0xffff  }
0x204: {  	v14 =	vld.idx.msk [tilespmem:v9+s0+$0x0], $0xffff  }
0x205: {  	v15 =	vld.idx.msk [tilespmem:v7+s2+$0x0], $0xffff  }
0x206: {  	v16 =	vld.idx.msk [tilespmem:v8+s2+$0x0], $0xffff  }
0x207: {  	v17 =	vld.idx.msk [tilespmem:v9+s2+$0x0], $0xffff;
	_ =	sdelay $0x2  }
0x208: {  	v61 =	vmul.f32 v11, v10  }
0x209: {  	v62 =	vmul.f32 v15, v12;
	v63 =	vmul.f32 v16, v13  }
0x20a: {  	v32 =	vmul.f32 v17, v14;
	v33 =	vmul.f32 v11, v12  }
0x20b: {  	v34 =	vmul.f32 v15, v10;
	v35 =	vmul.f32 v16, v14  }
0x20c: {  	v36 =	vmul.f32 v17, v13;
	v37 =	vmul.f32 v11, v13  }
0x20d: {  	v38 =	vmul.f32 v16, v10;
	v39 =	vmul.f32 v17, v12  }
0x20e: {  	v40 =	vmul.f32 v15, v14;
	v11 =	vmul.f32 v11, v14  }
0x20f: {  	v10 =	vmul.f32 v17, v10;
	v14 =	vadd.f32 v62, v61;
	v41 =	vadd.f32 v32, v63  }
0x210: {  	v13 =	vmul.f32 v15, v13;
	v17 =	vsub.f32 v33, v34;
	v42 =	vsub.f32 v35, v36  }
0x211: {  	v12 =	vmul.f32 v16, v12;
	v15 =	vsub.f32 v37, v38;
	v43 =	vsub.f32 v39, v40  }
0x212: {  	v10 =	vsub.f32 v11, v10;
	v14 =	vadd.f32 v41, v14  }
0x213: {  	v12 =	vsub.f32 v13, v12;
	v13 =	vor.u32 $0x4, v6;
	v11 =	vadd.f32 v42, v17  }
0x214: {  	v15 =	vadd.f32 v43, v15;
	[tilespmem:v6+s31+$0x0] =	vst.idx.msk $0xffff, v14  }
0x215: {  	v10 =	vadd.f32 v10, v12;
	v14 =	vor.u32 $0x5, v6;
	[tilespmem:v7+s31+$0x0] =	vst.idx.msk $0xffff, v11  }
0x216: {  	[tilespmem:v8+s31+$0x0] =	vst.idx.msk $0xffff, v15  }
0x217: {  	v7 =	vor.u32 $0x6, v6;
	[tilespmem:v9+s31+$0x0] =	vst.idx.msk $0xffff, v10  }
0x218: {  	v9 =	vld.idx.msk [tilespmem:v13+s0+$0x0], $0xffff  }
0x219: {  	v8 =	vor.u32 $0x7, v6;
	v15 =	vld.idx.msk [tilespmem:v13+s2+$0x0], $0xffff  }
0x21a: {  	v10 =	vld.idx.msk [tilespmem:v14+s0+$0x0], $0xffff  }
0x21b: {  	v16 =	vld.idx.msk [tilespmem:v14+s2+$0x0], $0xffff  }
0x21c: {  	v11 =	vld.idx.msk [tilespmem:v7+s0+$0x0], $0xffff  }
0x21d: {  	v17 =	vld.idx.msk [tilespmem:v7+s2+$0x0], $0xffff  }
0x21e: {  	v12 =	vld.idx.msk [tilespmem:v8+s0+$0x0], $0xffff  }
0x21f: {  	v44 =	vld.idx.msk [tilespmem:v8+s2+$0x0], $0xffff;
	_ =	sdelay $0x1  }
0x220: {  	v45 =	vmul.f32 v15, v9;
	v46 =	vmul.f32 v16, v10  }
0x221: {  	v49 =	vmul.f32 v15, v10;
	v50 =	vmul.f32 v16, v9  }
0x222: {  	v47 =	vmul.f32 v17, v11;
	v53 =	vmul.f32 v15, v11  }
0x223: {  	v54 =	vmul.f32 v17, v9;
	v48 =	vmul.f32 v44, v12  }
0x224: {  	v51 =	vmul.f32 v17, v12;
	v52 =	vmul.f32 v44, v11  }
0x225: {  	v55 =	vmul.f32 v44, v10;
	v56 =	vmul.f32 v16, v12  }
0x226: {  	v12 =	vmul.f32 v15, v12;
	v15 =	vadd.f32 v46, v45;
	v9 =	vmul.f32 v44, v9  }
0x227: {  	v58 =	vsub.f32 v49, v50;
	v11 =	vmul.f32 v16, v11;
	v16 =	vsub.f32 v53, v54  }
0x228: {  	v10 =	vmul.f32 v17, v10;
	v57 =	vadd.f32 v48, v47;
	v59 =	vsub.f32 v51, v52  }
0x229: {  	v60 =	vsub.f32 v55, v56;
	v9 =	vsub.f32 v12, v9  }
0x22a: {  	v10 =	vsub.f32 v11, v10;
	v15 =	vadd.f32 v57, v15  }
0x22b: {  	v11 =	vor.u32 $0x8, v6;
	v12 =	vadd.f32 v59, v58  }
0x22c: {  	v16 =	vadd.f32 v60, v16;
	v9 =	vadd.f32 v9, v10;
	v10 =	vor.u32 $0xA, v6;
	[tilespmem:v13+s31+$0x0] =	vst.idx.msk $0xffff, v15  }
0x22d: {  	[tilespmem:v14+s31+$0x0] =	vst.idx.msk $0xffff, v12  }
0x22e: {  	[tilespmem:v7+s31+$0x0] =	vst.idx.msk $0xffff, v16  }
0x22f: {  	v13 =	vor.u32 $0x9, v6;
	[tilespmem:v8+s31+$0x0] =	vst.idx.msk $0xffff, v9  }
0x230: {  	v7 =	vld.idx.msk [tilespmem:v11+s0+$0x0], $0xffff  }
0x231: {  	v12 =	vor.u32 $0xB, v6;
	v9 =	vld.idx.msk [tilespmem:v10+s0+$0x0], $0xffff  }
0x232: {  	v15 =	vld.idx.msk [tilespmem:v11+s2+$0x0], $0xffff  }
0x233: {  	v17 =	vld.idx.msk [tilespmem:v10+s2+$0x0], $0xffff  }
0x234: {  	v8 =	vld.idx.msk [tilespmem:v13+s0+$0x0], $0xffff  }
0x235: {  	v16 =	vld.idx.msk [tilespmem:v13+s2+$0x0], $0xffff  }
0x236: {  	v14 =	vld.idx.msk [tilespmem:v12+s0+$0x0], $0xffff  }
0x237: {  	v61 =	vld.idx.msk [tilespmem:v12+s2+$0x0], $0xffff  }
0x238: {  	v62 =	vmul.f32 v15, v7  }
0x239: {  	v33 =	vmul.f32 v17, v9;
	v39 =	vmul.f32 v15, v9  }
0x23a: {  	v40 =	vmul.f32 v17, v7;
	v63 =	vmul.f32 v16, v8  }
0x23b: {  	v35 =	vmul.f32 v15, v8;
	v36 =	vmul.f32 v16, v7  }
0x23c: {  	v34 =	vmul.f32 v61, v14;
	v37 =	vmul.f32 v17, v14  }
0x23d: {  	v38 =	vmul.f32 v61, v9;
	v41 =	vmul.f32 v61, v8  }
0x23e: {  	v42 =	vmul.f32 v16, v14;
	v14 =	vmul.f32 v15, v14  }
0x23f: {  	v9 =	vmul.f32 v16, v9;
	v16 =	vsub.f32 v39, v40;
	v15 =	vadd.f32 v63, v62  }
0x240: {  	v7 =	vmul.f32 v61, v7;
	v44 =	vsub.f32 v35, v36;
	v43 =	vadd.f32 v34, v33  }
0x241: {  	v8 =	vmul.f32 v17, v8;
	v45 =	vsub.f32 v37, v38;
	v46 =	vsub.f32 v41, v42  }
0x242: {  	v14 =	vsub.f32 v14, v7;
	v15 =	vadd.f32 v43, v15  }
0x243: {  	v47 =	vor.u32 $0xC, v6;
	v8 =	vsub.f32 v9, v8;
	v17 =	vadd.f32 v45, v44  }
0x244: {  	v7 =	vor.u32 $0xD, v6;
	v9 =	vadd.f32 v46, v16;
	[tilespmem:v11+s31+$0x0] =	vst.idx.msk $0xffff, v15  }
0x245: {  	v11 =	vadd.f32 v14, v8;
	[tilespmem:v13+s31+$0x0] =	vst.idx.msk $0xffff, v17  }
0x246: {  	[tilespmem:v10+s31+$0x0] =	vst.idx.msk $0xffff, v9  }
0x247: {  	v8 =	vor.u32 $0xE, v6;
	[tilespmem:v12+s31+$0x0] =	vst.idx.msk $0xffff, v11  }
0x248: {  	v10 =	vld.idx.msk [tilespmem:v47+s0+$0x0], $0xffff  }
0x249: {  	v9 =	vor.u32 $0xF, v6;
	v11 =	vld.idx.msk [tilespmem:v7+s0+$0x0], $0xffff  }
0x24a: {  	v14 =	vld.idx.msk [tilespmem:v47+s2+$0x0], $0xffff  }
0x24b: {  	v15 =	vld.idx.msk [tilespmem:v7+s2+$0x0], $0xffff  }
0x24c: {  	v12 =	vld.idx.msk [tilespmem:v8+s0+$0x0], $0xffff  }
0x24d: {  	v16 =	vld.idx.msk [tilespmem:v8+s2+$0x0], $0xffff  }
0x24e: {  	v13 =	vld.idx.msk [tilespmem:v9+s0+$0x0], $0xffff  }
0x24f: {  	v17 =	vld.idx.msk [tilespmem:v9+s2+$0x0], $0xffff  }
0x250: {  	v48 =	vmul.f32 v14, v10  }
0x251: {  	v49 =	vmul.f32 v15, v11;
	v52 =	vmul.f32 v14, v11  }
0x252: {  	v53 =	vmul.f32 v15, v10;
	v50 =	vmul.f32 v16, v12  }
0x253: {  	v56 =	vmul.f32 v14, v12;
	v57 =	vmul.f32 v16, v10  }
0x254: {  	v51 =	vmul.f32 v17, v13;
	v54 =	vmul.f32 v16, v13  }
0x255: {  	v55 =	vmul.f32 v17, v12;
	v58 =	vmul.f32 v17, v11  }
0x256: {  	v59 =	vmul.f32 v15, v13;
	v13 =	vmul.f32 v14, v13  }
0x257: {  	v14 =	vadd.f32 v49, v48;
	v10 =	vmul.f32 v17, v10;
	v17 =	vsub.f32 v52, v53  }
0x258: {  	v15 =	vmul.f32 v15, v12;
	v62 =	vsub.f32 v56, v57;
	v60 =	vadd.f32 v51, v50  }
0x259: {  	v11 =	vmul.f32 v16, v11;
	v61 =	vsub.f32 v54, v55;
	v63 =	vsub.f32 v58, v59  }
0x25a: {  	v12 =	vsub.f32 v13, v10;
	v16 =	vadd.f32 v60, v14  }
0x25b: {  	v15 =	vsub.f32 v15, v11;
	v11 =	vor.u32 $0x10, v6;
	v13 =	vadd.f32 v61, v17  }
0x25c: {  	s16 =	simm.s32 $0x10;
	v10 =	vor.u32 $0x11, v6;
	v14 =	vadd.f32 v63, v62;
	[tilespmem:v47+s31+$0x0] =	vst.idx.msk $0xffff, v16  }
.LBB2_19:
0x25d: {  	p0 =	sne.s32 s16, $0x1F0;
	v12 =	vadd.f32 v12, v15;
	[tilespmem:v7+s31+$0x0] =	vst.idx.msk $0xffff, v13;
	v13 =	vor.u32 $0x12, v6  }
0x25e: {  	[tilespmem:v8+s31+$0x0] =	vst.idx.msk $0xffff, v14;
	v8 =	vor.u32 $0x13, v6  }
0x25f: {  	[tilespmem:v9+s31+$0x0] =	vst.idx.msk $0xffff, v12  }
0x260: {  	v9 =	vld.idx.msk [tilespmem:v11+s0+$0x0], $0xffff  }
0x261: {  	v12 =	vld.idx.msk [tilespmem:v10+s0+$0x0], $0xffff  }
0x262: {  	v14 =	vld.idx.msk [tilespmem:v13+s0+$0x0], $0xffff  }
0x263: {  	v15 =	vld.idx.msk [tilespmem:v8+s0+$0x0], $0xffff  }
0x264: {  	v16 =	vld.idx.msk [tilespmem:v11+s2+$0x0], $0xffff  }
0x265: {  	v7 =	vmov s16;
	v17 =	vld.idx.msk [tilespmem:v10+s2+$0x0], $0xffff  }
0x266: {  	v7 =	vshll.u32 v7, $0x5;
	v18 =	vld.idx.msk [tilespmem:v13+s2+$0x0], $0xffff  }
0x267: {  	v7 =	vor.u32 v5, v7;
	v19 =	vld.idx.msk [tilespmem:v8+s2+$0x0], $0xffff;
	_ =	sdelay $0x1  }
0x268: {  	v20 =	vor.u32 $0x1, v7  }
0x269: {  	v21 =	vor.u32 $0x2, v7  }
0x26a: {  	v22 =	vor.u32 $0x3, v7;
	v23 =	vmul.f32 v16, v9  }
0x26b: {  	v25 =	vmul.f32 v17, v12;
	v26 =	vmul.f32 v18, v14;
	v24 =	vld.idx.msk [tilespmem:v7+s0+$0x0], $0xffff  }
0x26c: {  	v29 =	vmul.f32 v16, v12;
	v28 =	vmul.f32 v19, v15;
	v27 =	vld.idx.msk [tilespmem:v7+s2+$0x0], $0xffff  }
0x26d: {  	v31 =	vmul.f32 v17, v9;
	v32 =	vmul.f32 v18, v15;
	v30 =	vld.idx.msk [tilespmem:v20+s0+$0x0], $0xffff  }
0x26e: {  	v35 =	vmul.f32 v16, v14;
	v34 =	vmul.f32 v19, v14;
	v33 =	vld.idx.msk [tilespmem:v21+s0+$0x0], $0xffff  }
0x26f: {  	v37 =	vmul.f32 v18, v9;
	v38 =	vmul.f32 v19, v12;
	v36 =	vld.idx.msk [tilespmem:v22+s0+$0x0], $0xffff  }
0x270: {  	v40 =	vmul.f32 v17, v15;
	v15 =	vmul.f32 v16, v15;
	v39 =	vld.idx.msk [tilespmem:v20+s2+$0x0], $0xffff  }
0x271: {  	v23 =	vadd.f32 v25, v23;
	v9 =	vmul.f32 v19, v9;
	v25 =	vadd.f32 v28, v26;
	v16 =	vld.idx.msk [tilespmem:v21+s2+$0x0], $0xffff  }
0x272: {  	v14 =	vmul.f32 v17, v14;
	v26 =	vsub.f32 v29, v31;
	v28 =	vsub.f32 v32, v34;
	v19 =	vld.idx.msk [tilespmem:v22+s2+$0x0], $0xffff  }
0x273: {  	v12 =	vmul.f32 v18, v12;
	v17 =	vsub.f32 v35, v37;
	v29 =	vsub.f32 v38, v40  }
0x274: {  	v9 =	vsub.f32 v15, v9;
	v15 =	vor.u32 $0x14, v6;
	v18 =	vadd.f32 v25, v23  }
0x275: {  	v12 =	vsub.f32 v14, v12;
	v25 =	vadd.f32 v28, v26;
	v23 =	vmul.f32 v27, v24  }
0x276: {  	v17 =	vadd.f32 v29, v17;
	v14 =	vmul.f32 v39, v30;
	[tilespmem:v11+s31+$0x0] =	vst.idx.msk $0xffff, v18;
	v11 =	vor.u32 $0x15, v6  }
0x277: {  	v9 =	vadd.f32 v9, v12;
	v18 =	vmul.f32 v16, v33;
	[tilespmem:v10+s31+$0x0] =	vst.idx.msk $0xffff, v25;
	v10 =	vor.u32 $0x16, v6  }
0x278: {  	v12 =	vmul.f32 v19, v36;
	v25 =	vmul.f32 v27, v30;
	[tilespmem:v13+s31+$0x0] =	vst.idx.msk $0xffff, v17;
	v13 =	vor.u32 $0x17, v6  }
0x279: {  	v26 =	vmul.f32 v16, v36;
	v17 =	vmul.f32 v39, v24;
	[tilespmem:v8+s31+$0x0] =	vst.idx.msk $0xffff, v9  }
0x27a: {  	v8 =	vmul.f32 v19, v33;
	v9 =	vmul.f32 v27, v33;
	v28 =	vld.idx.msk [tilespmem:v15+s0+$0x0], $0xffff  }
0x27b: {  	v29 =	vmul.f32 v16, v24;
	v31 =	vmul.f32 v19, v30;
	v32 =	vld.idx.msk [tilespmem:v11+s0+$0x0], $0xffff  }
0x27c: {  	v34 =	vmul.f32 v39, v36;
	v27 =	vmul.f32 v27, v36;
	v35 =	vld.idx.msk [tilespmem:v10+s0+$0x0], $0xffff  }
0x27d: {  	v14 =	vadd.f32 v14, v23;
	v12 =	vadd.f32 v12, v18;
	v18 =	vmul.f32 v19, v24;
	v19 =	vld.idx.msk [tilespmem:v13+s0+$0x0], $0xffff  }
0x27e: {  	v23 =	vmul.f32 v39, v33;
	v17 =	vsub.f32 v25, v17;
	v8 =	vsub.f32 v26, v8;
	v24 =	vld.idx.msk [tilespmem:v15+s2+$0x0], $0xffff  }
0x27f: {  	v16 =	vmul.f32 v16, v30;
	v25 =	vsub.f32 v31, v34;
	v9 =	vsub.f32 v9, v29;
	v26 =	vld.idx.msk [tilespmem:v11+s2+$0x0], $0xffff  }
0x280: {  	v12 =	vadd.f32 v12, v14;
	v14 =	vsub.f32 v27, v18;
	v18 =	vld.idx.msk [tilespmem:v10+s2+$0x0], $0xffff  }
0x281: {  	v16 =	vsub.f32 v23, v16;
	v8 =	vadd.f32 v8, v17;
	v17 =	vor.u32 $0x4, v7;
	v23 =	vld.idx.msk [tilespmem:v13+s2+$0x0], $0xffff  }
0x282: {  	v9 =	vadd.f32 v25, v9;
	[tilespmem:v7+s31+$0x0] =	vst.idx.msk $0xffff, v12;
	v12 =	vor.u32 $0x5, v7  }
0x283: {  	v14 =	vadd.f32 v14, v16;
	[tilespmem:v20+s31+$0x0] =	vst.idx.msk $0xffff, v8;
	v8 =	vor.u32 $0x6, v7  }
0x284: {  	[tilespmem:v21+s31+$0x0] =	vst.idx.msk $0xffff, v9;
	v9 =	vor.u32 $0x7, v7  }
0x285: {  	[tilespmem:v22+s31+$0x0] =	vst.idx.msk $0xffff, v14;
	v14 =	vmul.f32 v24, v28  }
0x286: {  	v20 =	vmul.f32 v26, v32;
	v21 =	vmul.f32 v18, v35;
	v16 =	vld.idx.msk [tilespmem:v17+s0+$0x0], $0xffff  }
0x287: {  	v27 =	vmul.f32 v24, v32;
	v25 =	vmul.f32 v23, v19;
	v22 =	vld.idx.msk [tilespmem:v12+s0+$0x0], $0xffff  }
0x288: {  	v30 =	vmul.f32 v26, v28;
	v31 =	vmul.f32 v18, v19;
	v29 =	vld.idx.msk [tilespmem:v8+s0+$0x0], $0xffff  }
0x289: {  	v36 =	vmul.f32 v24, v35;
	v34 =	vmul.f32 v23, v35;
	v33 =	vld.idx.msk [tilespmem:v9+s0+$0x0], $0xffff  }
0x28a: {  	v38 =	vmul.f32 v18, v28;
	v39 =	vmul.f32 v23, v32;
	v37 =	vld.idx.msk [tilespmem:v17+s2+$0x0], $0xffff  }
0x28b: {  	v41 =	vmul.f32 v26, v19;
	v19 =	vmul.f32 v24, v19;
	v40 =	vld.idx.msk [tilespmem:v12+s2+$0x0], $0xffff  }
0x28c: {  	v14 =	vadd.f32 v20, v14;
	v20 =	vadd.f32 v25, v21;
	v21 =	vmul.f32 v23, v28;
	v24 =	vld.idx.msk [tilespmem:v8+s2+$0x0], $0xffff  }
0x28d: {  	v26 =	vmul.f32 v26, v35;
	v25 =	vsub.f32 v27, v30;
	v27 =	vsub.f32 v31, v34;
	v23 =	vld.idx.msk [tilespmem:v9+s2+$0x0], $0xffff  }
0x28e: {  	v18 =	vmul.f32 v18, v32;
	v28 =	vsub.f32 v36, v38;
	v30 =	vsub.f32 v39, v41  }
0x28f: {  	v14 =	vadd.f32 v20, v14;
	v19 =	vsub.f32 v19, v21;
	v20 =	vor.u32 $0x18, v6  }
0x290: {  	v18 =	vsub.f32 v26, v18;
	v25 =	vadd.f32 v27, v25;
	v21 =	vmul.f32 v37, v16  }
0x291: {  	v27 =	vadd.f32 v30, v28;
	v26 =	vmul.f32 v40, v22;
	[tilespmem:v15+s31+$0x0] =	vst.idx.msk $0xffff, v14;
	v14 =	vor.u32 $0x19, v6  }
0x292: {  	v18 =	vadd.f32 v19, v18;
	v15 =	vmul.f32 v24, v29;
	[tilespmem:v11+s31+$0x0] =	vst.idx.msk $0xffff, v25;
	v11 =	vor.u32 $0x1A, v6  }
0x293: {  	v19 =	vmul.f32 v23, v33;
	v25 =	vmul.f32 v37, v22;
	[tilespmem:v10+s31+$0x0] =	vst.idx.msk $0xffff, v27;
	v10 =	vor.u32 $0x1B, v6  }
0x294: {  	v28 =	vmul.f32 v24, v33;
	v27 =	vmul.f32 v40, v16;
	[tilespmem:v13+s31+$0x0] =	vst.idx.msk $0xffff, v18  }
0x295: {  	v13 =	vmul.f32 v23, v29;
	v18 =	vmul.f32 v37, v29;
	v30 =	vld.idx.msk [tilespmem:v20+s0+$0x0], $0xffff  }
0x296: {  	v31 =	vmul.f32 v24, v16;
	v32 =	vmul.f32 v23, v22;
	v34 =	vld.idx.msk [tilespmem:v14+s0+$0x0], $0xffff  }
0x297: {  	v35 =	vmul.f32 v40, v33;
	v33 =	vmul.f32 v37, v33;
	v36 =	vld.idx.msk [tilespmem:v11+s0+$0x0], $0xffff  }
0x298: {  	v21 =	vadd.f32 v26, v21;
	v16 =	vmul.f32 v23, v16;
	v15 =	vadd.f32 v19, v15;
	v19 =	vld.idx.msk [tilespmem:v10+s0+$0x0], $0xffff  }
0x299: {  	v23 =	vsub.f32 v25, v27;
	v25 =	vmul.f32 v40, v29;
	v13 =	vsub.f32 v28, v13;
	v26 =	vld.idx.msk [tilespmem:v20+s2+$0x0], $0xffff  }
0x29a: {  	v22 =	vmul.f32 v24, v22;
	v27 =	vsub.f32 v32, v35;
	v18 =	vsub.f32 v18, v31;
	v24 =	vld.idx.msk [tilespmem:v14+s2+$0x0], $0xffff  }
0x29b: {  	v16 =	vsub.f32 v33, v16;
	v15 =	vadd.f32 v15, v21;
	v21 =	vld.idx.msk [tilespmem:v11+s2+$0x0], $0xffff  }
0x29c: {  	v22 =	vsub.f32 v25, v22;
	v13 =	vadd.f32 v13, v23;
	v23 =	vor.u32 $0x8, v7;
	v25 =	vld.idx.msk [tilespmem:v10+s2+$0x0], $0xffff  }
0x29d: {  	v18 =	vadd.f32 v27, v18;
	[tilespmem:v17+s31+$0x0] =	vst.idx.msk $0xffff, v15;
	v15 =	vor.u32 $0x9, v7  }
0x29e: {  	v16 =	vadd.f32 v16, v22;
	[tilespmem:v12+s31+$0x0] =	vst.idx.msk $0xffff, v13;
	v12 =	vor.u32 $0xA, v7  }
0x29f: {  	v13 =	vor.u32 $0xB, v7;
	[tilespmem:v8+s31+$0x0] =	vst.idx.msk $0xffff, v18  }
0x2a0: {  	v8 =	vmul.f32 v26, v30;
	[tilespmem:v9+s31+$0x0] =	vst.idx.msk $0xffff, v16  }
0x2a1: {  	v16 =	vmul.f32 v24, v34;
	v17 =	vmul.f32 v21, v36;
	v9 =	vld.idx.msk [tilespmem:v23+s0+$0x0], $0xffff  }
0x2a2: {  	v27 =	vmul.f32 v26, v34;
	v22 =	vmul.f32 v25, v19;
	v18 =	vld.idx.msk [tilespmem:v15+s0+$0x0], $0xffff  }
0x2a3: {  	v29 =	vmul.f32 v24, v30;
	v31 =	vmul.f32 v21, v19;
	v28 =	vld.idx.msk [tilespmem:v12+s0+$0x0], $0xffff  }
0x2a4: {  	v35 =	vmul.f32 v26, v36;
	v33 =	vmul.f32 v25, v36;
	v32 =	vld.idx.msk [tilespmem:v13+s0+$0x0], $0xffff  }
0x2a5: {  	v38 =	vmul.f32 v21, v30;
	v39 =	vmul.f32 v25, v34;
	v37 =	vld.idx.msk [tilespmem:v23+s2+$0x0], $0xffff  }
0x2a6: {  	v41 =	vmul.f32 v24, v19;
	v19 =	vmul.f32 v26, v19;
	v40 =	vld.idx.msk [tilespmem:v15+s2+$0x0], $0xffff  }
0x2a7: {  	v8 =	vadd.f32 v16, v8;
	v16 =	vadd.f32 v22, v17;
	v17 =	vmul.f32 v25, v30;
	v26 =	vld.idx.msk [tilespmem:v12+s2+$0x0], $0xffff  }
0x2a8: {  	v24 =	vmul.f32 v24, v36;
	v25 =	vsub.f32 v27, v29;
	v27 =	vsub.f32 v31, v33;
	v22 =	vld.idx.msk [tilespmem:v13+s2+$0x0], $0xffff  }
0x2a9: {  	v21 =	vmul.f32 v21, v34;
	v29 =	vsub.f32 v35, v38;
	v30 =	vsub.f32 v39, v41  }
0x2aa: {  	v8 =	vadd.f32 v16, v8;
	v16 =	vsub.f32 v19, v17;
	v17 =	vor.u32 $0x1C, v6  }
0x2ab: {  	v21 =	vsub.f32 v24, v21;
	v25 =	vadd.f32 v27, v25;
	v19 =	vmul.f32 v37, v9  }
0x2ac: {  	v27 =	vadd.f32 v30, v29;
	v24 =	vmul.f32 v40, v18;
	[tilespmem:v20+s31+$0x0] =	vst.idx.msk $0xffff, v8;
	v20 =	vor.u32 $0x1D, v6  }
0x2ad: {  	v16 =	vadd.f32 v16, v21;
	v8 =	vmul.f32 v26, v28;
	[tilespmem:v14+s31+$0x0] =	vst.idx.msk $0xffff, v25;
	v14 =	vor.u32 $0x1E, v6  }
0x2ae: {  	v21 =	vmul.f32 v22, v32;
	v25 =	vmul.f32 v37, v18;
	[tilespmem:v11+s31+$0x0] =	vst.idx.msk $0xffff, v27;
	v11 =	vor.u32 $0x1F, v6  }
0x2af: {  	v29 =	vmul.f32 v26, v32;
	v27 =	vmul.f32 v40, v9;
	v6 =	vmov v7;
	[tilespmem:v10+s31+$0x0] =	vst.idx.msk $0xffff, v16  }
0x2b0: {  	v7 =	vmul.f32 v22, v28;
	v10 =	vmul.f32 v37, v28;
	v16 =	vld.idx.msk [tilespmem:v17+s0+$0x0], $0xffff  }
0x2b1: {  	v30 =	vmul.f32 v26, v9;
	v31 =	vmul.f32 v22, v18;
	v33 =	vld.idx.msk [tilespmem:v20+s0+$0x0], $0xffff  }
0x2b2: {  	v34 =	vmul.f32 v40, v32;
	v32 =	vmul.f32 v37, v32;
	v35 =	vld.idx.msk [tilespmem:v14+s0+$0x0], $0xffff  }
0x2b3: {  	v19 =	vadd.f32 v24, v19;
	v9 =	vmul.f32 v22, v9;
	v8 =	vadd.f32 v21, v8;
	v21 =	vld.idx.msk [tilespmem:v11+s0+$0x0], $0xffff  }
0x2b4: {  	v24 =	vmul.f32 v40, v28;
	v22 =	vsub.f32 v25, v27;
	v7 =	vsub.f32 v29, v7;
	v25 =	vld.idx.msk [tilespmem:v17+s2+$0x0], $0xffff  }
0x2b5: {  	v18 =	vmul.f32 v26, v18;
	v27 =	vsub.f32 v31, v34;
	v10 =	vsub.f32 v10, v30;
	v26 =	vld.idx.msk [tilespmem:v20+s2+$0x0], $0xffff  }
0x2b6: {  	v9 =	vsub.f32 v32, v9;
	v8 =	vadd.f32 v8, v19;
	v19 =	vld.idx.msk [tilespmem:v14+s2+$0x0], $0xffff  }
0x2b7: {  	v18 =	vsub.f32 v24, v18;
	v24 =	vor.u32 $0xC, v6;
	v22 =	vadd.f32 v7, v22;
	v28 =	vld.idx.msk [tilespmem:v11+s2+$0x0], $0xffff  }
0x2b8: {  	v7 =	vor.u32 $0xD, v6;
	v10 =	vadd.f32 v27, v10;
	[tilespmem:v23+s31+$0x0] =	vst.idx.msk $0xffff, v8  }
0x2b9: {  	v18 =	vadd.f32 v9, v18;
	v8 =	vor.u32 $0xE, v6;
	[tilespmem:v15+s31+$0x0] =	vst.idx.msk $0xffff, v22  }
0x2ba: {  	v9 =	vor.u32 $0xF, v6;
	[tilespmem:v12+s31+$0x0] =	vst.idx.msk $0xffff, v10  }
0x2bb: {  	v10 =	vmul.f32 v25, v16;
	[tilespmem:v13+s31+$0x0] =	vst.idx.msk $0xffff, v18  }
0x2bc: {  	v13 =	vmul.f32 v26, v33;
	v15 =	vmul.f32 v19, v35;
	v12 =	vld.idx.msk [tilespmem:v24+s0+$0x0], $0xffff  }
0x2bd: {  	v23 =	vmul.f32 v25, v33;
	v22 =	vmul.f32 v28, v21;
	v18 =	vld.idx.msk [tilespmem:v7+s0+$0x0], $0xffff  }
0x2be: {  	v29 =	vmul.f32 v26, v16;
	v30 =	vmul.f32 v19, v21;
	v27 =	vld.idx.msk [tilespmem:v8+s0+$0x0], $0xffff  }
0x2bf: {  	v34 =	vmul.f32 v25, v35;
	v32 =	vmul.f32 v28, v35;
	v31 =	vld.idx.msk [tilespmem:v9+s0+$0x0], $0xffff  }
0x2c0: {  	v37 =	vmul.f32 v19, v16;
	v38 =	vmul.f32 v28, v33;
	v36 =	vld.idx.msk [tilespmem:v24+s2+$0x0], $0xffff  }
0x2c1: {  	v40 =	vmul.f32 v26, v21;
	v21 =	vmul.f32 v25, v21;
	v39 =	vld.idx.msk [tilespmem:v7+s2+$0x0], $0xffff  }
0x2c2: {  	v10 =	vadd.f32 v13, v10;
	v13 =	vadd.f32 v22, v15;
	v15 =	vmul.f32 v28, v16;
	v25 =	vld.idx.msk [tilespmem:v8+s2+$0x0], $0xffff  }
0x2c3: {  	v26 =	vmul.f32 v26, v35;
	v22 =	vsub.f32 v23, v29;
	v23 =	vsub.f32 v30, v32;
	v16 =	vld.idx.msk [tilespmem:v9+s2+$0x0], $0xffff  }
0x2c4: {  	v19 =	vmul.f32 v19, v33;
	v28 =	vsub.f32 v34, v37;
	v29 =	vsub.f32 v38, v40  }
0x2c5: {  	v10 =	vadd.f32 v13, v10;
	v13 =	vsub.f32 v21, v15  }
0x2c6: {  	v19 =	vsub.f32 v26, v19;
	v21 =	vadd.f32 v23, v22;
	v15 =	vmul.f32 v36, v12  }
0x2c7: {  	v23 =	vadd.f32 v29, v28;
	v22 =	vmul.f32 v39, v18;
	[tilespmem:v17+s31+$0x0] =	vst.idx.msk $0xffff, v10  }
0x2c8: {  	v13 =	vadd.f32 v13, v19;
	v10 =	vmul.f32 v25, v27;
	[tilespmem:v20+s31+$0x0] =	vst.idx.msk $0xffff, v21  }
0x2c9: {  	v19 =	vmul.f32 v36, v18;
	v17 =	vmul.f32 v16, v31;
	[tilespmem:v14+s31+$0x0] =	vst.idx.msk $0xffff, v23  }
0x2ca: {  	v20 =	vmul.f32 v25, v31;
	v14 =	vmul.f32 v39, v12;
	[tilespmem:v11+s31+$0x0] =	vst.idx.msk $0xffff, v13  }
0x2cb: {  	v11 =	vmul.f32 v16, v27;
	v13 =	vmul.f32 v36, v27  }
0x2cc: {  	v21 =	vmul.f32 v25, v12;
	v23 =	vmul.f32 v16, v18  }
0x2cd: {  	v28 =	vmul.f32 v36, v31;
	v26 =	vmul.f32 v39, v31  }
0x2ce: {  	v15 =	vadd.f32 v22, v15;
	v12 =	vmul.f32 v16, v12;
	v10 =	vadd.f32 v17, v10  }
.Ltmp10:
0x2cf: {  	v16 =	vmul.f32 v39, v27;
	v14 =	vsub.f32 v19, v14;
	v11 =	vsub.f32 v20, v11;
	(pc) =	sbr.rel @p0 .LBB2_19-.Ltmp10, $4  }
0x2d0: {  	v18 =	vmul.f32 v25, v18;
	v19 =	vsub.f32 v23, v26;
	v17 =	vsub.f32 v13, v21  }
0x2d1: {  	v12 =	vsub.f32 v28, v12;
	v10 =	vadd.f32 v10, v15  }
0x2d2: {  	v15 =	vsub.f32 v16, v18;
	v13 =	vadd.f32 v11, v14;
	v11 =	vor.u32 $0x10, v6  }
0x2d3: {  	s16 =	sadd.s32 $0x10, s16;
	v14 =	vadd.f32 v19, v17;
	[tilespmem:v24+s31+$0x0] =	vst.idx.msk $0xffff, v10;
	v10 =	vor.u32 $0x11, v6  }
0x2d4: {  	_ =	sdelay $0x3  }
0x2d5: {  	v12 =	vadd.f32 v12, v15;
	[tilespmem:v7+s31+$0x0] =	vst.idx.msk $0xffff, v13  }
0x2d6: {  	[tilespmem:v8+s31+$0x0] =	vst.idx.msk $0xffff, v14  }
0x2d7: {  	v7 =	vor.u32 $0x12, v6;
	[tilespmem:v9+s31+$0x0] =	vst.idx.msk $0xffff, v12  }
0x2d8: {  	v41 =	vor.u32 $0x13, v6;
	v9 =	vld.idx.msk [tilespmem:v11+s0+$0x0], $0xffff  }
0x2d9: {  	v12 =	vld.idx.msk [tilespmem:v10+s0+$0x0], $0xffff  }
0x2da: {  	v42 =	vld.idx.msk [tilespmem:v11+s2+$0x0], $0xffff  }
0x2db: {  	v16 =	vld.idx.msk [tilespmem:v10+s2+$0x0], $0xffff  }
0x2dc: {  	v13 =	vld.idx.msk [tilespmem:v7+s0+$0x0], $0xffff  }
0x2dd: {  	v14 =	vld.idx.msk [tilespmem:v41+s0+$0x0], $0xffff  }
0x2de: {  	v17 =	vld.idx.msk [tilespmem:v7+s2+$0x0], $0xffff  }
0x2df: {  	v18 =	vld.idx.msk [tilespmem:v41+s2+$0x0], $0xffff;
	_ =	sdelay $0x1  }
0x2e0: {  	v19 =	vmul.f32 v42, v9  }
0x2e1: {  	v20 =	vmul.f32 v16, v12;
	v23 =	vmul.f32 v42, v12  }
0x2e2: {  	v24 =	vmul.f32 v16, v9;
	v21 =	vmul.f32 v17, v13  }
0x2e3: {  	v22 =	vmul.f32 v18, v14;
	v25 =	vmul.f32 v17, v14  }
0x2e4: {  	v26 =	vmul.f32 v18, v13;
	v27 =	vmul.f32 v42, v13  }
0x2e5: {  	v28 =	vmul.f32 v17, v9;
	v29 =	vmul.f32 v18, v12  }
0x2e6: {  	v30 =	vmul.f32 v16, v14;
	v14 =	vmul.f32 v42, v14  }
0x2e7: {  	v43 =	vadd.f32 v20, v19;
	v9 =	vmul.f32 v18, v9;
	v45 =	vsub.f32 v23, v24  }
0x2e8: {  	v13 =	vmul.f32 v16, v13;
	v44 =	vadd.f32 v22, v21;
	v46 =	vsub.f32 v25, v26  }
0x2e9: {  	v12 =	vmul.f32 v17, v12;
	v47 =	vsub.f32 v27, v28;
	v48 =	vsub.f32 v29, v30  }
0x2ea: {  	v9 =	vsub.f32 v14, v9;
	v15 =	vadd.f32 v44, v43  }
0x2eb: {  	v49 =	vor.u32 $0x14, v6;
	v12 =	vsub.f32 v13, v12;
	v50 =	vadd.f32 v46, v45  }
0x2ec: {  	v52 =	vor.u32 $0x15, v6;
	v51 =	vadd.f32 v48, v47;
	[tilespmem:v11+s31+$0x0] =	vst.idx.msk $0xffff, v15  }
0x2ed: {  	v53 =	vor.u32 $0x16, v6;
	v9 =	vadd.f32 v9, v12;
	[tilespmem:v10+s31+$0x0] =	vst.idx.msk $0xffff, v50  }
0x2ee: {  	[tilespmem:v7+s31+$0x0] =	vst.idx.msk $0xffff, v51  }
0x2ef: {  	[tilespmem:v41+s31+$0x0] =	vst.idx.msk $0xffff, v9  }
0x2f0: {  	v8 =	vld.idx.msk [tilespmem:v49+s0+$0x0], $0xffff  }
0x2f1: {  	v9 =	vld.idx.msk [tilespmem:v52+s0+$0x0], $0xffff  }
0x2f2: {  	v7 =	vor.u32 $0x17, v6;
	v54 =	vld.idx.msk [tilespmem:v53+s0+$0x0], $0xffff  }
0x2f3: {  	v15 =	vld.idx.msk [tilespmem:v49+s2+$0x0], $0xffff  }
0x2f4: {  	v55 =	vld.idx.msk [tilespmem:v52+s2+$0x0], $0xffff  }
0x2f5: {  	v17 =	vld.idx.msk [tilespmem:v53+s2+$0x0], $0xffff;
	_ =	sdelay $0x1  }
0x2f6: {  	v13 =	vld.idx.msk [tilespmem:v7+s0+$0x0], $0xffff  }
0x2f7: {  	v56 =	vld.idx.msk [tilespmem:v7+s2+$0x0], $0xffff  }
0x2f8: {  	v57 =	vmul.f32 v15, v8  }
0x2f9: {  	v58 =	vmul.f32 v55, v9;
	v59 =	vmul.f32 v17, v54  }
0x2fa: {  	v61 =	vmul.f32 v15, v9;
	v62 =	vmul.f32 v55, v8  }
0x2fb: {  	v34 =	vmul.f32 v15, v54;
	v35 =	vmul.f32 v17, v8  }
0x2fc: {  	v12 =	vmul.f32 v55, v54;
	v38 =	vadd.f32 v58, v57;
	v60 =	vmul.f32 v56, v13  }
0x2fd: {  	v40 =	vsub.f32 v61, v62;
	v63 =	vmul.f32 v17, v13;
	v33 =	vmul.f32 v56, v54  }
0x2fe: {  	v42 =	vsub.f32 v34, v35;
	v36 =	vmul.f32 v56, v9;
	v37 =	vmul.f32 v55, v13  }
0x2ff: {  	v13 =	vmul.f32 v15, v13;
	v8 =	vmul.f32 v56, v8;
	v39 =	vadd.f32 v60, v59  }
0x300: {  	v9 =	vmul.f32 v17, v9;
	v41 =	vsub.f32 v63, v33;
	v43 =	vsub.f32 v36, v37  }
0x301: {  	v8 =	vsub.f32 v13, v8;
	v15 =	vadd.f32 v39, v38  }
0x302: {  	v44 =	vor.u32 $0x18, v6;
	v9 =	vsub.f32 v12, v9;
	v45 =	vadd.f32 v41, v40  }
0x303: {  	v47 =	vor.u32 $0x19, v6;
	v46 =	vadd.f32 v43, v42;
	[tilespmem:v49+s31+$0x0] =	vst.idx.msk $0xffff, v15  }
0x304: {  	v48 =	vor.u32 $0x1A, v6;
	v8 =	vadd.f32 v8, v9;
	[tilespmem:v52+s31+$0x0] =	vst.idx.msk $0xffff, v45  }
0x305: {  	[tilespmem:v53+s31+$0x0] =	vst.idx.msk $0xffff, v46  }
0x306: {  	[tilespmem:v7+s31+$0x0] =	vst.idx.msk $0xffff, v8  }
0x307: {  	v7 =	vld.idx.msk [tilespmem:v44+s0+$0x0], $0xffff  }
0x308: {  	v8 =	vld.idx.msk [tilespmem:v47+s0+$0x0], $0xffff  }
0x309: {  	v49 =	vor.u32 $0x1B, v6;
	v11 =	vld.idx.msk [tilespmem:v48+s0+$0x0], $0xffff  }
0x30a: {  	v15 =	vld.idx.msk [tilespmem:v44+s2+$0x0], $0xffff  }
0x30b: {  	v50 =	vld.idx.msk [tilespmem:v47+s2+$0x0], $0xffff  }
0x30c: {  	v17 =	vld.idx.msk [tilespmem:v48+s2+$0x0], $0xffff;
	_ =	sdelay $0x1  }
0x30d: {  	v12 =	vld.idx.msk [tilespmem:v49+s0+$0x0], $0xffff  }
0x30e: {  	v51 =	vld.idx.msk [tilespmem:v49+s2+$0x0], $0xffff  }
0x30f: {  	v52 =	vmul.f32 v15, v7  }
0x310: {  	v53 =	vmul.f32 v50, v8;
	v54 =	vmul.f32 v17, v11  }
0x311: {  	v56 =	vmul.f32 v15, v8;
	v57 =	vmul.f32 v50, v7  }
0x312: {  	v60 =	vmul.f32 v15, v11;
	v61 =	vmul.f32 v17, v7  }
0x313: {  	v55 =	vmul.f32 v51, v12;
	v58 =	vmul.f32 v17, v12  }
0x314: {  	v59 =	vmul.f32 v51, v11;
	v62 =	vmul.f32 v51, v8  }
0x315: {  	v63 =	vmul.f32 v50, v12;
	v12 =	vmul.f32 v15, v12  }
0x316: {  	v7 =	vmul.f32 v51, v7;
	v32 =	vadd.f32 v53, v52;
	v34 =	vsub.f32 v56, v57  }
0x317: {  	v11 =	vmul.f32 v50, v11;
	v36 =	vsub.f32 v60, v61;
	v33 =	vadd.f32 v55, v54  }
0x318: {  	v8 =	vmul.f32 v17, v8;
	v35 =	vsub.f32 v58, v59;
	v37 =	vsub.f32 v62, v63  }
0x319: {  	v7 =	vsub.f32 v12, v7;
	v15 =	vadd.f32 v33, v32  }
0x31a: {  	v38 =	vor.u32 $0x1C, v6;
	v8 =	vsub.f32 v11, v8;
	v39 =	vadd.f32 v35, v34  }
0x31b: {  	v41 =	vor.u32 $0x1D, v6;
	v40 =	vadd.f32 v37, v36;
	[tilespmem:v44+s31+$0x0] =	vst.idx.msk $0xffff, v15  }
0x31c: {  	v42 =	vor.u32 $0x1E, v6;
	v7 =	vadd.f32 v7, v8;
	[tilespmem:v47+s31+$0x0] =	vst.idx.msk $0xffff, v39  }
0x31d: {  	v6 =	vor.u32 $0x1F, v6;
	[tilespmem:v48+s31+$0x0] =	vst.idx.msk $0xffff, v40  }
0x31e: {  	[tilespmem:v49+s31+$0x0] =	vst.idx.msk $0xffff, v7  }
0x31f: {  	v7 =	vld.idx.msk [tilespmem:v38+s0+$0x0], $0xffff  }
0x320: {  	v9 =	vld.idx.msk [tilespmem:v41+s0+$0x0], $0xffff  }
0x321: {  	v10 =	vld.idx.msk [tilespmem:v42+s0+$0x0], $0xffff  }
0x322: {  	v11 =	vld.idx.msk [tilespmem:v6+s0+$0x0], $0xffff  }
0x323: {  	v14 =	vld.idx.msk [tilespmem:v38+s2+$0x0], $0xffff  }
0x324: {  	v15 =	vld.idx.msk [tilespmem:v41+s2+$0x0], $0xffff  }
0x325: {  	v43 =	vld.idx.msk [tilespmem:v42+s2+$0x0], $0xffff  }
0x326: {  	v17 =	vld.idx.msk [tilespmem:v6+s2+$0x0], $0xffff;
	_ =	sdelay $0x2  }
0x327: {  	v44 =	vmul.f32 v14, v7  }
0x328: {  	v45 =	vmul.f32 v15, v9;
	v46 =	vmul.f32 v43, v10  }
0x329: {  	v47 =	vmul.f32 v17, v11;
	v48 =	vmul.f32 v14, v9  }
0x32a: {  	v49 =	vmul.f32 v15, v7;
	v50 =	vmul.f32 v43, v11  }
0x32b: {  	v51 =	vmul.f32 v17, v10;
	v52 =	vmul.f32 v14, v10  }
0x32c: {  	v53 =	vmul.f32 v43, v7;
	v54 =	vmul.f32 v17, v9  }
0x32d: {  	v55 =	vmul.f32 v15, v11;
	v11 =	vmul.f32 v14, v11  }
0x32e: {  	v7 =	vmul.f32 v17, v7;
	v56 =	vadd.f32 v45, v44;
	v57 =	vadd.f32 v47, v46  }
0x32f: {  	v10 =	vmul.f32 v15, v10;
	v58 =	vsub.f32 v48, v49;
	v59 =	vsub.f32 v50, v51  }
0x330: {  	v9 =	vmul.f32 v43, v9;
	v60 =	vsub.f32 v52, v53;
	v61 =	vsub.f32 v54, v55  }
0x331: {  	v7 =	vsub.f32 v11, v7;
	v14 =	vadd.f32 v57, v56  }
0x332: {  	v9 =	vsub.f32 v10, v9;
	v62 =	vadd.f32 v59, v58  }
0x333: {  	v63 =	vadd.f32 v61, v60;
	[tilespmem:v38+s31+$0x0] =	vst.idx.msk $0xffff, v14  }
0x334: {  	s16 =	sshll.u32 s14, $0x2;
	v7 =	vadd.f32 v7, v9;
	[tilespmem:v41+s31+$0x0] =	vst.idx.msk $0xffff, v62  }
0x335: {  	s16 =	sand.u32 $0x1FFFFFF0, s16;
	[tilespmem:v42+s31+$0x0] =	vst.idx.msk $0xffff, v63  }
0x336: {  	s16 =	sadd.s32 s3, s16;
	[tilespmem:v6+s31+$0x0] =	vst.idx.msk $0xffff, v7  }
0x337: {  	[hbm4b:s16+s4] =	stream.linear.scatter [tilespmem:s31], [sflag:$0x3], $0x3E80, $0x38;
	[tilespmem:$0x1B7A8] =	vst v63  }
0x338: {  	s22 =	sadd.s32 s7, s14  }
0x339: {  	[hbm4b:s22+s4] =	stream.linear.scatter [tilespmem:s29], [sflag:$0x3], $0xFA0, $0x38;
	[tilespmem:$0x1B7A8] =	vst v63  }
0x33a: {  	_ =	swait.ge [sflag:s5], $0x3E80  }
0x33b: {  	[sflag:s5] =	ssyncset.done $0x0  }
0x33c: {  	[sflag:s5] =	ssyncadd.s32 $0xFFFFC180  }
0x33d: {  	_ =	swait.ge [sflag:s5], $0xFA0  }
0x33e: {  	[sflag:s5] =	ssyncset.done $0x0  }
0x33f: {  	s9 =	sadd.s32 $0x1, s9;
	[sflag:s5] =	ssyncadd.s32 $0xFFFFF060  }
0x340: {  	p0 =	sne.s32 s9, $0x19;
	_ =	swait.ge [sflag:s5], $0x3E80  }
.Ltmp11:
0x341: {  	[sflag:s5] =	ssyncset.done $0x0;
	(pc) =	sbr.rel @p0 .LBB2_4-.Ltmp11, $4  }
.Ltmp12:
0x342: {  	[sflag:s5] =	ssyncadd.s32 $0xFFFFC180;
	(pc) =	sbr.rel @!p0 .LBB2_21-.Ltmp12, $4  }
0x343: {  	_ =	swait.ge [sflag:s5], $0xFA0  }
0x344: {  	[sflag:s5] =	ssyncset.done $0x0  }
0x345: {  	[sflag:s5] =	ssyncadd.s32 $0xFFFFF060  }
0x346: {  	_ = 	snop  }
.LBB2_7:
.Ltmp13:
0x347: {  	(pc) =	sbr.rel .LBB2_16-.Ltmp13, $2  }
0x348: {  	_ =	sdelay $0x2  }
0x349: {  	s20 =	simm.s32 $0x2200;
	s21 =	simm.s32 $0x2600;
	v11 =	vmov v10  }
.LBB2_9:
.Ltmp14:
0x34a: {  	(pc) =	sbr.rel .LBB2_16-.Ltmp14, $2  }
0x34b: {  	_ =	sdelay $0x2  }
0x34c: {  	s20 =	simm.s32 $0x2200;
	v10 =	vmov v11;
	s21 =	simm.s32 $0x2600  }
.LBB2_11:
.Ltmp15:
0x34d: {  	_ = 	snop;
	(pc) =	sbr.rel .LBB2_16-.Ltmp15, $2  }
0x34e: {  	_ =	sdelay $0x2  }
0x34f: {  	s20 =	simm.s32 $0x2200;
	s21 =	simm.s32 $0x2600;
	v11 =	vmov v10;
	v9 =	vmov v6  }
.LBB2_13:
.Ltmp16:
0x350: {  	(pc) =	sbr.rel .LBB2_16-.Ltmp16, $2  }
0x351: {  	_ =	sdelay $0x2  }
0x352: {  	v10 =	vmov v12;
	s21 =	simm.s32 $0x2600;
	v11 =	vmov v12  }
.LBB2_22:
0x353: {  	_ =	sfence.sel $0x180000  }
0x354: {  	[bflag:$0x0] =	sbarrier.arrive $0xFFFF  }
0x355: {  	_ =	strace $0x90000047  }
0x356: {  	s0 =	stileid.u32;
	[bflag:$0x2] =	sbarrier.arrive $0xFFFF  }
0x357: {  	p0 =	sne.s32 s0, $0x0;
	s0 =	rddreg [dreg:$0x4]  }
0x358: {  	s0 =	sadd.s32 @!p0 $0x100000, s0  }
0x359: {  	[sflag:s0] =	ssyncadd.tile.s32 @!p0 $0x1;
	_ =	shalt  }
.Lfunc_end2:
_tile_overlayer_lowered:
.L_overlay_start_2:
0x35a: {  	(tag) =	ssettag $0x2  }
0x35b: {  	s0 =	rddreg [dreg:$0x0];
	s2 =	stileid.u32  }
0x35c: {  	s1 =	rddreg [dreg:$0x1];
	p0 =	sne.s32 s2, $0x0  }
0x35d: {  	s3 =	rddreg [dreg:$0x2];
	[bflag:$0x3] =	sbarrier.arrive $0xFFFF;
	s2 =	simm.s32 @!p0 $0x1C04  }
0x35e: {  	[timem:s3], [sflag:s2] =	dma.local @!p0 [hbm:s0], s1  }
0x35f: {  	s0 =	simm.s32 @!p0 $0x4  }
0x360: {  	_ =	swait.ge @!p0 [sflag:s0], s1  }
0x361: {  	s1 =	ssub.s32 @!p0 $0x0, s1;
	[sflag:s0] =	ssyncset.done @!p0 $0x0  }
0x362: {  	[sflag:s0] =	ssyncadd.s32 @!p0 s1  }
0x363: {  	[bflag:$0x3] =	sbarrier.arrive $0xFFFF  }
0x364: {  	_ =	shalt  }

// kernel: sparse-core-data-format-call.cloned.1.call-start
scs
called_computation_lowered:
.L_overlay_start_0:
0x0: {  	s1 =	sld [smem:$0x3FD9]  }
0x1: {  	s2 =	sld [smem:$0x3FFE];
	_ =	sdelay $0x1  }
0x2: {  	s3 =	srdreg.scid  }
0x3: {  	s0 =	sand.u32 $0x1, s3  }
0x4: {  	s17 =	sshll.u32 s0, $0xA;
	s1 =	sadd.s32 s2, s1  }
0x5: {  	s1 =	sadd.s32 s1, s17  }
0x6: {  	[smem:$0x3FC5] =	sst s1  }
0x7: {  	_ = 	snop  }
0x8: {  	(tm) =	ssettm $0x1  }
0x9: {  	s18 =	sld [smem:$0x3FFB];
	_ =	sdelay $0x3  }
0xa: {  	_ =	strace s18  }
0xb: {  	s1 =	sld [smem:$0x3FFC];
	_ =	sdelay $0x3  }
0xc: {  	_ =	strace s1  }
0xd: {  	s1 =	sld [smem:$0x3FFD];
	_ =	sdelay $0x3  }
0xe: {  	_ =	strace s1  }
0xf: {  	_ =	strace $0x8FFFFFFF  }
0x10: {  	s19 =	sld [smem:$0x3FDB];
	_ =	sdelay $0x1  }
0x11: {  	s20 =	simm.s32 $_scs_section_size  }
0x12: {  	s4 =	simm.s32 $_size__tile_overlayer_lowered;
	s5 =	simm.s32 $_tile_overlayer_lowered  }
0x13: {  	s23 =	simm.s32 $0x1BFF;
	s22 =	sshll.u32 s5, $0x1;
	s1 =	sadd.s32 s20, s19  }
0x14: {  	s6 =	simm.s32 $0x0;
	s21 =	sshll.u32 s4, $0x1;
	s4 =	sadd.s32 s22, s1  }
0x15: {  	[timem:s6], [sflag:s23] =	dma.local [hbm:s4], s21  }
0x16: {  	_ =	swait.ge [sflag:s23], s21  }
0x17: {  	s2 =	ssub.s32 $0x0, s21;
	[sflag:s23] =	ssyncset.done $0x0  }
0x18: {  	[sflag:s23] =	ssyncadd.s32 s2;
	_ =	sdelay $0x1  }
0x19: {  	s24 =	simm.s32 $0x1B8B  }
0x1a: {  	_ =	swait.ge [sflag:s24], $0x1  }
0x1b: {  	[sflag:s24] =	ssyncset.done $0x0  }
0x1c: {  	s26 =	simm.s32 $0x1B8E;
	s25 =	sld [smem:$0x3FFE];
	[sflag:s24] =	ssyncadd.s32 $0xFFFFFFFF  }
0x1d: {  	s27 =	simm.s32 $execute0_lowered;
	[smem:$0x3FD2] =	sst s26  }
0x1e: {  	s4 =	sshll.u32 s27, $0x1;
	_ =	strace $0x80000049;
	[dreg:$0x1] =	wrdreg $0xFFFFFFFF  }
0x1f: {  	s28 =	simm.s32 $_size_execute0_lowered;
	s1 =	sadd.s32 s1, s4;
	[dreg:$0x0] =	wrdreg $0x0  }
0x20: {  	s4 =	sshll.u32 s28, $0x1;
	[dreg:$0x2] =	wrdreg s1  }
0x21: {  	[dreg:$0x3] =	wrdreg s4  }
0x22: {  	[dreg:$0x4] =	wrdreg $0xC0  }
0x23: {  	_ =	task [dreg:s6], $0x5FFFF  }
0x24: {  	[dreg:$0x1] =	wrdreg $0xFFFFFFFF  }
0x25: {  	[dreg:$0x0] =	wrdreg $0x60  }
0x26: {  	[dreg:$0x2] =	wrdreg s25  }
0x27: {  	[dreg:$0x3] =	wrdreg $0x9  }
0x28: {  	_ =	task.clear_ibuf [dreg:s6], $0x4FFFF;
	_ =	strace $0x90000049  }
0x29: {  	s29 =	simm.s32 $0x9;
	_ =	strace $0x8000004B  }
0x2a: {  	_ =	swait.ge [sflag:s29], $0x1  }
0x2b: {  	[sflag:s29] =	ssyncadd.s32 $0xFFFFFFFF  }
0x2c: {  	_ =	strace $0x9000004B  }
0x2d: {  	_ =	sfence  }
0x2e: {  	s30 =	sld [smem:$0x0];
	_ =	sdelay $0x2  }
0x2f: {  	s31 =	sshll.u32 s3, $0xD;
	s3 =	sshrl.u32 s3, $0x2  }
0x30: {  	s2 =	sand.u32 $0x4000, s31;
	s1 =	sadd.s32 s3, s30  }
0x31: {  	s0 =	sor.u32 s2, s0;
	s1 =	sshll.u32 s1, $0x11  }
0x32: {  	s0 =	sor.u32 s1, s0  }
0x33: {  	s0 =	sadd.s32 $0x8F2B, s0  }
0x34: {  	[sflag:s0] =	ssyncadd.remote.s32 $0x1  }
0x35: {  	_ =	sfence.sel $0xFFFF  }
0x36: {  	[dreg:$0x0] =	wrdreg $0xFFFFFFFF;
	(pc) =	sbr.abs _section_cstart, $3  }
0x37: {  	[dreg:$0x1] =	wrdreg $0xFFFFFFFF  }
0x38: {  	_ =	task.clear_ibuf [dreg:s6], $0x2FFFF;
	_ =	strace $0x9FFFFFFF  }
0x39: {  	(tm) =	ssettm $0x7FFFFFFF  }
tec
execute0_lowered:
.L_overlay_start_1:
0x0: {  	(tag) =	ssettag $0x1  }
0x1: {  	s0 =	srdreg.scid  }
0x2: {  	s1 =	sshll.u32 s0, $0x4  }
0x3: {  	s4 =	rddreg [dreg:$0x0];
	s0 =	stileid.u32;
	s1 =	sand.u32 $0x10, s1  }
0x4: {  	s7 =	simm.s32 $0x1;
	s8 =	simm.s32 $0x2;
	s1 =	sor.u32 s0, s1  }
0x5: {  	s11 =	simm.s32 $0x0;
	s10 =	simm.s32 $0x0;
	s2 =	sshll.u32 s1, $0x7  }
0x6: {  	s3 =	sadd.s32 $0xF5400, s4;
	s4 =	sadd.s32 $0xD2A400, s4;
	s6 =	ssub.s32 $0xC3500, s2  }
.Ltmp0:
0x7: {  	s1 =	rddreg [dreg:$0x1];
	s5 =	sand.u32 $0xF80, s6;
	(pc) =	sbr.rel .LBB1_1-.Ltmp0, $4  }
0x8: {  	_ =	strace $0x8000004A;
	s9 =	smov.u32 s2;
	p0 =	sne.s32 s5, $0x0  }
0x9: {  	s6 =	sshrl.u32 s6, $0xC;
	s5 =	simm.s32 $0x1;
	s7 =	simm.s32 @!p0 $0x0  }
0xa: {  	[sflag:s5] =	ssyncpa.u1 $0x0;
	p0 =	por $0x0, $0x0;
	s6 =	sadd.s32 s7, s6  }
0xb: {  	[sflag:s8] =	ssyncpa.u1 $0x0;
	s8 =	simm.s32 $0x61A800;
	s7 =	sadd.s32 $0x1, s6  }
.LBB1_4:
0xc: {  	s14 =	sshll.u32 s11, $0x3  }
0xd: {  	s14 =	sand.u32 $0xFFFFFC00, s14  }
0xe: {  	s15 =	sshrl.u32 s14, $0x8  }
0xf: {  	s15 =	smulhi.u32 $0x14F8B59, s15;
	_ =	sdelay $0x1  }
0x10: {  	s15 =	sshrl.u32 s15, $0x4  }
0x11: {  	s28 =	sand.u32 $0x7F, s11;
	s16 =	smul.u32 $0xC3500, s15  }
0x12: {  	s11 =	sor.u32 s28, s14  }
0x13: {  	s29 =	sand.u32 $0x1F, s15;
	s11 =	ssub.s32 s11, s16  }
0x14: {  	s14 =	smul.u32 $0x186A0, s29;
	s30 =	sshrl.u32 s11, $0x3;
	s11 =	sand.u32 $0x7, s11  }
0x15: {  	s15 =	sadd.s32 s4, s30;
	s11 =	sshll.u32 s11, $0x12  }
0x16: {  	[tilespmem:s13+$0x0 ss:$0x81] =	vst.msk $0xffff, v0;
	s31 =	sadd.s32 s14, s15;
	s11 =	sor.u32 $0x400, s11  }
0x17: {  	[hbm4b:s31+s11] =	stream.strided.scatter [tilespmem:s12], [sflag:$0x2], $0x1000, s8, s11, $0x20;
	[tilespmem:$0x4040] =	vst v63  }
.LBB1_5:
0x18: {  	s13 =	sadd.s32 $0x1000, s9  }
0x19: {  	p2 =	sgt.s32 s13, $0xC34FF  }
0x1a: {  	s13 =	smov.u32 @p2 s2;
	p2 =	sne.s32 s10, s7  }
.Ltmp1:
0x1b: {  	p1 =	slt.u32 s10, $0x2;
	(pc) =	sbr.rel @!p2 .LBB1_6-.Ltmp1, $4  }
0x1c: {  	s12 =	simm.s32 @!p1 $0x2  }
0x1d: {  	s14 =	sadd.s32 $0x1, s10;
	_ =	swait.ge @!p1 [sflag:s12], $0x1000  }
0x1e: {  	s11 =	smov.u32 s9;
	p0 =	por !p0, !p0;
	[sflag:s12] =	ssyncset.done @!p1 $0x0  }
0x1f: {  	s10 =	smov.u32 s14;
	s9 =	smov.u32 s13;
	[sflag:s12] =	ssyncadd.s32 @!p1 $0xFFFFF000  }
.LBB1_1:
0x20: {  	p1 =	sge.u32 s10, s6  }
0x21: {  	s12 =	sand.u32 @!p1 $0x1FFFFFF, s9  }
0x22: {  	s13 =	smulhi.u32 @!p1 $0x14F8B59, s12;
	_ =	sdelay $0x1  }
0x23: {  	s13 =	sshrl.u32 @!p1 s13, $0xC  }
0x24: {  	s13 =	smul.u32 @!p1 $0xC3500, s13;
	_ =	sdelay $0x1  }
0x25: {  	s31 =	sadd.s32 $0xFFFFFFFF, s10;
	s14 =	sxor.u32 @!p1 $0xFFFFFFFF, s10;
	s12 =	ssub.s32 @!p1 s12, s13  }
0x26: {  	s15 =	simm.s32 @!p1 $0x80;
	s14 =	sshll.u32 @!p1 s14, $0xC;
	s12 =	sshll.u32 @!p1 s12, $0x4  }
0x27: {  	s13 =	sand.u32 @!p1 $0x1000, s14;
	s14 =	simm.s32 @!p1 $0x20;
	s12 =	sadd.s32 @!p1 s3, s12  }
0x28: {  	[tilespmem:s13], [sflag:$0x1] =	stream.strided.gather @!p1 [hbm4b:s12+s14], $0x1000, s15, s14, $0x38;
	[tilespmem:$0x4040] =	vst v63  }
0x29: {  	p1 =	sge.u32 s31, s6  }
.Ltmp2:
0x2a: {  	_ = 	snop;
	(pc) =	sbr.rel @p1 .LBB1_5-.Ltmp2, $1  }
0x2b: {  	_ =	sdelay $0x3  }
0x2c: {  	s12 =	simm.s32 $0x1  }
0x2d: {  	_ =	swait.ge [sflag:s5], $0x1000;
	s12 =	simm.s32 @!p0 $0x0  }
0x2e: {  	[sflag:s5] =	ssyncset.done $0x0;
	s13 =	sshll.u32 s12, $0xC  }
0x2f: {  	[sflag:s5] =	ssyncadd.s32 $0xFFFFF000;
	s16 =	sor.u32 $0x10, s13  }
0x30: {  	s12 =	smul.u32 $0x4080, s12;
	v1 =	vld [tilespmem:s16+$0x0]  }
0x31: {  	s30 =	sand.u32 $0x1, s10;
	v0 =	vld [tilespmem:s16+$0xFFFFFFF0]  }
0x32: {  	s13 =	smul.u32 $0x4080, s30;
	s12 =	sshrl.u32 s12, $0x2  }
0x33: {  	s14 =	sor.u32 $0x2000, s12  }
0x34: {  	s31 =	sshrl.u32 s13, $0x2;
	s13 =	sadd.s32 $0x0, s14  }
0x35: {  	s15 =	simm.s32 $0x4;
	s16 =	sadd.s32 $0x20, s16;
	s12 =	sor.u32 $0x2000, s31;
	[tilespmem:s13+$0x810 ss:$0x81] =	vst.msk $0xffff, v1  }
.LBB1_3:
0x36: {  	v1 =	vld [tilespmem:s16+$0x0];
	p1 =	sne.s32 s15, $0x1FC;
	[tilespmem:s13+$0x0 ss:$0x81] =	vst.msk $0xffff, v0;
	s13 =	smov.u32 s15;
	s15 =	sadd.s32 $0x4, s15  }
.Ltmp3:
0x37: {  	v0 =	vld [tilespmem:s16+$0xFFFFFFF0];
	(pc) =	sbr.rel @p1 .LBB1_3-.Ltmp3, $4  }
0x38: {  	_ = 	snop  }
0x39: {  	s13 =	sshra.s32 s13, $0x2  }
0x3a: {  	s13 =	sadd.s32 s13, s14  }
0x3b: {  	s16 =	sadd.s32 $0x20, s16;
	[tilespmem:s13+$0x810 ss:$0x81] =	vst.msk $0xffff, v1  }
.Ltmp4:
0x3c: {  	_ = 	snop;
	(pc) =	sbr.rel .LBB1_4-.Ltmp4, $1  }
0x3d: {  	_ =	sdelay $0x3  }
.LBB1_6:
0x3e: {  	_ =	sfence.sel $0x180000  }
0x3f: {  	s2 =	simm.s32 $0x1;
	[bflag:$0x0] =	sbarrier.arrive $0xFFFF  }
0x40: {  	s31 =	simm.s32 $0x2;
	[sflag:s2] =	ssyncpa.u1 $0x1  }
0x41: {  	[sflag:s31] =	ssyncpa.u1 $0x1  }
0x42: {  	p0 =	sne.s32 s0, $0x0;
	_ =	strace $0x9000004A  }
0x43: {  	s0 =	sadd.s32 @!p0 $0x100000, s1;
	[bflag:$0x2] =	sbarrier.arrive $0xFFFF  }
0x44: {  	[sflag:s0] =	ssyncadd.tile.s32 @!p0 $0x1;
	_ =	shalt  }
.Lfunc_end1:
_tile_overlayer_lowered:
.L_overlay_start_2:
0x45: {  	(tag) =	ssettag $0x2  }
0x46: {  	s0 =	rddreg [dreg:$0x0];
	s2 =	stileid.u32  }
0x47: {  	s1 =	rddreg [dreg:$0x1];
	p0 =	sne.s32 s2, $0x0  }
0x48: {  	s3 =	rddreg [dreg:$0x2];
	[bflag:$0x3] =	sbarrier.arrive $0xFFFF;
	s2 =	simm.s32 @!p0 $0x1C01  }
0x49: {  	[timem:s3], [sflag:s2] =	dma.local @!p0 [hbm:s0], s1  }
0x4a: {  	s0 =	simm.s32 @!p0 $0x1  }
0x4b: {  	_ =	swait.ge @!p0 [sflag:s0], s1  }
0x4c: {  	s1 =	ssub.s32 @!p0 $0x0, s1;
	[sflag:s0] =	ssyncset.done @!p0 $0x0  }
0x4d: {  	[sflag:s0] =	ssyncadd.s32 @!p0 s1  }
0x4e: {  	[bflag:$0x3] =	sbarrier.arrive $0xFFFF  }
0x4f: {  	_ =	shalt  }

</sc_bundles>
